<compile_context>
chip_gen: v7x
topology: tpu7x:2x2x1
jax: 0.10.2.dev20260603
libtpu: 0.0.44.dev20260713+nightly
codegen_flags: <defaults>
</compile_context>

<pallas_src>
import functools

import jax
import jax.numpy as jnp
from jax import lax
from jax.experimental import pallas as pl
from jax.experimental.pallas import tpu as pltpu
from jax.experimental.pallas import tpu_sc as plsc

_NC = 2
_NS = 16
_NW = _NC * _NS
_TC = 8
_BW = 128
_PITCH = 129


def kernel(X, word_table, pos_table):
    B, T = X.shape
    V, D = word_table.shape
    EB, E8, BB = D // 8, 8, B // _BW
    chunks = T // _TC

    xt = X.T

    mesh = plsc.VectorSubcoreMesh(core_axis_name="c", subcore_axis_name="s")

    @functools.partial(
        pl.kernel,
        out_type=jax.ShapeDtypeStruct((T, EB, BB, E8, _BW), jnp.float32),
        mesh=mesh,
        scratch_types=[
            pltpu.VMEM((_TC, _BW), jnp.int32),
            pltpu.VMEM((_TC * _BW, D), jnp.float32),
            pltpu.VMEM((D, _PITCH), jnp.float32),
            pltpu.VMEM((T, D), jnp.float32),
            pltpu.SemaphoreType.DMA((_TC,)),
        ],
        compiler_params=pltpu.CompilerParams(
            use_tc_tiling_on_sc=False, needs_layout_passes=False
        ),
    )
    def emb(xt_hbm, tab_hbm, pos_hbm, p_hbm, idx_v, rows_v, blk_v, pos_v, sem):
        wid = lax.axis_index("s") * _NC + lax.axis_index("c")
        b0 = wid * _BW
        pltpu.sync_copy(pos_hbm, pos_v)
        lane = lax.iota(jnp.int32, 16)
        evecs = [lane + 16 * c for c in range(D // 16)]

        def chunk_body(it, carry):
            t0 = pl.multiple_of(it * _TC, _TC)
            pltpu.sync_copy(
                xt_hbm.at[pl.ds(t0, _TC), pl.ds(b0, _BW)], idx_v
            )
            for ti in range(_TC):
                pltpu.async_copy(
                    tab_hbm.at[idx_v.at[ti]],
                    rows_v.at[pl.ds(ti * _BW, _BW)],
                    sem.at[ti],
                )

            def t_body(ti, c2):
                t = t0 + ti
                pltpu.make_async_copy(
                    tab_hbm.at[pl.ds(0, _BW)],
                    rows_v.at[pl.ds(0, _BW)],
                    sem.at[ti],
                ).wait()
                pvs = [pos_v[t, pl.ds(16 * c, 16)] for c in range(D // 16)]
                nc = D // 16
                for rp in range(_BW // 2):
                    rows = (ti * _BW + 2 * rp, ti * _BW + 2 * rp + 1)
                    bvecs = (
                        jnp.full((16,), 2 * rp, dtype=jnp.int32),
                        jnp.full((16,), 2 * rp + 1, dtype=jnp.int32),
                    )
                    ws = [
                        rows_v[rows[j], pl.ds(16 * c, 16)] + pvs[c]
                        for j in range(2)
                        for c in range(nc)
                    ]
                    for j in range(2):
                        for c in range(nc):
                            plsc.store_scatter(
                                blk_v,
                                [evecs[c], bvecs[j]],
                                ws[j * nc + c],
                            )
                for eb in range(EB):
                    pltpu.sync_copy(
                        blk_v.at[pl.ds(eb * E8, E8), pl.ds(0, _BW)],
                        p_hbm.at[t, eb, wid],
                    )
                return c2

            lax.fori_loop(0, _TC, t_body, 0)
            return carry

        lax.fori_loop(0, chunks, chunk_body, 0)

    p = emb(xt, word_table, pos_table)
    return p.transpose((2, 4, 0, 1, 3)).reshape(B, T, D)

# --- scband reference (transcript-rebuilt; emitter-appended) ---
"""Pipeline reference for scband-transformer-embedding-28174985462422 (READ-ONLY COPY).

The authoritative reference and input builder live on the scoring server;
editing this copy changes nothing except your own understanding.
"""

import jax, jax.numpy as jnp
import numpy as np

VOCAB = 100000
EMB = 64
MAX_LEN = 200
B = 4096
T = 200
PAD_IDX = 0


def _sin_cos_enc(max_length, embedding_size):
    position_enc = np.array([[pos / np.power(10000, 2 * i / embedding_size) for i in range(embedding_size)] for pos in range(max_length)], dtype=np.float32)
    position_enc[:, 0::2] = np.sin(position_enc[:, 0::2])
    position_enc[:, 1::2] = np.cos(position_enc[:, 1::2])
    return jnp.asarray(position_enc)


def setup_inputs(seed: int = 0) -> dict:
    key = jax.random.key(seed)
    k_idx, k_w = jax.random.split(key)
    X = jax.random.randint(k_idx, (B, T), 0, VOCAB, dtype=jnp.int32)
    word_table = jax.random.normal(k_w, (VOCAB + 3, EMB), dtype=jnp.float32)
    # padding_idx row is initialized to zeros in nn.Embedding
    word_table = word_table.at[PAD_IDX].set(0.0)
    pos_table = _sin_cos_enc(MAX_LEN, EMB)
    return {"X": X, "word_table": word_table, "pos_table": pos_table}


def reference(X, word_table, pos_table):
    # word embedding lookup (gather)
    word_embedding = jnp.take(word_table, X, axis=0)
    # positional embedding: pos = arange(T) broadcast to X's shape
    t = X.shape[1]
    pos = jnp.broadcast_to(jnp.arange(t, dtype=jnp.int32)[None, :], X.shape)
    pos_embedding = jnp.take(pos_table, pos, axis=0)
    return word_embedding + pos_embedding

if __name__ == "__main__":
    import jax
    _d = setup_inputs()
    print(jax.jit(kernel)(*tuple(_d.values())))

</pallas_src>

<mosaic_0001>
#map = affine_map<(d0, d1) -> (0, 0)>
#map1 = affine_map<(d0, d1) -> (0, 0, 0, 0, 0)>
module attributes {stable_mosaic.version = 14 : i64} {
  func.func @emb(%arg0: i32, %arg1: i32, %arg2: memref<200x4096xi32, #tpu.memory_space<hbm>>, %arg3: memref<100003x64xf32, #tpu.memory_space<hbm>>, %arg4: memref<200x64xf32, #tpu.memory_space<hbm>>, %arg5: memref<200x8x32x8x128xf32, #tpu.memory_space<hbm>>, %arg6: memref<8x128xi32, #tpu.memory_space<vmem>>, %arg7: memref<1024x64xf32, #tpu.memory_space<vmem>>, %arg8: memref<64x129xf32, #tpu.memory_space<vmem>>, %arg9: memref<200x64xf32, #tpu.memory_space<vmem>>, %arg10: memref<8x!tpu.dma_semaphore, #tpu.memory_space<semaphore_mem>>) attributes {dimension_semantics = [#tpu.dimension_semantics<core_parallel>, #tpu.dimension_semantics<subcore_parallel>], iteration_bounds = array<i64: 2, 16>, scalar_prefetch = 0 : i64, scratch_operands = 5 : i64, tpu.core_type = #tpu.core_type<sc_vector_subcore>, window_params = [{transform_indices = #map}, {transform_indices = #map}, {transform_indices = #map}, {transform_indices = #map1}]} {
    %mul3A = arith.constant 2 : i32
    %mul3A_0 = arith.muli %arg1, %mul3A : i32
    %add3A = arith.addi %mul3A_0, %arg0 : i32
    %mul3A_1 = arith.constant 128 : i32
    %mul3A_2 = arith.muli %add3A, %mul3A_1 : i32
    "tpu.region"() ({
      %run_scoped3A = tpu.sem_alloc : memref<!tpu.dma_semaphore, #tpu.memory_space<semaphore_mem>>
      tpu.enqueue_dma source(%arg4 : memref<200x64xf32, #tpu.memory_space<hbm>>) target(%arg9 : memref<200x64xf32, #tpu.memory_space<vmem>>) target_semaphore(%run_scoped3A : memref<!tpu.dma_semaphore, #tpu.memory_space<semaphore_mem>>)
      tpu.wait_dma2 semaphore(%run_scoped3A : memref<!tpu.dma_semaphore, #tpu.memory_space<semaphore_mem>>) src(%arg4 : memref<200x64xf32, #tpu.memory_space<hbm>>) dst(%arg9 : memref<200x64xf32, #tpu.memory_space<vmem>>)
      tpu.yield
    }) : () -> ()
    %iota3A = tpu.iota {dimensions = array<i32: 0>} : vector<16xi32>
    %add3A_3 = arith.constant 0 : i32
    %add3A_4 = vector.broadcast %add3A_3 : i32 to vector<16xi32>
    %add3A_5 = arith.addi %iota3A, %add3A_4 : vector<16xi32>
    %add3A_6 = arith.constant 16 : i32
    %add3A_7 = vector.broadcast %add3A_6 : i32 to vector<16xi32>
    %add3A_8 = arith.addi %iota3A, %add3A_7 : vector<16xi32>
    %add3A_9 = arith.constant 32 : i32
    %add3A_10 = vector.broadcast %add3A_9 : i32 to vector<16xi32>
    %add3A_11 = arith.addi %iota3A, %add3A_10 : vector<16xi32>
    %add3A_12 = arith.constant 48 : i32
    %add3A_13 = vector.broadcast %add3A_12 : i32 to vector<16xi32>
    %add3A_14 = arith.addi %iota3A, %add3A_13 : vector<16xi32>
    %scan3A = arith.constant 0 : i32
    %scan3A_15 = arith.constant 0 : i32
    %scan3A_16 = arith.constant 25 : i32
    %scan3A_17 = arith.addi %scan3A_15, %scan3A_16 : i32
    %scan3A_18 = arith.constant 1 : i32
    scf.for %scan3A_20 = %scan3A_15 to %scan3A_17 step %scan3A_18  : i32 {
      %mul3A_21 = arith.constant 8 : i32
      %mul3A_22 = arith.muli %scan3A_20, %mul3A_21 : i32
      %multiple_of3A = tpu.assume_multiple %mul3A_22, 8 : i32
      "tpu.region"() ({
        %run_scoped3A = tpu.sem_alloc : memref<!tpu.dma_semaphore, #tpu.memory_space<semaphore_mem>>
        %dma_start3A_132 = tpu.memref_slice %arg2[%multiple_of3A, %mul3A_2] : memref<200x4096xi32, #tpu.memory_space<hbm>> -> memref<8x128xi32, #tpu.memory_space<hbm>>
        %dma_start3A_133 = tpu.memref_slice %arg2[%multiple_of3A, %mul3A_2] : memref<200x4096xi32, #tpu.memory_space<hbm>> -> memref<8x128xi32, #tpu.memory_space<hbm>>
        tpu.enqueue_dma source(%dma_start3A_133 : memref<8x128xi32, #tpu.memory_space<hbm>>) target(%arg6 : memref<8x128xi32, #tpu.memory_space<vmem>>) target_semaphore(%run_scoped3A : memref<!tpu.dma_semaphore, #tpu.memory_space<semaphore_mem>>)
        %dma_wait3A = tpu.memref_slice %arg2[%multiple_of3A, %mul3A_2] : memref<200x4096xi32, #tpu.memory_space<hbm>> -> memref<8x128xi32, #tpu.memory_space<hbm>>
        %dma_wait3A_134 = tpu.memref_slice %arg2[%multiple_of3A, %mul3A_2] : memref<200x4096xi32, #tpu.memory_space<hbm>> -> memref<8x128xi32, #tpu.memory_space<hbm>>
        tpu.wait_dma2 semaphore(%run_scoped3A : memref<!tpu.dma_semaphore, #tpu.memory_space<semaphore_mem>>) src(%dma_wait3A_134 : memref<8x128xi32, #tpu.memory_space<hbm>>) dst(%arg6 : memref<8x128xi32, #tpu.memory_space<vmem>>)
        tpu.yield
      }) : () -> ()
      %dma_start3A = arith.constant 0 : i32
      %dma_start3A_23 = arith.constant 0 : i32
      %dma_start3A_24 = arith.constant 0 : i32
      %dma_start3A_25 = arith.constant 0 : i32
      %dma_start3A_26 = tpu.memref_slice %arg7[%dma_start3A_24, %dma_start3A_25] : memref<1024x64xf32, #tpu.memory_space<vmem>> -> memref<128x64xf32, #tpu.memory_space<vmem>>
      %dma_start3A_27 = arith.constant 0 : i32
      %dma_start3A_28 = tpu.memref_slice %arg6[%dma_start3A, %dma_start3A_27] : memref<8x128xi32, #tpu.memory_space<vmem>> -> memref<1x128xi32, #tpu.memory_space<vmem>>
      %dma_start3A_29 = tpu.memref_squeeze %dma_start3A_28 : memref<1x128xi32, #tpu.memory_space<vmem>> -> memref<128xi32, #tpu.memory_space<vmem>>
      %dma_start3A_30 = arith.constant 0 : i32
      %dma_start3A_31 = arith.constant 0 : i32
      %dma_start3A_32 = tpu.memref_slice %arg3[%dma_start3A_30, %dma_start3A_31] : memref<100003x64xf32, #tpu.memory_space<hbm>> -> memref<100003x64xf32, #tpu.memory_space<hbm>>
      %dma_start3A_33 = tpu.memref_slice %arg10[%dma_start3A_23] : memref<8x!tpu.dma_semaphore, #tpu.memory_space<semaphore_mem>> -> memref<1x!tpu.dma_semaphore, #tpu.memory_space<semaphore_mem>>
      %dma_start3A_34 = tpu.memref_squeeze %dma_start3A_33 : memref<1x!tpu.dma_semaphore, #tpu.memory_space<semaphore_mem>> -> memref<!tpu.dma_semaphore, #tpu.memory_space<semaphore_mem>>
      tpu.enqueue_indirect_dma source(%dma_start3A_32 : memref<100003x64xf32, #tpu.memory_space<hbm>>) target(%dma_start3A_26 : memref<128x64xf32, #tpu.memory_space<vmem>>) offsets(%dma_start3A_29 : memref<128xi32, #tpu.memory_space<vmem>>) semaphore(%dma_start3A_34 : memref<!tpu.dma_semaphore, #tpu.memory_space<semaphore_mem>>)
      %dma_start3A_35 = arith.constant 1 : i32
      %dma_start3A_36 = arith.constant 1 : i32
      %dma_start3A_37 = arith.constant 128 : i32
      %dma_start3A_38 = arith.constant 0 : i32
      %dma_start3A_39 = tpu.memref_slice %arg7[%dma_start3A_37, %dma_start3A_38] : memref<1024x64xf32, #tpu.memory_space<vmem>> -> memref<128x64xf32, #tpu.memory_space<vmem>>
      %dma_start3A_40 = arith.constant 0 : i32
      %dma_start3A_41 = tpu.memref_slice %arg6[%dma_start3A_35, %dma_start3A_40] : memref<8x128xi32, #tpu.memory_space<vmem>> -> memref<1x128xi32, #tpu.memory_space<vmem>>
      %dma_start3A_42 = tpu.memref_squeeze %dma_start3A_41 : memref<1x128xi32, #tpu.memory_space<vmem>> -> memref<128xi32, #tpu.memory_space<vmem>>
      %dma_start3A_43 = arith.constant 0 : i32
      %dma_start3A_44 = arith.constant 0 : i32
      %dma_start3A_45 = tpu.memref_slice %arg3[%dma_start3A_43, %dma_start3A_44] : memref<100003x64xf32, #tpu.memory_space<hbm>> -> memref<100003x64xf32, #tpu.memory_space<hbm>>
      %dma_start3A_46 = tpu.memref_slice %arg10[%dma_start3A_36] : memref<8x!tpu.dma_semaphore, #tpu.memory_space<semaphore_mem>> -> memref<1x!tpu.dma_semaphore, #tpu.memory_space<semaphore_mem>>
      %dma_start3A_47 = tpu.memref_squeeze %dma_start3A_46 : memref<1x!tpu.dma_semaphore, #tpu.memory_space<semaphore_mem>> -> memref<!tpu.dma_semaphore, #tpu.memory_space<semaphore_mem>>
      tpu.enqueue_indirect_dma source(%dma_start3A_45 : memref<100003x64xf32, #tpu.memory_space<hbm>>) target(%dma_start3A_39 : memref<128x64xf32, #tpu.memory_space<vmem>>) offsets(%dma_start3A_42 : memref<128xi32, #tpu.memory_space<vmem>>) semaphore(%dma_start3A_47 : memref<!tpu.dma_semaphore, #tpu.memory_space<semaphore_mem>>)
      %dma_start3A_48 = arith.constant 2 : i32
      %dma_start3A_49 = arith.constant 2 : i32
      %dma_start3A_50 = arith.constant 256 : i32
      %dma_start3A_51 = arith.constant 0 : i32
      %dma_start3A_52 = tpu.memref_slice %arg7[%dma_start3A_50, %dma_start3A_51] : memref<1024x64xf32, #tpu.memory_space<vmem>> -> memref<128x64xf32, #tpu.memory_space<vmem>>
      %dma_start3A_53 = arith.constant 0 : i32
      %dma_start3A_54 = tpu.memref_slice %arg6[%dma_start3A_48, %dma_start3A_53] : memref<8x128xi32, #tpu.memory_space<vmem>> -> memref<1x128xi32, #tpu.memory_space<vmem>>
      %dma_start3A_55 = tpu.memref_squeeze %dma_start3A_54 : memref<1x128xi32, #tpu.memory_space<vmem>> -> memref<128xi32, #tpu.memory_space<vmem>>
      %dma_start3A_56 = arith.constant 0 : i32
      %dma_start3A_57 = arith.constant 0 : i32
      %dma_start3A_58 = tpu.memref_slice %arg3[%dma_start3A_56, %dma_start3A_57] : memref<100003x64xf32, #tpu.memory_space<hbm>> -> memref<100003x64xf32, #tpu.memory_space<hbm>>
      %dma_start3A_59 = tpu.memref_slice %arg10[%dma_start3A_49] : memref<8x!tpu.dma_semaphore, #tpu.memory_space<semaphore_mem>> -> memref<1x!tpu.dma_semaphore, #tpu.memory_space<semaphore_mem>>
      %dma_start3A_60 = tpu.memref_squeeze %dma_start3A_59 : memref<1x!tpu.dma_semaphore, #tpu.memory_space<semaphore_mem>> -> memref<!tpu.dma_semaphore, #tpu.memory_space<semaphore_mem>>
      tpu.enqueue_indirect_dma source(%dma_start3A_58 : memref<100003x64xf32, #tpu.memory_space<hbm>>) target(%dma_start3A_52 : memref<128x64xf32, #tpu.memory_space<vmem>>) offsets(%dma_start3A_55 : memref<128xi32, #tpu.memory_space<vmem>>) semaphore(%dma_start3A_60 : memref<!tpu.dma_semaphore, #tpu.memory_space<semaphore_mem>>)
      %dma_start3A_61 = arith.constant 3 : i32
      %dma_start3A_62 = arith.constant 3 : i32
      %dma_start3A_63 = arith.constant 384 : i32
      %dma_start3A_64 = arith.constant 0 : i32
      %dma_start3A_65 = tpu.memref_slice %arg7[%dma_start3A_63, %dma_start3A_64] : memref<1024x64xf32, #tpu.memory_space<vmem>> -> memref<128x64xf32, #tpu.memory_space<vmem>>
      %dma_start3A_66 = arith.constant 0 : i32
      %dma_start3A_67 = tpu.memref_slice %arg6[%dma_start3A_61, %dma_start3A_66] : memref<8x128xi32, #tpu.memory_space<vmem>> -> memref<1x128xi32, #tpu.memory_space<vmem>>
      %dma_start3A_68 = tpu.memref_squeeze %dma_start3A_67 : memref<1x128xi32, #tpu.memory_space<vmem>> -> memref<128xi32, #tpu.memory_space<vmem>>
      %dma_start3A_69 = arith.constant 0 : i32
      %dma_start3A_70 = arith.constant 0 : i32
      %dma_start3A_71 = tpu.memref_slice %arg3[%dma_start3A_69, %dma_start3A_70] : memref<100003x64xf32, #tpu.memory_space<hbm>> -> memref<100003x64xf32, #tpu.memory_space<hbm>>
      %dma_start3A_72 = tpu.memref_slice %arg10[%dma_start3A_62] : memref<8x!tpu.dma_semaphore, #tpu.memory_space<semaphore_mem>> -> memref<1x!tpu.dma_semaphore, #tpu.memory_space<semaphore_mem>>
      %dma_start3A_73 = tpu.memref_squeeze %dma_start3A_72 : memref<1x!tpu.dma_semaphore, #tpu.memory_space<semaphore_mem>> -> memref<!tpu.dma_semaphore, #tpu.memory_space<semaphore_mem>>
      tpu.enqueue_indirect_dma source(%dma_start3A_71 : memref<100003x64xf32, #tpu.memory_space<hbm>>) target(%dma_start3A_65 : memref<128x64xf32, #tpu.memory_space<vmem>>) offsets(%dma_start3A_68 : memref<128xi32, #tpu.memory_space<vmem>>) semaphore(%dma_start3A_73 : memref<!tpu.dma_semaphore, #tpu.memory_space<semaphore_mem>>)
      %dma_start3A_74 = arith.constant 4 : i32
      %dma_start3A_75 = arith.constant 4 : i32
      %dma_start3A_76 = arith.constant 512 : i32
      %dma_start3A_77 = arith.constant 0 : i32
      %dma_start3A_78 = tpu.memref_slice %arg7[%dma_start3A_76, %dma_start3A_77] : memref<1024x64xf32, #tpu.memory_space<vmem>> -> memref<128x64xf32, #tpu.memory_space<vmem>>
      %dma_start3A_79 = arith.constant 0 : i32
      %dma_start3A_80 = tpu.memref_slice %arg6[%dma_start3A_74, %dma_start3A_79] : memref<8x128xi32, #tpu.memory_space<vmem>> -> memref<1x128xi32, #tpu.memory_space<vmem>>
      %dma_start3A_81 = tpu.memref_squeeze %dma_start3A_80 : memref<1x128xi32, #tpu.memory_space<vmem>> -> memref<128xi32, #tpu.memory_space<vmem>>
      %dma_start3A_82 = arith.constant 0 : i32
      %dma_start3A_83 = arith.constant 0 : i32
      %dma_start3A_84 = tpu.memref_slice %arg3[%dma_start3A_82, %dma_start3A_83] : memref<100003x64xf32, #tpu.memory_space<hbm>> -> memref<100003x64xf32, #tpu.memory_space<hbm>>
      %dma_start3A_85 = tpu.memref_slice %arg10[%dma_start3A_75] : memref<8x!tpu.dma_semaphore, #tpu.memory_space<semaphore_mem>> -> memref<1x!tpu.dma_semaphore, #tpu.memory_space<semaphore_mem>>
      %dma_start3A_86 = tpu.memref_squeeze %dma_start3A_85 : memref<1x!tpu.dma_semaphore, #tpu.memory_space<semaphore_mem>> -> memref<!tpu.dma_semaphore, #tpu.memory_space<semaphore_mem>>
      tpu.enqueue_indirect_dma source(%dma_start3A_84 : memref<100003x64xf32, #tpu.memory_space<hbm>>) target(%dma_start3A_78 : memref<128x64xf32, #tpu.memory_space<vmem>>) offsets(%dma_start3A_81 : memref<128xi32, #tpu.memory_space<vmem>>) semaphore(%dma_start3A_86 : memref<!tpu.dma_semaphore, #tpu.memory_space<semaphore_mem>>)
      %dma_start3A_87 = arith.constant 5 : i32
      %dma_start3A_88 = arith.constant 5 : i32
      %dma_start3A_89 = arith.constant 640 : i32
      %dma_start3A_90 = arith.constant 0 : i32
      %dma_start3A_91 = tpu.memref_slice %arg7[%dma_start3A_89, %dma_start3A_90] : memref<1024x64xf32, #tpu.memory_space<vmem>> -> memref<128x64xf32, #tpu.memory_space<vmem>>
      %dma_start3A_92 = arith.constant 0 : i32
      %dma_start3A_93 = tpu.memref_slice %arg6[%dma_start3A_87, %dma_start3A_92] : memref<8x128xi32, #tpu.memory_space<vmem>> -> memref<1x128xi32, #tpu.memory_space<vmem>>
      %dma_start3A_94 = tpu.memref_squeeze %dma_start3A_93 : memref<1x128xi32, #tpu.memory_space<vmem>> -> memref<128xi32, #tpu.memory_space<vmem>>
      %dma_start3A_95 = arith.constant 0 : i32
      %dma_start3A_96 = arith.constant 0 : i32
      %dma_start3A_97 = tpu.memref_slice %arg3[%dma_start3A_95, %dma_start3A_96] : memref<100003x64xf32, #tpu.memory_space<hbm>> -> memref<100003x64xf32, #tpu.memory_space<hbm>>
      %dma_start3A_98 = tpu.memref_slice %arg10[%dma_start3A_88] : memref<8x!tpu.dma_semaphore, #tpu.memory_space<semaphore_mem>> -> memref<1x!tpu.dma_semaphore, #tpu.memory_space<semaphore_mem>>
      %dma_start3A_99 = tpu.memref_squeeze %dma_start3A_98 : memref<1x!tpu.dma_semaphore, #tpu.memory_space<semaphore_mem>> -> memref<!tpu.dma_semaphore, #tpu.memory_space<semaphore_mem>>
      tpu.enqueue_indirect_dma source(%dma_start3A_97 : memref<100003x64xf32, #tpu.memory_space<hbm>>) target(%dma_start3A_91 : memref<128x64xf32, #tpu.memory_space<vmem>>) offsets(%dma_start3A_94 : memref<128xi32, #tpu.memory_space<vmem>>) semaphore(%dma_start3A_99 : memref<!tpu.dma_semaphore, #tpu.memory_space<semaphore_mem>>)
      %dma_start3A_100 = arith.constant 6 : i32
      %dma_start3A_101 = arith.constant 6 : i32
      %dma_start3A_102 = arith.constant 768 : i32
      %dma_start3A_103 = arith.constant 0 : i32
      %dma_start3A_104 = tpu.memref_slice %arg7[%dma_start3A_102, %dma_start3A_103] : memref<1024x64xf32, #tpu.memory_space<vmem>> -> memref<128x64xf32, #tpu.memory_space<vmem>>
      %dma_start3A_105 = arith.constant 0 : i32
      %dma_start3A_106 = tpu.memref_slice %arg6[%dma_start3A_100, %dma_start3A_105] : memref<8x128xi32, #tpu.memory_space<vmem>> -> memref<1x128xi32, #tpu.memory_space<vmem>>
      %dma_start3A_107 = tpu.memref_squeeze %dma_start3A_106 : memref<1x128xi32, #tpu.memory_space<vmem>> -> memref<128xi32, #tpu.memory_space<vmem>>
      %dma_start3A_108 = arith.constant 0 : i32
      %dma_start3A_109 = arith.constant 0 : i32
      %dma_start3A_110 = tpu.memref_slice %arg3[%dma_start3A_108, %dma_start3A_109] : memref<100003x64xf32, #tpu.memory_space<hbm>> -> memref<100003x64xf32, #tpu.memory_space<hbm>>
      %dma_start3A_111 = tpu.memref_slice %arg10[%dma_start3A_101] : memref<8x!tpu.dma_semaphore, #tpu.memory_space<semaphore_mem>> -> memref<1x!tpu.dma_semaphore, #tpu.memory_space<semaphore_mem>>
      %dma_start3A_112 = tpu.memref_squeeze %dma_start3A_111 : memref<1x!tpu.dma_semaphore, #tpu.memory_space<semaphore_mem>> -> memref<!tpu.dma_semaphore, #tpu.memory_space<semaphore_mem>>
      tpu.enqueue_indirect_dma source(%dma_start3A_110 : memref<100003x64xf32, #tpu.memory_space<hbm>>) target(%dma_start3A_104 : memref<128x64xf32, #tpu.memory_space<vmem>>) offsets(%dma_start3A_107 : memref<128xi32, #tpu.memory_space<vmem>>) semaphore(%dma_start3A_112 : memref<!tpu.dma_semaphore, #tpu.memory_space<semaphore_mem>>)
      %dma_start3A_113 = arith.constant 7 : i32
      %dma_start3A_114 = arith.constant 7 : i32
      %dma_start3A_115 = arith.constant 896 : i32
      %dma_start3A_116 = arith.constant 0 : i32
      %dma_start3A_117 = tpu.memref_slice %arg7[%dma_start3A_115, %dma_start3A_116] : memref<1024x64xf32, #tpu.memory_space<vmem>> -> memref<128x64xf32, #tpu.memory_space<vmem>>
      %dma_start3A_118 = arith.constant 0 : i32
      %dma_start3A_119 = tpu.memref_slice %arg6[%dma_start3A_113, %dma_start3A_118] : memref<8x128xi32, #tpu.memory_space<vmem>> -> memref<1x128xi32, #tpu.memory_space<vmem>>
      %dma_start3A_120 = tpu.memref_squeeze %dma_start3A_119 : memref<1x128xi32, #tpu.memory_space<vmem>> -> memref<128xi32, #tpu.memory_space<vmem>>
      %dma_start3A_121 = arith.constant 0 : i32
      %dma_start3A_122 = arith.constant 0 : i32
      %dma_start3A_123 = tpu.memref_slice %arg3[%dma_start3A_121, %dma_start3A_122] : memref<100003x64xf32, #tpu.memory_space<hbm>> -> memref<100003x64xf32, #tpu.memory_space<hbm>>
      %dma_start3A_124 = tpu.memref_slice %arg10[%dma_start3A_114] : memref<8x!tpu.dma_semaphore, #tpu.memory_space<semaphore_mem>> -> memref<1x!tpu.dma_semaphore, #tpu.memory_space<semaphore_mem>>
      %dma_start3A_125 = tpu.memref_squeeze %dma_start3A_124 : memref<1x!tpu.dma_semaphore, #tpu.memory_space<semaphore_mem>> -> memref<!tpu.dma_semaphore, #tpu.memory_space<semaphore_mem>>
      tpu.enqueue_indirect_dma source(%dma_start3A_123 : memref<100003x64xf32, #tpu.memory_space<hbm>>) target(%dma_start3A_117 : memref<128x64xf32, #tpu.memory_space<vmem>>) offsets(%dma_start3A_120 : memref<128xi32, #tpu.memory_space<vmem>>) semaphore(%dma_start3A_125 : memref<!tpu.dma_semaphore, #tpu.memory_space<semaphore_mem>>)
      %scan3A_126 = arith.constant 0 : i32
      %scan3A_127 = arith.constant 0 : i32
      %scan3A_128 = arith.constant 8 : i32
      %scan3A_129 = arith.addi %scan3A_127, %scan3A_128 : i32
      %scan3A_130 = arith.constant 1 : i32
      scf.for %scan3A_132 = %scan3A_127 to %scan3A_129 step %scan3A_130  : i32 {
        %add3A_133 = arith.addi %multiple_of3A, %scan3A_132 : i32
        %dma_wait3A = arith.constant 0 : i32
        %dma_wait3A_134 = arith.constant 0 : i32
        %dma_wait3A_135 = tpu.memref_slice %arg7[%dma_wait3A, %dma_wait3A_134] : memref<1024x64xf32, #tpu.memory_space<vmem>> -> memref<128x64xf32, #tpu.memory_space<vmem>>
        %dma_wait3A_136 = arith.constant 0 : i32
        %dma_wait3A_137 = arith.constant 0 : i32
        %dma_wait3A_138 = tpu.memref_slice %arg3[%dma_wait3A_136, %dma_wait3A_137] : memref<100003x64xf32, #tpu.memory_space<hbm>> -> memref<128x64xf32, #tpu.memory_space<hbm>>
        %dma_wait3A_139 = tpu.memref_slice %arg10[%scan3A_132] : memref<8x!tpu.dma_semaphore, #tpu.memory_space<semaphore_mem>> -> memref<1x!tpu.dma_semaphore, #tpu.memory_space<semaphore_mem>>
        %dma_wait3A_140 = tpu.memref_squeeze %dma_wait3A_139 : memref<1x!tpu.dma_semaphore, #tpu.memory_space<semaphore_mem>> -> memref<!tpu.dma_semaphore, #tpu.memory_space<semaphore_mem>>
        %dma_wait3A_141 = arith.constant 0 : i32
        %dma_wait3A_142 = arith.constant 0 : i32
        %dma_wait3A_143 = tpu.memref_slice %arg7[%dma_wait3A_141, %dma_wait3A_142] : memref<1024x64xf32, #tpu.memory_space<vmem>> -> memref<128x64xf32, #tpu.memory_space<vmem>>
        %dma_wait3A_144 = arith.constant 0 : i32
        %dma_wait3A_145 = arith.constant 0 : i32
        %dma_wait3A_146 = tpu.memref_slice %arg3[%dma_wait3A_144, %dma_wait3A_145] : memref<100003x64xf32, #tpu.memory_space<hbm>> -> memref<128x64xf32, #tpu.memory_space<hbm>>
        tpu.wait_dma2 semaphore(%dma_wait3A_140 : memref<!tpu.dma_semaphore, #tpu.memory_space<semaphore_mem>>) src(%dma_wait3A_146 : memref<128x64xf32, #tpu.memory_space<hbm>>) dst(%dma_wait3A_143 : memref<128x64xf32, #tpu.memory_space<vmem>>)
        %get3A = arith.index_cast %add3A_133 : i32 to index
        %get3A_147 = arith.constant 0 : index
        %get3A_148 = tpu.vector_load %arg9[%get3A, %get3A_147] {strides = array<i32>} : memref<200x64xf32, #tpu.memory_space<vmem>>, vector<16xf32>,
        %get3A_149 = arith.index_cast %add3A_133 : i32 to index
        %get3A_150 = arith.constant 16 : index
        %get3A_151 = tpu.vector_load %arg9[%get3A_149, %get3A_150] {strides = array<i32>} : memref<200x64xf32, #tpu.memory_space<vmem>>, vector<16xf32>,
        %get3A_152 = arith.index_cast %add3A_133 : i32 to index
        %get3A_153 = arith.constant 32 : index
        %get3A_154 = tpu.vector_load %arg9[%get3A_152, %get3A_153] {strides = array<i32>} : memref<200x64xf32, #tpu.memory_space<vmem>>, vector<16xf32>,
        %get3A_155 = arith.index_cast %add3A_133 : i32 to index
        %get3A_156 = arith.constant 48 : index
        %get3A_157 = tpu.vector_load %arg9[%get3A_155, %get3A_156] {strides = array<i32>} : memref<200x64xf32, #tpu.memory_space<vmem>>, vector<16xf32>,
        %mul3A_158 = arith.constant 128 : i32
        %mul3A_159 = arith.muli %scan3A_132, %mul3A_158 : i32
        %add3A_160 = arith.constant 0 : i32
        %add3A_161 = arith.addi %mul3A_159, %add3A_160 : i32
        %mul3A_162 = arith.constant 128 : i32
        %mul3A_163 = arith.muli %scan3A_132, %mul3A_162 : i32
        %add3A_164 = arith.constant 0 : i32
        %add3A_165 = arith.addi %mul3A_163, %add3A_164 : i32
        %add3A_166 = arith.constant 1 : i32
        %add3A_167 = arith.addi %add3A_165, %add3A_166 : i32
        %broadcast_in_dim3A = arith.constant 0 : i32
        %broadcast_in_dim3A_168 = vector.broadcast %broadcast_in_dim3A : i32 to vector<16xi32>
        %broadcast_in_dim3A_169 = arith.constant 1 : i32
        %broadcast_in_dim3A_170 = vector.broadcast %broadcast_in_dim3A_169 : i32 to vector<16xi32>
        %get3A_171 = arith.index_cast %add3A_161 : i32 to index
        %get3A_172 = arith.constant 0 : index
        %get3A_173 = tpu.vector_load %arg7[%get3A_171, %get3A_172] {strides = array<i32>} : memref<1024x64xf32, #tpu.memory_space<vmem>>, vector<16xf32>,
        %add3A_174 = arith.addf %get3A_173, %get3A_148 : vector<16xf32>
        %get3A_175 = arith.index_cast %add3A_161 : i32 to index
        %get3A_176 = arith.constant 16 : index
        %get3A_177 = tpu.vector_load %arg7[%get3A_175, %get3A_176] {strides = array<i32>} : memref<1024x64xf32, #tpu.memory_space<vmem>>, vector<16xf32>,
        %add3A_178 = arith.addf %get3A_177, %get3A_151 : vector<16xf32>
        %get3A_179 = arith.index_cast %add3A_161 : i32 to index
        %get3A_180 = arith.constant 32 : index
        %get3A_181 = tpu.vector_load %arg7[%get3A_179, %get3A_180] {strides = array<i32>} : memref<1024x64xf32, #tpu.memory_space<vmem>>, vector<16xf32>,
        %add3A_182 = arith.addf %get3A_181, %get3A_154 : vector<16xf32>
        %get3A_183 = arith.index_cast %add3A_161 : i32 to index
        %get3A_184 = arith.constant 48 : index
        %get3A_185 = tpu.vector_load %arg7[%get3A_183, %get3A_184] {strides = array<i32>} : memref<1024x64xf32, #tpu.memory_space<vmem>>, vector<16xf32>,
        %add3A_186 = arith.addf %get3A_185, %get3A_157 : vector<16xf32>
        %get3A_187 = arith.index_cast %add3A_167 : i32 to index
        %get3A_188 = arith.constant 0 : index
        %get3A_189 = tpu.vector_load %arg7[%get3A_187, %get3A_188] {strides = array<i32>} : memref<1024x64xf32, #tpu.memory_space<vmem>>, vector<16xf32>,
        %add3A_190 = arith.addf %get3A_189, %get3A_148 : vector<16xf32>
        %get3A_191 = arith.index_cast %add3A_167 : i32 to index
        %get3A_192 = arith.constant 16 : index
        %get3A_193 = tpu.vector_load %arg7[%get3A_191, %get3A_192] {strides = array<i32>} : memref<1024x64xf32, #tpu.memory_space<vmem>>, vector<16xf32>,
        %add3A_194 = arith.addf %get3A_193, %get3A_151 : vector<16xf32>
        %get3A_195 = arith.index_cast %add3A_167 : i32 to index
        %get3A_196 = arith.constant 32 : index
        %get3A_197 = tpu.vector_load %arg7[%get3A_195, %get3A_196] {strides = array<i32>} : memref<1024x64xf32, #tpu.memory_space<vmem>>, vector<16xf32>,
        %add3A_198 = arith.addf %get3A_197, %get3A_154 : vector<16xf32>
        %get3A_199 = arith.index_cast %add3A_167 : i32 to index
        %get3A_200 = arith.constant 48 : index
        %get3A_201 = tpu.vector_load %arg7[%get3A_199, %get3A_200] {strides = array<i32>} : memref<1024x64xf32, #tpu.memory_space<vmem>>, vector<16xf32>,
        %add3A_202 = arith.addf %get3A_201, %get3A_157 : vector<16xf32>
        tpu.vector_store_idx %arg8[%add3A_5, %broadcast_in_dim3A_168], %add3A_174 : memref<64x129xf32, #tpu.memory_space<vmem>>[vector<16xi32>, vector<16xi32>], vector<16xf32>,
        tpu.vector_store_idx %arg8[%add3A_8, %broadcast_in_dim3A_168], %add3A_178 : memref<64x129xf32, #tpu.memory_space<vmem>>[vector<16xi32>, vector<16xi32>], vector<16xf32>,
        tpu.vector_store_idx %arg8[%add3A_11, %broadcast_in_dim3A_168], %add3A_182 : memref<64x129xf32, #tpu.memory_space<vmem>>[vector<16xi32>, vector<16xi32>], vector<16xf32>,
        tpu.vector_store_idx %arg8[%add3A_14, %broadcast_in_dim3A_168], %add3A_186 : memref<64x129xf32, #tpu.memory_space<vmem>>[vector<16xi32>, vector<16xi32>], vector<16xf32>,
        tpu.vector_store_idx %arg8[%add3A_5, %broadcast_in_dim3A_170], %add3A_190 : memref<64x129xf32, #tpu.memory_space<vmem>>[vector<16xi32>, vector<16xi32>], vector<16xf32>,
        tpu.vector_store_idx %arg8[%add3A_8, %broadcast_in_dim3A_170], %add3A_194 : memref<64x129xf32, #tpu.memory_space<vmem>>[vector<16xi32>, vector<16xi32>], vector<16xf32>,
        tpu.vector_store_idx %arg8[%add3A_11, %broadcast_in_dim3A_170], %add3A_198 : memref<64x129xf32, #tpu.memory_space<vmem>>[vector<16xi32>, vector<16xi32>], vector<16xf32>,
        tpu.vector_store_idx %arg8[%add3A_14, %broadcast_in_dim3A_170], %add3A_202 : memref<64x129xf32, #tpu.memory_space<vmem>>[vector<16xi32>, vector<16xi32>], vector<16xf32>,
        %mul3A_203 = arith.constant 128 : i32
        %mul3A_204 = arith.muli %scan3A_132, %mul3A_203 : i32
        %add3A_205 = arith.constant 2 : i32
        %add3A_206 = arith.addi %mul3A_204, %add3A_205 : i32
        %mul3A_207 = arith.constant 128 : i32
        %mul3A_208 = arith.muli %scan3A_132, %mul3A_207 : i32
        %add3A_209 = arith.constant 2 : i32
        %add3A_210 = arith.addi %mul3A_208, %add3A_209 : i32
        %add3A_211 = arith.constant 1 : i32
        %add3A_212 = arith.addi %add3A_210, %add3A_211 : i32
        %broadcast_in_dim3A_213 = arith.constant 2 : i32
        %broadcast_in_dim3A_214 = vector.broadcast %broadcast_in_dim3A_213 : i32 to vector<16xi32>
        %broadcast_in_dim3A_215 = arith.constant 3 : i32
        %broadcast_in_dim3A_216 = vector.broadcast %broadcast_in_dim3A_215 : i32 to vector<16xi32>
        %get3A_217 = arith.index_cast %add3A_206 : i32 to index
        %get3A_218 = arith.constant 0 : index
        %get3A_219 = tpu.vector_load %arg7[%get3A_217, %get3A_218] {strides = array<i32>} : memref<1024x64xf32, #tpu.memory_space<vmem>>, vector<16xf32>,
        %add3A_220 = arith.addf %get3A_219, %get3A_148 : vector<16xf32>
        %get3A_221 = arith.index_cast %add3A_206 : i32 to index
        %get3A_222 = arith.constant 16 : index
        %get3A_223 = tpu.vector_load %arg7[%get3A_221, %get3A_222] {strides = array<i32>} : memref<1024x64xf32, #tpu.memory_space<vmem>>, vector<16xf32>,
        %add3A_224 = arith.addf %get3A_223, %get3A_151 : vector<16xf32>
        %get3A_225 = arith.index_cast %add3A_206 : i32 to index
        %get3A_226 = arith.constant 32 : index
        %get3A_227 = tpu.vector_load %arg7[%get3A_225, %get3A_226] {strides = array<i32>} : memref<1024x64xf32, #tpu.memory_space<vmem>>, vector<16xf32>,
        %add3A_228 = arith.addf %get3A_227, %get3A_154 : vector<16xf32>
        %get3A_229 = arith.index_cast %add3A_206 : i32 to index
        %get3A_230 = arith.constant 48 : index
        %get3A_231 = tpu.vector_load %arg7[%get3A_229, %get3A_230] {strides = array<i32>} : memref<1024x64xf32, #tpu.memory_space<vmem>>, vector<16xf32>,
        %add3A_232 = arith.addf %get3A_231, %get3A_157 : vector<16xf32>
        %get3A_233 = arith.index_cast %add3A_212 : i32 to index
        %get3A_234 = arith.constant 0 : index
        %get3A_235 = tpu.vector_load %arg7[%get3A_233, %get3A_234] {strides = array<i32>} : memref<1024x64xf32, #tpu.memory_space<vmem>>, vector<16xf32>,
        %add3A_236 = arith.addf %get3A_235, %get3A_148 : vector<16xf32>
        %get3A_237 = arith.index_cast %add3A_212 : i32 to index
        %get3A_238 = arith.constant 16 : index
        %get3A_239 = tpu.vector_load %arg7[%get3A_237, %get3A_238] {strides = array<i32>} : memref<1024x64xf32, #tpu.memory_space<vmem>>, vector<16xf32>,
        %add3A_240 = arith.addf %get3A_239, %get3A_151 : vector<16xf32>
        %get3A_241 = arith.index_cast %add3A_212 : i32 to index
        %get3A_242 = arith.constant 32 : index
        %get3A_243 = tpu.vector_load %arg7[%get3A_241, %get3A_242] {strides = array<i32>} : memref<1024x64xf32, #tpu.memory_space<vmem>>, vector<16xf32>,
        %add3A_244 = arith.addf %get3A_243, %get3A_154 : vector<16xf32>
        %get3A_245 = arith.index_cast %add3A_212 : i32 to index
        %get3A_246 = arith.constant 48 : index
        %get3A_247 = tpu.vector_load %arg7[%get3A_245, %get3A_246] {strides = array<i32>} : memref<1024x64xf32, #tpu.memory_space<vmem>>, vector<16xf32>,
        %add3A_248 = arith.addf %get3A_247, %get3A_157 : vector<16xf32>
        tpu.vector_store_idx %arg8[%add3A_5, %broadcast_in_dim3A_214], %add3A_220 : memref<64x129xf32, #tpu.memory_space<vmem>>[vector<16xi32>, vector<16xi32>], vector<16xf32>,
        tpu.vector_store_idx %arg8[%add3A_8, %broadcast_in_dim3A_214], %add3A_224 : memref<64x129xf32, #tpu.memory_space<vmem>>[vector<16xi32>, vector<16xi32>], vector<16xf32>,
        tpu.vector_store_idx %arg8[%add3A_11, %broadcast_in_dim3A_214], %add3A_228 : memref<64x129xf32, #tpu.memory_space<vmem>>[vector<16xi32>, vector<16xi32>], vector<16xf32>,
        tpu.vector_store_idx %arg8[%add3A_14, %broadcast_in_dim3A_214], %add3A_232 : memref<64x129xf32, #tpu.memory_space<vmem>>[vector<16xi32>, vector<16xi32>], vector<16xf32>,
        tpu.vector_store_idx %arg8[%add3A_5, %broadcast_in_dim3A_216], %add3A_236 : memref<64x129xf32, #tpu.memory_space<vmem>>[vector<16xi32>, vector<16xi32>], vector<16xf32>,
        tpu.vector_store_idx %arg8[%add3A_8, %broadcast_in_dim3A_216], %add3A_240 : memref<64x129xf32, #tpu.memory_space<vmem>>[vector<16xi32>, vector<16xi32>], vector<16xf32>,
        tpu.vector_store_idx %arg8[%add3A_11, %broadcast_in_dim3A_216], %add3A_244 : memref<64x129xf32, #tpu.memory_space<vmem>>[vector<16xi32>, vector<16xi32>], vector<16xf32>,
        tpu.vector_store_idx %arg8[%add3A_14, %broadcast_in_dim3A_216], %add3A_248 : memref<64x129xf32, #tpu.memory_space<vmem>>[vector<16xi32>, vector<16xi32>], vector<16xf32>,
        %mul3A_249 = arith.constant 128 : i32
        %mul3A_250 = arith.muli %scan3A_132, %mul3A_249 : i32
        %add3A_251 = arith.constant 4 : i32
        %add3A_252 = arith.addi %mul3A_250, %add3A_251 : i32
        %mul3A_253 = arith.constant 128 : i32
        %mul3A_254 = arith.muli %scan3A_132, %mul3A_253 : i32
        %add3A_255 = arith.constant 4 : i32
        %add3A_256 = arith.addi %mul3A_254, %add3A_255 : i32
        %add3A_257 = arith.constant 1 : i32
        %add3A_258 = arith.addi %add3A_256, %add3A_257 : i32
        %broadcast_in_dim3A_259 = arith.constant 4 : i32
        %broadcast_in_dim3A_260 = vector.broadcast %broadcast_in_dim3A_259 : i32 to vector<16xi32>
        %broadcast_in_dim3A_261 = arith.constant 5 : i32
        %broadcast_in_dim3A_262 = vector.broadcast %broadcast_in_dim3A_261 : i32 to vector<16xi32>
        %get3A_263 = arith.index_cast %add3A_252 : i32 to index
        %get3A_264 = arith.constant 0 : index
        %get3A_265 = tpu.vector_load %arg7[%get3A_263, %get3A_264] {strides = array<i32>} : memref<1024x64xf32, #tpu.memory_space<vmem>>, vector<16xf32>,
        %add3A_266 = arith.addf %get3A_265, %get3A_148 : vector<16xf32>
        %get3A_267 = arith.index_cast %add3A_252 : i32 to index
        %get3A_268 = arith.constant 16 : index
        %get3A_269 = tpu.vector_load %arg7[%get3A_267, %get3A_268] {strides = array<i32>} : memref<1024x64xf32, #tpu.memory_space<vmem>>, vector<16xf32>,
        %add3A_270 = arith.addf %get3A_269, %get3A_151 : vector<16xf32>
        %get3A_271 = arith.index_cast %add3A_252 : i32 to index
        %get3A_272 = arith.constant 32 : index
        %get3A_273 = tpu.vector_load %arg7[%get3A_271, %get3A_272] {strides = array<i32>} : memref<1024x64xf32, #tpu.memory_space<vmem>>, vector<16xf32>,
        %add3A_274 = arith.addf %get3A_273, %get3A_154 : vector<16xf32>
        %get3A_275 = arith.index_cast %add3A_252 : i32 to index
        %get3A_276 = arith.constant 48 : index
        %get3A_277 = tpu.vector_load %arg7[%get3A_275, %get3A_276] {strides = array<i32>} : memref<1024x64xf32, #tpu.memory_space<vmem>>, vector<16xf32>,
        %add3A_278 = arith.addf %get3A_277, %get3A_157 : vector<16xf32>
        %get3A_279 = arith.index_cast %add3A_258 : i32 to index
        %get3A_280 = arith.constant 0 : index
        %get3A_281 = tpu.vector_load %arg7[%get3A_279, %get3A_280] {strides = array<i32>} : memref<1024x64xf32, #tpu.memory_space<vmem>>, vector<16xf32>,
        %add3A_282 = arith.addf %get3A_281, %get3A_148 : vector<16xf32>
        %get3A_283 = arith.index_cast %add3A_258 : i32 to index
        %get3A_284 = arith.constant 16 : index
        %get3A_285 = tpu.vector_load %arg7[%get3A_283, %get3A_284] {strides = array<i32>} : memref<1024x64xf32, #tpu.memory_space<vmem>>, vector<16xf32>,
        %add3A_286 = arith.addf %get3A_285, %get3A_151 : vector<16xf32>
        %get3A_287 = arith.index_cast %add3A_258 : i32 to index
        %get3A_288 = arith.constant 32 : index
        %get3A_289 = tpu.vector_load %arg7[%get3A_287, %get3A_288] {strides = array<i32>} : memref<1024x64xf32, #tpu.memory_space<vmem>>, vector<16xf32>,
        %add3A_290 = arith.addf %get3A_289, %get3A_154 : vector<16xf32>
        %get3A_291 = arith.index_cast %add3A_258 : i32 to index
        %get3A_292 = arith.constant 48 : index
        %get3A_293 = tpu.vector_load %arg7[%get3A_291, %get3A_292] {strides = array<i32>} : memref<1024x64xf32, #tpu.memory_space<vmem>>, vector<16xf32>,
        %add3A_294 = arith.addf %get3A_293, %get3A_157 : vector<16xf32>
        tpu.vector_store_idx %arg8[%add3A_5, %broadcast_in_dim3A_260], %add3A_266 : memref<64x129xf32, #tpu.memory_space<vmem>>[vector<16xi32>, vector<16xi32>], vector<16xf32>,
        tpu.vector_store_idx %arg8[%add3A_8, %broadcast_in_dim3A_260], %add3A_270 : memref<64x129xf32, #tpu.memory_space<vmem>>[vector<16xi32>, vector<16xi32>], vector<16xf32>,
        tpu.vector_store_idx %arg8[%add3A_11, %broadcast_in_dim3A_260], %add3A_274 : memref<64x129xf32, #tpu.memory_space<vmem>>[vector<16xi32>, vector<16xi32>], vector<16xf32>,
        tpu.vector_store_idx %arg8[%add3A_14, %broadcast_in_dim3A_260], %add3A_278 : memref<64x129xf32, #tpu.memory_space<vmem>>[vector<16xi32>, vector<16xi32>], vector<16xf32>,
        tpu.vector_store_idx %arg8[%add3A_5, %broadcast_in_dim3A_262], %add3A_282 : memref<64x129xf32, #tpu.memory_space<vmem>>[vector<16xi32>, vector<16xi32>], vector<16xf32>,
        tpu.vector_store_idx %arg8[%add3A_8, %broadcast_in_dim3A_262], %add3A_286 : memref<64x129xf32, #tpu.memory_space<vmem>>[vector<16xi32>, vector<16xi32>], vector<16xf32>,
        tpu.vector_store_idx %arg8[%add3A_11, %broadcast_in_dim3A_262], %add3A_290 : memref<64x129xf32, #tpu.memory_space<vmem>>[vector<16xi32>, vector<16xi32>], vector<16xf32>,
        tpu.vector_store_idx %arg8[%add3A_14, %broadcast_in_dim3A_262], %add3A_294 : memref<64x129xf32, #tpu.memory_space<vmem>>[vector<16xi32>, vector<16xi32>], vector<16xf32>,
        %mul3A_295 = arith.constant 128 : i32
        %mul3A_296 = arith.muli %scan3A_132, %mul3A_295 : i32
        %add3A_297 = arith.constant 6 : i32
        %add3A_298 = arith.addi %mul3A_296, %add3A_297 : i32
        %mul3A_299 = arith.constant 128 : i32
        %mul3A_300 = arith.muli %scan3A_132, %mul3A_299 : i32
        %add3A_301 = arith.constant 6 : i32
        %add3A_302 = arith.addi %mul3A_300, %add3A_301 : i32
        %add3A_303 = arith.constant 1 : i32
        %add3A_304 = arith.addi %add3A_302, %add3A_303 : i32
        %broadcast_in_dim3A_305 = arith.constant 6 : i32
        %broadcast_in_dim3A_306 = vector.broadcast %broadcast_in_dim3A_305 : i32 to vector<16xi32>
        %broadcast_in_dim3A_307 = arith.constant 7 : i32
        %broadcast_in_dim3A_308 = vector.broadcast %broadcast_in_dim3A_307 : i32 to vector<16xi32>
        %get3A_309 = arith.index_cast %add3A_298 : i32 to index
        %get3A_310 = arith.constant 0 : index
        %get3A_311 = tpu.vector_load %arg7[%get3A_309, %get3A_310] {strides = array<i32>} : memref<1024x64xf32, #tpu.memory_space<vmem>>, vector<16xf32>,
        %add3A_312 = arith.addf %get3A_311, %get3A_148 : vector<16xf32>
        %get3A_313 = arith.index_cast %add3A_298 : i32 to index
        %get3A_314 = arith.constant 16 : index
        %get3A_315 = tpu.vector_load %arg7[%get3A_313, %get3A_314] {strides = array<i32>} : memref<1024x64xf32, #tpu.memory_space<vmem>>, vector<16xf32>,
        %add3A_316 = arith.addf %get3A_315, %get3A_151 : vector<16xf32>
        %get3A_317 = arith.index_cast %add3A_298 : i32 to index
        %get3A_318 = arith.constant 32 : index
        %get3A_319 = tpu.vector_load %arg7[%get3A_317, %get3A_318] {strides = array<i32>} : memref<1024x64xf32, #tpu.memory_space<vmem>>, vector<16xf32>,
        %add3A_320 = arith.addf %get3A_319, %get3A_154 : vector<16xf32>
        %get3A_321 = arith.index_cast %add3A_298 : i32 to index
        %get3A_322 = arith.constant 48 : index
        %get3A_323 = tpu.vector_load %arg7[%get3A_321, %get3A_322] {strides = array<i32>} : memref<1024x64xf32, #tpu.memory_space<vmem>>, vector<16xf32>,
        %add3A_324 = arith.addf %get3A_323, %get3A_157 : vector<16xf32>
        %get3A_325 = arith.index_cast %add3A_304 : i32 to index
        %get3A_326 = arith.constant 0 : index
        %get3A_327 = tpu.vector_load %arg7[%get3A_325, %get3A_326] {strides = array<i32>} : memref<1024x64xf32, #tpu.memory_space<vmem>>, vector<16xf32>,
        %add3A_328 = arith.addf %get3A_327, %get3A_148 : vector<16xf32>
        %get3A_329 = arith.index_cast %add3A_304 : i32 to index
        %get3A_330 = arith.constant 16 : index
        %get3A_331 = tpu.vector_load %arg7[%get3A_329, %get3A_330] {strides = array<i32>} : memref<1024x64xf32, #tpu.memory_space<vmem>>, vector<16xf32>,
        %add3A_332 = arith.addf %get3A_331, %get3A_151 : vector<16xf32>
        %get3A_333 = arith.index_cast %add3A_304 : i32 to index
        %get3A_334 = arith.constant 32 : index
        %get3A_335 = tpu.vector_load %arg7[%get3A_333, %get3A_334] {strides = array<i32>} : memref<1024x64xf32, #tpu.memory_space<vmem>>, vector<16xf32>,
        %add3A_336 = arith.addf %get3A_335, %get3A_154 : vector<16xf32>
        %get3A_337 = arith.index_cast %add3A_304 : i32 to index
        %get3A_338 = arith.constant 48 : index
        %get3A_339 = tpu.vector_load %arg7[%get3A_337, %get3A_338] {strides = array<i32>} : memref<1024x64xf32, #tpu.memory_space<vmem>>, vector<16xf32>,
        %add3A_340 = arith.addf %get3A_339, %get3A_157 : vector<16xf32>
        tpu.vector_store_idx %arg8[%add3A_5, %broadcast_in_dim3A_306], %add3A_312 : memref<64x129xf32, #tpu.memory_space<vmem>>[vector<16xi32>, vector<16xi32>], vector<16xf32>,
        tpu.vector_store_idx %arg8[%add3A_8, %broadcast_in_dim3A_306], %add3A_316 : memref<64x129xf32, #tpu.memory_space<vmem>>[vector<16xi32>, vector<16xi32>], vector<16xf32>,
        tpu.vector_store_idx %arg8[%add3A_11, %broadcast_in_dim3A_306], %add3A_320 : memref<64x129xf32, #tpu.memory_space<vmem>>[vector<16xi32>, vector<16xi32>], vector<16xf32>,
        tpu.vector_store_idx %arg8[%add3A_14, %broadcast_in_dim3A_306], %add3A_324 : memref<64x129xf32, #tpu.memory_space<vmem>>[vector<16xi32>, vector<16xi32>], vector<16xf32>,
        tpu.vector_store_idx %arg8[%add3A_5, %broadcast_in_dim3A_308], %add3A_328 : memref<64x129xf32, #tpu.memory_space<vmem>>[vector<16xi32>, vector<16xi32>], vector<16xf32>,
        tpu.vector_store_idx %arg8[%add3A_8, %broadcast_in_dim3A_308], %add3A_332 : memref<64x129xf32, #tpu.memory_space<vmem>>[vector<16xi32>, vector<16xi32>], vector<16xf32>,
        tpu.vector_store_idx %arg8[%add3A_11, %broadcast_in_dim3A_308], %add3A_336 : memref<64x129xf32, #tpu.memory_space<vmem>>[vector<16xi32>, vector<16xi32>], vector<16xf32>,
        tpu.vector_store_idx %arg8[%add3A_14, %broadcast_in_dim3A_308], %add3A_340 : memref<64x129xf32, #tpu.memory_space<vmem>>[vector<16xi32>, vector<16xi32>], vector<16xf32>,
        %mul3A_341 = arith.constant 128 : i32
        %mul3A_342 = arith.muli %scan3A_132, %mul3A_341 : i32
        %add3A_343 = arith.constant 8 : i32
        %add3A_344 = arith.addi %mul3A_342, %add3A_343 : i32
        %mul3A_345 = arith.constant 128 : i32
        %mul3A_346 = arith.muli %scan3A_132, %mul3A_345 : i32
        %add3A_347 = arith.constant 8 : i32
        %add3A_348 = arith.addi %mul3A_346, %add3A_347 : i32
        %add3A_349 = arith.constant 1 : i32
        %add3A_350 = arith.addi %add3A_348, %add3A_349 : i32
        %broadcast_in_dim3A_351 = arith.constant 8 : i32
        %broadcast_in_dim3A_352 = vector.broadcast %broadcast_in_dim3A_351 : i32 to vector<16xi32>
        %broadcast_in_dim3A_353 = arith.constant 9 : i32
        %broadcast_in_dim3A_354 = vector.broadcast %broadcast_in_dim3A_353 : i32 to vector<16xi32>
        %get3A_355 = arith.index_cast %add3A_344 : i32 to index
        %get3A_356 = arith.constant 0 : index
        %get3A_357 = tpu.vector_load %arg7[%get3A_355, %get3A_356] {strides = array<i32>} : memref<1024x64xf32, #tpu.memory_space<vmem>>, vector<16xf32>,
        %add3A_358 = arith.addf %get3A_357, %get3A_148 : vector<16xf32>
        %get3A_359 = arith.index_cast %add3A_344 : i32 to index
        %get3A_360 = arith.constant 16 : index
        %get3A_361 = tpu.vector_load %arg7[%get3A_359, %get3A_360] {strides = array<i32>} : memref<1024x64xf32, #tpu.memory_space<vmem>>, vector<16xf32>,
        %add3A_362 = arith.addf %get3A_361, %get3A_151 : vector<16xf32>
        %get3A_363 = arith.index_cast %add3A_344 : i32 to index
        %get3A_364 = arith.constant 32 : index
        %get3A_365 = tpu.vector_load %arg7[%get3A_363, %get3A_364] {strides = array<i32>} : memref<1024x64xf32, #tpu.memory_space<vmem>>, vector<16xf32>,
        %add3A_366 = arith.addf %get3A_365, %get3A_154 : vector<16xf32>
        %get3A_367 = arith.index_cast %add3A_344 : i32 to index
        %get3A_368 = arith.constant 48 : index
        %get3A_369 = tpu.vector_load %arg7[%get3A_367, %get3A_368] {strides = array<i32>} : memref<1024x64xf32, #tpu.memory_space<vmem>>, vector<16xf32>,
        %add3A_370 = arith.addf %get3A_369, %get3A_157 : vector<16xf32>
        %get3A_371 = arith.index_cast %add3A_350 : i32 to index
        %get3A_372 = arith.constant 0 : index
        %get3A_373 = tpu.vector_load %arg7[%get3A_371, %get3A_372] {strides = array<i32>} : memref<1024x64xf32, #tpu.memory_space<vmem>>, vector<16xf32>,
        %add3A_374 = arith.addf %get3A_373, %get3A_148 : vector<16xf32>
        %get3A_375 = arith.index_cast %add3A_350 : i32 to index
        %get3A_376 = arith.constant 16 : index
        %get3A_377 = tpu.vector_load %arg7[%get3A_375, %get3A_376] {strides = array<i32>} : memref<1024x64xf32, #tpu.memory_space<vmem>>, vector<16xf32>,
        %add3A_378 = arith.addf %get3A_377, %get3A_151 : vector<16xf32>
        %get3A_379 = arith.index_cast %add3A_350 : i32 to index
        %get3A_380 = arith.constant 32 : index
        %get3A_381 = tpu.vector_load %arg7[%get3A_379, %get3A_380] {strides = array<i32>} : memref<1024x64xf32, #tpu.memory_space<vmem>>, vector<16xf32>,
        %add3A_382 = arith.addf %get3A_381, %get3A_154 : vector<16xf32>
        %get3A_383 = arith.index_cast %add3A_350 : i32 to index
        %get3A_384 = arith.constant 48 : index
        %get3A_385 = tpu.vector_load %arg7[%get3A_383, %get3A_384] {strides = array<i32>} : memref<1024x64xf32, #tpu.memory_space<vmem>>, vector<16xf32>,
        %add3A_386 = arith.addf %get3A_385, %get3A_157 : vector<16xf32>
        tpu.vector_store_idx %arg8[%add3A_5, %broadcast_in_dim3A_352], %add3A_358 : memref<64x129xf32, #tpu.memory_space<vmem>>[vector<16xi32>, vector<16xi32>], vector<16xf32>,
        tpu.vector_store_idx %arg8[%add3A_8, %broadcast_in_dim3A_352], %add3A_362 : memref<64x129xf32, #tpu.memory_space<vmem>>[vector<16xi32>, vector<16xi32>], vector<16xf32>,
        tpu.vector_store_idx %arg8[%add3A_11, %broadcast_in_dim3A_352], %add3A_366 : memref<64x129xf32, #tpu.memory_space<vmem>>[vector<16xi32>, vector<16xi32>], vector<16xf32>,
        tpu.vector_store_idx %arg8[%add3A_14, %broadcast_in_dim3A_352], %add3A_370 : memref<64x129xf32, #tpu.memory_space<vmem>>[vector<16xi32>, vector<16xi32>], vector<16xf32>,
        tpu.vector_store_idx %arg8[%add3A_5, %broadcast_in_dim3A_354], %add3A_374 : memref<64x129xf32, #tpu.memory_space<vmem>>[vector<16xi32>, vector<16xi32>], vector<16xf32>,
        tpu.vector_store_idx %arg8[%add3A_8, %broadcast_in_dim3A_354], %add3A_378 : memref<64x129xf32, #tpu.memory_space<vmem>>[vector<16xi32>, vector<16xi32>], vector<16xf32>,
        tpu.vector_store_idx %arg8[%add3A_11, %broadcast_in_dim3A_354], %add3A_382 : memref<64x129xf32, #tpu.memory_space<vmem>>[vector<16xi32>, vector<16xi32>], vector<16xf32>,
        tpu.vector_store_idx %arg8[%add3A_14, %broadcast_in_dim3A_354], %add3A_386 : memref<64x129xf32, #tpu.memory_space<vmem>>[vector<16xi32>, vector<16xi32>], vector<16xf32>,
        %mul3A_387 = arith.constant 128 : i32
        %mul3A_388 = arith.muli %scan3A_132, %mul3A_387 : i32
        %add3A_389 = arith.constant 10 : i32
        %add3A_390 = arith.addi %mul3A_388, %add3A_389 : i32
        %mul3A_391 = arith.constant 128 : i32
        %mul3A_392 = arith.muli %scan3A_132, %mul3A_391 : i32
        %add3A_393 = arith.constant 10 : i32
        %add3A_394 = arith.addi %mul3A_392, %add3A_393 : i32
        %add3A_395 = arith.constant 1 : i32
        %add3A_396 = arith.addi %add3A_394, %add3A_395 : i32
        %broadcast_in_dim3A_397 = arith.constant 10 : i32
        %broadcast_in_dim3A_398 = vector.broadcast %broadcast_in_dim3A_397 : i32 to vector<16xi32>
        %broadcast_in_dim3A_399 = arith.constant 11 : i32
        %broadcast_in_dim3A_400 = vector.broadcast %broadcast_in_dim3A_399 : i32 to vector<16xi32>
        %get3A_401 = arith.index_cast %add3A_390 : i32 to index
        %get3A_402 = arith.constant 0 : index
        %get3A_403 = tpu.vector_load %arg7[%get3A_401, %get3A_402] {strides = array<i32>} : memref<1024x64xf32, #tpu.memory_space<vmem>>, vector<16xf32>,
        %add3A_404 = arith.addf %get3A_403, %get3A_148 : vector<16xf32>
        %get3A_405 = arith.index_cast %add3A_390 : i32 to index
        %get3A_406 = arith.constant 16 : index
        %get3A_407 = tpu.vector_load %arg7[%get3A_405, %get3A_406] {strides = array<i32>} : memref<1024x64xf32, #tpu.memory_space<vmem>>, vector<16xf32>,
        %add3A_408 = arith.addf %get3A_407, %get3A_151 : vector<16xf32>
        %get3A_409 = arith.index_cast %add3A_390 : i32 to index
        %get3A_410 = arith.constant 32 : index
        %get3A_411 = tpu.vector_load %arg7[%get3A_409, %get3A_410] {strides = array<i32>} : memref<1024x64xf32, #tpu.memory_space<vmem>>, vector<16xf32>,
        %add3A_412 = arith.addf %get3A_411, %get3A_154 : vector<16xf32>
        %get3A_413 = arith.index_cast %add3A_390 : i32 to index
        %get3A_414 = arith.constant 48 : index
        %get3A_415 = tpu.vector_load %arg7[%get3A_413, %get3A_414] {strides = array<i32>} : memref<1024x64xf32, #tpu.memory_space<vmem>>, vector<16xf32>,
        %add3A_416 = arith.addf %get3A_415, %get3A_157 : vector<16xf32>
        %get3A_417 = arith.index_cast %add3A_396 : i32 to index
        %get3A_418 = arith.constant 0 : index
        %get3A_419 = tpu.vector_load %arg7[%get3A_417, %get3A_418] {strides = array<i32>} : memref<1024x64xf32, #tpu.memory_space<vmem>>, vector<16xf32>,
        %add3A_420 = arith.addf %get3A_419, %get3A_148 : vector<16xf32>
        %get3A_421 = arith.index_cast %add3A_396 : i32 to index
        %get3A_422 = arith.constant 16 : index
        %get3A_423 = tpu.vector_load %arg7[%get3A_421, %get3A_422] {strides = array<i32>} : memref<1024x64xf32, #tpu.memory_space<vmem>>, vector<16xf32>,
        %add3A_424 = arith.addf %get3A_423, %get3A_151 : vector<16xf32>
        %get3A_425 = arith.index_cast %add3A_396 : i32 to index
        %get3A_426 = arith.constant 32 : index
        %get3A_427 = tpu.vector_load %arg7[%get3A_425, %get3A_426] {strides = array<i32>} : memref<1024x64xf32, #tpu.memory_space<vmem>>, vector<16xf32>,
        %add3A_428 = arith.addf %get3A_427, %get3A_154 : vector<16xf32>
        %get3A_429 = arith.index_cast %add3A_396 : i32 to index
        %get3A_430 = arith.constant 48 : index
        %get3A_431 = tpu.vector_load %arg7[%get3A_429, %get3A_430] {strides = array<i32>} : memref<1024x64xf32, #tpu.memory_space<vmem>>, vector<16xf32>,
        %add3A_432 = arith.addf %get3A_431, %get3A_157 : vector<16xf32>
        tpu.vector_store_idx %arg8[%add3A_5, %broadcast_in_dim3A_398], %add3A_404 : memref<64x129xf32, #tpu.memory_space<vmem>>[vector<16xi32>, vector<16xi32>], vector<16xf32>,
        tpu.vector_store_idx %arg8[%add3A_8, %broadcast_in_dim3A_398], %add3A_408 : memref<64x129xf32, #tpu.memory_space<vmem>>[vector<16xi32>, vector<16xi32>], vector<16xf32>,
        tpu.vector_store_idx %arg8[%add3A_11, %broadcast_in_dim3A_398], %add3A_412 : memref<64x129xf32, #tpu.memory_space<vmem>>[vector<16xi32>, vector<16xi32>], vector<16xf32>,
        tpu.vector_store_idx %arg8[%add3A_14, %broadcast_in_dim3A_398], %add3A_416 : memref<64x129xf32, #tpu.memory_space<vmem>>[vector<16xi32>, vector<16xi32>], vector<16xf32>,
        tpu.vector_store_idx %arg8[%add3A_5, %broadcast_in_dim3A_400], %add3A_420 : memref<64x129xf32, #tpu.memory_space<vmem>>[vector<16xi32>, vector<16xi32>], vector<16xf32>,
        tpu.vector_store_idx %arg8[%add3A_8, %broadcast_in_dim3A_400], %add3A_424 : memref<64x129xf32, #tpu.memory_space<vmem>>[vector<16xi32>, vector<16xi32>], vector<16xf32>,
        tpu.vector_store_idx %arg8[%add3A_11, %broadcast_in_dim3A_400], %add3A_428 : memref<64x129xf32, #tpu.memory_space<vmem>>[vector<16xi32>, vector<16xi32>], vector<16xf32>,
        tpu.vector_store_idx %arg8[%add3A_14, %broadcast_in_dim3A_400], %add3A_432 : memref<64x129xf32, #tpu.memory_space<vmem>>[vector<16xi32>, vector<16xi32>], vector<16xf32>,
        %mul3A_433 = arith.constant 128 : i32
        %mul3A_434 = arith.muli %scan3A_132, %mul3A_433 : i32
        %add3A_435 = arith.constant 12 : i32
        %add3A_436 = arith.addi %mul3A_434, %add3A_435 : i32
        %mul3A_437 = arith.constant 128 : i32
        %mul3A_438 = arith.muli %scan3A_132, %mul3A_437 : i32
        %add3A_439 = arith.constant 12 : i32
        %add3A_440 = arith.addi %mul3A_438, %add3A_439 : i32
        %add3A_441 = arith.constant 1 : i32
        %add3A_442 = arith.addi %add3A_440, %add3A_441 : i32
        %broadcast_in_dim3A_443 = arith.constant 12 : i32
        %broadcast_in_dim3A_444 = vector.broadcast %broadcast_in_dim3A_443 : i32 to vector<16xi32>
        %broadcast_in_dim3A_445 = arith.constant 13 : i32
        %broadcast_in_dim3A_446 = vector.broadcast %broadcast_in_dim3A_445 : i32 to vector<16xi32>
        %get3A_447 = arith.index_cast %add3A_436 : i32 to index
        %get3A_448 = arith.constant 0 : index
        %get3A_449 = tpu.vector_load %arg7[%get3A_447, %get3A_448] {strides = array<i32>} : memref<1024x64xf32, #tpu.memory_space<vmem>>, vector<16xf32>,
        %add3A_450 = arith.addf %get3A_449, %get3A_148 : vector<16xf32>
        %get3A_451 = arith.index_cast %add3A_436 : i32 to index
        %get3A_452 = arith.constant 16 : index
        %get3A_453 = tpu.vector_load %arg7[%get3A_451, %get3A_452] {strides = array<i32>} : memref<1024x64xf32, #tpu.memory_space<vmem>>, vector<16xf32>,
        %add3A_454 = arith.addf %get3A_453, %get3A_151 : vector<16xf32>
        %get3A_455 = arith.index_cast %add3A_436 : i32 to index
        %get3A_456 = arith.constant 32 : index
        %get3A_457 = tpu.vector_load %arg7[%get3A_455, %get3A_456] {strides = array<i32>} : memref<1024x64xf32, #tpu.memory_space<vmem>>, vector<16xf32>,
        %add3A_458 = arith.addf %get3A_457, %get3A_154 : vector<16xf32>
        %get3A_459 = arith.index_cast %add3A_436 : i32 to index
        %get3A_460 = arith.constant 48 : index
        %get3A_461 = tpu.vector_load %arg7[%get3A_459, %get3A_460] {strides = array<i32>} : memref<1024x64xf32, #tpu.memory_space<vmem>>, vector<16xf32>,
        %add3A_462 = arith.addf %get3A_461, %get3A_157 : vector<16xf32>
        %get3A_463 = arith.index_cast %add3A_442 : i32 to index
        %get3A_464 = arith.constant 0 : index
        %get3A_465 = tpu.vector_load %arg7[%get3A_463, %get3A_464] {strides = array<i32>} : memref<1024x64xf32, #tpu.memory_space<vmem>>, vector<16xf32>,
        %add3A_466 = arith.addf %get3A_465, %get3A_148 : vector<16xf32>
        %get3A_467 = arith.index_cast %add3A_442 : i32 to index
        %get3A_468 = arith.constant 16 : index
        %get3A_469 = tpu.vector_load %arg7[%get3A_467, %get3A_468] {strides = array<i32>} : memref<1024x64xf32, #tpu.memory_space<vmem>>, vector<16xf32>,
        %add3A_470 = arith.addf %get3A_469, %get3A_151 : vector<16xf32>
        %get3A_471 = arith.index_cast %add3A_442 : i32 to index
        %get3A_472 = arith.constant 32 : index
        %get3A_473 = tpu.vector_load %arg7[%get3A_471, %get3A_472] {strides = array<i32>} : memref<1024x64xf32, #tpu.memory_space<vmem>>, vector<16xf32>,
        %add3A_474 = arith.addf %get3A_473, %get3A_154 : vector<16xf32>
        %get3A_475 = arith.index_cast %add3A_442 : i32 to index
        %get3A_476 = arith.constant 48 : index
        %get3A_477 = tpu.vector_load %arg7[%get3A_475, %get3A_476] {strides = array<i32>} : memref<1024x64xf32, #tpu.memory_space<vmem>>, vector<16xf32>,
        %add3A_478 = arith.addf %get3A_477, %get3A_157 : vector<16xf32>
        tpu.vector_store_idx %arg8[%add3A_5, %broadcast_in_dim3A_444], %add3A_450 : memref<64x129xf32, #tpu.memory_space<vmem>>[vector<16xi32>, vector<16xi32>], vector<16xf32>,
        tpu.vector_store_idx %arg8[%add3A_8, %broadcast_in_dim3A_444], %add3A_454 : memref<64x129xf32, #tpu.memory_space<vmem>>[vector<16xi32>, vector<16xi32>], vector<16xf32>,
        tpu.vector_store_idx %arg8[%add3A_11, %broadcast_in_dim3A_444], %add3A_458 : memref<64x129xf32, #tpu.memory_space<vmem>>[vector<16xi32>, vector<16xi32>], vector<16xf32>,
        tpu.vector_store_idx %arg8[%add3A_14, %broadcast_in_dim3A_444], %add3A_462 : memref<64x129xf32, #tpu.memory_space<vmem>>[vector<16xi32>, vector<16xi32>], vector<16xf32>,
        tpu.vector_store_idx %arg8[%add3A_5, %broadcast_in_dim3A_446], %add3A_466 : memref<64x129xf32, #tpu.memory_space<vmem>>[vector<16xi32>, vector<16xi32>], vector<16xf32>,
        tpu.vector_store_idx %arg8[%add3A_8, %broadcast_in_dim3A_446], %add3A_470 : memref<64x129xf32, #tpu.memory_space<vmem>>[vector<16xi32>, vector<16xi32>], vector<16xf32>,
        tpu.vector_store_idx %arg8[%add3A_11, %broadcast_in_dim3A_446], %add3A_474 : memref<64x129xf32, #tpu.memory_space<vmem>>[vector<16xi32>, vector<16xi32>], vector<16xf32>,
        tpu.vector_store_idx %arg8[%add3A_14, %broadcast_in_dim3A_446], %add3A_478 : memref<64x129xf32, #tpu.memory_space<vmem>>[vector<16xi32>, vector<16xi32>], vector<16xf32>,
        %mul3A_479 = arith.constant 128 : i32
        %mul3A_480 = arith.muli %scan3A_132, %mul3A_479 : i32
        %add3A_481 = arith.constant 14 : i32
        %add3A_482 = arith.addi %mul3A_480, %add3A_481 : i32
        %mul3A_483 = arith.constant 128 : i32
        %mul3A_484 = arith.muli %scan3A_132, %mul3A_483 : i32
        %add3A_485 = arith.constant 14 : i32
        %add3A_486 = arith.addi %mul3A_484, %add3A_485 : i32
        %add3A_487 = arith.constant 1 : i32
        %add3A_488 = arith.addi %add3A_486, %add3A_487 : i32
        %broadcast_in_dim3A_489 = arith.constant 14 : i32
        %broadcast_in_dim3A_490 = vector.broadcast %broadcast_in_dim3A_489 : i32 to vector<16xi32>
        %broadcast_in_dim3A_491 = arith.constant 15 : i32
        %broadcast_in_dim3A_492 = vector.broadcast %broadcast_in_dim3A_491 : i32 to vector<16xi32>
        %get3A_493 = arith.index_cast %add3A_482 : i32 to index
        %get3A_494 = arith.constant 0 : index
        %get3A_495 = tpu.vector_load %arg7[%get3A_493, %get3A_494] {strides = array<i32>} : memref<1024x64xf32, #tpu.memory_space<vmem>>, vector<16xf32>,
        %add3A_496 = arith.addf %get3A_495, %get3A_148 : vector<16xf32>
        %get3A_497 = arith.index_cast %add3A_482 : i32 to index
        %get3A_498 = arith.constant 16 : index
        %get3A_499 = tpu.vector_load %arg7[%get3A_497, %get3A_498] {strides = array<i32>} : memref<1024x64xf32, #tpu.memory_space<vmem>>, vector<16xf32>,
        %add3A_500 = arith.addf %get3A_499, %get3A_151 : vector<16xf32>
        %get3A_501 = arith.index_cast %add3A_482 : i32 to index
        %get3A_502 = arith.constant 32 : index
        %get3A_503 = tpu.vector_load %arg7[%get3A_501, %get3A_502] {strides = array<i32>} : memref<1024x64xf32, #tpu.memory_space<vmem>>, vector<16xf32>,
        %add3A_504 = arith.addf %get3A_503, %get3A_154 : vector<16xf32>
        %get3A_505 = arith.index_cast %add3A_482 : i32 to index
        %get3A_506 = arith.constant 48 : index
        %get3A_507 = tpu.vector_load %arg7[%get3A_505, %get3A_506] {strides = array<i32>} : memref<1024x64xf32, #tpu.memory_space<vmem>>, vector<16xf32>,
        %add3A_508 = arith.addf %get3A_507, %get3A_157 : vector<16xf32>
        %get3A_509 = arith.index_cast %add3A_488 : i32 to index
        %get3A_510 = arith.constant 0 : index
        %get3A_511 = tpu.vector_load %arg7[%get3A_509, %get3A_510] {strides = array<i32>} : memref<1024x64xf32, #tpu.memory_space<vmem>>, vector<16xf32>,
        %add3A_512 = arith.addf %get3A_511, %get3A_148 : vector<16xf32>
        %get3A_513 = arith.index_cast %add3A_488 : i32 to index
        %get3A_514 = arith.constant 16 : index
        %get3A_515 = tpu.vector_load %arg7[%get3A_513, %get3A_514] {strides = array<i32>} : memref<1024x64xf32, #tpu.memory_space<vmem>>, vector<16xf32>,
        %add3A_516 = arith.addf %get3A_515, %get3A_151 : vector<16xf32>
        %get3A_517 = arith.index_cast %add3A_488 : i32 to index
        %get3A_518 = arith.constant 32 : index
        %get3A_519 = tpu.vector_load %arg7[%get3A_517, %get3A_518] {strides = array<i32>} : memref<1024x64xf32, #tpu.memory_space<vmem>>, vector<16xf32>,
        %add3A_520 = arith.addf %get3A_519, %get3A_154 : vector<16xf32>
        %get3A_521 = arith.index_cast %add3A_488 : i32 to index
        %get3A_522 = arith.constant 48 : index
        %get3A_523 = tpu.vector_load %arg7[%get3A_521, %get3A_522] {strides = array<i32>} : memref<1024x64xf32, #tpu.memory_space<vmem>>, vector<16xf32>,
        %add3A_524 = arith.addf %get3A_523, %get3A_157 : vector<16xf32>
        tpu.vector_store_idx %arg8[%add3A_5, %broadcast_in_dim3A_490], %add3A_496 : memref<64x129xf32, #tpu.memory_space<vmem>>[vector<16xi32>, vector<16xi32>], vector<16xf32>,
        tpu.vector_store_idx %arg8[%add3A_8, %broadcast_in_dim3A_490], %add3A_500 : memref<64x129xf32, #tpu.memory_space<vmem>>[vector<16xi32>, vector<16xi32>], vector<16xf32>,
        tpu.vector_store_idx %arg8[%add3A_11, %broadcast_in_dim3A_490], %add3A_504 : memref<64x129xf32, #tpu.memory_space<vmem>>[vector<16xi32>, vector<16xi32>], vector<16xf32>,
        tpu.vector_store_idx %arg8[%add3A_14, %broadcast_in_dim3A_490], %add3A_508 : memref<64x129xf32, #tpu.memory_space<vmem>>[vector<16xi32>, vector<16xi32>], vector<16xf32>,
        tpu.vector_store_idx %arg8[%add3A_5, %broadcast_in_dim3A_492], %add3A_512 : memref<64x129xf32, #tpu.memory_space<vmem>>[vector<16xi32>, vector<16xi32>], vector<16xf32>,
        tpu.vector_store_idx %arg8[%add3A_8, %broadcast_in_dim3A_492], %add3A_516 : memref<64x129xf32, #tpu.memory_space<vmem>>[vector<16xi32>, vector<16xi32>], vector<16xf32>,
        tpu.vector_store_idx %arg8[%add3A_11, %broadcast_in_dim3A_492], %add3A_520 : memref<64x129xf32, #tpu.memory_space<vmem>>[vector<16xi32>, vector<16xi32>], vector<16xf32>,
        tpu.vector_store_idx %arg8[%add3A_14, %broadcast_in_dim3A_492], %add3A_524 : memref<64x129xf32, #tpu.memory_space<vmem>>[vector<16xi32>, vector<16xi32>], vector<16xf32>,
        %mul3A_525 = arith.constant 128 : i32
        %mul3A_526 = arith.muli %scan3A_132, %mul3A_525 : i32
        %add3A_527 = arith.constant 16 : i32
        %add3A_528 = arith.addi %mul3A_526, %add3A_527 : i32
        %mul3A_529 = arith.constant 128 : i32
        %mul3A_530 = arith.muli %scan3A_132, %mul3A_529 : i32
        %add3A_531 = arith.constant 16 : i32
        %add3A_532 = arith.addi %mul3A_530, %add3A_531 : i32
        %add3A_533 = arith.constant 1 : i32
        %add3A_534 = arith.addi %add3A_532, %add3A_533 : i32
        %broadcast_in_dim3A_535 = arith.constant 16 : i32
        %broadcast_in_dim3A_536 = vector.broadcast %broadcast_in_dim3A_535 : i32 to vector<16xi32>
        %broadcast_in_dim3A_537 = arith.constant 17 : i32
        %broadcast_in_dim3A_538 = vector.broadcast %broadcast_in_dim3A_537 : i32 to vector<16xi32>
        %get3A_539 = arith.index_cast %add3A_528 : i32 to index
        %get3A_540 = arith.constant 0 : index
        %get3A_541 = tpu.vector_load %arg7[%get3A_539, %get3A_540] {strides = array<i32>} : memref<1024x64xf32, #tpu.memory_space<vmem>>, vector<16xf32>,
        %add3A_542 = arith.addf %get3A_541, %get3A_148 : vector<16xf32>
        %get3A_543 = arith.index_cast %add3A_528 : i32 to index
        %get3A_544 = arith.constant 16 : index
        %get3A_545 = tpu.vector_load %arg7[%get3A_543, %get3A_544] {strides = array<i32>} : memref<1024x64xf32, #tpu.memory_space<vmem>>, vector<16xf32>,
        %add3A_546 = arith.addf %get3A_545, %get3A_151 : vector<16xf32>
        %get3A_547 = arith.index_cast %add3A_528 : i32 to index
        %get3A_548 = arith.constant 32 : index
        %get3A_549 = tpu.vector_load %arg7[%get3A_547, %get3A_548] {strides = array<i32>} : memref<1024x64xf32, #tpu.memory_space<vmem>>, vector<16xf32>,
        %add3A_550 = arith.addf %get3A_549, %get3A_154 : vector<16xf32>
        %get3A_551 = arith.index_cast %add3A_528 : i32 to index
        %get3A_552 = arith.constant 48 : index
        %get3A_553 = tpu.vector_load %arg7[%get3A_551, %get3A_552] {strides = array<i32>} : memref<1024x64xf32, #tpu.memory_space<vmem>>, vector<16xf32>,
        %add3A_554 = arith.addf %get3A_553, %get3A_157 : vector<16xf32>
        %get3A_555 = arith.index_cast %add3A_534 : i32 to index
        %get3A_556 = arith.constant 0 : index
        %get3A_557 = tpu.vector_load %arg7[%get3A_555, %get3A_556] {strides = array<i32>} : memref<1024x64xf32, #tpu.memory_space<vmem>>, vector<16xf32>,
        %add3A_558 = arith.addf %get3A_557, %get3A_148 : vector<16xf32>
        %get3A_559 = arith.index_cast %add3A_534 : i32 to index
        %get3A_560 = arith.constant 16 : index
        %get3A_561 = tpu.vector_load %arg7[%get3A_559, %get3A_560] {strides = array<i32>} : memref<1024x64xf32, #tpu.memory_space<vmem>>, vector<16xf32>,
        %add3A_562 = arith.addf %get3A_561, %get3A_151 : vector<16xf32>
        %get3A_563 = arith.index_cast %add3A_534 : i32 to index
        %get3A_564 = arith.constant 32 : index
        %get3A_565 = tpu.vector_load %arg7[%get3A_563, %get3A_564] {strides = array<i32>} : memref<1024x64xf32, #tpu.memory_space<vmem>>, vector<16xf32>,
        %add3A_566 = arith.addf %get3A_565, %get3A_154 : vector<16xf32>
        %get3A_567 = arith.index_cast %add3A_534 : i32 to index
        %get3A_568 = arith.constant 48 : index
        %get3A_569 = tpu.vector_load %arg7[%get3A_567, %get3A_568] {strides = array<i32>} : memref<1024x64xf32, #tpu.memory_space<vmem>>, vector<16xf32>,
        %add3A_570 = arith.addf %get3A_569, %get3A_157 : vector<16xf32>
        tpu.vector_store_idx %arg8[%add3A_5, %broadcast_in_dim3A_536], %add3A_542 : memref<64x129xf32, #tpu.memory_space<vmem>>[vector<16xi32>, vector<16xi32>], vector<16xf32>,
        tpu.vector_store_idx %arg8[%add3A_8, %broadcast_in_dim3A_536], %add3A_546 : memref<64x129xf32, #tpu.memory_space<vmem>>[vector<16xi32>, vector<16xi32>], vector<16xf32>,
        tpu.vector_store_idx %arg8[%add3A_11, %broadcast_in_dim3A_536], %add3A_550 : memref<64x129xf32, #tpu.memory_space<vmem>>[vector<16xi32>, vector<16xi32>], vector<16xf32>,
        tpu.vector_store_idx %arg8[%add3A_14, %broadcast_in_dim3A_536], %add3A_554 : memref<64x129xf32, #tpu.memory_space<vmem>>[vector<16xi32>, vector<16xi32>], vector<16xf32>,
        tpu.vector_store_idx %arg8[%add3A_5, %broadcast_in_dim3A_538], %add3A_558 : memref<64x129xf32, #tpu.memory_space<vmem>>[vector<16xi32>, vector<16xi32>], vector<16xf32>,
        tpu.vector_store_idx %arg8[%add3A_8, %broadcast_in_dim3A_538], %add3A_562 : memref<64x129xf32, #tpu.memory_space<vmem>>[vector<16xi32>, vector<16xi32>], vector<16xf32>,
        tpu.vector_store_idx %arg8[%add3A_11, %broadcast_in_dim3A_538], %add3A_566 : memref<64x129xf32, #tpu.memory_space<vmem>>[vector<16xi32>, vector<16xi32>], vector<16xf32>,
        tpu.vector_store_idx %arg8[%add3A_14, %broadcast_in_dim3A_538], %add3A_570 : memref<64x129xf32, #tpu.memory_space<vmem>>[vector<16xi32>, vector<16xi32>], vector<16xf32>,
        %mul3A_571 = arith.constant 128 : i32
        %mul3A_572 = arith.muli %scan3A_132, %mul3A_571 : i32
        %add3A_573 = arith.constant 18 : i32
        %add3A_574 = arith.addi %mul3A_572, %add3A_573 : i32
        %mul3A_575 = arith.constant 128 : i32
        %mul3A_576 = arith.muli %scan3A_132, %mul3A_575 : i32
        %add3A_577 = arith.constant 18 : i32
        %add3A_578 = arith.addi %mul3A_576, %add3A_577 : i32
        %add3A_579 = arith.constant 1 : i32
        %add3A_580 = arith.addi %add3A_578, %add3A_579 : i32
        %broadcast_in_dim3A_581 = arith.constant 18 : i32
        %broadcast_in_dim3A_582 = vector.broadcast %broadcast_in_dim3A_581 : i32 to vector<16xi32>
        %broadcast_in_dim3A_583 = arith.constant 19 : i32
        %broadcast_in_dim3A_584 = vector.broadcast %broadcast_in_dim3A_583 : i32 to vector<16xi32>
        %get3A_585 = arith.index_cast %add3A_574 : i32 to index
        %get3A_586 = arith.constant 0 : index
        %get3A_587 = tpu.vector_load %arg7[%get3A_585, %get3A_586] {strides = array<i32>} : memref<1024x64xf32, #tpu.memory_space<vmem>>, vector<16xf32>,
        %add3A_588 = arith.addf %get3A_587, %get3A_148 : vector<16xf32>
        %get3A_589 = arith.index_cast %add3A_574 : i32 to index
        %get3A_590 = arith.constant 16 : index
        %get3A_591 = tpu.vector_load %arg7[%get3A_589, %get3A_590] {strides = array<i32>} : memref<1024x64xf32, #tpu.memory_space<vmem>>, vector<16xf32>,
        %add3A_592 = arith.addf %get3A_591, %get3A_151 : vector<16xf32>
        %get3A_593 = arith.index_cast %add3A_574 : i32 to index
        %get3A_594 = arith.constant 32 : index
        %get3A_595 = tpu.vector_load %arg7[%get3A_593, %get3A_594] {strides = array<i32>} : memref<1024x64xf32, #tpu.memory_space<vmem>>, vector<16xf32>,
        %add3A_596 = arith.addf %get3A_595, %get3A_154 : vector<16xf32>
        %get3A_597 = arith.index_cast %add3A_574 : i32 to index
        %get3A_598 = arith.constant 48 : index
        %get3A_599 = tpu.vector_load %arg7[%get3A_597, %get3A_598] {strides = array<i32>} : memref<1024x64xf32, #tpu.memory_space<vmem>>, vector<16xf32>,
        %add3A_600 = arith.addf %get3A_599, %get3A_157 : vector<16xf32>
        %get3A_601 = arith.index_cast %add3A_580 : i32 to index
        %get3A_602 = arith.constant 0 : index
        %get3A_603 = tpu.vector_load %arg7[%get3A_601, %get3A_602] {strides = array<i32>} : memref<1024x64xf32, #tpu.memory_space<vmem>>, vector<16xf32>,
        %add3A_604 = arith.addf %get3A_603, %get3A_148 : vector<16xf32>
        %get3A_605 = arith.index_cast %add3A_580 : i32 to index
        %get3A_606 = arith.constant 16 : index
        %get3A_607 = tpu.vector_load %arg7[%get3A_605, %get3A_606] {strides = array<i32>} : memref<1024x64xf32, #tpu.memory_space<vmem>>, vector<16xf32>,
        %add3A_608 = arith.addf %get3A_607, %get3A_151 : vector<16xf32>
        %get3A_609 = arith.index_cast %add3A_580 : i32 to index
        %get3A_610 = arith.constant 32 : index
        %get3A_611 = tpu.vector_load %arg7[%get3A_609, %get3A_610] {strides = array<i32>} : memref<1024x64xf32, #tpu.memory_space<vmem>>, vector<16xf32>,
        %add3A_612 = arith.addf %get3A_611, %get3A_154 : vector<16xf32>
        %get3A_613 = arith.index_cast %add3A_580 : i32 to index
        %get3A_614 = arith.constant 48 : index
        %get3A_615 = tpu.vector_load %arg7[%get3A_613, %get3A_614] {strides = array<i32>} : memref<1024x64xf32, #tpu.memory_space<vmem>>, vector<16xf32>,
        %add3A_616 = arith.addf %get3A_615, %get3A_157 : vector<16xf32>
        tpu.vector_store_idx %arg8[%add3A_5, %broadcast_in_dim3A_582], %add3A_588 : memref<64x129xf32, #tpu.memory_space<vmem>>[vector<16xi32>, vector<16xi32>], vector<16xf32>,
        tpu.vector_store_idx %arg8[%add3A_8, %broadcast_in_dim3A_582], %add3A_592 : memref<64x129xf32, #tpu.memory_space<vmem>>[vector<16xi32>, vector<16xi32>], vector<16xf32>,
        tpu.vector_store_idx %arg8[%add3A_11, %broadcast_in_dim3A_582], %add3A_596 : memref<64x129xf32, #tpu.memory_space<vmem>>[vector<16xi32>, vector<16xi32>], vector<16xf32>,
        tpu.vector_store_idx %arg8[%add3A_14, %broadcast_in_dim3A_582], %add3A_600 : memref<64x129xf32, #tpu.memory_space<vmem>>[vector<16xi32>, vector<16xi32>], vector<16xf32>,
        tpu.vector_store_idx %arg8[%add3A_5, %broadcast_in_dim3A_584], %add3A_604 : memref<64x129xf32, #tpu.memory_space<vmem>>[vector<16xi32>, vector<16xi32>], vector<16xf32>,
        tpu.vector_store_idx %arg8[%add3A_8, %broadcast_in_dim3A_584], %add3A_608 : memref<64x129xf32, #tpu.memory_space<vmem>>[vector<16xi32>, vector<16xi32>], vector<16xf32>,
        tpu.vector_store_idx %arg8[%add3A_11, %broadcast_in_dim3A_584], %add3A_612 : memref<64x129xf32, #tpu.memory_space<vmem>>[vector<16xi32>, vector<16xi32>], vector<16xf32>,
        tpu.vector_store_idx %arg8[%add3A_14, %broadcast_in_dim3A_584], %add3A_616 : memref<64x129xf32, #tpu.memory_space<vmem>>[vector<16xi32>, vector<16xi32>], vector<16xf32>,
        %mul3A_617 = arith.constant 128 : i32
        %mul3A_618 = arith.muli %scan3A_132, %mul3A_617 : i32
        %add3A_619 = arith.constant 20 : i32
        %add3A_620 = arith.addi %mul3A_618, %add3A_619 : i32
        %mul3A_621 = arith.constant 128 : i32
        %mul3A_622 = arith.muli %scan3A_132, %mul3A_621 : i32
        %add3A_623 = arith.constant 20 : i32
        %add3A_624 = arith.addi %mul3A_622, %add3A_623 : i32
        %add3A_625 = arith.constant 1 : i32
        %add3A_626 = arith.addi %add3A_624, %add3A_625 : i32
        %broadcast_in_dim3A_627 = arith.constant 20 : i32
        %broadcast_in_dim3A_628 = vector.broadcast %broadcast_in_dim3A_627 : i32 to vector<16xi32>
        %broadcast_in_dim3A_629 = arith.constant 21 : i32
        %broadcast_in_dim3A_630 = vector.broadcast %broadcast_in_dim3A_629 : i32 to vector<16xi32>
        %get3A_631 = arith.index_cast %add3A_620 : i32 to index
        %get3A_632 = arith.constant 0 : index
        %get3A_633 = tpu.vector_load %arg7[%get3A_631, %get3A_632] {strides = array<i32>} : memref<1024x64xf32, #tpu.memory_space<vmem>>, vector<16xf32>,
        %add3A_634 = arith.addf %get3A_633, %get3A_148 : vector<16xf32>
        %get3A_635 = arith.index_cast %add3A_620 : i32 to index
        %get3A_636 = arith.constant 16 : index
        %get3A_637 = tpu.vector_load %arg7[%get3A_635, %get3A_636] {strides = array<i32>} : memref<1024x64xf32, #tpu.memory_space<vmem>>, vector<16xf32>,
        %add3A_638 = arith.addf %get3A_637, %get3A_151 : vector<16xf32>
        %get3A_639 = arith.index_cast %add3A_620 : i32 to index
        %get3A_640 = arith.constant 32 : index
        %get3A_641 = tpu.vector_load %arg7[%get3A_639, %get3A_640] {strides = array<i32>} : memref<1024x64xf32, #tpu.memory_space<vmem>>, vector<16xf32>,
        %add3A_642 = arith.addf %get3A_641, %get3A_154 : vector<16xf32>
        %get3A_643 = arith.index_cast %add3A_620 : i32 to index
        %get3A_644 = arith.constant 48 : index
        %get3A_645 = tpu.vector_load %arg7[%get3A_643, %get3A_644] {strides = array<i32>} : memref<1024x64xf32, #tpu.memory_space<vmem>>, vector<16xf32>,
        %add3A_646 = arith.addf %get3A_645, %get3A_157 : vector<16xf32>
        %get3A_647 = arith.index_cast %add3A_626 : i32 to index
        %get3A_648 = arith.constant 0 : index
        %get3A_649 = tpu.vector_load %arg7[%get3A_647, %get3A_648] {strides = array<i32>} : memref<1024x64xf32, #tpu.memory_space<vmem>>, vector<16xf32>,
        %add3A_650 = arith.addf %get3A_649, %get3A_148 : vector<16xf32>
        %get3A_651 = arith.index_cast %add3A_626 : i32 to index
        %get3A_652 = arith.constant 16 : index
        %get3A_653 = tpu.vector_load %arg7[%get3A_651, %get3A_652] {strides = array<i32>} : memref<1024x64xf32, #tpu.memory_space<vmem>>, vector<16xf32>,
        %add3A_654 = arith.addf %get3A_653, %get3A_151 : vector<16xf32>
        %get3A_655 = arith.index_cast %add3A_626 : i32 to index
        %get3A_656 = arith.constant 32 : index
        %get3A_657 = tpu.vector_load %arg7[%get3A_655, %get3A_656] {strides = array<i32>} : memref<1024x64xf32, #tpu.memory_space<vmem>>, vector<16xf32>,
        %add3A_658 = arith.addf %get3A_657, %get3A_154 : vector<16xf32>
        %get3A_659 = arith.index_cast %add3A_626 : i32 to index
        %get3A_660 = arith.constant 48 : index
        %get3A_661 = tpu.vector_load %arg7[%get3A_659, %get3A_660] {strides = array<i32>} : memref<1024x64xf32, #tpu.memory_space<vmem>>, vector<16xf32>,
        %add3A_662 = arith.addf %get3A_661, %get3A_157 : vector<16xf32>
        tpu.vector_store_idx %arg8[%add3A_5, %broadcast_in_dim3A_628], %add3A_634 : memref<64x129xf32, #tpu.memory_space<vmem>>[vector<16xi32>, vector<16xi32>], vector<16xf32>,
        tpu.vector_store_idx %arg8[%add3A_8, %broadcast_in_dim3A_628], %add3A_638 : memref<64x129xf32, #tpu.memory_space<vmem>>[vector<16xi32>, vector<16xi32>], vector<16xf32>,
        tpu.vector_store_idx %arg8[%add3A_11, %broadcast_in_dim3A_628], %add3A_642 : memref<64x129xf32, #tpu.memory_space<vmem>>[vector<16xi32>, vector<16xi32>], vector<16xf32>,
        tpu.vector_store_idx %arg8[%add3A_14, %broadcast_in_dim3A_628], %add3A_646 : memref<64x129xf32, #tpu.memory_space<vmem>>[vector<16xi32>, vector<16xi32>], vector<16xf32>,
        tpu.vector_store_idx %arg8[%add3A_5, %broadcast_in_dim3A_630], %add3A_650 : memref<64x129xf32, #tpu.memory_space<vmem>>[vector<16xi32>, vector<16xi32>], vector<16xf32>,
        tpu.vector_store_idx %arg8[%add3A_8, %broadcast_in_dim3A_630], %add3A_654 : memref<64x129xf32, #tpu.memory_space<vmem>>[vector<16xi32>, vector<16xi32>], vector<16xf32>,
        tpu.vector_store_idx %arg8[%add3A_11, %broadcast_in_dim3A_630], %add3A_658 : memref<64x129xf32, #tpu.memory_space<vmem>>[vector<16xi32>, vector<16xi32>], vector<16xf32>,
        tpu.vector_store_idx %arg8[%add3A_14, %broadcast_in_dim3A_630], %add3A_662 : memref<64x129xf32, #tpu.memory_space<vmem>>[vector<16xi32>, vector<16xi32>], vector<16xf32>,
        %mul3A_663 = arith.constant 128 : i32
        %mul3A_664 = arith.muli %scan3A_132, %mul3A_663 : i32
        %add3A_665 = arith.constant 22 : i32
        %add3A_666 = arith.addi %mul3A_664, %add3A_665 : i32
        %mul3A_667 = arith.constant 128 : i32
        %mul3A_668 = arith.muli %scan3A_132, %mul3A_667 : i32
        %add3A_669 = arith.constant 22 : i32
        %add3A_670 = arith.addi %mul3A_668, %add3A_669 : i32
        %add3A_671 = arith.constant 1 : i32
        %add3A_672 = arith.addi %add3A_670, %add3A_671 : i32
        %broadcast_in_dim3A_673 = arith.constant 22 : i32
        %broadcast_in_dim3A_674 = vector.broadcast %broadcast_in_dim3A_673 : i32 to vector<16xi32>
        %broadcast_in_dim3A_675 = arith.constant 23 : i32
        %broadcast_in_dim3A_676 = vector.broadcast %broadcast_in_dim3A_675 : i32 to vector<16xi32>
        %get3A_677 = arith.index_cast %add3A_666 : i32 to index
        %get3A_678 = arith.constant 0 : index
        %get3A_679 = tpu.vector_load %arg7[%get3A_677, %get3A_678] {strides = array<i32>} : memref<1024x64xf32, #tpu.memory_space<vmem>>, vector<16xf32>,
        %add3A_680 = arith.addf %get3A_679, %get3A_148 : vector<16xf32>
        %get3A_681 = arith.index_cast %add3A_666 : i32 to index
        %get3A_682 = arith.constant 16 : index
        %get3A_683 = tpu.vector_load %arg7[%get3A_681, %get3A_682] {strides = array<i32>} : memref<1024x64xf32, #tpu.memory_space<vmem>>, vector<16xf32>,
        %add3A_684 = arith.addf %get3A_683, %get3A_151 : vector<16xf32>
        %get3A_685 = arith.index_cast %add3A_666 : i32 to index
        %get3A_686 = arith.constant 32 : index
        %get3A_687 = tpu.vector_load %arg7[%get3A_685, %get3A_686] {strides = array<i32>} : memref<1024x64xf32, #tpu.memory_space<vmem>>, vector<16xf32>,
        %add3A_688 = arith.addf %get3A_687, %get3A_154 : vector<16xf32>
        %get3A_689 = arith.index_cast %add3A_666 : i32 to index
        %get3A_690 = arith.constant 48 : index
        %get3A_691 = tpu.vector_load %arg7[%get3A_689, %get3A_690] {strides = array<i32>} : memref<1024x64xf32, #tpu.memory_space<vmem>>, vector<16xf32>,
        %add3A_692 = arith.addf %get3A_691, %get3A_157 : vector<16xf32>
        %get3A_693 = arith.index_cast %add3A_672 : i32 to index
        %get3A_694 = arith.constant 0 : index
        %get3A_695 = tpu.vector_load %arg7[%get3A_693, %get3A_694] {strides = array<i32>} : memref<1024x64xf32, #tpu.memory_space<vmem>>, vector<16xf32>,
        %add3A_696 = arith.addf %get3A_695, %get3A_148 : vector<16xf32>
        %get3A_697 = arith.index_cast %add3A_672 : i32 to index
        %get3A_698 = arith.constant 16 : index
        %get3A_699 = tpu.vector_load %arg7[%get3A_697, %get3A_698] {strides = array<i32>} : memref<1024x64xf32, #tpu.memory_space<vmem>>, vector<16xf32>,
        %add3A_700 = arith.addf %get3A_699, %get3A_151 : vector<16xf32>
        %get3A_701 = arith.index_cast %add3A_672 : i32 to index
        %get3A_702 = arith.constant 32 : index
        %get3A_703 = tpu.vector_load %arg7[%get3A_701, %get3A_702] {strides = array<i32>} : memref<1024x64xf32, #tpu.memory_space<vmem>>, vector<16xf32>,
        %add3A_704 = arith.addf %get3A_703, %get3A_154 : vector<16xf32>
        %get3A_705 = arith.index_cast %add3A_672 : i32 to index
        %get3A_706 = arith.constant 48 : index
        %get3A_707 = tpu.vector_load %arg7[%get3A_705, %get3A_706] {strides = array<i32>} : memref<1024x64xf32, #tpu.memory_space<vmem>>, vector<16xf32>,
        %add3A_708 = arith.addf %get3A_707, %get3A_157 : vector<16xf32>
        tpu.vector_store_idx %arg8[%add3A_5, %broadcast_in_dim3A_674], %add3A_680 : memref<64x129xf32, #tpu.memory_space<vmem>>[vector<16xi32>, vector<16xi32>], vector<16xf32>,
        tpu.vector_store_idx %arg8[%add3A_8, %broadcast_in_dim3A_674], %add3A_684 : memref<64x129xf32, #tpu.memory_space<vmem>>[vector<16xi32>, vector<16xi32>], vector<16xf32>,
        tpu.vector_store_idx %arg8[%add3A_11, %broadcast_in_dim3A_674], %add3A_688 : memref<64x129xf32, #tpu.memory_space<vmem>>[vector<16xi32>, vector<16xi32>], vector<16xf32>,
        tpu.vector_store_idx %arg8[%add3A_14, %broadcast_in_dim3A_674], %add3A_692 : memref<64x129xf32, #tpu.memory_space<vmem>>[vector<16xi32>, vector<16xi32>], vector<16xf32>,
        tpu.vector_store_idx %arg8[%add3A_5, %broadcast_in_dim3A_676], %add3A_696 : memref<64x129xf32, #tpu.memory_space<vmem>>[vector<16xi32>, vector<16xi32>], vector<16xf32>,
        tpu.vector_store_idx %arg8[%add3A_8, %broadcast_in_dim3A_676], %add3A_700 : memref<64x129xf32, #tpu.memory_space<vmem>>[vector<16xi32>, vector<16xi32>], vector<16xf32>,
        tpu.vector_store_idx %arg8[%add3A_11, %broadcast_in_dim3A_676], %add3A_704 : memref<64x129xf32, #tpu.memory_space<vmem>>[vector<16xi32>, vector<16xi32>], vector<16xf32>,
        tpu.vector_store_idx %arg8[%add3A_14, %broadcast_in_dim3A_676], %add3A_708 : memref<64x129xf32, #tpu.memory_space<vmem>>[vector<16xi32>, vector<16xi32>], vector<16xf32>,
        %mul3A_709 = arith.constant 128 : i32
        %mul3A_710 = arith.muli %scan3A_132, %mul3A_709 : i32
        %add3A_711 = arith.constant 24 : i32
        %add3A_712 = arith.addi %mul3A_710, %add3A_711 : i32
        %mul3A_713 = arith.constant 128 : i32
        %mul3A_714 = arith.muli %scan3A_132, %mul3A_713 : i32
        %add3A_715 = arith.constant 24 : i32
        %add3A_716 = arith.addi %mul3A_714, %add3A_715 : i32
        %add3A_717 = arith.constant 1 : i32
        %add3A_718 = arith.addi %add3A_716, %add3A_717 : i32
        %broadcast_in_dim3A_719 = arith.constant 24 : i32
        %broadcast_in_dim3A_720 = vector.broadcast %broadcast_in_dim3A_719 : i32 to vector<16xi32>
        %broadcast_in_dim3A_721 = arith.constant 25 : i32
        %broadcast_in_dim3A_722 = vector.broadcast %broadcast_in_dim3A_721 : i32 to vector<16xi32>
        %get3A_723 = arith.index_cast %add3A_712 : i32 to index
        %get3A_724 = arith.constant 0 : index
        %get3A_725 = tpu.vector_load %arg7[%get3A_723, %get3A_724] {strides = array<i32>} : memref<1024x64xf32, #tpu.memory_space<vmem>>, vector<16xf32>,
        %add3A_726 = arith.addf %get3A_725, %get3A_148 : vector<16xf32>
        %get3A_727 = arith.index_cast %add3A_712 : i32 to index
        %get3A_728 = arith.constant 16 : index
        %get3A_729 = tpu.vector_load %arg7[%get3A_727, %get3A_728] {strides = array<i32>} : memref<1024x64xf32, #tpu.memory_space<vmem>>, vector<16xf32>,
        %add3A_730 = arith.addf %get3A_729, %get3A_151 : vector<16xf32>
        %get3A_731 = arith.index_cast %add3A_712 : i32 to index
        %get3A_732 = arith.constant 32 : index
        %get3A_733 = tpu.vector_load %arg7[%get3A_731, %get3A_732] {strides = array<i32>} : memref<1024x64xf32, #tpu.memory_space<vmem>>, vector<16xf32>,
        %add3A_734 = arith.addf %get3A_733, %get3A_154 : vector<16xf32>
        %get3A_735 = arith.index_cast %add3A_712 : i32 to index
        %get3A_736 = arith.constant 48 : index
        %get3A_737 = tpu.vector_load %arg7[%get3A_735, %get3A_736] {strides = array<i32>} : memref<1024x64xf32, #tpu.memory_space<vmem>>, vector<16xf32>,
        %add3A_738 = arith.addf %get3A_737, %get3A_157 : vector<16xf32>
        %get3A_739 = arith.index_cast %add3A_718 : i32 to index
        %get3A_740 = arith.constant 0 : index
        %get3A_741 = tpu.vector_load %arg7[%get3A_739, %get3A_740] {strides = array<i32>} : memref<1024x64xf32, #tpu.memory_space<vmem>>, vector<16xf32>,
        %add3A_742 = arith.addf %get3A_741, %get3A_148 : vector<16xf32>
        %get3A_743 = arith.index_cast %add3A_718 : i32 to index
        %get3A_744 = arith.constant 16 : index
        %get3A_745 = tpu.vector_load %arg7[%get3A_743, %get3A_744] {strides = array<i32>} : memref<1024x64xf32, #tpu.memory_space<vmem>>, vector<16xf32>,
        %add3A_746 = arith.addf %get3A_745, %get3A_151 : vector<16xf32>
        %get3A_747 = arith.index_cast %add3A_718 : i32 to index
        %get3A_748 = arith.constant 32 : index
        %get3A_749 = tpu.vector_load %arg7[%get3A_747, %get3A_748] {strides = array<i32>} : memref<1024x64xf32, #tpu.memory_space<vmem>>, vector<16xf32>,
        %add3A_750 = arith.addf %get3A_749, %get3A_154 : vector<16xf32>
        %get3A_751 = arith.index_cast %add3A_718 : i32 to index
        %get3A_752 = arith.constant 48 : index
        %get3A_753 = tpu.vector_load %arg7[%get3A_751, %get3A_752] {strides = array<i32>} : memref<1024x64xf32, #tpu.memory_space<vmem>>, vector<16xf32>,
        %add3A_754 = arith.addf %get3A_753, %get3A_157 : vector<16xf32>
        tpu.vector_store_idx %arg8[%add3A_5, %broadcast_in_dim3A_720], %add3A_726 : memref<64x129xf32, #tpu.memory_space<vmem>>[vector<16xi32>, vector<16xi32>], vector<16xf32>,
        tpu.vector_store_idx %arg8[%add3A_8, %broadcast_in_dim3A_720], %add3A_730 : memref<64x129xf32, #tpu.memory_space<vmem>>[vector<16xi32>, vector<16xi32>], vector<16xf32>,
        tpu.vector_store_idx %arg8[%add3A_11, %broadcast_in_dim3A_720], %add3A_734 : memref<64x129xf32, #tpu.memory_space<vmem>>[vector<16xi32>, vector<16xi32>], vector<16xf32>,
        tpu.vector_store_idx %arg8[%add3A_14, %broadcast_in_dim3A_720], %add3A_738 : memref<64x129xf32, #tpu.memory_space<vmem>>[vector<16xi32>, vector<16xi32>], vector<16xf32>,
        tpu.vector_store_idx %arg8[%add3A_5, %broadcast_in_dim3A_722], %add3A_742 : memref<64x129xf32, #tpu.memory_space<vmem>>[vector<16xi32>, vector<16xi32>], vector<16xf32>,
        tpu.vector_store_idx %arg8[%add3A_8, %broadcast_in_dim3A_722], %add3A_746 : memref<64x129xf32, #tpu.memory_space<vmem>>[vector<16xi32>, vector<16xi32>], vector<16xf32>,
        tpu.vector_store_idx %arg8[%add3A_11, %broadcast_in_dim3A_722], %add3A_750 : memref<64x129xf32, #tpu.memory_space<vmem>>[vector<16xi32>, vector<16xi32>], vector<16xf32>,
        tpu.vector_store_idx %arg8[%add3A_14, %broadcast_in_dim3A_722], %add3A_754 : memref<64x129xf32, #tpu.memory_space<vmem>>[vector<16xi32>, vector<16xi32>], vector<16xf32>,
        %mul3A_755 = arith.constant 128 : i32
        %mul3A_756 = arith.muli %scan3A_132, %mul3A_755 : i32
        %add3A_757 = arith.constant 26 : i32
        %add3A_758 = arith.addi %mul3A_756, %add3A_757 : i32
        %mul3A_759 = arith.constant 128 : i32
        %mul3A_760 = arith.muli %scan3A_132, %mul3A_759 : i32
        %add3A_761 = arith.constant 26 : i32
        %add3A_762 = arith.addi %mul3A_760, %add3A_761 : i32
        %add3A_763 = arith.constant 1 : i32
        %add3A_764 = arith.addi %add3A_762, %add3A_763 : i32
        %broadcast_in_dim3A_765 = arith.constant 26 : i32
        %broadcast_in_dim3A_766 = vector.broadcast %broadcast_in_dim3A_765 : i32 to vector<16xi32>
        %broadcast_in_dim3A_767 = arith.constant 27 : i32
        %broadcast_in_dim3A_768 = vector.broadcast %broadcast_in_dim3A_767 : i32 to vector<16xi32>
        %get3A_769 = arith.index_cast %add3A_758 : i32 to index
        %get3A_770 = arith.constant 0 : index
        %get3A_771 = tpu.vector_load %arg7[%get3A_769, %get3A_770] {strides = array<i32>} : memref<1024x64xf32, #tpu.memory_space<vmem>>, vector<16xf32>,
        %add3A_772 = arith.addf %get3A_771, %get3A_148 : vector<16xf32>
        %get3A_773 = arith.index_cast %add3A_758 : i32 to index
        %get3A_774 = arith.constant 16 : index
        %get3A_775 = tpu.vector_load %arg7[%get3A_773, %get3A_774] {strides = array<i32>} : memref<1024x64xf32, #tpu.memory_space<vmem>>, vector<16xf32>,
        %add3A_776 = arith.addf %get3A_775, %get3A_151 : vector<16xf32>
        %get3A_777 = arith.index_cast %add3A_758 : i32 to index
        %get3A_778 = arith.constant 32 : index
        %get3A_779 = tpu.vector_load %arg7[%get3A_777, %get3A_778] {strides = array<i32>} : memref<1024x64xf32, #tpu.memory_space<vmem>>, vector<16xf32>,
        %add3A_780 = arith.addf %get3A_779, %get3A_154 : vector<16xf32>
        %get3A_781 = arith.index_cast %add3A_758 : i32 to index
        %get3A_782 = arith.constant 48 : index
        %get3A_783 = tpu.vector_load %arg7[%get3A_781, %get3A_782] {strides = array<i32>} : memref<1024x64xf32, #tpu.memory_space<vmem>>, vector<16xf32>,
        %add3A_784 = arith.addf %get3A_783, %get3A_157 : vector<16xf32>
        %get3A_785 = arith.index_cast %add3A_764 : i32 to index
        %get3A_786 = arith.constant 0 : index
        %get3A_787 = tpu.vector_load %arg7[%get3A_785, %get3A_786] {strides = array<i32>} : memref<1024x64xf32, #tpu.memory_space<vmem>>, vector<16xf32>,
        %add3A_788 = arith.addf %get3A_787, %get3A_148 : vector<16xf32>
        %get3A_789 = arith.index_cast %add3A_764 : i32 to index
        %get3A_790 = arith.constant 16 : index
        %get3A_791 = tpu.vector_load %arg7[%get3A_789, %get3A_790] {strides = array<i32>} : memref<1024x64xf32, #tpu.memory_space<vmem>>, vector<16xf32>,
        %add3A_792 = arith.addf %get3A_791, %get3A_151 : vector<16xf32>
        %get3A_793 = arith.index_cast %add3A_764 : i32 to index
        %get3A_794 = arith.constant 32 : index
        %get3A_795 = tpu.vector_load %arg7[%get3A_793, %get3A_794] {strides = array<i32>} : memref<1024x64xf32, #tpu.memory_space<vmem>>, vector<16xf32>,
        %add3A_796 = arith.addf %get3A_795, %get3A_154 : vector<16xf32>
        %get3A_797 = arith.index_cast %add3A_764 : i32 to index
        %get3A_798 = arith.constant 48 : index
        %get3A_799 = tpu.vector_load %arg7[%get3A_797, %get3A_798] {strides = array<i32>} : memref<1024x64xf32, #tpu.memory_space<vmem>>, vector<16xf32>,
        %add3A_800 = arith.addf %get3A_799, %get3A_157 : vector<16xf32>
        tpu.vector_store_idx %arg8[%add3A_5, %broadcast_in_dim3A_766], %add3A_772 : memref<64x129xf32, #tpu.memory_space<vmem>>[vector<16xi32>, vector<16xi32>], vector<16xf32>,
        tpu.vector_store_idx %arg8[%add3A_8, %broadcast_in_dim3A_766], %add3A_776 : memref<64x129xf32, #tpu.memory_space<vmem>>[vector<16xi32>, vector<16xi32>], vector<16xf32>,
        tpu.vector_store_idx %arg8[%add3A_11, %broadcast_in_dim3A_766], %add3A_780 : memref<64x129xf32, #tpu.memory_space<vmem>>[vector<16xi32>, vector<16xi32>], vector<16xf32>,
        tpu.vector_store_idx %arg8[%add3A_14, %broadcast_in_dim3A_766], %add3A_784 : memref<64x129xf32, #tpu.memory_space<vmem>>[vector<16xi32>, vector<16xi32>], vector<16xf32>,
        tpu.vector_store_idx %arg8[%add3A_5, %broadcast_in_dim3A_768], %add3A_788 : memref<64x129xf32, #tpu.memory_space<vmem>>[vector<16xi32>, vector<16xi32>], vector<16xf32>,
        tpu.vector_store_idx %arg8[%add3A_8, %broadcast_in_dim3A_768], %add3A_792 : memref<64x129xf32, #tpu.memory_space<vmem>>[vector<16xi32>, vector<16xi32>], vector<16xf32>,
        tpu.vector_store_idx %arg8[%add3A_11, %broadcast_in_dim3A_768], %add3A_796 : memref<64x129xf32, #tpu.memory_space<vmem>>[vector<16xi32>, vector<16xi32>], vector<16xf32>,
        tpu.vector_store_idx %arg8[%add3A_14, %broadcast_in_dim3A_768], %add3A_800 : memref<64x129xf32, #tpu.memory_space<vmem>>[vector<16xi32>, vector<16xi32>], vector<16xf32>,
        %mul3A_801 = arith.constant 128 : i32
        %mul3A_802 = arith.muli %scan3A_132, %mul3A_801 : i32
        %add3A_803 = arith.constant 28 : i32
        %add3A_804 = arith.addi %mul3A_802, %add3A_803 : i32
        %mul3A_805 = arith.constant 128 : i32
        %mul3A_806 = arith.muli %scan3A_132, %mul3A_805 : i32
        %add3A_807 = arith.constant 28 : i32
        %add3A_808 = arith.addi %mul3A_806, %add3A_807 : i32
        %add3A_809 = arith.constant 1 : i32
        %add3A_810 = arith.addi %add3A_808, %add3A_809 : i32
        %broadcast_in_dim3A_811 = arith.constant 28 : i32
        %broadcast_in_dim3A_812 = vector.broadcast %broadcast_in_dim3A_811 : i32 to vector<16xi32>
        %broadcast_in_dim3A_813 = arith.constant 29 : i32
        %broadcast_in_dim3A_814 = vector.broadcast %broadcast_in_dim3A_813 : i32 to vector<16xi32>
        %get3A_815 = arith.index_cast %add3A_804 : i32 to index
        %get3A_816 = arith.constant 0 : index
        %get3A_817 = tpu.vector_load %arg7[%get3A_815, %get3A_816] {strides = array<i32>} : memref<1024x64xf32, #tpu.memory_space<vmem>>, vector<16xf32>,
        %add3A_818 = arith.addf %get3A_817, %get3A_148 : vector<16xf32>
        %get3A_819 = arith.index_cast %add3A_804 : i32 to index
        %get3A_820 = arith.constant 16 : index
        %get3A_821 = tpu.vector_load %arg7[%get3A_819, %get3A_820] {strides = array<i32>} : memref<1024x64xf32, #tpu.memory_space<vmem>>, vector<16xf32>,
        %add3A_822 = arith.addf %get3A_821, %get3A_151 : vector<16xf32>
        %get3A_823 = arith.index_cast %add3A_804 : i32 to index
        %get3A_824 = arith.constant 32 : index
        %get3A_825 = tpu.vector_load %arg7[%get3A_823, %get3A_824] {strides = array<i32>} : memref<1024x64xf32, #tpu.memory_space<vmem>>, vector<16xf32>,
        %add3A_826 = arith.addf %get3A_825, %get3A_154 : vector<16xf32>
        %get3A_827 = arith.index_cast %add3A_804 : i32 to index
        %get3A_828 = arith.constant 48 : index
        %get3A_829 = tpu.vector_load %arg7[%get3A_827, %get3A_828] {strides = array<i32>} : memref<1024x64xf32, #tpu.memory_space<vmem>>, vector<16xf32>,
        %add3A_830 = arith.addf %get3A_829, %get3A_157 : vector<16xf32>
        %get3A_831 = arith.index_cast %add3A_810 : i32 to index
        %get3A_832 = arith.constant 0 : index
        %get3A_833 = tpu.vector_load %arg7[%get3A_831, %get3A_832] {strides = array<i32>} : memref<1024x64xf32, #tpu.memory_space<vmem>>, vector<16xf32>,
        %add3A_834 = arith.addf %get3A_833, %get3A_148 : vector<16xf32>
        %get3A_835 = arith.index_cast %add3A_810 : i32 to index
        %get3A_836 = arith.constant 16 : index
        %get3A_837 = tpu.vector_load %arg7[%get3A_835, %get3A_836] {strides = array<i32>} : memref<1024x64xf32, #tpu.memory_space<vmem>>, vector<16xf32>,
        %add3A_838 = arith.addf %get3A_837, %get3A_151 : vector<16xf32>
        %get3A_839 = arith.index_cast %add3A_810 : i32 to index
        %get3A_840 = arith.constant 32 : index
        %get3A_841 = tpu.vector_load %arg7[%get3A_839, %get3A_840] {strides = array<i32>} : memref<1024x64xf32, #tpu.memory_space<vmem>>, vector<16xf32>,
        %add3A_842 = arith.addf %get3A_841, %get3A_154 : vector<16xf32>
        %get3A_843 = arith.index_cast %add3A_810 : i32 to index
        %get3A_844 = arith.constant 48 : index
        %get3A_845 = tpu.vector_load %arg7[%get3A_843, %get3A_844] {strides = array<i32>} : memref<1024x64xf32, #tpu.memory_space<vmem>>, vector<16xf32>,
        %add3A_846 = arith.addf %get3A_845, %get3A_157 : vector<16xf32>
        tpu.vector_store_idx %arg8[%add3A_5, %broadcast_in_dim3A_812], %add3A_818 : memref<64x129xf32, #tpu.memory_space<vmem>>[vector<16xi32>, vector<16xi32>], vector<16xf32>,
        tpu.vector_store_idx %arg8[%add3A_8, %broadcast_in_dim3A_812], %add3A_822 : memref<64x129xf32, #tpu.memory_space<vmem>>[vector<16xi32>, vector<16xi32>], vector<16xf32>,
        tpu.vector_store_idx %arg8[%add3A_11, %broadcast_in_dim3A_812], %add3A_826 : memref<64x129xf32, #tpu.memory_space<vmem>>[vector<16xi32>, vector<16xi32>], vector<16xf32>,
        tpu.vector_store_idx %arg8[%add3A_14, %broadcast_in_dim3A_812], %add3A_830 : memref<64x129xf32, #tpu.memory_space<vmem>>[vector<16xi32>, vector<16xi32>], vector<16xf32>,
        tpu.vector_store_idx %arg8[%add3A_5, %broadcast_in_dim3A_814], %add3A_834 : memref<64x129xf32, #tpu.memory_space<vmem>>[vector<16xi32>, vector<16xi32>], vector<16xf32>,
        tpu.vector_store_idx %arg8[%add3A_8, %broadcast_in_dim3A_814], %add3A_838 : memref<64x129xf32, #tpu.memory_space<vmem>>[vector<16xi32>, vector<16xi32>], vector<16xf32>,
        tpu.vector_store_idx %arg8[%add3A_11, %broadcast_in_dim3A_814], %add3A_842 : memref<64x129xf32, #tpu.memory_space<vmem>>[vector<16xi32>, vector<16xi32>], vector<16xf32>,
        tpu.vector_store_idx %arg8[%add3A_14, %broadcast_in_dim3A_814], %add3A_846 : memref<64x129xf32, #tpu.memory_space<vmem>>[vector<16xi32>, vector<16xi32>], vector<16xf32>,
        %mul3A_847 = arith.constant 128 : i32
        %mul3A_848 = arith.muli %scan3A_132, %mul3A_847 : i32
        %add3A_849 = arith.constant 30 : i32
        %add3A_850 = arith.addi %mul3A_848, %add3A_849 : i32
        %mul3A_851 = arith.constant 128 : i32
        %mul3A_852 = arith.muli %scan3A_132, %mul3A_851 : i32
        %add3A_853 = arith.constant 30 : i32
        %add3A_854 = arith.addi %mul3A_852, %add3A_853 : i32
        %add3A_855 = arith.constant 1 : i32
        %add3A_856 = arith.addi %add3A_854, %add3A_855 : i32
        %broadcast_in_dim3A_857 = arith.constant 30 : i32
        %broadcast_in_dim3A_858 = vector.broadcast %broadcast_in_dim3A_857 : i32 to vector<16xi32>
        %broadcast_in_dim3A_859 = arith.constant 31 : i32
        %broadcast_in_dim3A_860 = vector.broadcast %broadcast_in_dim3A_859 : i32 to vector<16xi32>
        %get3A_861 = arith.index_cast %add3A_850 : i32 to index
        %get3A_862 = arith.constant 0 : index
        %get3A_863 = tpu.vector_load %arg7[%get3A_861, %get3A_862] {strides = array<i32>} : memref<1024x64xf32, #tpu.memory_space<vmem>>, vector<16xf32>,
        %add3A_864 = arith.addf %get3A_863, %get3A_148 : vector<16xf32>
        %get3A_865 = arith.index_cast %add3A_850 : i32 to index
        %get3A_866 = arith.constant 16 : index
        %get3A_867 = tpu.vector_load %arg7[%get3A_865, %get3A_866] {strides = array<i32>} : memref<1024x64xf32, #tpu.memory_space<vmem>>, vector<16xf32>,
        %add3A_868 = arith.addf %get3A_867, %get3A_151 : vector<16xf32>
        %get3A_869 = arith.index_cast %add3A_850 : i32 to index
        %get3A_870 = arith.constant 32 : index
        %get3A_871 = tpu.vector_load %arg7[%get3A_869, %get3A_870] {strides = array<i32>} : memref<1024x64xf32, #tpu.memory_space<vmem>>, vector<16xf32>,
        %add3A_872 = arith.addf %get3A_871, %get3A_154 : vector<16xf32>
        %get3A_873 = arith.index_cast %add3A_850 : i32 to index
        %get3A_874 = arith.constant 48 : index
        %get3A_875 = tpu.vector_load %arg7[%get3A_873, %get3A_874] {strides = array<i32>} : memref<1024x64xf32, #tpu.memory_space<vmem>>, vector<16xf32>,
        %add3A_876 = arith.addf %get3A_875, %get3A_157 : vector<16xf32>
        %get3A_877 = arith.index_cast %add3A_856 : i32 to index
        %get3A_878 = arith.constant 0 : index
        %get3A_879 = tpu.vector_load %arg7[%get3A_877, %get3A_878] {strides = array<i32>} : memref<1024x64xf32, #tpu.memory_space<vmem>>, vector<16xf32>,
        %add3A_880 = arith.addf %get3A_879, %get3A_148 : vector<16xf32>
        %get3A_881 = arith.index_cast %add3A_856 : i32 to index
        %get3A_882 = arith.constant 16 : index
        %get3A_883 = tpu.vector_load %arg7[%get3A_881, %get3A_882] {strides = array<i32>} : memref<1024x64xf32, #tpu.memory_space<vmem>>, vector<16xf32>,
        %add3A_884 = arith.addf %get3A_883, %get3A_151 : vector<16xf32>
        %get3A_885 = arith.index_cast %add3A_856 : i32 to index
        %get3A_886 = arith.constant 32 : index
        %get3A_887 = tpu.vector_load %arg7[%get3A_885, %get3A_886] {strides = array<i32>} : memref<1024x64xf32, #tpu.memory_space<vmem>>, vector<16xf32>,
        %add3A_888 = arith.addf %get3A_887, %get3A_154 : vector<16xf32>
        %get3A_889 = arith.index_cast %add3A_856 : i32 to index
        %get3A_890 = arith.constant 48 : index
        %get3A_891 = tpu.vector_load %arg7[%get3A_889, %get3A_890] {strides = array<i32>} : memref<1024x64xf32, #tpu.memory_space<vmem>>, vector<16xf32>,
        %add3A_892 = arith.addf %get3A_891, %get3A_157 : vector<16xf32>
        tpu.vector_store_idx %arg8[%add3A_5, %broadcast_in_dim3A_858], %add3A_864 : memref<64x129xf32, #tpu.memory_space<vmem>>[vector<16xi32>, vector<16xi32>], vector<16xf32>,
        tpu.vector_store_idx %arg8[%add3A_8, %broadcast_in_dim3A_858], %add3A_868 : memref<64x129xf32, #tpu.memory_space<vmem>>[vector<16xi32>, vector<16xi32>], vector<16xf32>,
        tpu.vector_store_idx %arg8[%add3A_11, %broadcast_in_dim3A_858], %add3A_872 : memref<64x129xf32, #tpu.memory_space<vmem>>[vector<16xi32>, vector<16xi32>], vector<16xf32>,
        tpu.vector_store_idx %arg8[%add3A_14, %broadcast_in_dim3A_858], %add3A_876 : memref<64x129xf32, #tpu.memory_space<vmem>>[vector<16xi32>, vector<16xi32>], vector<16xf32>,
        tpu.vector_store_idx %arg8[%add3A_5, %broadcast_in_dim3A_860], %add3A_880 : memref<64x129xf32, #tpu.memory_space<vmem>>[vector<16xi32>, vector<16xi32>], vector<16xf32>,
        tpu.vector_store_idx %arg8[%add3A_8, %broadcast_in_dim3A_860], %add3A_884 : memref<64x129xf32, #tpu.memory_space<vmem>>[vector<16xi32>, vector<16xi32>], vector<16xf32>,
        tpu.vector_store_idx %arg8[%add3A_11, %broadcast_in_dim3A_860], %add3A_888 : memref<64x129xf32, #tpu.memory_space<vmem>>[vector<16xi32>, vector<16xi32>], vector<16xf32>,
        tpu.vector_store_idx %arg8[%add3A_14, %broadcast_in_dim3A_860], %add3A_892 : memref<64x129xf32, #tpu.memory_space<vmem>>[vector<16xi32>, vector<16xi32>], vector<16xf32>,
        %mul3A_893 = arith.constant 128 : i32
        %mul3A_894 = arith.muli %scan3A_132, %mul3A_893 : i32
        %add3A_895 = arith.constant 32 : i32
        %add3A_896 = arith.addi %mul3A_894, %add3A_895 : i32
        %mul3A_897 = arith.constant 128 : i32
        %mul3A_898 = arith.muli %scan3A_132, %mul3A_897 : i32
        %add3A_899 = arith.constant 32 : i32
        %add3A_900 = arith.addi %mul3A_898, %add3A_899 : i32
        %add3A_901 = arith.constant 1 : i32
        %add3A_902 = arith.addi %add3A_900, %add3A_901 : i32
        %broadcast_in_dim3A_903 = arith.constant 32 : i32
        %broadcast_in_dim3A_904 = vector.broadcast %broadcast_in_dim3A_903 : i32 to vector<16xi32>
        %broadcast_in_dim3A_905 = arith.constant 33 : i32
        %broadcast_in_dim3A_906 = vector.broadcast %broadcast_in_dim3A_905 : i32 to vector<16xi32>
        %get3A_907 = arith.index_cast %add3A_896 : i32 to index
        %get3A_908 = arith.constant 0 : index
        %get3A_909 = tpu.vector_load %arg7[%get3A_907, %get3A_908] {strides = array<i32>} : memref<1024x64xf32, #tpu.memory_space<vmem>>, vector<16xf32>,
        %add3A_910 = arith.addf %get3A_909, %get3A_148 : vector<16xf32>
        %get3A_911 = arith.index_cast %add3A_896 : i32 to index
        %get3A_912 = arith.constant 16 : index
        %get3A_913 = tpu.vector_load %arg7[%get3A_911, %get3A_912] {strides = array<i32>} : memref<1024x64xf32, #tpu.memory_space<vmem>>, vector<16xf32>,
        %add3A_914 = arith.addf %get3A_913, %get3A_151 : vector<16xf32>
        %get3A_915 = arith.index_cast %add3A_896 : i32 to index
        %get3A_916 = arith.constant 32 : index
        %get3A_917 = tpu.vector_load %arg7[%get3A_915, %get3A_916] {strides = array<i32>} : memref<1024x64xf32, #tpu.memory_space<vmem>>, vector<16xf32>,
        %add3A_918 = arith.addf %get3A_917, %get3A_154 : vector<16xf32>
        %get3A_919 = arith.index_cast %add3A_896 : i32 to index
        %get3A_920 = arith.constant 48 : index
        %get3A_921 = tpu.vector_load %arg7[%get3A_919, %get3A_920] {strides = array<i32>} : memref<1024x64xf32, #tpu.memory_space<vmem>>, vector<16xf32>,
        %add3A_922 = arith.addf %get3A_921, %get3A_157 : vector<16xf32>
        %get3A_923 = arith.index_cast %add3A_902 : i32 to index
        %get3A_924 = arith.constant 0 : index
        %get3A_925 = tpu.vector_load %arg7[%get3A_923, %get3A_924] {strides = array<i32>} : memref<1024x64xf32, #tpu.memory_space<vmem>>, vector<16xf32>,
        %add3A_926 = arith.addf %get3A_925, %get3A_148 : vector<16xf32>
        %get3A_927 = arith.index_cast %add3A_902 : i32 to index
        %get3A_928 = arith.constant 16 : index
        %get3A_929 = tpu.vector_load %arg7[%get3A_927, %get3A_928] {strides = array<i32>} : memref<1024x64xf32, #tpu.memory_space<vmem>>, vector<16xf32>,
        %add3A_930 = arith.addf %get3A_929, %get3A_151 : vector<16xf32>
        %get3A_931 = arith.index_cast %add3A_902 : i32 to index
        %get3A_932 = arith.constant 32 : index
        %get3A_933 = tpu.vector_load %arg7[%get3A_931, %get3A_932] {strides = array<i32>} : memref<1024x64xf32, #tpu.memory_space<vmem>>, vector<16xf32>,
        %add3A_934 = arith.addf %get3A_933, %get3A_154 : vector<16xf32>
        %get3A_935 = arith.index_cast %add3A_902 : i32 to index
        %get3A_936 = arith.constant 48 : index
        %get3A_937 = tpu.vector_load %arg7[%get3A_935, %get3A_936] {strides = array<i32>} : memref<1024x64xf32, #tpu.memory_space<vmem>>, vector<16xf32>,
        %add3A_938 = arith.addf %get3A_937, %get3A_157 : vector<16xf32>
        tpu.vector_store_idx %arg8[%add3A_5, %broadcast_in_dim3A_904], %add3A_910 : memref<64x129xf32, #tpu.memory_space<vmem>>[vector<16xi32>, vector<16xi32>], vector<16xf32>,
        tpu.vector_store_idx %arg8[%add3A_8, %broadcast_in_dim3A_904], %add3A_914 : memref<64x129xf32, #tpu.memory_space<vmem>>[vector<16xi32>, vector<16xi32>], vector<16xf32>,
        tpu.vector_store_idx %arg8[%add3A_11, %broadcast_in_dim3A_904], %add3A_918 : memref<64x129xf32, #tpu.memory_space<vmem>>[vector<16xi32>, vector<16xi32>], vector<16xf32>,
        tpu.vector_store_idx %arg8[%add3A_14, %broadcast_in_dim3A_904], %add3A_922 : memref<64x129xf32, #tpu.memory_space<vmem>>[vector<16xi32>, vector<16xi32>], vector<16xf32>,
        tpu.vector_store_idx %arg8[%add3A_5, %broadcast_in_dim3A_906], %add3A_926 : memref<64x129xf32, #tpu.memory_space<vmem>>[vector<16xi32>, vector<16xi32>], vector<16xf32>,
        tpu.vector_store_idx %arg8[%add3A_8, %broadcast_in_dim3A_906], %add3A_930 : memref<64x129xf32, #tpu.memory_space<vmem>>[vector<16xi32>, vector<16xi32>], vector<16xf32>,
        tpu.vector_store_idx %arg8[%add3A_11, %broadcast_in_dim3A_906], %add3A_934 : memref<64x129xf32, #tpu.memory_space<vmem>>[vector<16xi32>, vector<16xi32>], vector<16xf32>,
        tpu.vector_store_idx %arg8[%add3A_14, %broadcast_in_dim3A_906], %add3A_938 : memref<64x129xf32, #tpu.memory_space<vmem>>[vector<16xi32>, vector<16xi32>], vector<16xf32>,
        %mul3A_939 = arith.constant 128 : i32
        %mul3A_940 = arith.muli %scan3A_132, %mul3A_939 : i32
        %add3A_941 = arith.constant 34 : i32
        %add3A_942 = arith.addi %mul3A_940, %add3A_941 : i32
        %mul3A_943 = arith.constant 128 : i32
        %mul3A_944 = arith.muli %scan3A_132, %mul3A_943 : i32
        %add3A_945 = arith.constant 34 : i32
        %add3A_946 = arith.addi %mul3A_944, %add3A_945 : i32
        %add3A_947 = arith.constant 1 : i32
        %add3A_948 = arith.addi %add3A_946, %add3A_947 : i32
        %broadcast_in_dim3A_949 = arith.constant 34 : i32
        %broadcast_in_dim3A_950 = vector.broadcast %broadcast_in_dim3A_949 : i32 to vector<16xi32>
        %broadcast_in_dim3A_951 = arith.constant 35 : i32
        %broadcast_in_dim3A_952 = vector.broadcast %broadcast_in_dim3A_951 : i32 to vector<16xi32>
        %get3A_953 = arith.index_cast %add3A_942 : i32 to index
        %get3A_954 = arith.constant 0 : index
        %get3A_955 = tpu.vector_load %arg7[%get3A_953, %get3A_954] {strides = array<i32>} : memref<1024x64xf32, #tpu.memory_space<vmem>>, vector<16xf32>,
        %add3A_956 = arith.addf %get3A_955, %get3A_148 : vector<16xf32>
        %get3A_957 = arith.index_cast %add3A_942 : i32 to index
        %get3A_958 = arith.constant 16 : index
        %get3A_959 = tpu.vector_load %arg7[%get3A_957, %get3A_958] {strides = array<i32>} : memref<1024x64xf32, #tpu.memory_space<vmem>>, vector<16xf32>,
        %add3A_960 = arith.addf %get3A_959, %get3A_151 : vector<16xf32>
        %get3A_961 = arith.index_cast %add3A_942 : i32 to index
        %get3A_962 = arith.constant 32 : index
        %get3A_963 = tpu.vector_load %arg7[%get3A_961, %get3A_962] {strides = array<i32>} : memref<1024x64xf32, #tpu.memory_space<vmem>>, vector<16xf32>,
        %add3A_964 = arith.addf %get3A_963, %get3A_154 : vector<16xf32>
        %get3A_965 = arith.index_cast %add3A_942 : i32 to index
        %get3A_966 = arith.constant 48 : index
        %get3A_967 = tpu.vector_load %arg7[%get3A_965, %get3A_966] {strides = array<i32>} : memref<1024x64xf32, #tpu.memory_space<vmem>>, vector<16xf32>,
        %add3A_968 = arith.addf %get3A_967, %get3A_157 : vector<16xf32>
        %get3A_969 = arith.index_cast %add3A_948 : i32 to index
        %get3A_970 = arith.constant 0 : index
        %get3A_971 = tpu.vector_load %arg7[%get3A_969, %get3A_970] {strides = array<i32>} : memref<1024x64xf32, #tpu.memory_space<vmem>>, vector<16xf32>,
        %add3A_972 = arith.addf %get3A_971, %get3A_148 : vector<16xf32>
        %get3A_973 = arith.index_cast %add3A_948 : i32 to index
        %get3A_974 = arith.constant 16 : index
        %get3A_975 = tpu.vector_load %arg7[%get3A_973, %get3A_974] {strides = array<i32>} : memref<1024x64xf32, #tpu.memory_space<vmem>>, vector<16xf32>,
        %add3A_976 = arith.addf %get3A_975, %get3A_151 : vector<16xf32>
        %get3A_977 = arith.index_cast %add3A_948 : i32 to index
        %get3A_978 = arith.constant 32 : index
        %get3A_979 = tpu.vector_load %arg7[%get3A_977, %get3A_978] {strides = array<i32>} : memref<1024x64xf32, #tpu.memory_space<vmem>>, vector<16xf32>,
        %add3A_980 = arith.addf %get3A_979, %get3A_154 : vector<16xf32>
        %get3A_981 = arith.index_cast %add3A_948 : i32 to index
        %get3A_982 = arith.constant 48 : index
        %get3A_983 = tpu.vector_load %arg7[%get3A_981, %get3A_982] {strides = array<i32>} : memref<1024x64xf32, #tpu.memory_space<vmem>>, vector<16xf32>,
        %add3A_984 = arith.addf %get3A_983, %get3A_157 : vector<16xf32>
        tpu.vector_store_idx %arg8[%add3A_5, %broadcast_in_dim3A_950], %add3A_956 : memref<64x129xf32, #tpu.memory_space<vmem>>[vector<16xi32>, vector<16xi32>], vector<16xf32>,
        tpu.vector_store_idx %arg8[%add3A_8, %broadcast_in_dim3A_950], %add3A_960 : memref<64x129xf32, #tpu.memory_space<vmem>>[vector<16xi32>, vector<16xi32>], vector<16xf32>,
        tpu.vector_store_idx %arg8[%add3A_11, %broadcast_in_dim3A_950], %add3A_964 : memref<64x129xf32, #tpu.memory_space<vmem>>[vector<16xi32>, vector<16xi32>], vector<16xf32>,
        tpu.vector_store_idx %arg8[%add3A_14, %broadcast_in_dim3A_950], %add3A_968 : memref<64x129xf32, #tpu.memory_space<vmem>>[vector<16xi32>, vector<16xi32>], vector<16xf32>,
        tpu.vector_store_idx %arg8[%add3A_5, %broadcast_in_dim3A_952], %add3A_972 : memref<64x129xf32, #tpu.memory_space<vmem>>[vector<16xi32>, vector<16xi32>], vector<16xf32>,
        tpu.vector_store_idx %arg8[%add3A_8, %broadcast_in_dim3A_952], %add3A_976 : memref<64x129xf32, #tpu.memory_space<vmem>>[vector<16xi32>, vector<16xi32>], vector<16xf32>,
        tpu.vector_store_idx %arg8[%add3A_11, %broadcast_in_dim3A_952], %add3A_980 : memref<64x129xf32, #tpu.memory_space<vmem>>[vector<16xi32>, vector<16xi32>], vector<16xf32>,
        tpu.vector_store_idx %arg8[%add3A_14, %broadcast_in_dim3A_952], %add3A_984 : memref<64x129xf32, #tpu.memory_space<vmem>>[vector<16xi32>, vector<16xi32>], vector<16xf32>,
        %mul3A_985 = arith.constant 128 : i32
        %mul3A_986 = arith.muli %scan3A_132, %mul3A_985 : i32
        %add3A_987 = arith.constant 36 : i32
        %add3A_988 = arith.addi %mul3A_986, %add3A_987 : i32
        %mul3A_989 = arith.constant 128 : i32
        %mul3A_990 = arith.muli %scan3A_132, %mul3A_989 : i32
        %add3A_991 = arith.constant 36 : i32
        %add3A_992 = arith.addi %mul3A_990, %add3A_991 : i32
        %add3A_993 = arith.constant 1 : i32
        %add3A_994 = arith.addi %add3A_992, %add3A_993 : i32
        %broadcast_in_dim3A_995 = arith.constant 36 : i32
        %broadcast_in_dim3A_996 = vector.broadcast %broadcast_in_dim3A_995 : i32 to vector<16xi32>
        %broadcast_in_dim3A_997 = arith.constant 37 : i32
        %broadcast_in_dim3A_998 = vector.broadcast %broadcast_in_dim3A_997 : i32 to vector<16xi32>
        %get3A_999 = arith.index_cast %add3A_988 : i32 to index
        %get3A_1000 = arith.constant 0 : index
        %get3A_1001 = tpu.vector_load %arg7[%get3A_999, %get3A_1000] {strides = array<i32>} : memref<1024x64xf32, #tpu.memory_space<vmem>>, vector<16xf32>,
        %add3A_1002 = arith.addf %get3A_1001, %get3A_148 : vector<16xf32>
        %get3A_1003 = arith.index_cast %add3A_988 : i32 to index
        %get3A_1004 = arith.constant 16 : index
        %get3A_1005 = tpu.vector_load %arg7[%get3A_1003, %get3A_1004] {strides = array<i32>} : memref<1024x64xf32, #tpu.memory_space<vmem>>, vector<16xf32>,
        %add3A_1006 = arith.addf %get3A_1005, %get3A_151 : vector<16xf32>
        %get3A_1007 = arith.index_cast %add3A_988 : i32 to index
        %get3A_1008 = arith.constant 32 : index
        %get3A_1009 = tpu.vector_load %arg7[%get3A_1007, %get3A_1008] {strides = array<i32>} : memref<1024x64xf32, #tpu.memory_space<vmem>>, vector<16xf32>,
        %add3A_1010 = arith.addf %get3A_1009, %get3A_154 : vector<16xf32>
        %get3A_1011 = arith.index_cast %add3A_988 : i32 to index
        %get3A_1012 = arith.constant 48 : index
        %get3A_1013 = tpu.vector_load %arg7[%get3A_1011, %get3A_1012] {strides = array<i32>} : memref<1024x64xf32, #tpu.memory_space<vmem>>, vector<16xf32>,
        %add3A_1014 = arith.addf %get3A_1013, %get3A_157 : vector<16xf32>
        %get3A_1015 = arith.index_cast %add3A_994 : i32 to index
        %get3A_1016 = arith.constant 0 : index
        %get3A_1017 = tpu.vector_load %arg7[%get3A_1015, %get3A_1016] {strides = array<i32>} : memref<1024x64xf32, #tpu.memory_space<vmem>>, vector<16xf32>,
        %add3A_1018 = arith.addf %get3A_1017, %get3A_148 : vector<16xf32>
        %get3A_1019 = arith.index_cast %add3A_994 : i32 to index
        %get3A_1020 = arith.constant 16 : index
        %get3A_1021 = tpu.vector_load %arg7[%get3A_1019, %get3A_1020] {strides = array<i32>} : memref<1024x64xf32, #tpu.memory_space<vmem>>, vector<16xf32>,
        %add3A_1022 = arith.addf %get3A_1021, %get3A_151 : vector<16xf32>
        %get3A_1023 = arith.index_cast %add3A_994 : i32 to index
        %get3A_1024 = arith.constant 32 : index
        %get3A_1025 = tpu.vector_load %arg7[%get3A_1023, %get3A_1024] {strides = array<i32>} : memref<1024x64xf32, #tpu.memory_space<vmem>>, vector<16xf32>,
        %add3A_1026 = arith.addf %get3A_1025, %get3A_154 : vector<16xf32>
        %get3A_1027 = arith.index_cast %add3A_994 : i32 to index
        %get3A_1028 = arith.constant 48 : index
        %get3A_1029 = tpu.vector_load %arg7[%get3A_1027, %get3A_1028] {strides = array<i32>} : memref<1024x64xf32, #tpu.memory_space<vmem>>, vector<16xf32>,
        %add3A_1030 = arith.addf %get3A_1029, %get3A_157 : vector<16xf32>
        tpu.vector_store_idx %arg8[%add3A_5, %broadcast_in_dim3A_996], %add3A_1002 : memref<64x129xf32, #tpu.memory_space<vmem>>[vector<16xi32>, vector<16xi32>], vector<16xf32>,
        tpu.vector_store_idx %arg8[%add3A_8, %broadcast_in_dim3A_996], %add3A_1006 : memref<64x129xf32, #tpu.memory_space<vmem>>[vector<16xi32>, vector<16xi32>], vector<16xf32>,
        tpu.vector_store_idx %arg8[%add3A_11, %broadcast_in_dim3A_996], %add3A_1010 : memref<64x129xf32, #tpu.memory_space<vmem>>[vector<16xi32>, vector<16xi32>], vector<16xf32>,
        tpu.vector_store_idx %arg8[%add3A_14, %broadcast_in_dim3A_996], %add3A_1014 : memref<64x129xf32, #tpu.memory_space<vmem>>[vector<16xi32>, vector<16xi32>], vector<16xf32>,
        tpu.vector_store_idx %arg8[%add3A_5, %broadcast_in_dim3A_998], %add3A_1018 : memref<64x129xf32, #tpu.memory_space<vmem>>[vector<16xi32>, vector<16xi32>], vector<16xf32>,
        tpu.vector_store_idx %arg8[%add3A_8, %broadcast_in_dim3A_998], %add3A_1022 : memref<64x129xf32, #tpu.memory_space<vmem>>[vector<16xi32>, vector<16xi32>], vector<16xf32>,
        tpu.vector_store_idx %arg8[%add3A_11, %broadcast_in_dim3A_998], %add3A_1026 : memref<64x129xf32, #tpu.memory_space<vmem>>[vector<16xi32>, vector<16xi32>], vector<16xf32>,
        tpu.vector_store_idx %arg8[%add3A_14, %broadcast_in_dim3A_998], %add3A_1030 : memref<64x129xf32, #tpu.memory_space<vmem>>[vector<16xi32>, vector<16xi32>], vector<16xf32>,
        %mul3A_1031 = arith.constant 128 : i32
        %mul3A_1032 = arith.muli %scan3A_132, %mul3A_1031 : i32
        %add3A_1033 = arith.constant 38 : i32
        %add3A_1034 = arith.addi %mul3A_1032, %add3A_1033 : i32
        %mul3A_1035 = arith.constant 128 : i32
        %mul3A_1036 = arith.muli %scan3A_132, %mul3A_1035 : i32
        %add3A_1037 = arith.constant 38 : i32
        %add3A_1038 = arith.addi %mul3A_1036, %add3A_1037 : i32
        %add3A_1039 = arith.constant 1 : i32
        %add3A_1040 = arith.addi %add3A_1038, %add3A_1039 : i32
        %broadcast_in_dim3A_1041 = arith.constant 38 : i32
        %broadcast_in_dim3A_1042 = vector.broadcast %broadcast_in_dim3A_1041 : i32 to vector<16xi32>
        %broadcast_in_dim3A_1043 = arith.constant 39 : i32
        %broadcast_in_dim3A_1044 = vector.broadcast %broadcast_in_dim3A_1043 : i32 to vector<16xi32>
        %get3A_1045 = arith.index_cast %add3A_1034 : i32 to index
        %get3A_1046 = arith.constant 0 : index
        %get3A_1047 = tpu.vector_load %arg7[%get3A_1045, %get3A_1046] {strides = array<i32>} : memref<1024x64xf32, #tpu.memory_space<vmem>>, vector<16xf32>,
        %add3A_1048 = arith.addf %get3A_1047, %get3A_148 : vector<16xf32>
        %get3A_1049 = arith.index_cast %add3A_1034 : i32 to index
        %get3A_1050 = arith.constant 16 : index
        %get3A_1051 = tpu.vector_load %arg7[%get3A_1049, %get3A_1050] {strides = array<i32>} : memref<1024x64xf32, #tpu.memory_space<vmem>>, vector<16xf32>,
        %add3A_1052 = arith.addf %get3A_1051, %get3A_151 : vector<16xf32>
        %get3A_1053 = arith.index_cast %add3A_1034 : i32 to index
        %get3A_1054 = arith.constant 32 : index
        %get3A_1055 = tpu.vector_load %arg7[%get3A_1053, %get3A_1054] {strides = array<i32>} : memref<1024x64xf32, #tpu.memory_space<vmem>>, vector<16xf32>,
        %add3A_1056 = arith.addf %get3A_1055, %get3A_154 : vector<16xf32>
        %get3A_1057 = arith.index_cast %add3A_1034 : i32 to index
        %get3A_1058 = arith.constant 48 : index
        %get3A_1059 = tpu.vector_load %arg7[%get3A_1057, %get3A_1058] {strides = array<i32>} : memref<1024x64xf32, #tpu.memory_space<vmem>>, vector<16xf32>,
        %add3A_1060 = arith.addf %get3A_1059, %get3A_157 : vector<16xf32>
        %get3A_1061 = arith.index_cast %add3A_1040 : i32 to index
        %get3A_1062 = arith.constant 0 : index
        %get3A_1063 = tpu.vector_load %arg7[%get3A_1061, %get3A_1062] {strides = array<i32>} : memref<1024x64xf32, #tpu.memory_space<vmem>>, vector<16xf32>,
        %add3A_1064 = arith.addf %get3A_1063, %get3A_148 : vector<16xf32>
        %get3A_1065 = arith.index_cast %add3A_1040 : i32 to index
        %get3A_1066 = arith.constant 16 : index
        %get3A_1067 = tpu.vector_load %arg7[%get3A_1065, %get3A_1066] {strides = array<i32>} : memref<1024x64xf32, #tpu.memory_space<vmem>>, vector<16xf32>,
        %add3A_1068 = arith.addf %get3A_1067, %get3A_151 : vector<16xf32>
        %get3A_1069 = arith.index_cast %add3A_1040 : i32 to index
        %get3A_1070 = arith.constant 32 : index
        %get3A_1071 = tpu.vector_load %arg7[%get3A_1069, %get3A_1070] {strides = array<i32>} : memref<1024x64xf32, #tpu.memory_space<vmem>>, vector<16xf32>,
        %add3A_1072 = arith.addf %get3A_1071, %get3A_154 : vector<16xf32>
        %get3A_1073 = arith.index_cast %add3A_1040 : i32 to index
        %get3A_1074 = arith.constant 48 : index
        %get3A_1075 = tpu.vector_load %arg7[%get3A_1073, %get3A_1074] {strides = array<i32>} : memref<1024x64xf32, #tpu.memory_space<vmem>>, vector<16xf32>,
        %add3A_1076 = arith.addf %get3A_1075, %get3A_157 : vector<16xf32>
        tpu.vector_store_idx %arg8[%add3A_5, %broadcast_in_dim3A_1042], %add3A_1048 : memref<64x129xf32, #tpu.memory_space<vmem>>[vector<16xi32>, vector<16xi32>], vector<16xf32>,
        tpu.vector_store_idx %arg8[%add3A_8, %broadcast_in_dim3A_1042], %add3A_1052 : memref<64x129xf32, #tpu.memory_space<vmem>>[vector<16xi32>, vector<16xi32>], vector<16xf32>,
        tpu.vector_store_idx %arg8[%add3A_11, %broadcast_in_dim3A_1042], %add3A_1056 : memref<64x129xf32, #tpu.memory_space<vmem>>[vector<16xi32>, vector<16xi32>], vector<16xf32>,
        tpu.vector_store_idx %arg8[%add3A_14, %broadcast_in_dim3A_1042], %add3A_1060 : memref<64x129xf32, #tpu.memory_space<vmem>>[vector<16xi32>, vector<16xi32>], vector<16xf32>,
        tpu.vector_store_idx %arg8[%add3A_5, %broadcast_in_dim3A_1044], %add3A_1064 : memref<64x129xf32, #tpu.memory_space<vmem>>[vector<16xi32>, vector<16xi32>], vector<16xf32>,
        tpu.vector_store_idx %arg8[%add3A_8, %broadcast_in_dim3A_1044], %add3A_1068 : memref<64x129xf32, #tpu.memory_space<vmem>>[vector<16xi32>, vector<16xi32>], vector<16xf32>,
        tpu.vector_store_idx %arg8[%add3A_11, %broadcast_in_dim3A_1044], %add3A_1072 : memref<64x129xf32, #tpu.memory_space<vmem>>[vector<16xi32>, vector<16xi32>], vector<16xf32>,
        tpu.vector_store_idx %arg8[%add3A_14, %broadcast_in_dim3A_1044], %add3A_1076 : memref<64x129xf32, #tpu.memory_space<vmem>>[vector<16xi32>, vector<16xi32>], vector<16xf32>,
        %mul3A_1077 = arith.constant 128 : i32
        %mul3A_1078 = arith.muli %scan3A_132, %mul3A_1077 : i32
        %add3A_1079 = arith.constant 40 : i32
        %add3A_1080 = arith.addi %mul3A_1078, %add3A_1079 : i32
        %mul3A_1081 = arith.constant 128 : i32
        %mul3A_1082 = arith.muli %scan3A_132, %mul3A_1081 : i32
        %add3A_1083 = arith.constant 40 : i32
        %add3A_1084 = arith.addi %mul3A_1082, %add3A_1083 : i32
        %add3A_1085 = arith.constant 1 : i32
        %add3A_1086 = arith.addi %add3A_1084, %add3A_1085 : i32
        %broadcast_in_dim3A_1087 = arith.constant 40 : i32
        %broadcast_in_dim3A_1088 = vector.broadcast %broadcast_in_dim3A_1087 : i32 to vector<16xi32>
        %broadcast_in_dim3A_1089 = arith.constant 41 : i32
        %broadcast_in_dim3A_1090 = vector.broadcast %broadcast_in_dim3A_1089 : i32 to vector<16xi32>
        %get3A_1091 = arith.index_cast %add3A_1080 : i32 to index
        %get3A_1092 = arith.constant 0 : index
        %get3A_1093 = tpu.vector_load %arg7[%get3A_1091, %get3A_1092] {strides = array<i32>} : memref<1024x64xf32, #tpu.memory_space<vmem>>, vector<16xf32>,
        %add3A_1094 = arith.addf %get3A_1093, %get3A_148 : vector<16xf32>
        %get3A_1095 = arith.index_cast %add3A_1080 : i32 to index
        %get3A_1096 = arith.constant 16 : index
        %get3A_1097 = tpu.vector_load %arg7[%get3A_1095, %get3A_1096] {strides = array<i32>} : memref<1024x64xf32, #tpu.memory_space<vmem>>, vector<16xf32>,
        %add3A_1098 = arith.addf %get3A_1097, %get3A_151 : vector<16xf32>
        %get3A_1099 = arith.index_cast %add3A_1080 : i32 to index
        %get3A_1100 = arith.constant 32 : index
        %get3A_1101 = tpu.vector_load %arg7[%get3A_1099, %get3A_1100] {strides = array<i32>} : memref<1024x64xf32, #tpu.memory_space<vmem>>, vector<16xf32>,
        %add3A_1102 = arith.addf %get3A_1101, %get3A_154 : vector<16xf32>
        %get3A_1103 = arith.index_cast %add3A_1080 : i32 to index
        %get3A_1104 = arith.constant 48 : index
        %get3A_1105 = tpu.vector_load %arg7[%get3A_1103, %get3A_1104] {strides = array<i32>} : memref<1024x64xf32, #tpu.memory_space<vmem>>, vector<16xf32>,
        %add3A_1106 = arith.addf %get3A_1105, %get3A_157 : vector<16xf32>
        %get3A_1107 = arith.index_cast %add3A_1086 : i32 to index
        %get3A_1108 = arith.constant 0 : index
        %get3A_1109 = tpu.vector_load %arg7[%get3A_1107, %get3A_1108] {strides = array<i32>} : memref<1024x64xf32, #tpu.memory_space<vmem>>, vector<16xf32>,
        %add3A_1110 = arith.addf %get3A_1109, %get3A_148 : vector<16xf32>
        %get3A_1111 = arith.index_cast %add3A_1086 : i32 to index
        %get3A_1112 = arith.constant 16 : index
        %get3A_1113 = tpu.vector_load %arg7[%get3A_1111, %get3A_1112] {strides = array<i32>} : memref<1024x64xf32, #tpu.memory_space<vmem>>, vector<16xf32>,
        %add3A_1114 = arith.addf %get3A_1113, %get3A_151 : vector<16xf32>
        %get3A_1115 = arith.index_cast %add3A_1086 : i32 to index
        %get3A_1116 = arith.constant 32 : index
        %get3A_1117 = tpu.vector_load %arg7[%get3A_1115, %get3A_1116] {strides = array<i32>} : memref<1024x64xf32, #tpu.memory_space<vmem>>, vector<16xf32>,
        %add3A_1118 = arith.addf %get3A_1117, %get3A_154 : vector<16xf32>
        %get3A_1119 = arith.index_cast %add3A_1086 : i32 to index
        %get3A_1120 = arith.constant 48 : index
        %get3A_1121 = tpu.vector_load %arg7[%get3A_1119, %get3A_1120] {strides = array<i32>} : memref<1024x64xf32, #tpu.memory_space<vmem>>, vector<16xf32>,
        %add3A_1122 = arith.addf %get3A_1121, %get3A_157 : vector<16xf32>
        tpu.vector_store_idx %arg8[%add3A_5, %broadcast_in_dim3A_1088], %add3A_1094 : memref<64x129xf32, #tpu.memory_space<vmem>>[vector<16xi32>, vector<16xi32>], vector<16xf32>,
        tpu.vector_store_idx %arg8[%add3A_8, %broadcast_in_dim3A_1088], %add3A_1098 : memref<64x129xf32, #tpu.memory_space<vmem>>[vector<16xi32>, vector<16xi32>], vector<16xf32>,
        tpu.vector_store_idx %arg8[%add3A_11, %broadcast_in_dim3A_1088], %add3A_1102 : memref<64x129xf32, #tpu.memory_space<vmem>>[vector<16xi32>, vector<16xi32>], vector<16xf32>,
        tpu.vector_store_idx %arg8[%add3A_14, %broadcast_in_dim3A_1088], %add3A_1106 : memref<64x129xf32, #tpu.memory_space<vmem>>[vector<16xi32>, vector<16xi32>], vector<16xf32>,
        tpu.vector_store_idx %arg8[%add3A_5, %broadcast_in_dim3A_1090], %add3A_1110 : memref<64x129xf32, #tpu.memory_space<vmem>>[vector<16xi32>, vector<16xi32>], vector<16xf32>,
        tpu.vector_store_idx %arg8[%add3A_8, %broadcast_in_dim3A_1090], %add3A_1114 : memref<64x129xf32, #tpu.memory_space<vmem>>[vector<16xi32>, vector<16xi32>], vector<16xf32>,
        tpu.vector_store_idx %arg8[%add3A_11, %broadcast_in_dim3A_1090], %add3A_1118 : memref<64x129xf32, #tpu.memory_space<vmem>>[vector<16xi32>, vector<16xi32>], vector<16xf32>,
        tpu.vector_store_idx %arg8[%add3A_14, %broadcast_in_dim3A_1090], %add3A_1122 : memref<64x129xf32, #tpu.memory_space<vmem>>[vector<16xi32>, vector<16xi32>], vector<16xf32>,
        %mul3A_1123 = arith.constant 128 : i32
        %mul3A_1124 = arith.muli %scan3A_132, %mul3A_1123 : i32
        %add3A_1125 = arith.constant 42 : i32
        %add3A_1126 = arith.addi %mul3A_1124, %add3A_1125 : i32
        %mul3A_1127 = arith.constant 128 : i32
        %mul3A_1128 = arith.muli %scan3A_132, %mul3A_1127 : i32
        %add3A_1129 = arith.constant 42 : i32
        %add3A_1130 = arith.addi %mul3A_1128, %add3A_1129 : i32
        %add3A_1131 = arith.constant 1 : i32
        %add3A_1132 = arith.addi %add3A_1130, %add3A_1131 : i32
        %broadcast_in_dim3A_1133 = arith.constant 42 : i32
        %broadcast_in_dim3A_1134 = vector.broadcast %broadcast_in_dim3A_1133 : i32 to vector<16xi32>
        %broadcast_in_dim3A_1135 = arith.constant 43 : i32
        %broadcast_in_dim3A_1136 = vector.broadcast %broadcast_in_dim3A_1135 : i32 to vector<16xi32>
        %get3A_1137 = arith.index_cast %add3A_1126 : i32 to index
        %get3A_1138 = arith.constant 0 : index
        %get3A_1139 = tpu.vector_load %arg7[%get3A_1137, %get3A_1138] {strides = array<i32>} : memref<1024x64xf32, #tpu.memory_space<vmem>>, vector<16xf32>,
        %add3A_1140 = arith.addf %get3A_1139, %get3A_148 : vector<16xf32>
        %get3A_1141 = arith.index_cast %add3A_1126 : i32 to index
        %get3A_1142 = arith.constant 16 : index
        %get3A_1143 = tpu.vector_load %arg7[%get3A_1141, %get3A_1142] {strides = array<i32>} : memref<1024x64xf32, #tpu.memory_space<vmem>>, vector<16xf32>,
        %add3A_1144 = arith.addf %get3A_1143, %get3A_151 : vector<16xf32>
        %get3A_1145 = arith.index_cast %add3A_1126 : i32 to index
        %get3A_1146 = arith.constant 32 : index
        %get3A_1147 = tpu.vector_load %arg7[%get3A_1145, %get3A_1146] {strides = array<i32>} : memref<1024x64xf32, #tpu.memory_space<vmem>>, vector<16xf32>,
        %add3A_1148 = arith.addf %get3A_1147, %get3A_154 : vector<16xf32>
        %get3A_1149 = arith.index_cast %add3A_1126 : i32 to index
        %get3A_1150 = arith.constant 48 : index
        %get3A_1151 = tpu.vector_load %arg7[%get3A_1149, %get3A_1150] {strides = array<i32>} : memref<1024x64xf32, #tpu.memory_space<vmem>>, vector<16xf32>,
        %add3A_1152 = arith.addf %get3A_1151, %get3A_157 : vector<16xf32>
        %get3A_1153 = arith.index_cast %add3A_1132 : i32 to index
        %get3A_1154 = arith.constant 0 : index
        %get3A_1155 = tpu.vector_load %arg7[%get3A_1153, %get3A_1154] {strides = array<i32>} : memref<1024x64xf32, #tpu.memory_space<vmem>>, vector<16xf32>,
        %add3A_1156 = arith.addf %get3A_1155, %get3A_148 : vector<16xf32>
        %get3A_1157 = arith.index_cast %add3A_1132 : i32 to index
        %get3A_1158 = arith.constant 16 : index
        %get3A_1159 = tpu.vector_load %arg7[%get3A_1157, %get3A_1158] {strides = array<i32>} : memref<1024x64xf32, #tpu.memory_space<vmem>>, vector<16xf32>,
        %add3A_1160 = arith.addf %get3A_1159, %get3A_151 : vector<16xf32>
        %get3A_1161 = arith.index_cast %add3A_1132 : i32 to index
        %get3A_1162 = arith.constant 32 : index
        %get3A_1163 = tpu.vector_load %arg7[%get3A_1161, %get3A_1162] {strides = array<i32>} : memref<1024x64xf32, #tpu.memory_space<vmem>>, vector<16xf32>,
        %add3A_1164 = arith.addf %get3A_1163, %get3A_154 : vector<16xf32>
        %get3A_1165 = arith.index_cast %add3A_1132 : i32 to index
        %get3A_1166 = arith.constant 48 : index
        %get3A_1167 = tpu.vector_load %arg7[%get3A_1165, %get3A_1166] {strides = array<i32>} : memref<1024x64xf32, #tpu.memory_space<vmem>>, vector<16xf32>,
        %add3A_1168 = arith.addf %get3A_1167, %get3A_157 : vector<16xf32>
        tpu.vector_store_idx %arg8[%add3A_5, %broadcast_in_dim3A_1134], %add3A_1140 : memref<64x129xf32, #tpu.memory_space<vmem>>[vector<16xi32>, vector<16xi32>], vector<16xf32>,
        tpu.vector_store_idx %arg8[%add3A_8, %broadcast_in_dim3A_1134], %add3A_1144 : memref<64x129xf32, #tpu.memory_space<vmem>>[vector<16xi32>, vector<16xi32>], vector<16xf32>,
        tpu.vector_store_idx %arg8[%add3A_11, %broadcast_in_dim3A_1134], %add3A_1148 : memref<64x129xf32, #tpu.memory_space<vmem>>[vector<16xi32>, vector<16xi32>], vector<16xf32>,
        tpu.vector_store_idx %arg8[%add3A_14, %broadcast_in_dim3A_1134], %add3A_1152 : memref<64x129xf32, #tpu.memory_space<vmem>>[vector<16xi32>, vector<16xi32>], vector<16xf32>,
        tpu.vector_store_idx %arg8[%add3A_5, %broadcast_in_dim3A_1136], %add3A_1156 : memref<64x129xf32, #tpu.memory_space<vmem>>[vector<16xi32>, vector<16xi32>], vector<16xf32>,
        tpu.vector_store_idx %arg8[%add3A_8, %broadcast_in_dim3A_1136], %add3A_1160 : memref<64x129xf32, #tpu.memory_space<vmem>>[vector<16xi32>, vector<16xi32>], vector<16xf32>,
        tpu.vector_store_idx %arg8[%add3A_11, %broadcast_in_dim3A_1136], %add3A_1164 : memref<64x129xf32, #tpu.memory_space<vmem>>[vector<16xi32>, vector<16xi32>], vector<16xf32>,
        tpu.vector_store_idx %arg8[%add3A_14, %broadcast_in_dim3A_1136], %add3A_1168 : memref<64x129xf32, #tpu.memory_space<vmem>>[vector<16xi32>, vector<16xi32>], vector<16xf32>,
        %mul3A_1169 = arith.constant 128 : i32
        %mul3A_1170 = arith.muli %scan3A_132, %mul3A_1169 : i32
        %add3A_1171 = arith.constant 44 : i32
        %add3A_1172 = arith.addi %mul3A_1170, %add3A_1171 : i32
        %mul3A_1173 = arith.constant 128 : i32
        %mul3A_1174 = arith.muli %scan3A_132, %mul3A_1173 : i32
        %add3A_1175 = arith.constant 44 : i32
        %add3A_1176 = arith.addi %mul3A_1174, %add3A_1175 : i32
        %add3A_1177 = arith.constant 1 : i32
        %add3A_1178 = arith.addi %add3A_1176, %add3A_1177 : i32
        %broadcast_in_dim3A_1179 = arith.constant 44 : i32
        %broadcast_in_dim3A_1180 = vector.broadcast %broadcast_in_dim3A_1179 : i32 to vector<16xi32>
        %broadcast_in_dim3A_1181 = arith.constant 45 : i32
        %broadcast_in_dim3A_1182 = vector.broadcast %broadcast_in_dim3A_1181 : i32 to vector<16xi32>
        %get3A_1183 = arith.index_cast %add3A_1172 : i32 to index
        %get3A_1184 = arith.constant 0 : index
        %get3A_1185 = tpu.vector_load %arg7[%get3A_1183, %get3A_1184] {strides = array<i32>} : memref<1024x64xf32, #tpu.memory_space<vmem>>, vector<16xf32>,
        %add3A_1186 = arith.addf %get3A_1185, %get3A_148 : vector<16xf32>
        %get3A_1187 = arith.index_cast %add3A_1172 : i32 to index
        %get3A_1188 = arith.constant 16 : index
        %get3A_1189 = tpu.vector_load %arg7[%get3A_1187, %get3A_1188] {strides = array<i32>} : memref<1024x64xf32, #tpu.memory_space<vmem>>, vector<16xf32>,
        %add3A_1190 = arith.addf %get3A_1189, %get3A_151 : vector<16xf32>
        %get3A_1191 = arith.index_cast %add3A_1172 : i32 to index
        %get3A_1192 = arith.constant 32 : index
        %get3A_1193 = tpu.vector_load %arg7[%get3A_1191, %get3A_1192] {strides = array<i32>} : memref<1024x64xf32, #tpu.memory_space<vmem>>, vector<16xf32>,
        %add3A_1194 = arith.addf %get3A_1193, %get3A_154 : vector<16xf32>
        %get3A_1195 = arith.index_cast %add3A_1172 : i32 to index
        %get3A_1196 = arith.constant 48 : index
        %get3A_1197 = tpu.vector_load %arg7[%get3A_1195, %get3A_1196] {strides = array<i32>} : memref<1024x64xf32, #tpu.memory_space<vmem>>, vector<16xf32>,
        %add3A_1198 = arith.addf %get3A_1197, %get3A_157 : vector<16xf32>
        %get3A_1199 = arith.index_cast %add3A_1178 : i32 to index
        %get3A_1200 = arith.constant 0 : index
        %get3A_1201 = tpu.vector_load %arg7[%get3A_1199, %get3A_1200] {strides = array<i32>} : memref<1024x64xf32, #tpu.memory_space<vmem>>, vector<16xf32>,
        %add3A_1202 = arith.addf %get3A_1201, %get3A_148 : vector<16xf32>
        %get3A_1203 = arith.index_cast %add3A_1178 : i32 to index
        %get3A_1204 = arith.constant 16 : index
        %get3A_1205 = tpu.vector_load %arg7[%get3A_1203, %get3A_1204] {strides = array<i32>} : memref<1024x64xf32, #tpu.memory_space<vmem>>, vector<16xf32>,
        %add3A_1206 = arith.addf %get3A_1205, %get3A_151 : vector<16xf32>
        %get3A_1207 = arith.index_cast %add3A_1178 : i32 to index
        %get3A_1208 = arith.constant 32 : index
        %get3A_1209 = tpu.vector_load %arg7[%get3A_1207, %get3A_1208] {strides = array<i32>} : memref<1024x64xf32, #tpu.memory_space<vmem>>, vector<16xf32>,
        %add3A_1210 = arith.addf %get3A_1209, %get3A_154 : vector<16xf32>
        %get3A_1211 = arith.index_cast %add3A_1178 : i32 to index
        %get3A_1212 = arith.constant 48 : index
        %get3A_1213 = tpu.vector_load %arg7[%get3A_1211, %get3A_1212] {strides = array<i32>} : memref<1024x64xf32, #tpu.memory_space<vmem>>, vector<16xf32>,
        %add3A_1214 = arith.addf %get3A_1213, %get3A_157 : vector<16xf32>
        tpu.vector_store_idx %arg8[%add3A_5, %broadcast_in_dim3A_1180], %add3A_1186 : memref<64x129xf32, #tpu.memory_space<vmem>>[vector<16xi32>, vector<16xi32>], vector<16xf32>,
        tpu.vector_store_idx %arg8[%add3A_8, %broadcast_in_dim3A_1180], %add3A_1190 : memref<64x129xf32, #tpu.memory_space<vmem>>[vector<16xi32>, vector<16xi32>], vector<16xf32>,
        tpu.vector_store_idx %arg8[%add3A_11, %broadcast_in_dim3A_1180], %add3A_1194 : memref<64x129xf32, #tpu.memory_space<vmem>>[vector<16xi32>, vector<16xi32>], vector<16xf32>,
        tpu.vector_store_idx %arg8[%add3A_14, %broadcast_in_dim3A_1180], %add3A_1198 : memref<64x129xf32, #tpu.memory_space<vmem>>[vector<16xi32>, vector<16xi32>], vector<16xf32>,
        tpu.vector_store_idx %arg8[%add3A_5, %broadcast_in_dim3A_1182], %add3A_1202 : memref<64x129xf32, #tpu.memory_space<vmem>>[vector<16xi32>, vector<16xi32>], vector<16xf32>,
        tpu.vector_store_idx %arg8[%add3A_8, %broadcast_in_dim3A_1182], %add3A_1206 : memref<64x129xf32, #tpu.memory_space<vmem>>[vector<16xi32>, vector<16xi32>], vector<16xf32>,
        tpu.vector_store_idx %arg8[%add3A_11, %broadcast_in_dim3A_1182], %add3A_1210 : memref<64x129xf32, #tpu.memory_space<vmem>>[vector<16xi32>, vector<16xi32>], vector<16xf32>,
        tpu.vector_store_idx %arg8[%add3A_14, %broadcast_in_dim3A_1182], %add3A_1214 : memref<64x129xf32, #tpu.memory_space<vmem>>[vector<16xi32>, vector<16xi32>], vector<16xf32>,
        %mul3A_1215 = arith.constant 128 : i32
        %mul3A_1216 = arith.muli %scan3A_132, %mul3A_1215 : i32
        %add3A_1217 = arith.constant 46 : i32
        %add3A_1218 = arith.addi %mul3A_1216, %add3A_1217 : i32
        %mul3A_1219 = arith.constant 128 : i32
        %mul3A_1220 = arith.muli %scan3A_132, %mul3A_1219 : i32
        %add3A_1221 = arith.constant 46 : i32
        %add3A_1222 = arith.addi %mul3A_1220, %add3A_1221 : i32
        %add3A_1223 = arith.constant 1 : i32
        %add3A_1224 = arith.addi %add3A_1222, %add3A_1223 : i32
        %broadcast_in_dim3A_1225 = arith.constant 46 : i32
        %broadcast_in_dim3A_1226 = vector.broadcast %broadcast_in_dim3A_1225 : i32 to vector<16xi32>
        %broadcast_in_dim3A_1227 = arith.constant 47 : i32
        %broadcast_in_dim3A_1228 = vector.broadcast %broadcast_in_dim3A_1227 : i32 to vector<16xi32>
        %get3A_1229 = arith.index_cast %add3A_1218 : i32 to index
        %get3A_1230 = arith.constant 0 : index
        %get3A_1231 = tpu.vector_load %arg7[%get3A_1229, %get3A_1230] {strides = array<i32>} : memref<1024x64xf32, #tpu.memory_space<vmem>>, vector<16xf32>,
        %add3A_1232 = arith.addf %get3A_1231, %get3A_148 : vector<16xf32>
        %get3A_1233 = arith.index_cast %add3A_1218 : i32 to index
        %get3A_1234 = arith.constant 16 : index
        %get3A_1235 = tpu.vector_load %arg7[%get3A_1233, %get3A_1234] {strides = array<i32>} : memref<1024x64xf32, #tpu.memory_space<vmem>>, vector<16xf32>,
        %add3A_1236 = arith.addf %get3A_1235, %get3A_151 : vector<16xf32>
        %get3A_1237 = arith.index_cast %add3A_1218 : i32 to index
        %get3A_1238 = arith.constant 32 : index
        %get3A_1239 = tpu.vector_load %arg7[%get3A_1237, %get3A_1238] {strides = array<i32>} : memref<1024x64xf32, #tpu.memory_space<vmem>>, vector<16xf32>,
        %add3A_1240 = arith.addf %get3A_1239, %get3A_154 : vector<16xf32>
        %get3A_1241 = arith.index_cast %add3A_1218 : i32 to index
        %get3A_1242 = arith.constant 48 : index
        %get3A_1243 = tpu.vector_load %arg7[%get3A_1241, %get3A_1242] {strides = array<i32>} : memref<1024x64xf32, #tpu.memory_space<vmem>>, vector<16xf32>,
        %add3A_1244 = arith.addf %get3A_1243, %get3A_157 : vector<16xf32>
        %get3A_1245 = arith.index_cast %add3A_1224 : i32 to index
        %get3A_1246 = arith.constant 0 : index
        %get3A_1247 = tpu.vector_load %arg7[%get3A_1245, %get3A_1246] {strides = array<i32>} : memref<1024x64xf32, #tpu.memory_space<vmem>>, vector<16xf32>,
        %add3A_1248 = arith.addf %get3A_1247, %get3A_148 : vector<16xf32>
        %get3A_1249 = arith.index_cast %add3A_1224 : i32 to index
        %get3A_1250 = arith.constant 16 : index
        %get3A_1251 = tpu.vector_load %arg7[%get3A_1249, %get3A_1250] {strides = array<i32>} : memref<1024x64xf32, #tpu.memory_space<vmem>>, vector<16xf32>,
        %add3A_1252 = arith.addf %get3A_1251, %get3A_151 : vector<16xf32>
        %get3A_1253 = arith.index_cast %add3A_1224 : i32 to index
        %get3A_1254 = arith.constant 32 : index
        %get3A_1255 = tpu.vector_load %arg7[%get3A_1253, %get3A_1254] {strides = array<i32>} : memref<1024x64xf32, #tpu.memory_space<vmem>>, vector<16xf32>,
        %add3A_1256 = arith.addf %get3A_1255, %get3A_154 : vector<16xf32>
        %get3A_1257 = arith.index_cast %add3A_1224 : i32 to index
        %get3A_1258 = arith.constant 48 : index
        %get3A_1259 = tpu.vector_load %arg7[%get3A_1257, %get3A_1258] {strides = array<i32>} : memref<1024x64xf32, #tpu.memory_space<vmem>>, vector<16xf32>,
        %add3A_1260 = arith.addf %get3A_1259, %get3A_157 : vector<16xf32>
        tpu.vector_store_idx %arg8[%add3A_5, %broadcast_in_dim3A_1226], %add3A_1232 : memref<64x129xf32, #tpu.memory_space<vmem>>[vector<16xi32>, vector<16xi32>], vector<16xf32>,
        tpu.vector_store_idx %arg8[%add3A_8, %broadcast_in_dim3A_1226], %add3A_1236 : memref<64x129xf32, #tpu.memory_space<vmem>>[vector<16xi32>, vector<16xi32>], vector<16xf32>,
        tpu.vector_store_idx %arg8[%add3A_11, %broadcast_in_dim3A_1226], %add3A_1240 : memref<64x129xf32, #tpu.memory_space<vmem>>[vector<16xi32>, vector<16xi32>], vector<16xf32>,
        tpu.vector_store_idx %arg8[%add3A_14, %broadcast_in_dim3A_1226], %add3A_1244 : memref<64x129xf32, #tpu.memory_space<vmem>>[vector<16xi32>, vector<16xi32>], vector<16xf32>,
        tpu.vector_store_idx %arg8[%add3A_5, %broadcast_in_dim3A_1228], %add3A_1248 : memref<64x129xf32, #tpu.memory_space<vmem>>[vector<16xi32>, vector<16xi32>], vector<16xf32>,
        tpu.vector_store_idx %arg8[%add3A_8, %broadcast_in_dim3A_1228], %add3A_1252 : memref<64x129xf32, #tpu.memory_space<vmem>>[vector<16xi32>, vector<16xi32>], vector<16xf32>,
        tpu.vector_store_idx %arg8[%add3A_11, %broadcast_in_dim3A_1228], %add3A_1256 : memref<64x129xf32, #tpu.memory_space<vmem>>[vector<16xi32>, vector<16xi32>], vector<16xf32>,
        tpu.vector_store_idx %arg8[%add3A_14, %broadcast_in_dim3A_1228], %add3A_1260 : memref<64x129xf32, #tpu.memory_space<vmem>>[vector<16xi32>, vector<16xi32>], vector<16xf32>,
        %mul3A_1261 = arith.constant 128 : i32
        %mul3A_1262 = arith.muli %scan3A_132, %mul3A_1261 : i32
        %add3A_1263 = arith.constant 48 : i32
        %add3A_1264 = arith.addi %mul3A_1262, %add3A_1263 : i32
        %mul3A_1265 = arith.constant 128 : i32
        %mul3A_1266 = arith.muli %scan3A_132, %mul3A_1265 : i32
        %add3A_1267 = arith.constant 48 : i32
        %add3A_1268 = arith.addi %mul3A_1266, %add3A_1267 : i32
        %add3A_1269 = arith.constant 1 : i32
        %add3A_1270 = arith.addi %add3A_1268, %add3A_1269 : i32
        %broadcast_in_dim3A_1271 = arith.constant 48 : i32
        %broadcast_in_dim3A_1272 = vector.broadcast %broadcast_in_dim3A_1271 : i32 to vector<16xi32>
        %broadcast_in_dim3A_1273 = arith.constant 49 : i32
        %broadcast_in_dim3A_1274 = vector.broadcast %broadcast_in_dim3A_1273 : i32 to vector<16xi32>
        %get3A_1275 = arith.index_cast %add3A_1264 : i32 to index
        %get3A_1276 = arith.constant 0 : index
        %get3A_1277 = tpu.vector_load %arg7[%get3A_1275, %get3A_1276] {strides = array<i32>} : memref<1024x64xf32, #tpu.memory_space<vmem>>, vector<16xf32>,
        %add3A_1278 = arith.addf %get3A_1277, %get3A_148 : vector<16xf32>
        %get3A_1279 = arith.index_cast %add3A_1264 : i32 to index
        %get3A_1280 = arith.constant 16 : index
        %get3A_1281 = tpu.vector_load %arg7[%get3A_1279, %get3A_1280] {strides = array<i32>} : memref<1024x64xf32, #tpu.memory_space<vmem>>, vector<16xf32>,
        %add3A_1282 = arith.addf %get3A_1281, %get3A_151 : vector<16xf32>
        %get3A_1283 = arith.index_cast %add3A_1264 : i32 to index
        %get3A_1284 = arith.constant 32 : index
        %get3A_1285 = tpu.vector_load %arg7[%get3A_1283, %get3A_1284] {strides = array<i32>} : memref<1024x64xf32, #tpu.memory_space<vmem>>, vector<16xf32>,
        %add3A_1286 = arith.addf %get3A_1285, %get3A_154 : vector<16xf32>
        %get3A_1287 = arith.index_cast %add3A_1264 : i32 to index
        %get3A_1288 = arith.constant 48 : index
        %get3A_1289 = tpu.vector_load %arg7[%get3A_1287, %get3A_1288] {strides = array<i32>} : memref<1024x64xf32, #tpu.memory_space<vmem>>, vector<16xf32>,
        %add3A_1290 = arith.addf %get3A_1289, %get3A_157 : vector<16xf32>
        %get3A_1291 = arith.index_cast %add3A_1270 : i32 to index
        %get3A_1292 = arith.constant 0 : index
        %get3A_1293 = tpu.vector_load %arg7[%get3A_1291, %get3A_1292] {strides = array<i32>} : memref<1024x64xf32, #tpu.memory_space<vmem>>, vector<16xf32>,
        %add3A_1294 = arith.addf %get3A_1293, %get3A_148 : vector<16xf32>
        %get3A_1295 = arith.index_cast %add3A_1270 : i32 to index
        %get3A_1296 = arith.constant 16 : index
        %get3A_1297 = tpu.vector_load %arg7[%get3A_1295, %get3A_1296] {strides = array<i32>} : memref<1024x64xf32, #tpu.memory_space<vmem>>, vector<16xf32>,
        %add3A_1298 = arith.addf %get3A_1297, %get3A_151 : vector<16xf32>
        %get3A_1299 = arith.index_cast %add3A_1270 : i32 to index
        %get3A_1300 = arith.constant 32 : index
        %get3A_1301 = tpu.vector_load %arg7[%get3A_1299, %get3A_1300] {strides = array<i32>} : memref<1024x64xf32, #tpu.memory_space<vmem>>, vector<16xf32>,
        %add3A_1302 = arith.addf %get3A_1301, %get3A_154 : vector<16xf32>
        %get3A_1303 = arith.index_cast %add3A_1270 : i32 to index
        %get3A_1304 = arith.constant 48 : index
        %get3A_1305 = tpu.vector_load %arg7[%get3A_1303, %get3A_1304] {strides = array<i32>} : memref<1024x64xf32, #tpu.memory_space<vmem>>, vector<16xf32>,
        %add3A_1306 = arith.addf %get3A_1305, %get3A_157 : vector<16xf32>
        tpu.vector_store_idx %arg8[%add3A_5, %broadcast_in_dim3A_1272], %add3A_1278 : memref<64x129xf32, #tpu.memory_space<vmem>>[vector<16xi32>, vector<16xi32>], vector<16xf32>,
        tpu.vector_store_idx %arg8[%add3A_8, %broadcast_in_dim3A_1272], %add3A_1282 : memref<64x129xf32, #tpu.memory_space<vmem>>[vector<16xi32>, vector<16xi32>], vector<16xf32>,
        tpu.vector_store_idx %arg8[%add3A_11, %broadcast_in_dim3A_1272], %add3A_1286 : memref<64x129xf32, #tpu.memory_space<vmem>>[vector<16xi32>, vector<16xi32>], vector<16xf32>,
        tpu.vector_store_idx %arg8[%add3A_14, %broadcast_in_dim3A_1272], %add3A_1290 : memref<64x129xf32, #tpu.memory_space<vmem>>[vector<16xi32>, vector<16xi32>], vector<16xf32>,
        tpu.vector_store_idx %arg8[%add3A_5, %broadcast_in_dim3A_1274], %add3A_1294 : memref<64x129xf32, #tpu.memory_space<vmem>>[vector<16xi32>, vector<16xi32>], vector<16xf32>,
        tpu.vector_store_idx %arg8[%add3A_8, %broadcast_in_dim3A_1274], %add3A_1298 : memref<64x129xf32, #tpu.memory_space<vmem>>[vector<16xi32>, vector<16xi32>], vector<16xf32>,
        tpu.vector_store_idx %arg8[%add3A_11, %broadcast_in_dim3A_1274], %add3A_1302 : memref<64x129xf32, #tpu.memory_space<vmem>>[vector<16xi32>, vector<16xi32>], vector<16xf32>,
        tpu.vector_store_idx %arg8[%add3A_14, %broadcast_in_dim3A_1274], %add3A_1306 : memref<64x129xf32, #tpu.memory_space<vmem>>[vector<16xi32>, vector<16xi32>], vector<16xf32>,
        %mul3A_1307 = arith.constant 128 : i32
        %mul3A_1308 = arith.muli %scan3A_132, %mul3A_1307 : i32
        %add3A_1309 = arith.constant 50 : i32
        %add3A_1310 = arith.addi %mul3A_1308, %add3A_1309 : i32
        %mul3A_1311 = arith.constant 128 : i32
        %mul3A_1312 = arith.muli %scan3A_132, %mul3A_1311 : i32
        %add3A_1313 = arith.constant 50 : i32
        %add3A_1314 = arith.addi %mul3A_1312, %add3A_1313 : i32
        %add3A_1315 = arith.constant 1 : i32
        %add3A_1316 = arith.addi %add3A_1314, %add3A_1315 : i32
        %broadcast_in_dim3A_1317 = arith.constant 50 : i32
        %broadcast_in_dim3A_1318 = vector.broadcast %broadcast_in_dim3A_1317 : i32 to vector<16xi32>
        %broadcast_in_dim3A_1319 = arith.constant 51 : i32
        %broadcast_in_dim3A_1320 = vector.broadcast %broadcast_in_dim3A_1319 : i32 to vector<16xi32>
        %get3A_1321 = arith.index_cast %add3A_1310 : i32 to index
        %get3A_1322 = arith.constant 0 : index
        %get3A_1323 = tpu.vector_load %arg7[%get3A_1321, %get3A_1322] {strides = array<i32>} : memref<1024x64xf32, #tpu.memory_space<vmem>>, vector<16xf32>,
        %add3A_1324 = arith.addf %get3A_1323, %get3A_148 : vector<16xf32>
        %get3A_1325 = arith.index_cast %add3A_1310 : i32 to index
        %get3A_1326 = arith.constant 16 : index
        %get3A_1327 = tpu.vector_load %arg7[%get3A_1325, %get3A_1326] {strides = array<i32>} : memref<1024x64xf32, #tpu.memory_space<vmem>>, vector<16xf32>,
        %add3A_1328 = arith.addf %get3A_1327, %get3A_151 : vector<16xf32>
        %get3A_1329 = arith.index_cast %add3A_1310 : i32 to index
        %get3A_1330 = arith.constant 32 : index
        %get3A_1331 = tpu.vector_load %arg7[%get3A_1329, %get3A_1330] {strides = array<i32>} : memref<1024x64xf32, #tpu.memory_space<vmem>>, vector<16xf32>,
        %add3A_1332 = arith.addf %get3A_1331, %get3A_154 : vector<16xf32>
        %get3A_1333 = arith.index_cast %add3A_1310 : i32 to index
        %get3A_1334 = arith.constant 48 : index
        %get3A_1335 = tpu.vector_load %arg7[%get3A_1333, %get3A_1334] {strides = array<i32>} : memref<1024x64xf32, #tpu.memory_space<vmem>>, vector<16xf32>,
        %add3A_1336 = arith.addf %get3A_1335, %get3A_157 : vector<16xf32>
        %get3A_1337 = arith.index_cast %add3A_1316 : i32 to index
        %get3A_1338 = arith.constant 0 : index
        %get3A_1339 = tpu.vector_load %arg7[%get3A_1337, %get3A_1338] {strides = array<i32>} : memref<1024x64xf32, #tpu.memory_space<vmem>>, vector<16xf32>,
        %add3A_1340 = arith.addf %get3A_1339, %get3A_148 : vector<16xf32>
        %get3A_1341 = arith.index_cast %add3A_1316 : i32 to index
        %get3A_1342 = arith.constant 16 : index
        %get3A_1343 = tpu.vector_load %arg7[%get3A_1341, %get3A_1342] {strides = array<i32>} : memref<1024x64xf32, #tpu.memory_space<vmem>>, vector<16xf32>,
        %add3A_1344 = arith.addf %get3A_1343, %get3A_151 : vector<16xf32>
        %get3A_1345 = arith.index_cast %add3A_1316 : i32 to index
        %get3A_1346 = arith.constant 32 : index
        %get3A_1347 = tpu.vector_load %arg7[%get3A_1345, %get3A_1346] {strides = array<i32>} : memref<1024x64xf32, #tpu.memory_space<vmem>>, vector<16xf32>,
        %add3A_1348 = arith.addf %get3A_1347, %get3A_154 : vector<16xf32>
        %get3A_1349 = arith.index_cast %add3A_1316 : i32 to index
        %get3A_1350 = arith.constant 48 : index
        %get3A_1351 = tpu.vector_load %arg7[%get3A_1349, %get3A_1350] {strides = array<i32>} : memref<1024x64xf32, #tpu.memory_space<vmem>>, vector<16xf32>,
        %add3A_1352 = arith.addf %get3A_1351, %get3A_157 : vector<16xf32>
        tpu.vector_store_idx %arg8[%add3A_5, %broadcast_in_dim3A_1318], %add3A_1324 : memref<64x129xf32, #tpu.memory_space<vmem>>[vector<16xi32>, vector<16xi32>], vector<16xf32>,
        tpu.vector_store_idx %arg8[%add3A_8, %broadcast_in_dim3A_1318], %add3A_1328 : memref<64x129xf32, #tpu.memory_space<vmem>>[vector<16xi32>, vector<16xi32>], vector<16xf32>,
        tpu.vector_store_idx %arg8[%add3A_11, %broadcast_in_dim3A_1318], %add3A_1332 : memref<64x129xf32, #tpu.memory_space<vmem>>[vector<16xi32>, vector<16xi32>], vector<16xf32>,
        tpu.vector_store_idx %arg8[%add3A_14, %broadcast_in_dim3A_1318], %add3A_1336 : memref<64x129xf32, #tpu.memory_space<vmem>>[vector<16xi32>, vector<16xi32>], vector<16xf32>,
        tpu.vector_store_idx %arg8[%add3A_5, %broadcast_in_dim3A_1320], %add3A_1340 : memref<64x129xf32, #tpu.memory_space<vmem>>[vector<16xi32>, vector<16xi32>], vector<16xf32>,
        tpu.vector_store_idx %arg8[%add3A_8, %broadcast_in_dim3A_1320], %add3A_1344 : memref<64x129xf32, #tpu.memory_space<vmem>>[vector<16xi32>, vector<16xi32>], vector<16xf32>,
        tpu.vector_store_idx %arg8[%add3A_11, %broadcast_in_dim3A_1320], %add3A_1348 : memref<64x129xf32, #tpu.memory_space<vmem>>[vector<16xi32>, vector<16xi32>], vector<16xf32>,
        tpu.vector_store_idx %arg8[%add3A_14, %broadcast_in_dim3A_1320], %add3A_1352 : memref<64x129xf32, #tpu.memory_space<vmem>>[vector<16xi32>, vector<16xi32>], vector<16xf32>,
        %mul3A_1353 = arith.constant 128 : i32
        %mul3A_1354 = arith.muli %scan3A_132, %mul3A_1353 : i32
        %add3A_1355 = arith.constant 52 : i32
        %add3A_1356 = arith.addi %mul3A_1354, %add3A_1355 : i32
        %mul3A_1357 = arith.constant 128 : i32
        %mul3A_1358 = arith.muli %scan3A_132, %mul3A_1357 : i32
        %add3A_1359 = arith.constant 52 : i32
        %add3A_1360 = arith.addi %mul3A_1358, %add3A_1359 : i32
        %add3A_1361 = arith.constant 1 : i32
        %add3A_1362 = arith.addi %add3A_1360, %add3A_1361 : i32
        %broadcast_in_dim3A_1363 = arith.constant 52 : i32
        %broadcast_in_dim3A_1364 = vector.broadcast %broadcast_in_dim3A_1363 : i32 to vector<16xi32>
        %broadcast_in_dim3A_1365 = arith.constant 53 : i32
        %broadcast_in_dim3A_1366 = vector.broadcast %broadcast_in_dim3A_1365 : i32 to vector<16xi32>
        %get3A_1367 = arith.index_cast %add3A_1356 : i32 to index
        %get3A_1368 = arith.constant 0 : index
        %get3A_1369 = tpu.vector_load %arg7[%get3A_1367, %get3A_1368] {strides = array<i32>} : memref<1024x64xf32, #tpu.memory_space<vmem>>, vector<16xf32>,
        %add3A_1370 = arith.addf %get3A_1369, %get3A_148 : vector<16xf32>
        %get3A_1371 = arith.index_cast %add3A_1356 : i32 to index
        %get3A_1372 = arith.constant 16 : index
        %get3A_1373 = tpu.vector_load %arg7[%get3A_1371, %get3A_1372] {strides = array<i32>} : memref<1024x64xf32, #tpu.memory_space<vmem>>, vector<16xf32>,
        %add3A_1374 = arith.addf %get3A_1373, %get3A_151 : vector<16xf32>
        %get3A_1375 = arith.index_cast %add3A_1356 : i32 to index
        %get3A_1376 = arith.constant 32 : index
        %get3A_1377 = tpu.vector_load %arg7[%get3A_1375, %get3A_1376] {strides = array<i32>} : memref<1024x64xf32, #tpu.memory_space<vmem>>, vector<16xf32>,
        %add3A_1378 = arith.addf %get3A_1377, %get3A_154 : vector<16xf32>
        %get3A_1379 = arith.index_cast %add3A_1356 : i32 to index
        %get3A_1380 = arith.constant 48 : index
        %get3A_1381 = tpu.vector_load %arg7[%get3A_1379, %get3A_1380] {strides = array<i32>} : memref<1024x64xf32, #tpu.memory_space<vmem>>, vector<16xf32>,
        %add3A_1382 = arith.addf %get3A_1381, %get3A_157 : vector<16xf32>
        %get3A_1383 = arith.index_cast %add3A_1362 : i32 to index
        %get3A_1384 = arith.constant 0 : index
        %get3A_1385 = tpu.vector_load %arg7[%get3A_1383, %get3A_1384] {strides = array<i32>} : memref<1024x64xf32, #tpu.memory_space<vmem>>, vector<16xf32>,
        %add3A_1386 = arith.addf %get3A_1385, %get3A_148 : vector<16xf32>
        %get3A_1387 = arith.index_cast %add3A_1362 : i32 to index
        %get3A_1388 = arith.constant 16 : index
        %get3A_1389 = tpu.vector_load %arg7[%get3A_1387, %get3A_1388] {strides = array<i32>} : memref<1024x64xf32, #tpu.memory_space<vmem>>, vector<16xf32>,
        %add3A_1390 = arith.addf %get3A_1389, %get3A_151 : vector<16xf32>
        %get3A_1391 = arith.index_cast %add3A_1362 : i32 to index
        %get3A_1392 = arith.constant 32 : index
        %get3A_1393 = tpu.vector_load %arg7[%get3A_1391, %get3A_1392] {strides = array<i32>} : memref<1024x64xf32, #tpu.memory_space<vmem>>, vector<16xf32>,
        %add3A_1394 = arith.addf %get3A_1393, %get3A_154 : vector<16xf32>
        %get3A_1395 = arith.index_cast %add3A_1362 : i32 to index
        %get3A_1396 = arith.constant 48 : index
        %get3A_1397 = tpu.vector_load %arg7[%get3A_1395, %get3A_1396] {strides = array<i32>} : memref<1024x64xf32, #tpu.memory_space<vmem>>, vector<16xf32>,
        %add3A_1398 = arith.addf %get3A_1397, %get3A_157 : vector<16xf32>
        tpu.vector_store_idx %arg8[%add3A_5, %broadcast_in_dim3A_1364], %add3A_1370 : memref<64x129xf32, #tpu.memory_space<vmem>>[vector<16xi32>, vector<16xi32>], vector<16xf32>,
        tpu.vector_store_idx %arg8[%add3A_8, %broadcast_in_dim3A_1364], %add3A_1374 : memref<64x129xf32, #tpu.memory_space<vmem>>[vector<16xi32>, vector<16xi32>], vector<16xf32>,
        tpu.vector_store_idx %arg8[%add3A_11, %broadcast_in_dim3A_1364], %add3A_1378 : memref<64x129xf32, #tpu.memory_space<vmem>>[vector<16xi32>, vector<16xi32>], vector<16xf32>,
        tpu.vector_store_idx %arg8[%add3A_14, %broadcast_in_dim3A_1364], %add3A_1382 : memref<64x129xf32, #tpu.memory_space<vmem>>[vector<16xi32>, vector<16xi32>], vector<16xf32>,
        tpu.vector_store_idx %arg8[%add3A_5, %broadcast_in_dim3A_1366], %add3A_1386 : memref<64x129xf32, #tpu.memory_space<vmem>>[vector<16xi32>, vector<16xi32>], vector<16xf32>,
        tpu.vector_store_idx %arg8[%add3A_8, %broadcast_in_dim3A_1366], %add3A_1390 : memref<64x129xf32, #tpu.memory_space<vmem>>[vector<16xi32>, vector<16xi32>], vector<16xf32>,
        tpu.vector_store_idx %arg8[%add3A_11, %broadcast_in_dim3A_1366], %add3A_1394 : memref<64x129xf32, #tpu.memory_space<vmem>>[vector<16xi32>, vector<16xi32>], vector<16xf32>,
        tpu.vector_store_idx %arg8[%add3A_14, %broadcast_in_dim3A_1366], %add3A_1398 : memref<64x129xf32, #tpu.memory_space<vmem>>[vector<16xi32>, vector<16xi32>], vector<16xf32>,
        %mul3A_1399 = arith.constant 128 : i32
        %mul3A_1400 = arith.muli %scan3A_132, %mul3A_1399 : i32
        %add3A_1401 = arith.constant 54 : i32
        %add3A_1402 = arith.addi %mul3A_1400, %add3A_1401 : i32
        %mul3A_1403 = arith.constant 128 : i32
        %mul3A_1404 = arith.muli %scan3A_132, %mul3A_1403 : i32
        %add3A_1405 = arith.constant 54 : i32
        %add3A_1406 = arith.addi %mul3A_1404, %add3A_1405 : i32
        %add3A_1407 = arith.constant 1 : i32
        %add3A_1408 = arith.addi %add3A_1406, %add3A_1407 : i32
        %broadcast_in_dim3A_1409 = arith.constant 54 : i32
        %broadcast_in_dim3A_1410 = vector.broadcast %broadcast_in_dim3A_1409 : i32 to vector<16xi32>
        %broadcast_in_dim3A_1411 = arith.constant 55 : i32
        %broadcast_in_dim3A_1412 = vector.broadcast %broadcast_in_dim3A_1411 : i32 to vector<16xi32>
        %get3A_1413 = arith.index_cast %add3A_1402 : i32 to index
        %get3A_1414 = arith.constant 0 : index
        %get3A_1415 = tpu.vector_load %arg7[%get3A_1413, %get3A_1414] {strides = array<i32>} : memref<1024x64xf32, #tpu.memory_space<vmem>>, vector<16xf32>,
        %add3A_1416 = arith.addf %get3A_1415, %get3A_148 : vector<16xf32>
        %get3A_1417 = arith.index_cast %add3A_1402 : i32 to index
        %get3A_1418 = arith.constant 16 : index
        %get3A_1419 = tpu.vector_load %arg7[%get3A_1417, %get3A_1418] {strides = array<i32>} : memref<1024x64xf32, #tpu.memory_space<vmem>>, vector<16xf32>,
        %add3A_1420 = arith.addf %get3A_1419, %get3A_151 : vector<16xf32>
        %get3A_1421 = arith.index_cast %add3A_1402 : i32 to index
        %get3A_1422 = arith.constant 32 : index
        %get3A_1423 = tpu.vector_load %arg7[%get3A_1421, %get3A_1422] {strides = array<i32>} : memref<1024x64xf32, #tpu.memory_space<vmem>>, vector<16xf32>,
        %add3A_1424 = arith.addf %get3A_1423, %get3A_154 : vector<16xf32>
        %get3A_1425 = arith.index_cast %add3A_1402 : i32 to index
        %get3A_1426 = arith.constant 48 : index
        %get3A_1427 = tpu.vector_load %arg7[%get3A_1425, %get3A_1426] {strides = array<i32>} : memref<1024x64xf32, #tpu.memory_space<vmem>>, vector<16xf32>,
        %add3A_1428 = arith.addf %get3A_1427, %get3A_157 : vector<16xf32>
        %get3A_1429 = arith.index_cast %add3A_1408 : i32 to index
        %get3A_1430 = arith.constant 0 : index
        %get3A_1431 = tpu.vector_load %arg7[%get3A_1429, %get3A_1430] {strides = array<i32>} : memref<1024x64xf32, #tpu.memory_space<vmem>>, vector<16xf32>,
        %add3A_1432 = arith.addf %get3A_1431, %get3A_148 : vector<16xf32>
        %get3A_1433 = arith.index_cast %add3A_1408 : i32 to index
        %get3A_1434 = arith.constant 16 : index
        %get3A_1435 = tpu.vector_load %arg7[%get3A_1433, %get3A_1434] {strides = array<i32>} : memref<1024x64xf32, #tpu.memory_space<vmem>>, vector<16xf32>,
        %add3A_1436 = arith.addf %get3A_1435, %get3A_151 : vector<16xf32>
        %get3A_1437 = arith.index_cast %add3A_1408 : i32 to index
        %get3A_1438 = arith.constant 32 : index
        %get3A_1439 = tpu.vector_load %arg7[%get3A_1437, %get3A_1438] {strides = array<i32>} : memref<1024x64xf32, #tpu.memory_space<vmem>>, vector<16xf32>,
        %add3A_1440 = arith.addf %get3A_1439, %get3A_154 : vector<16xf32>
        %get3A_1441 = arith.index_cast %add3A_1408 : i32 to index
        %get3A_1442 = arith.constant 48 : index
        %get3A_1443 = tpu.vector_load %arg7[%get3A_1441, %get3A_1442] {strides = array<i32>} : memref<1024x64xf32, #tpu.memory_space<vmem>>, vector<16xf32>,
        %add3A_1444 = arith.addf %get3A_1443, %get3A_157 : vector<16xf32>
        tpu.vector_store_idx %arg8[%add3A_5, %broadcast_in_dim3A_1410], %add3A_1416 : memref<64x129xf32, #tpu.memory_space<vmem>>[vector<16xi32>, vector<16xi32>], vector<16xf32>,
        tpu.vector_store_idx %arg8[%add3A_8, %broadcast_in_dim3A_1410], %add3A_1420 : memref<64x129xf32, #tpu.memory_space<vmem>>[vector<16xi32>, vector<16xi32>], vector<16xf32>,
        tpu.vector_store_idx %arg8[%add3A_11, %broadcast_in_dim3A_1410], %add3A_1424 : memref<64x129xf32, #tpu.memory_space<vmem>>[vector<16xi32>, vector<16xi32>], vector<16xf32>,
        tpu.vector_store_idx %arg8[%add3A_14, %broadcast_in_dim3A_1410], %add3A_1428 : memref<64x129xf32, #tpu.memory_space<vmem>>[vector<16xi32>, vector<16xi32>], vector<16xf32>,
        tpu.vector_store_idx %arg8[%add3A_5, %broadcast_in_dim3A_1412], %add3A_1432 : memref<64x129xf32, #tpu.memory_space<vmem>>[vector<16xi32>, vector<16xi32>], vector<16xf32>,
        tpu.vector_store_idx %arg8[%add3A_8, %broadcast_in_dim3A_1412], %add3A_1436 : memref<64x129xf32, #tpu.memory_space<vmem>>[vector<16xi32>, vector<16xi32>], vector<16xf32>,
        tpu.vector_store_idx %arg8[%add3A_11, %broadcast_in_dim3A_1412], %add3A_1440 : memref<64x129xf32, #tpu.memory_space<vmem>>[vector<16xi32>, vector<16xi32>], vector<16xf32>,
        tpu.vector_store_idx %arg8[%add3A_14, %broadcast_in_dim3A_1412], %add3A_1444 : memref<64x129xf32, #tpu.memory_space<vmem>>[vector<16xi32>, vector<16xi32>], vector<16xf32>,
        %mul3A_1445 = arith.constant 128 : i32
        %mul3A_1446 = arith.muli %scan3A_132, %mul3A_1445 : i32
        %add3A_1447 = arith.constant 56 : i32
        %add3A_1448 = arith.addi %mul3A_1446, %add3A_1447 : i32
        %mul3A_1449 = arith.constant 128 : i32
        %mul3A_1450 = arith.muli %scan3A_132, %mul3A_1449 : i32
        %add3A_1451 = arith.constant 56 : i32
        %add3A_1452 = arith.addi %mul3A_1450, %add3A_1451 : i32
        %add3A_1453 = arith.constant 1 : i32
        %add3A_1454 = arith.addi %add3A_1452, %add3A_1453 : i32
        %broadcast_in_dim3A_1455 = arith.constant 56 : i32
        %broadcast_in_dim3A_1456 = vector.broadcast %broadcast_in_dim3A_1455 : i32 to vector<16xi32>
        %broadcast_in_dim3A_1457 = arith.constant 57 : i32
        %broadcast_in_dim3A_1458 = vector.broadcast %broadcast_in_dim3A_1457 : i32 to vector<16xi32>
        %get3A_1459 = arith.index_cast %add3A_1448 : i32 to index
        %get3A_1460 = arith.constant 0 : index
        %get3A_1461 = tpu.vector_load %arg7[%get3A_1459, %get3A_1460] {strides = array<i32>} : memref<1024x64xf32, #tpu.memory_space<vmem>>, vector<16xf32>,
        %add3A_1462 = arith.addf %get3A_1461, %get3A_148 : vector<16xf32>
        %get3A_1463 = arith.index_cast %add3A_1448 : i32 to index
        %get3A_1464 = arith.constant 16 : index
        %get3A_1465 = tpu.vector_load %arg7[%get3A_1463, %get3A_1464] {strides = array<i32>} : memref<1024x64xf32, #tpu.memory_space<vmem>>, vector<16xf32>,
        %add3A_1466 = arith.addf %get3A_1465, %get3A_151 : vector<16xf32>
        %get3A_1467 = arith.index_cast %add3A_1448 : i32 to index
        %get3A_1468 = arith.constant 32 : index
        %get3A_1469 = tpu.vector_load %arg7[%get3A_1467, %get3A_1468] {strides = array<i32>} : memref<1024x64xf32, #tpu.memory_space<vmem>>, vector<16xf32>,
        %add3A_1470 = arith.addf %get3A_1469, %get3A_154 : vector<16xf32>
        %get3A_1471 = arith.index_cast %add3A_1448 : i32 to index
        %get3A_1472 = arith.constant 48 : index
        %get3A_1473 = tpu.vector_load %arg7[%get3A_1471, %get3A_1472] {strides = array<i32>} : memref<1024x64xf32, #tpu.memory_space<vmem>>, vector<16xf32>,
        %add3A_1474 = arith.addf %get3A_1473, %get3A_157 : vector<16xf32>
        %get3A_1475 = arith.index_cast %add3A_1454 : i32 to index
        %get3A_1476 = arith.constant 0 : index
        %get3A_1477 = tpu.vector_load %arg7[%get3A_1475, %get3A_1476] {strides = array<i32>} : memref<1024x64xf32, #tpu.memory_space<vmem>>, vector<16xf32>,
        %add3A_1478 = arith.addf %get3A_1477, %get3A_148 : vector<16xf32>
        %get3A_1479 = arith.index_cast %add3A_1454 : i32 to index
        %get3A_1480 = arith.constant 16 : index
        %get3A_1481 = tpu.vector_load %arg7[%get3A_1479, %get3A_1480] {strides = array<i32>} : memref<1024x64xf32, #tpu.memory_space<vmem>>, vector<16xf32>,
        %add3A_1482 = arith.addf %get3A_1481, %get3A_151 : vector<16xf32>
        %get3A_1483 = arith.index_cast %add3A_1454 : i32 to index
        %get3A_1484 = arith.constant 32 : index
        %get3A_1485 = tpu.vector_load %arg7[%get3A_1483, %get3A_1484] {strides = array<i32>} : memref<1024x64xf32, #tpu.memory_space<vmem>>, vector<16xf32>,
        %add3A_1486 = arith.addf %get3A_1485, %get3A_154 : vector<16xf32>
        %get3A_1487 = arith.index_cast %add3A_1454 : i32 to index
        %get3A_1488 = arith.constant 48 : index
        %get3A_1489 = tpu.vector_load %arg7[%get3A_1487, %get3A_1488] {strides = array<i32>} : memref<1024x64xf32, #tpu.memory_space<vmem>>, vector<16xf32>,
        %add3A_1490 = arith.addf %get3A_1489, %get3A_157 : vector<16xf32>
        tpu.vector_store_idx %arg8[%add3A_5, %broadcast_in_dim3A_1456], %add3A_1462 : memref<64x129xf32, #tpu.memory_space<vmem>>[vector<16xi32>, vector<16xi32>], vector<16xf32>,
        tpu.vector_store_idx %arg8[%add3A_8, %broadcast_in_dim3A_1456], %add3A_1466 : memref<64x129xf32, #tpu.memory_space<vmem>>[vector<16xi32>, vector<16xi32>], vector<16xf32>,
        tpu.vector_store_idx %arg8[%add3A_11, %broadcast_in_dim3A_1456], %add3A_1470 : memref<64x129xf32, #tpu.memory_space<vmem>>[vector<16xi32>, vector<16xi32>], vector<16xf32>,
        tpu.vector_store_idx %arg8[%add3A_14, %broadcast_in_dim3A_1456], %add3A_1474 : memref<64x129xf32, #tpu.memory_space<vmem>>[vector<16xi32>, vector<16xi32>], vector<16xf32>,
        tpu.vector_store_idx %arg8[%add3A_5, %broadcast_in_dim3A_1458], %add3A_1478 : memref<64x129xf32, #tpu.memory_space<vmem>>[vector<16xi32>, vector<16xi32>], vector<16xf32>,
        tpu.vector_store_idx %arg8[%add3A_8, %broadcast_in_dim3A_1458], %add3A_1482 : memref<64x129xf32, #tpu.memory_space<vmem>>[vector<16xi32>, vector<16xi32>], vector<16xf32>,
        tpu.vector_store_idx %arg8[%add3A_11, %broadcast_in_dim3A_1458], %add3A_1486 : memref<64x129xf32, #tpu.memory_space<vmem>>[vector<16xi32>, vector<16xi32>], vector<16xf32>,
        tpu.vector_store_idx %arg8[%add3A_14, %broadcast_in_dim3A_1458], %add3A_1490 : memref<64x129xf32, #tpu.memory_space<vmem>>[vector<16xi32>, vector<16xi32>], vector<16xf32>,
        %mul3A_1491 = arith.constant 128 : i32
        %mul3A_1492 = arith.muli %scan3A_132, %mul3A_1491 : i32
        %add3A_1493 = arith.constant 58 : i32
        %add3A_1494 = arith.addi %mul3A_1492, %add3A_1493 : i32
        %mul3A_1495 = arith.constant 128 : i32
        %mul3A_1496 = arith.muli %scan3A_132, %mul3A_1495 : i32
        %add3A_1497 = arith.constant 58 : i32
        %add3A_1498 = arith.addi %mul3A_1496, %add3A_1497 : i32
        %add3A_1499 = arith.constant 1 : i32
        %add3A_1500 = arith.addi %add3A_1498, %add3A_1499 : i32
        %broadcast_in_dim3A_1501 = arith.constant 58 : i32
        %broadcast_in_dim3A_1502 = vector.broadcast %broadcast_in_dim3A_1501 : i32 to vector<16xi32>
        %broadcast_in_dim3A_1503 = arith.constant 59 : i32
        %broadcast_in_dim3A_1504 = vector.broadcast %broadcast_in_dim3A_1503 : i32 to vector<16xi32>
        %get3A_1505 = arith.index_cast %add3A_1494 : i32 to index
        %get3A_1506 = arith.constant 0 : index
        %get3A_1507 = tpu.vector_load %arg7[%get3A_1505, %get3A_1506] {strides = array<i32>} : memref<1024x64xf32, #tpu.memory_space<vmem>>, vector<16xf32>,
        %add3A_1508 = arith.addf %get3A_1507, %get3A_148 : vector<16xf32>
        %get3A_1509 = arith.index_cast %add3A_1494 : i32 to index
        %get3A_1510 = arith.constant 16 : index
        %get3A_1511 = tpu.vector_load %arg7[%get3A_1509, %get3A_1510] {strides = array<i32>} : memref<1024x64xf32, #tpu.memory_space<vmem>>, vector<16xf32>,
        %add3A_1512 = arith.addf %get3A_1511, %get3A_151 : vector<16xf32>
        %get3A_1513 = arith.index_cast %add3A_1494 : i32 to index
        %get3A_1514 = arith.constant 32 : index
        %get3A_1515 = tpu.vector_load %arg7[%get3A_1513, %get3A_1514] {strides = array<i32>} : memref<1024x64xf32, #tpu.memory_space<vmem>>, vector<16xf32>,
        %add3A_1516 = arith.addf %get3A_1515, %get3A_154 : vector<16xf32>
        %get3A_1517 = arith.index_cast %add3A_1494 : i32 to index
        %get3A_1518 = arith.constant 48 : index
        %get3A_1519 = tpu.vector_load %arg7[%get3A_1517, %get3A_1518] {strides = array<i32>} : memref<1024x64xf32, #tpu.memory_space<vmem>>, vector<16xf32>,
        %add3A_1520 = arith.addf %get3A_1519, %get3A_157 : vector<16xf32>
        %get3A_1521 = arith.index_cast %add3A_1500 : i32 to index
        %get3A_1522 = arith.constant 0 : index
        %get3A_1523 = tpu.vector_load %arg7[%get3A_1521, %get3A_1522] {strides = array<i32>} : memref<1024x64xf32, #tpu.memory_space<vmem>>, vector<16xf32>,
        %add3A_1524 = arith.addf %get3A_1523, %get3A_148 : vector<16xf32>
        %get3A_1525 = arith.index_cast %add3A_1500 : i32 to index
        %get3A_1526 = arith.constant 16 : index
        %get3A_1527 = tpu.vector_load %arg7[%get3A_1525, %get3A_1526] {strides = array<i32>} : memref<1024x64xf32, #tpu.memory_space<vmem>>, vector<16xf32>,
        %add3A_1528 = arith.addf %get3A_1527, %get3A_151 : vector<16xf32>
        %get3A_1529 = arith.index_cast %add3A_1500 : i32 to index
        %get3A_1530 = arith.constant 32 : index
        %get3A_1531 = tpu.vector_load %arg7[%get3A_1529, %get3A_1530] {strides = array<i32>} : memref<1024x64xf32, #tpu.memory_space<vmem>>, vector<16xf32>,
        %add3A_1532 = arith.addf %get3A_1531, %get3A_154 : vector<16xf32>
        %get3A_1533 = arith.index_cast %add3A_1500 : i32 to index
        %get3A_1534 = arith.constant 48 : index
        %get3A_1535 = tpu.vector_load %arg7[%get3A_1533, %get3A_1534] {strides = array<i32>} : memref<1024x64xf32, #tpu.memory_space<vmem>>, vector<16xf32>,
        %add3A_1536 = arith.addf %get3A_1535, %get3A_157 : vector<16xf32>
        tpu.vector_store_idx %arg8[%add3A_5, %broadcast_in_dim3A_1502], %add3A_1508 : memref<64x129xf32, #tpu.memory_space<vmem>>[vector<16xi32>, vector<16xi32>], vector<16xf32>,
        tpu.vector_store_idx %arg8[%add3A_8, %broadcast_in_dim3A_1502], %add3A_1512 : memref<64x129xf32, #tpu.memory_space<vmem>>[vector<16xi32>, vector<16xi32>], vector<16xf32>,
        tpu.vector_store_idx %arg8[%add3A_11, %broadcast_in_dim3A_1502], %add3A_1516 : memref<64x129xf32, #tpu.memory_space<vmem>>[vector<16xi32>, vector<16xi32>], vector<16xf32>,
        tpu.vector_store_idx %arg8[%add3A_14, %broadcast_in_dim3A_1502], %add3A_1520 : memref<64x129xf32, #tpu.memory_space<vmem>>[vector<16xi32>, vector<16xi32>], vector<16xf32>,
        tpu.vector_store_idx %arg8[%add3A_5, %broadcast_in_dim3A_1504], %add3A_1524 : memref<64x129xf32, #tpu.memory_space<vmem>>[vector<16xi32>, vector<16xi32>], vector<16xf32>,
        tpu.vector_store_idx %arg8[%add3A_8, %broadcast_in_dim3A_1504], %add3A_1528 : memref<64x129xf32, #tpu.memory_space<vmem>>[vector<16xi32>, vector<16xi32>], vector<16xf32>,
        tpu.vector_store_idx %arg8[%add3A_11, %broadcast_in_dim3A_1504], %add3A_1532 : memref<64x129xf32, #tpu.memory_space<vmem>>[vector<16xi32>, vector<16xi32>], vector<16xf32>,
        tpu.vector_store_idx %arg8[%add3A_14, %broadcast_in_dim3A_1504], %add3A_1536 : memref<64x129xf32, #tpu.memory_space<vmem>>[vector<16xi32>, vector<16xi32>], vector<16xf32>,
        %mul3A_1537 = arith.constant 128 : i32
        %mul3A_1538 = arith.muli %scan3A_132, %mul3A_1537 : i32
        %add3A_1539 = arith.constant 60 : i32
        %add3A_1540 = arith.addi %mul3A_1538, %add3A_1539 : i32
        %mul3A_1541 = arith.constant 128 : i32
        %mul3A_1542 = arith.muli %scan3A_132, %mul3A_1541 : i32
        %add3A_1543 = arith.constant 60 : i32
        %add3A_1544 = arith.addi %mul3A_1542, %add3A_1543 : i32
        %add3A_1545 = arith.constant 1 : i32
        %add3A_1546 = arith.addi %add3A_1544, %add3A_1545 : i32
        %broadcast_in_dim3A_1547 = arith.constant 60 : i32
        %broadcast_in_dim3A_1548 = vector.broadcast %broadcast_in_dim3A_1547 : i32 to vector<16xi32>
        %broadcast_in_dim3A_1549 = arith.constant 61 : i32
        %broadcast_in_dim3A_1550 = vector.broadcast %broadcast_in_dim3A_1549 : i32 to vector<16xi32>
        %get3A_1551 = arith.index_cast %add3A_1540 : i32 to index
        %get3A_1552 = arith.constant 0 : index
        %get3A_1553 = tpu.vector_load %arg7[%get3A_1551, %get3A_1552] {strides = array<i32>} : memref<1024x64xf32, #tpu.memory_space<vmem>>, vector<16xf32>,
        %add3A_1554 = arith.addf %get3A_1553, %get3A_148 : vector<16xf32>
        %get3A_1555 = arith.index_cast %add3A_1540 : i32 to index
        %get3A_1556 = arith.constant 16 : index
        %get3A_1557 = tpu.vector_load %arg7[%get3A_1555, %get3A_1556] {strides = array<i32>} : memref<1024x64xf32, #tpu.memory_space<vmem>>, vector<16xf32>,
        %add3A_1558 = arith.addf %get3A_1557, %get3A_151 : vector<16xf32>
        %get3A_1559 = arith.index_cast %add3A_1540 : i32 to index
        %get3A_1560 = arith.constant 32 : index
        %get3A_1561 = tpu.vector_load %arg7[%get3A_1559, %get3A_1560] {strides = array<i32>} : memref<1024x64xf32, #tpu.memory_space<vmem>>, vector<16xf32>,
        %add3A_1562 = arith.addf %get3A_1561, %get3A_154 : vector<16xf32>
        %get3A_1563 = arith.index_cast %add3A_1540 : i32 to index
        %get3A_1564 = arith.constant 48 : index
        %get3A_1565 = tpu.vector_load %arg7[%get3A_1563, %get3A_1564] {strides = array<i32>} : memref<1024x64xf32, #tpu.memory_space<vmem>>, vector<16xf32>,
        %add3A_1566 = arith.addf %get3A_1565, %get3A_157 : vector<16xf32>
        %get3A_1567 = arith.index_cast %add3A_1546 : i32 to index
        %get3A_1568 = arith.constant 0 : index
        %get3A_1569 = tpu.vector_load %arg7[%get3A_1567, %get3A_1568] {strides = array<i32>} : memref<1024x64xf32, #tpu.memory_space<vmem>>, vector<16xf32>,
        %add3A_1570 = arith.addf %get3A_1569, %get3A_148 : vector<16xf32>
        %get3A_1571 = arith.index_cast %add3A_1546 : i32 to index
        %get3A_1572 = arith.constant 16 : index
        %get3A_1573 = tpu.vector_load %arg7[%get3A_1571, %get3A_1572] {strides = array<i32>} : memref<1024x64xf32, #tpu.memory_space<vmem>>, vector<16xf32>,
        %add3A_1574 = arith.addf %get3A_1573, %get3A_151 : vector<16xf32>
        %get3A_1575 = arith.index_cast %add3A_1546 : i32 to index
        %get3A_1576 = arith.constant 32 : index
        %get3A_1577 = tpu.vector_load %arg7[%get3A_1575, %get3A_1576] {strides = array<i32>} : memref<1024x64xf32, #tpu.memory_space<vmem>>, vector<16xf32>,
        %add3A_1578 = arith.addf %get3A_1577, %get3A_154 : vector<16xf32>
        %get3A_1579 = arith.index_cast %add3A_1546 : i32 to index
        %get3A_1580 = arith.constant 48 : index
        %get3A_1581 = tpu.vector_load %arg7[%get3A_1579, %get3A_1580] {strides = array<i32>} : memref<1024x64xf32, #tpu.memory_space<vmem>>, vector<16xf32>,
        %add3A_1582 = arith.addf %get3A_1581, %get3A_157 : vector<16xf32>
        tpu.vector_store_idx %arg8[%add3A_5, %broadcast_in_dim3A_1548], %add3A_1554 : memref<64x129xf32, #tpu.memory_space<vmem>>[vector<16xi32>, vector<16xi32>], vector<16xf32>,
        tpu.vector_store_idx %arg8[%add3A_8, %broadcast_in_dim3A_1548], %add3A_1558 : memref<64x129xf32, #tpu.memory_space<vmem>>[vector<16xi32>, vector<16xi32>], vector<16xf32>,
        tpu.vector_store_idx %arg8[%add3A_11, %broadcast_in_dim3A_1548], %add3A_1562 : memref<64x129xf32, #tpu.memory_space<vmem>>[vector<16xi32>, vector<16xi32>], vector<16xf32>,
        tpu.vector_store_idx %arg8[%add3A_14, %broadcast_in_dim3A_1548], %add3A_1566 : memref<64x129xf32, #tpu.memory_space<vmem>>[vector<16xi32>, vector<16xi32>], vector<16xf32>,
        tpu.vector_store_idx %arg8[%add3A_5, %broadcast_in_dim3A_1550], %add3A_1570 : memref<64x129xf32, #tpu.memory_space<vmem>>[vector<16xi32>, vector<16xi32>], vector<16xf32>,
        tpu.vector_store_idx %arg8[%add3A_8, %broadcast_in_dim3A_1550], %add3A_1574 : memref<64x129xf32, #tpu.memory_space<vmem>>[vector<16xi32>, vector<16xi32>], vector<16xf32>,
        tpu.vector_store_idx %arg8[%add3A_11, %broadcast_in_dim3A_1550], %add3A_1578 : memref<64x129xf32, #tpu.memory_space<vmem>>[vector<16xi32>, vector<16xi32>], vector<16xf32>,
        tpu.vector_store_idx %arg8[%add3A_14, %broadcast_in_dim3A_1550], %add3A_1582 : memref<64x129xf32, #tpu.memory_space<vmem>>[vector<16xi32>, vector<16xi32>], vector<16xf32>,
        %mul3A_1583 = arith.constant 128 : i32
        %mul3A_1584 = arith.muli %scan3A_132, %mul3A_1583 : i32
        %add3A_1585 = arith.constant 62 : i32
        %add3A_1586 = arith.addi %mul3A_1584, %add3A_1585 : i32
        %mul3A_1587 = arith.constant 128 : i32
        %mul3A_1588 = arith.muli %scan3A_132, %mul3A_1587 : i32
        %add3A_1589 = arith.constant 62 : i32
        %add3A_1590 = arith.addi %mul3A_1588, %add3A_1589 : i32
        %add3A_1591 = arith.constant 1 : i32
        %add3A_1592 = arith.addi %add3A_1590, %add3A_1591 : i32
        %broadcast_in_dim3A_1593 = arith.constant 62 : i32
        %broadcast_in_dim3A_1594 = vector.broadcast %broadcast_in_dim3A_1593 : i32 to vector<16xi32>
        %broadcast_in_dim3A_1595 = arith.constant 63 : i32
        %broadcast_in_dim3A_1596 = vector.broadcast %broadcast_in_dim3A_1595 : i32 to vector<16xi32>
        %get3A_1597 = arith.index_cast %add3A_1586 : i32 to index
        %get3A_1598 = arith.constant 0 : index
        %get3A_1599 = tpu.vector_load %arg7[%get3A_1597, %get3A_1598] {strides = array<i32>} : memref<1024x64xf32, #tpu.memory_space<vmem>>, vector<16xf32>,
        %add3A_1600 = arith.addf %get3A_1599, %get3A_148 : vector<16xf32>
        %get3A_1601 = arith.index_cast %add3A_1586 : i32 to index
        %get3A_1602 = arith.constant 16 : index
        %get3A_1603 = tpu.vector_load %arg7[%get3A_1601, %get3A_1602] {strides = array<i32>} : memref<1024x64xf32, #tpu.memory_space<vmem>>, vector<16xf32>,
        %add3A_1604 = arith.addf %get3A_1603, %get3A_151 : vector<16xf32>
        %get3A_1605 = arith.index_cast %add3A_1586 : i32 to index
        %get3A_1606 = arith.constant 32 : index
        %get3A_1607 = tpu.vector_load %arg7[%get3A_1605, %get3A_1606] {strides = array<i32>} : memref<1024x64xf32, #tpu.memory_space<vmem>>, vector<16xf32>,
        %add3A_1608 = arith.addf %get3A_1607, %get3A_154 : vector<16xf32>
        %get3A_1609 = arith.index_cast %add3A_1586 : i32 to index
        %get3A_1610 = arith.constant 48 : index
        %get3A_1611 = tpu.vector_load %arg7[%get3A_1609, %get3A_1610] {strides = array<i32>} : memref<1024x64xf32, #tpu.memory_space<vmem>>, vector<16xf32>,
        %add3A_1612 = arith.addf %get3A_1611, %get3A_157 : vector<16xf32>
        %get3A_1613 = arith.index_cast %add3A_1592 : i32 to index
        %get3A_1614 = arith.constant 0 : index
        %get3A_1615 = tpu.vector_load %arg7[%get3A_1613, %get3A_1614] {strides = array<i32>} : memref<1024x64xf32, #tpu.memory_space<vmem>>, vector<16xf32>,
        %add3A_1616 = arith.addf %get3A_1615, %get3A_148 : vector<16xf32>
        %get3A_1617 = arith.index_cast %add3A_1592 : i32 to index
        %get3A_1618 = arith.constant 16 : index
        %get3A_1619 = tpu.vector_load %arg7[%get3A_1617, %get3A_1618] {strides = array<i32>} : memref<1024x64xf32, #tpu.memory_space<vmem>>, vector<16xf32>,
        %add3A_1620 = arith.addf %get3A_1619, %get3A_151 : vector<16xf32>
        %get3A_1621 = arith.index_cast %add3A_1592 : i32 to index
        %get3A_1622 = arith.constant 32 : index
        %get3A_1623 = tpu.vector_load %arg7[%get3A_1621, %get3A_1622] {strides = array<i32>} : memref<1024x64xf32, #tpu.memory_space<vmem>>, vector<16xf32>,
        %add3A_1624 = arith.addf %get3A_1623, %get3A_154 : vector<16xf32>
        %get3A_1625 = arith.index_cast %add3A_1592 : i32 to index
        %get3A_1626 = arith.constant 48 : index
        %get3A_1627 = tpu.vector_load %arg7[%get3A_1625, %get3A_1626] {strides = array<i32>} : memref<1024x64xf32, #tpu.memory_space<vmem>>, vector<16xf32>,
        %add3A_1628 = arith.addf %get3A_1627, %get3A_157 : vector<16xf32>
        tpu.vector_store_idx %arg8[%add3A_5, %broadcast_in_dim3A_1594], %add3A_1600 : memref<64x129xf32, #tpu.memory_space<vmem>>[vector<16xi32>, vector<16xi32>], vector<16xf32>,
        tpu.vector_store_idx %arg8[%add3A_8, %broadcast_in_dim3A_1594], %add3A_1604 : memref<64x129xf32, #tpu.memory_space<vmem>>[vector<16xi32>, vector<16xi32>], vector<16xf32>,
        tpu.vector_store_idx %arg8[%add3A_11, %broadcast_in_dim3A_1594], %add3A_1608 : memref<64x129xf32, #tpu.memory_space<vmem>>[vector<16xi32>, vector<16xi32>], vector<16xf32>,
        tpu.vector_store_idx %arg8[%add3A_14, %broadcast_in_dim3A_1594], %add3A_1612 : memref<64x129xf32, #tpu.memory_space<vmem>>[vector<16xi32>, vector<16xi32>], vector<16xf32>,
        tpu.vector_store_idx %arg8[%add3A_5, %broadcast_in_dim3A_1596], %add3A_1616 : memref<64x129xf32, #tpu.memory_space<vmem>>[vector<16xi32>, vector<16xi32>], vector<16xf32>,
        tpu.vector_store_idx %arg8[%add3A_8, %broadcast_in_dim3A_1596], %add3A_1620 : memref<64x129xf32, #tpu.memory_space<vmem>>[vector<16xi32>, vector<16xi32>], vector<16xf32>,
        tpu.vector_store_idx %arg8[%add3A_11, %broadcast_in_dim3A_1596], %add3A_1624 : memref<64x129xf32, #tpu.memory_space<vmem>>[vector<16xi32>, vector<16xi32>], vector<16xf32>,
        tpu.vector_store_idx %arg8[%add3A_14, %broadcast_in_dim3A_1596], %add3A_1628 : memref<64x129xf32, #tpu.memory_space<vmem>>[vector<16xi32>, vector<16xi32>], vector<16xf32>,
        %mul3A_1629 = arith.constant 128 : i32
        %mul3A_1630 = arith.muli %scan3A_132, %mul3A_1629 : i32
        %add3A_1631 = arith.constant 64 : i32
        %add3A_1632 = arith.addi %mul3A_1630, %add3A_1631 : i32
        %mul3A_1633 = arith.constant 128 : i32
        %mul3A_1634 = arith.muli %scan3A_132, %mul3A_1633 : i32
        %add3A_1635 = arith.constant 64 : i32
        %add3A_1636 = arith.addi %mul3A_1634, %add3A_1635 : i32
        %add3A_1637 = arith.constant 1 : i32
        %add3A_1638 = arith.addi %add3A_1636, %add3A_1637 : i32
        %broadcast_in_dim3A_1639 = arith.constant 64 : i32
        %broadcast_in_dim3A_1640 = vector.broadcast %broadcast_in_dim3A_1639 : i32 to vector<16xi32>
        %broadcast_in_dim3A_1641 = arith.constant 65 : i32
        %broadcast_in_dim3A_1642 = vector.broadcast %broadcast_in_dim3A_1641 : i32 to vector<16xi32>
        %get3A_1643 = arith.index_cast %add3A_1632 : i32 to index
        %get3A_1644 = arith.constant 0 : index
        %get3A_1645 = tpu.vector_load %arg7[%get3A_1643, %get3A_1644] {strides = array<i32>} : memref<1024x64xf32, #tpu.memory_space<vmem>>, vector<16xf32>,
        %add3A_1646 = arith.addf %get3A_1645, %get3A_148 : vector<16xf32>
        %get3A_1647 = arith.index_cast %add3A_1632 : i32 to index
        %get3A_1648 = arith.constant 16 : index
        %get3A_1649 = tpu.vector_load %arg7[%get3A_1647, %get3A_1648] {strides = array<i32>} : memref<1024x64xf32, #tpu.memory_space<vmem>>, vector<16xf32>,
        %add3A_1650 = arith.addf %get3A_1649, %get3A_151 : vector<16xf32>
        %get3A_1651 = arith.index_cast %add3A_1632 : i32 to index
        %get3A_1652 = arith.constant 32 : index
        %get3A_1653 = tpu.vector_load %arg7[%get3A_1651, %get3A_1652] {strides = array<i32>} : memref<1024x64xf32, #tpu.memory_space<vmem>>, vector<16xf32>,
        %add3A_1654 = arith.addf %get3A_1653, %get3A_154 : vector<16xf32>
        %get3A_1655 = arith.index_cast %add3A_1632 : i32 to index
        %get3A_1656 = arith.constant 48 : index
        %get3A_1657 = tpu.vector_load %arg7[%get3A_1655, %get3A_1656] {strides = array<i32>} : memref<1024x64xf32, #tpu.memory_space<vmem>>, vector<16xf32>,
        %add3A_1658 = arith.addf %get3A_1657, %get3A_157 : vector<16xf32>
        %get3A_1659 = arith.index_cast %add3A_1638 : i32 to index
        %get3A_1660 = arith.constant 0 : index
        %get3A_1661 = tpu.vector_load %arg7[%get3A_1659, %get3A_1660] {strides = array<i32>} : memref<1024x64xf32, #tpu.memory_space<vmem>>, vector<16xf32>,
        %add3A_1662 = arith.addf %get3A_1661, %get3A_148 : vector<16xf32>
        %get3A_1663 = arith.index_cast %add3A_1638 : i32 to index
        %get3A_1664 = arith.constant 16 : index
        %get3A_1665 = tpu.vector_load %arg7[%get3A_1663, %get3A_1664] {strides = array<i32>} : memref<1024x64xf32, #tpu.memory_space<vmem>>, vector<16xf32>,
        %add3A_1666 = arith.addf %get3A_1665, %get3A_151 : vector<16xf32>
        %get3A_1667 = arith.index_cast %add3A_1638 : i32 to index
        %get3A_1668 = arith.constant 32 : index
        %get3A_1669 = tpu.vector_load %arg7[%get3A_1667, %get3A_1668] {strides = array<i32>} : memref<1024x64xf32, #tpu.memory_space<vmem>>, vector<16xf32>,
        %add3A_1670 = arith.addf %get3A_1669, %get3A_154 : vector<16xf32>
        %get3A_1671 = arith.index_cast %add3A_1638 : i32 to index
        %get3A_1672 = arith.constant 48 : index
        %get3A_1673 = tpu.vector_load %arg7[%get3A_1671, %get3A_1672] {strides = array<i32>} : memref<1024x64xf32, #tpu.memory_space<vmem>>, vector<16xf32>,
        %add3A_1674 = arith.addf %get3A_1673, %get3A_157 : vector<16xf32>
        tpu.vector_store_idx %arg8[%add3A_5, %broadcast_in_dim3A_1640], %add3A_1646 : memref<64x129xf32, #tpu.memory_space<vmem>>[vector<16xi32>, vector<16xi32>], vector<16xf32>,
        tpu.vector_store_idx %arg8[%add3A_8, %broadcast_in_dim3A_1640], %add3A_1650 : memref<64x129xf32, #tpu.memory_space<vmem>>[vector<16xi32>, vector<16xi32>], vector<16xf32>,
        tpu.vector_store_idx %arg8[%add3A_11, %broadcast_in_dim3A_1640], %add3A_1654 : memref<64x129xf32, #tpu.memory_space<vmem>>[vector<16xi32>, vector<16xi32>], vector<16xf32>,
        tpu.vector_store_idx %arg8[%add3A_14, %broadcast_in_dim3A_1640], %add3A_1658 : memref<64x129xf32, #tpu.memory_space<vmem>>[vector<16xi32>, vector<16xi32>], vector<16xf32>,
        tpu.vector_store_idx %arg8[%add3A_5, %broadcast_in_dim3A_1642], %add3A_1662 : memref<64x129xf32, #tpu.memory_space<vmem>>[vector<16xi32>, vector<16xi32>], vector<16xf32>,
        tpu.vector_store_idx %arg8[%add3A_8, %broadcast_in_dim3A_1642], %add3A_1666 : memref<64x129xf32, #tpu.memory_space<vmem>>[vector<16xi32>, vector<16xi32>], vector<16xf32>,
        tpu.vector_store_idx %arg8[%add3A_11, %broadcast_in_dim3A_1642], %add3A_1670 : memref<64x129xf32, #tpu.memory_space<vmem>>[vector<16xi32>, vector<16xi32>], vector<16xf32>,
        tpu.vector_store_idx %arg8[%add3A_14, %broadcast_in_dim3A_1642], %add3A_1674 : memref<64x129xf32, #tpu.memory_space<vmem>>[vector<16xi32>, vector<16xi32>], vector<16xf32>,
        %mul3A_1675 = arith.constant 128 : i32
        %mul3A_1676 = arith.muli %scan3A_132, %mul3A_1675 : i32
        %add3A_1677 = arith.constant 66 : i32
        %add3A_1678 = arith.addi %mul3A_1676, %add3A_1677 : i32
        %mul3A_1679 = arith.constant 128 : i32
        %mul3A_1680 = arith.muli %scan3A_132, %mul3A_1679 : i32
        %add3A_1681 = arith.constant 66 : i32
        %add3A_1682 = arith.addi %mul3A_1680, %add3A_1681 : i32
        %add3A_1683 = arith.constant 1 : i32
        %add3A_1684 = arith.addi %add3A_1682, %add3A_1683 : i32
        %broadcast_in_dim3A_1685 = arith.constant 66 : i32
        %broadcast_in_dim3A_1686 = vector.broadcast %broadcast_in_dim3A_1685 : i32 to vector<16xi32>
        %broadcast_in_dim3A_1687 = arith.constant 67 : i32
        %broadcast_in_dim3A_1688 = vector.broadcast %broadcast_in_dim3A_1687 : i32 to vector<16xi32>
        %get3A_1689 = arith.index_cast %add3A_1678 : i32 to index
        %get3A_1690 = arith.constant 0 : index
        %get3A_1691 = tpu.vector_load %arg7[%get3A_1689, %get3A_1690] {strides = array<i32>} : memref<1024x64xf32, #tpu.memory_space<vmem>>, vector<16xf32>,
        %add3A_1692 = arith.addf %get3A_1691, %get3A_148 : vector<16xf32>
        %get3A_1693 = arith.index_cast %add3A_1678 : i32 to index
        %get3A_1694 = arith.constant 16 : index
        %get3A_1695 = tpu.vector_load %arg7[%get3A_1693, %get3A_1694] {strides = array<i32>} : memref<1024x64xf32, #tpu.memory_space<vmem>>, vector<16xf32>,
        %add3A_1696 = arith.addf %get3A_1695, %get3A_151 : vector<16xf32>
        %get3A_1697 = arith.index_cast %add3A_1678 : i32 to index
        %get3A_1698 = arith.constant 32 : index
        %get3A_1699 = tpu.vector_load %arg7[%get3A_1697, %get3A_1698] {strides = array<i32>} : memref<1024x64xf32, #tpu.memory_space<vmem>>, vector<16xf32>,
        %add3A_1700 = arith.addf %get3A_1699, %get3A_154 : vector<16xf32>
        %get3A_1701 = arith.index_cast %add3A_1678 : i32 to index
        %get3A_1702 = arith.constant 48 : index
        %get3A_1703 = tpu.vector_load %arg7[%get3A_1701, %get3A_1702] {strides = array<i32>} : memref<1024x64xf32, #tpu.memory_space<vmem>>, vector<16xf32>,
        %add3A_1704 = arith.addf %get3A_1703, %get3A_157 : vector<16xf32>
        %get3A_1705 = arith.index_cast %add3A_1684 : i32 to index
        %get3A_1706 = arith.constant 0 : index
        %get3A_1707 = tpu.vector_load %arg7[%get3A_1705, %get3A_1706] {strides = array<i32>} : memref<1024x64xf32, #tpu.memory_space<vmem>>, vector<16xf32>,
        %add3A_1708 = arith.addf %get3A_1707, %get3A_148 : vector<16xf32>
        %get3A_1709 = arith.index_cast %add3A_1684 : i32 to index
        %get3A_1710 = arith.constant 16 : index
        %get3A_1711 = tpu.vector_load %arg7[%get3A_1709, %get3A_1710] {strides = array<i32>} : memref<1024x64xf32, #tpu.memory_space<vmem>>, vector<16xf32>,
        %add3A_1712 = arith.addf %get3A_1711, %get3A_151 : vector<16xf32>
        %get3A_1713 = arith.index_cast %add3A_1684 : i32 to index
        %get3A_1714 = arith.constant 32 : index
        %get3A_1715 = tpu.vector_load %arg7[%get3A_1713, %get3A_1714] {strides = array<i32>} : memref<1024x64xf32, #tpu.memory_space<vmem>>, vector<16xf32>,
        %add3A_1716 = arith.addf %get3A_1715, %get3A_154 : vector<16xf32>
        %get3A_1717 = arith.index_cast %add3A_1684 : i32 to index
        %get3A_1718 = arith.constant 48 : index
        %get3A_1719 = tpu.vector_load %arg7[%get3A_1717, %get3A_1718] {strides = array<i32>} : memref<1024x64xf32, #tpu.memory_space<vmem>>, vector<16xf32>,
        %add3A_1720 = arith.addf %get3A_1719, %get3A_157 : vector<16xf32>
        tpu.vector_store_idx %arg8[%add3A_5, %broadcast_in_dim3A_1686], %add3A_1692 : memref<64x129xf32, #tpu.memory_space<vmem>>[vector<16xi32>, vector<16xi32>], vector<16xf32>,
        tpu.vector_store_idx %arg8[%add3A_8, %broadcast_in_dim3A_1686], %add3A_1696 : memref<64x129xf32, #tpu.memory_space<vmem>>[vector<16xi32>, vector<16xi32>], vector<16xf32>,
        tpu.vector_store_idx %arg8[%add3A_11, %broadcast_in_dim3A_1686], %add3A_1700 : memref<64x129xf32, #tpu.memory_space<vmem>>[vector<16xi32>, vector<16xi32>], vector<16xf32>,
        tpu.vector_store_idx %arg8[%add3A_14, %broadcast_in_dim3A_1686], %add3A_1704 : memref<64x129xf32, #tpu.memory_space<vmem>>[vector<16xi32>, vector<16xi32>], vector<16xf32>,
        tpu.vector_store_idx %arg8[%add3A_5, %broadcast_in_dim3A_1688], %add3A_1708 : memref<64x129xf32, #tpu.memory_space<vmem>>[vector<16xi32>, vector<16xi32>], vector<16xf32>,
        tpu.vector_store_idx %arg8[%add3A_8, %broadcast_in_dim3A_1688], %add3A_1712 : memref<64x129xf32, #tpu.memory_space<vmem>>[vector<16xi32>, vector<16xi32>], vector<16xf32>,
        tpu.vector_store_idx %arg8[%add3A_11, %broadcast_in_dim3A_1688], %add3A_1716 : memref<64x129xf32, #tpu.memory_space<vmem>>[vector<16xi32>, vector<16xi32>], vector<16xf32>,
        tpu.vector_store_idx %arg8[%add3A_14, %broadcast_in_dim3A_1688], %add3A_1720 : memref<64x129xf32, #tpu.memory_space<vmem>>[vector<16xi32>, vector<16xi32>], vector<16xf32>,
        %mul3A_1721 = arith.constant 128 : i32
        %mul3A_1722 = arith.muli %scan3A_132, %mul3A_1721 : i32
        %add3A_1723 = arith.constant 68 : i32
        %add3A_1724 = arith.addi %mul3A_1722, %add3A_1723 : i32
        %mul3A_1725 = arith.constant 128 : i32
        %mul3A_1726 = arith.muli %scan3A_132, %mul3A_1725 : i32
        %add3A_1727 = arith.constant 68 : i32
        %add3A_1728 = arith.addi %mul3A_1726, %add3A_1727 : i32
        %add3A_1729 = arith.constant 1 : i32
        %add3A_1730 = arith.addi %add3A_1728, %add3A_1729 : i32
        %broadcast_in_dim3A_1731 = arith.constant 68 : i32
        %broadcast_in_dim3A_1732 = vector.broadcast %broadcast_in_dim3A_1731 : i32 to vector<16xi32>
        %broadcast_in_dim3A_1733 = arith.constant 69 : i32
        %broadcast_in_dim3A_1734 = vector.broadcast %broadcast_in_dim3A_1733 : i32 to vector<16xi32>
        %get3A_1735 = arith.index_cast %add3A_1724 : i32 to index
        %get3A_1736 = arith.constant 0 : index
        %get3A_1737 = tpu.vector_load %arg7[%get3A_1735, %get3A_1736] {strides = array<i32>} : memref<1024x64xf32, #tpu.memory_space<vmem>>, vector<16xf32>,
        %add3A_1738 = arith.addf %get3A_1737, %get3A_148 : vector<16xf32>
        %get3A_1739 = arith.index_cast %add3A_1724 : i32 to index
        %get3A_1740 = arith.constant 16 : index
        %get3A_1741 = tpu.vector_load %arg7[%get3A_1739, %get3A_1740] {strides = array<i32>} : memref<1024x64xf32, #tpu.memory_space<vmem>>, vector<16xf32>,
        %add3A_1742 = arith.addf %get3A_1741, %get3A_151 : vector<16xf32>
        %get3A_1743 = arith.index_cast %add3A_1724 : i32 to index
        %get3A_1744 = arith.constant 32 : index
        %get3A_1745 = tpu.vector_load %arg7[%get3A_1743, %get3A_1744] {strides = array<i32>} : memref<1024x64xf32, #tpu.memory_space<vmem>>, vector<16xf32>,
        %add3A_1746 = arith.addf %get3A_1745, %get3A_154 : vector<16xf32>
        %get3A_1747 = arith.index_cast %add3A_1724 : i32 to index
        %get3A_1748 = arith.constant 48 : index
        %get3A_1749 = tpu.vector_load %arg7[%get3A_1747, %get3A_1748] {strides = array<i32>} : memref<1024x64xf32, #tpu.memory_space<vmem>>, vector<16xf32>,
        %add3A_1750 = arith.addf %get3A_1749, %get3A_157 : vector<16xf32>
        %get3A_1751 = arith.index_cast %add3A_1730 : i32 to index
        %get3A_1752 = arith.constant 0 : index
        %get3A_1753 = tpu.vector_load %arg7[%get3A_1751, %get3A_1752] {strides = array<i32>} : memref<1024x64xf32, #tpu.memory_space<vmem>>, vector<16xf32>,
        %add3A_1754 = arith.addf %get3A_1753, %get3A_148 : vector<16xf32>
        %get3A_1755 = arith.index_cast %add3A_1730 : i32 to index
        %get3A_1756 = arith.constant 16 : index
        %get3A_1757 = tpu.vector_load %arg7[%get3A_1755, %get3A_1756] {strides = array<i32>} : memref<1024x64xf32, #tpu.memory_space<vmem>>, vector<16xf32>,
        %add3A_1758 = arith.addf %get3A_1757, %get3A_151 : vector<16xf32>
        %get3A_1759 = arith.index_cast %add3A_1730 : i32 to index
        %get3A_1760 = arith.constant 32 : index
        %get3A_1761 = tpu.vector_load %arg7[%get3A_1759, %get3A_1760] {strides = array<i32>} : memref<1024x64xf32, #tpu.memory_space<vmem>>, vector<16xf32>,
        %add3A_1762 = arith.addf %get3A_1761, %get3A_154 : vector<16xf32>
        %get3A_1763 = arith.index_cast %add3A_1730 : i32 to index
        %get3A_1764 = arith.constant 48 : index
        %get3A_1765 = tpu.vector_load %arg7[%get3A_1763, %get3A_1764] {strides = array<i32>} : memref<1024x64xf32, #tpu.memory_space<vmem>>, vector<16xf32>,
        %add3A_1766 = arith.addf %get3A_1765, %get3A_157 : vector<16xf32>
        tpu.vector_store_idx %arg8[%add3A_5, %broadcast_in_dim3A_1732], %add3A_1738 : memref<64x129xf32, #tpu.memory_space<vmem>>[vector<16xi32>, vector<16xi32>], vector<16xf32>,
        tpu.vector_store_idx %arg8[%add3A_8, %broadcast_in_dim3A_1732], %add3A_1742 : memref<64x129xf32, #tpu.memory_space<vmem>>[vector<16xi32>, vector<16xi32>], vector<16xf32>,
        tpu.vector_store_idx %arg8[%add3A_11, %broadcast_in_dim3A_1732], %add3A_1746 : memref<64x129xf32, #tpu.memory_space<vmem>>[vector<16xi32>, vector<16xi32>], vector<16xf32>,
        tpu.vector_store_idx %arg8[%add3A_14, %broadcast_in_dim3A_1732], %add3A_1750 : memref<64x129xf32, #tpu.memory_space<vmem>>[vector<16xi32>, vector<16xi32>], vector<16xf32>,
        tpu.vector_store_idx %arg8[%add3A_5, %broadcast_in_dim3A_1734], %add3A_1754 : memref<64x129xf32, #tpu.memory_space<vmem>>[vector<16xi32>, vector<16xi32>], vector<16xf32>,
        tpu.vector_store_idx %arg8[%add3A_8, %broadcast_in_dim3A_1734], %add3A_1758 : memref<64x129xf32, #tpu.memory_space<vmem>>[vector<16xi32>, vector<16xi32>], vector<16xf32>,
        tpu.vector_store_idx %arg8[%add3A_11, %broadcast_in_dim3A_1734], %add3A_1762 : memref<64x129xf32, #tpu.memory_space<vmem>>[vector<16xi32>, vector<16xi32>], vector<16xf32>,
        tpu.vector_store_idx %arg8[%add3A_14, %broadcast_in_dim3A_1734], %add3A_1766 : memref<64x129xf32, #tpu.memory_space<vmem>>[vector<16xi32>, vector<16xi32>], vector<16xf32>,
        %mul3A_1767 = arith.constant 128 : i32
        %mul3A_1768 = arith.muli %scan3A_132, %mul3A_1767 : i32
        %add3A_1769 = arith.constant 70 : i32
        %add3A_1770 = arith.addi %mul3A_1768, %add3A_1769 : i32
        %mul3A_1771 = arith.constant 128 : i32
        %mul3A_1772 = arith.muli %scan3A_132, %mul3A_1771 : i32
        %add3A_1773 = arith.constant 70 : i32
        %add3A_1774 = arith.addi %mul3A_1772, %add3A_1773 : i32
        %add3A_1775 = arith.constant 1 : i32
        %add3A_1776 = arith.addi %add3A_1774, %add3A_1775 : i32
        %broadcast_in_dim3A_1777 = arith.constant 70 : i32
        %broadcast_in_dim3A_1778 = vector.broadcast %broadcast_in_dim3A_1777 : i32 to vector<16xi32>
        %broadcast_in_dim3A_1779 = arith.constant 71 : i32
        %broadcast_in_dim3A_1780 = vector.broadcast %broadcast_in_dim3A_1779 : i32 to vector<16xi32>
        %get3A_1781 = arith.index_cast %add3A_1770 : i32 to index
        %get3A_1782 = arith.constant 0 : index
        %get3A_1783 = tpu.vector_load %arg7[%get3A_1781, %get3A_1782] {strides = array<i32>} : memref<1024x64xf32, #tpu.memory_space<vmem>>, vector<16xf32>,
        %add3A_1784 = arith.addf %get3A_1783, %get3A_148 : vector<16xf32>
        %get3A_1785 = arith.index_cast %add3A_1770 : i32 to index
        %get3A_1786 = arith.constant 16 : index
        %get3A_1787 = tpu.vector_load %arg7[%get3A_1785, %get3A_1786] {strides = array<i32>} : memref<1024x64xf32, #tpu.memory_space<vmem>>, vector<16xf32>,
        %add3A_1788 = arith.addf %get3A_1787, %get3A_151 : vector<16xf32>
        %get3A_1789 = arith.index_cast %add3A_1770 : i32 to index
        %get3A_1790 = arith.constant 32 : index
        %get3A_1791 = tpu.vector_load %arg7[%get3A_1789, %get3A_1790] {strides = array<i32>} : memref<1024x64xf32, #tpu.memory_space<vmem>>, vector<16xf32>,
        %add3A_1792 = arith.addf %get3A_1791, %get3A_154 : vector<16xf32>
        %get3A_1793 = arith.index_cast %add3A_1770 : i32 to index
        %get3A_1794 = arith.constant 48 : index
        %get3A_1795 = tpu.vector_load %arg7[%get3A_1793, %get3A_1794] {strides = array<i32>} : memref<1024x64xf32, #tpu.memory_space<vmem>>, vector<16xf32>,
        %add3A_1796 = arith.addf %get3A_1795, %get3A_157 : vector<16xf32>
        %get3A_1797 = arith.index_cast %add3A_1776 : i32 to index
        %get3A_1798 = arith.constant 0 : index
        %get3A_1799 = tpu.vector_load %arg7[%get3A_1797, %get3A_1798] {strides = array<i32>} : memref<1024x64xf32, #tpu.memory_space<vmem>>, vector<16xf32>,
        %add3A_1800 = arith.addf %get3A_1799, %get3A_148 : vector<16xf32>
        %get3A_1801 = arith.index_cast %add3A_1776 : i32 to index
        %get3A_1802 = arith.constant 16 : index
        %get3A_1803 = tpu.vector_load %arg7[%get3A_1801, %get3A_1802] {strides = array<i32>} : memref<1024x64xf32, #tpu.memory_space<vmem>>, vector<16xf32>,
        %add3A_1804 = arith.addf %get3A_1803, %get3A_151 : vector<16xf32>
        %get3A_1805 = arith.index_cast %add3A_1776 : i32 to index
        %get3A_1806 = arith.constant 32 : index
        %get3A_1807 = tpu.vector_load %arg7[%get3A_1805, %get3A_1806] {strides = array<i32>} : memref<1024x64xf32, #tpu.memory_space<vmem>>, vector<16xf32>,
        %add3A_1808 = arith.addf %get3A_1807, %get3A_154 : vector<16xf32>
        %get3A_1809 = arith.index_cast %add3A_1776 : i32 to index
        %get3A_1810 = arith.constant 48 : index
        %get3A_1811 = tpu.vector_load %arg7[%get3A_1809, %get3A_1810] {strides = array<i32>} : memref<1024x64xf32, #tpu.memory_space<vmem>>, vector<16xf32>,
        %add3A_1812 = arith.addf %get3A_1811, %get3A_157 : vector<16xf32>
        tpu.vector_store_idx %arg8[%add3A_5, %broadcast_in_dim3A_1778], %add3A_1784 : memref<64x129xf32, #tpu.memory_space<vmem>>[vector<16xi32>, vector<16xi32>], vector<16xf32>,
        tpu.vector_store_idx %arg8[%add3A_8, %broadcast_in_dim3A_1778], %add3A_1788 : memref<64x129xf32, #tpu.memory_space<vmem>>[vector<16xi32>, vector<16xi32>], vector<16xf32>,
        tpu.vector_store_idx %arg8[%add3A_11, %broadcast_in_dim3A_1778], %add3A_1792 : memref<64x129xf32, #tpu.memory_space<vmem>>[vector<16xi32>, vector<16xi32>], vector<16xf32>,
        tpu.vector_store_idx %arg8[%add3A_14, %broadcast_in_dim3A_1778], %add3A_1796 : memref<64x129xf32, #tpu.memory_space<vmem>>[vector<16xi32>, vector<16xi32>], vector<16xf32>,
        tpu.vector_store_idx %arg8[%add3A_5, %broadcast_in_dim3A_1780], %add3A_1800 : memref<64x129xf32, #tpu.memory_space<vmem>>[vector<16xi32>, vector<16xi32>], vector<16xf32>,
        tpu.vector_store_idx %arg8[%add3A_8, %broadcast_in_dim3A_1780], %add3A_1804 : memref<64x129xf32, #tpu.memory_space<vmem>>[vector<16xi32>, vector<16xi32>], vector<16xf32>,
        tpu.vector_store_idx %arg8[%add3A_11, %broadcast_in_dim3A_1780], %add3A_1808 : memref<64x129xf32, #tpu.memory_space<vmem>>[vector<16xi32>, vector<16xi32>], vector<16xf32>,
        tpu.vector_store_idx %arg8[%add3A_14, %broadcast_in_dim3A_1780], %add3A_1812 : memref<64x129xf32, #tpu.memory_space<vmem>>[vector<16xi32>, vector<16xi32>], vector<16xf32>,
        %mul3A_1813 = arith.constant 128 : i32
        %mul3A_1814 = arith.muli %scan3A_132, %mul3A_1813 : i32
        %add3A_1815 = arith.constant 72 : i32
        %add3A_1816 = arith.addi %mul3A_1814, %add3A_1815 : i32
        %mul3A_1817 = arith.constant 128 : i32
        %mul3A_1818 = arith.muli %scan3A_132, %mul3A_1817 : i32
        %add3A_1819 = arith.constant 72 : i32
        %add3A_1820 = arith.addi %mul3A_1818, %add3A_1819 : i32
        %add3A_1821 = arith.constant 1 : i32
        %add3A_1822 = arith.addi %add3A_1820, %add3A_1821 : i32
        %broadcast_in_dim3A_1823 = arith.constant 72 : i32
        %broadcast_in_dim3A_1824 = vector.broadcast %broadcast_in_dim3A_1823 : i32 to vector<16xi32>
        %broadcast_in_dim3A_1825 = arith.constant 73 : i32
        %broadcast_in_dim3A_1826 = vector.broadcast %broadcast_in_dim3A_1825 : i32 to vector<16xi32>
        %get3A_1827 = arith.index_cast %add3A_1816 : i32 to index
        %get3A_1828 = arith.constant 0 : index
        %get3A_1829 = tpu.vector_load %arg7[%get3A_1827, %get3A_1828] {strides = array<i32>} : memref<1024x64xf32, #tpu.memory_space<vmem>>, vector<16xf32>,
        %add3A_1830 = arith.addf %get3A_1829, %get3A_148 : vector<16xf32>
        %get3A_1831 = arith.index_cast %add3A_1816 : i32 to index
        %get3A_1832 = arith.constant 16 : index
        %get3A_1833 = tpu.vector_load %arg7[%get3A_1831, %get3A_1832] {strides = array<i32>} : memref<1024x64xf32, #tpu.memory_space<vmem>>, vector<16xf32>,
        %add3A_1834 = arith.addf %get3A_1833, %get3A_151 : vector<16xf32>
        %get3A_1835 = arith.index_cast %add3A_1816 : i32 to index
        %get3A_1836 = arith.constant 32 : index
        %get3A_1837 = tpu.vector_load %arg7[%get3A_1835, %get3A_1836] {strides = array<i32>} : memref<1024x64xf32, #tpu.memory_space<vmem>>, vector<16xf32>,
        %add3A_1838 = arith.addf %get3A_1837, %get3A_154 : vector<16xf32>
        %get3A_1839 = arith.index_cast %add3A_1816 : i32 to index
        %get3A_1840 = arith.constant 48 : index
        %get3A_1841 = tpu.vector_load %arg7[%get3A_1839, %get3A_1840] {strides = array<i32>} : memref<1024x64xf32, #tpu.memory_space<vmem>>, vector<16xf32>,
        %add3A_1842 = arith.addf %get3A_1841, %get3A_157 : vector<16xf32>
        %get3A_1843 = arith.index_cast %add3A_1822 : i32 to index
        %get3A_1844 = arith.constant 0 : index
        %get3A_1845 = tpu.vector_load %arg7[%get3A_1843, %get3A_1844] {strides = array<i32>} : memref<1024x64xf32, #tpu.memory_space<vmem>>, vector<16xf32>,
        %add3A_1846 = arith.addf %get3A_1845, %get3A_148 : vector<16xf32>
        %get3A_1847 = arith.index_cast %add3A_1822 : i32 to index
        %get3A_1848 = arith.constant 16 : index
        %get3A_1849 = tpu.vector_load %arg7[%get3A_1847, %get3A_1848] {strides = array<i32>} : memref<1024x64xf32, #tpu.memory_space<vmem>>, vector<16xf32>,
        %add3A_1850 = arith.addf %get3A_1849, %get3A_151 : vector<16xf32>
        %get3A_1851 = arith.index_cast %add3A_1822 : i32 to index
        %get3A_1852 = arith.constant 32 : index
        %get3A_1853 = tpu.vector_load %arg7[%get3A_1851, %get3A_1852] {strides = array<i32>} : memref<1024x64xf32, #tpu.memory_space<vmem>>, vector<16xf32>,
        %add3A_1854 = arith.addf %get3A_1853, %get3A_154 : vector<16xf32>
        %get3A_1855 = arith.index_cast %add3A_1822 : i32 to index
        %get3A_1856 = arith.constant 48 : index
        %get3A_1857 = tpu.vector_load %arg7[%get3A_1855, %get3A_1856] {strides = array<i32>} : memref<1024x64xf32, #tpu.memory_space<vmem>>, vector<16xf32>,
        %add3A_1858 = arith.addf %get3A_1857, %get3A_157 : vector<16xf32>
        tpu.vector_store_idx %arg8[%add3A_5, %broadcast_in_dim3A_1824], %add3A_1830 : memref<64x129xf32, #tpu.memory_space<vmem>>[vector<16xi32>, vector<16xi32>], vector<16xf32>,
        tpu.vector_store_idx %arg8[%add3A_8, %broadcast_in_dim3A_1824], %add3A_1834 : memref<64x129xf32, #tpu.memory_space<vmem>>[vector<16xi32>, vector<16xi32>], vector<16xf32>,
        tpu.vector_store_idx %arg8[%add3A_11, %broadcast_in_dim3A_1824], %add3A_1838 : memref<64x129xf32, #tpu.memory_space<vmem>>[vector<16xi32>, vector<16xi32>], vector<16xf32>,
        tpu.vector_store_idx %arg8[%add3A_14, %broadcast_in_dim3A_1824], %add3A_1842 : memref<64x129xf32, #tpu.memory_space<vmem>>[vector<16xi32>, vector<16xi32>], vector<16xf32>,
        tpu.vector_store_idx %arg8[%add3A_5, %broadcast_in_dim3A_1826], %add3A_1846 : memref<64x129xf32, #tpu.memory_space<vmem>>[vector<16xi32>, vector<16xi32>], vector<16xf32>,
        tpu.vector_store_idx %arg8[%add3A_8, %broadcast_in_dim3A_1826], %add3A_1850 : memref<64x129xf32, #tpu.memory_space<vmem>>[vector<16xi32>, vector<16xi32>], vector<16xf32>,
        tpu.vector_store_idx %arg8[%add3A_11, %broadcast_in_dim3A_1826], %add3A_1854 : memref<64x129xf32, #tpu.memory_space<vmem>>[vector<16xi32>, vector<16xi32>], vector<16xf32>,
        tpu.vector_store_idx %arg8[%add3A_14, %broadcast_in_dim3A_1826], %add3A_1858 : memref<64x129xf32, #tpu.memory_space<vmem>>[vector<16xi32>, vector<16xi32>], vector<16xf32>,
        %mul3A_1859 = arith.constant 128 : i32
        %mul3A_1860 = arith.muli %scan3A_132, %mul3A_1859 : i32
        %add3A_1861 = arith.constant 74 : i32
        %add3A_1862 = arith.addi %mul3A_1860, %add3A_1861 : i32
        %mul3A_1863 = arith.constant 128 : i32
        %mul3A_1864 = arith.muli %scan3A_132, %mul3A_1863 : i32
        %add3A_1865 = arith.constant 74 : i32
        %add3A_1866 = arith.addi %mul3A_1864, %add3A_1865 : i32
        %add3A_1867 = arith.constant 1 : i32
        %add3A_1868 = arith.addi %add3A_1866, %add3A_1867 : i32
        %broadcast_in_dim3A_1869 = arith.constant 74 : i32
        %broadcast_in_dim3A_1870 = vector.broadcast %broadcast_in_dim3A_1869 : i32 to vector<16xi32>
        %broadcast_in_dim3A_1871 = arith.constant 75 : i32
        %broadcast_in_dim3A_1872 = vector.broadcast %broadcast_in_dim3A_1871 : i32 to vector<16xi32>
        %get3A_1873 = arith.index_cast %add3A_1862 : i32 to index
        %get3A_1874 = arith.constant 0 : index
        %get3A_1875 = tpu.vector_load %arg7[%get3A_1873, %get3A_1874] {strides = array<i32>} : memref<1024x64xf32, #tpu.memory_space<vmem>>, vector<16xf32>,
        %add3A_1876 = arith.addf %get3A_1875, %get3A_148 : vector<16xf32>
        %get3A_1877 = arith.index_cast %add3A_1862 : i32 to index
        %get3A_1878 = arith.constant 16 : index
        %get3A_1879 = tpu.vector_load %arg7[%get3A_1877, %get3A_1878] {strides = array<i32>} : memref<1024x64xf32, #tpu.memory_space<vmem>>, vector<16xf32>,
        %add3A_1880 = arith.addf %get3A_1879, %get3A_151 : vector<16xf32>
        %get3A_1881 = arith.index_cast %add3A_1862 : i32 to index
        %get3A_1882 = arith.constant 32 : index
        %get3A_1883 = tpu.vector_load %arg7[%get3A_1881, %get3A_1882] {strides = array<i32>} : memref<1024x64xf32, #tpu.memory_space<vmem>>, vector<16xf32>,
        %add3A_1884 = arith.addf %get3A_1883, %get3A_154 : vector<16xf32>
        %get3A_1885 = arith.index_cast %add3A_1862 : i32 to index
        %get3A_1886 = arith.constant 48 : index
        %get3A_1887 = tpu.vector_load %arg7[%get3A_1885, %get3A_1886] {strides = array<i32>} : memref<1024x64xf32, #tpu.memory_space<vmem>>, vector<16xf32>,
        %add3A_1888 = arith.addf %get3A_1887, %get3A_157 : vector<16xf32>
        %get3A_1889 = arith.index_cast %add3A_1868 : i32 to index
        %get3A_1890 = arith.constant 0 : index
        %get3A_1891 = tpu.vector_load %arg7[%get3A_1889, %get3A_1890] {strides = array<i32>} : memref<1024x64xf32, #tpu.memory_space<vmem>>, vector<16xf32>,
        %add3A_1892 = arith.addf %get3A_1891, %get3A_148 : vector<16xf32>
        %get3A_1893 = arith.index_cast %add3A_1868 : i32 to index
        %get3A_1894 = arith.constant 16 : index
        %get3A_1895 = tpu.vector_load %arg7[%get3A_1893, %get3A_1894] {strides = array<i32>} : memref<1024x64xf32, #tpu.memory_space<vmem>>, vector<16xf32>,
        %add3A_1896 = arith.addf %get3A_1895, %get3A_151 : vector<16xf32>
        %get3A_1897 = arith.index_cast %add3A_1868 : i32 to index
        %get3A_1898 = arith.constant 32 : index
        %get3A_1899 = tpu.vector_load %arg7[%get3A_1897, %get3A_1898] {strides = array<i32>} : memref<1024x64xf32, #tpu.memory_space<vmem>>, vector<16xf32>,
        %add3A_1900 = arith.addf %get3A_1899, %get3A_154 : vector<16xf32>
        %get3A_1901 = arith.index_cast %add3A_1868 : i32 to index
        %get3A_1902 = arith.constant 48 : index
        %get3A_1903 = tpu.vector_load %arg7[%get3A_1901, %get3A_1902] {strides = array<i32>} : memref<1024x64xf32, #tpu.memory_space<vmem>>, vector<16xf32>,
        %add3A_1904 = arith.addf %get3A_1903, %get3A_157 : vector<16xf32>
        tpu.vector_store_idx %arg8[%add3A_5, %broadcast_in_dim3A_1870], %add3A_1876 : memref<64x129xf32, #tpu.memory_space<vmem>>[vector<16xi32>, vector<16xi32>], vector<16xf32>,
        tpu.vector_store_idx %arg8[%add3A_8, %broadcast_in_dim3A_1870], %add3A_1880 : memref<64x129xf32, #tpu.memory_space<vmem>>[vector<16xi32>, vector<16xi32>], vector<16xf32>,
        tpu.vector_store_idx %arg8[%add3A_11, %broadcast_in_dim3A_1870], %add3A_1884 : memref<64x129xf32, #tpu.memory_space<vmem>>[vector<16xi32>, vector<16xi32>], vector<16xf32>,
        tpu.vector_store_idx %arg8[%add3A_14, %broadcast_in_dim3A_1870], %add3A_1888 : memref<64x129xf32, #tpu.memory_space<vmem>>[vector<16xi32>, vector<16xi32>], vector<16xf32>,
        tpu.vector_store_idx %arg8[%add3A_5, %broadcast_in_dim3A_1872], %add3A_1892 : memref<64x129xf32, #tpu.memory_space<vmem>>[vector<16xi32>, vector<16xi32>], vector<16xf32>,
        tpu.vector_store_idx %arg8[%add3A_8, %broadcast_in_dim3A_1872], %add3A_1896 : memref<64x129xf32, #tpu.memory_space<vmem>>[vector<16xi32>, vector<16xi32>], vector<16xf32>,
        tpu.vector_store_idx %arg8[%add3A_11, %broadcast_in_dim3A_1872], %add3A_1900 : memref<64x129xf32, #tpu.memory_space<vmem>>[vector<16xi32>, vector<16xi32>], vector<16xf32>,
        tpu.vector_store_idx %arg8[%add3A_14, %broadcast_in_dim3A_1872], %add3A_1904 : memref<64x129xf32, #tpu.memory_space<vmem>>[vector<16xi32>, vector<16xi32>], vector<16xf32>,
        %mul3A_1905 = arith.constant 128 : i32
        %mul3A_1906 = arith.muli %scan3A_132, %mul3A_1905 : i32
        %add3A_1907 = arith.constant 76 : i32
        %add3A_1908 = arith.addi %mul3A_1906, %add3A_1907 : i32
        %mul3A_1909 = arith.constant 128 : i32
        %mul3A_1910 = arith.muli %scan3A_132, %mul3A_1909 : i32
        %add3A_1911 = arith.constant 76 : i32
        %add3A_1912 = arith.addi %mul3A_1910, %add3A_1911 : i32
        %add3A_1913 = arith.constant 1 : i32
        %add3A_1914 = arith.addi %add3A_1912, %add3A_1913 : i32
        %broadcast_in_dim3A_1915 = arith.constant 76 : i32
        %broadcast_in_dim3A_1916 = vector.broadcast %broadcast_in_dim3A_1915 : i32 to vector<16xi32>
        %broadcast_in_dim3A_1917 = arith.constant 77 : i32
        %broadcast_in_dim3A_1918 = vector.broadcast %broadcast_in_dim3A_1917 : i32 to vector<16xi32>
        %get3A_1919 = arith.index_cast %add3A_1908 : i32 to index
        %get3A_1920 = arith.constant 0 : index
        %get3A_1921 = tpu.vector_load %arg7[%get3A_1919, %get3A_1920] {strides = array<i32>} : memref<1024x64xf32, #tpu.memory_space<vmem>>, vector<16xf32>,
        %add3A_1922 = arith.addf %get3A_1921, %get3A_148 : vector<16xf32>
        %get3A_1923 = arith.index_cast %add3A_1908 : i32 to index
        %get3A_1924 = arith.constant 16 : index
        %get3A_1925 = tpu.vector_load %arg7[%get3A_1923, %get3A_1924] {strides = array<i32>} : memref<1024x64xf32, #tpu.memory_space<vmem>>, vector<16xf32>,
        %add3A_1926 = arith.addf %get3A_1925, %get3A_151 : vector<16xf32>
        %get3A_1927 = arith.index_cast %add3A_1908 : i32 to index
        %get3A_1928 = arith.constant 32 : index
        %get3A_1929 = tpu.vector_load %arg7[%get3A_1927, %get3A_1928] {strides = array<i32>} : memref<1024x64xf32, #tpu.memory_space<vmem>>, vector<16xf32>,
        %add3A_1930 = arith.addf %get3A_1929, %get3A_154 : vector<16xf32>
        %get3A_1931 = arith.index_cast %add3A_1908 : i32 to index
        %get3A_1932 = arith.constant 48 : index
        %get3A_1933 = tpu.vector_load %arg7[%get3A_1931, %get3A_1932] {strides = array<i32>} : memref<1024x64xf32, #tpu.memory_space<vmem>>, vector<16xf32>,
        %add3A_1934 = arith.addf %get3A_1933, %get3A_157 : vector<16xf32>
        %get3A_1935 = arith.index_cast %add3A_1914 : i32 to index
        %get3A_1936 = arith.constant 0 : index
        %get3A_1937 = tpu.vector_load %arg7[%get3A_1935, %get3A_1936] {strides = array<i32>} : memref<1024x64xf32, #tpu.memory_space<vmem>>, vector<16xf32>,
        %add3A_1938 = arith.addf %get3A_1937, %get3A_148 : vector<16xf32>
        %get3A_1939 = arith.index_cast %add3A_1914 : i32 to index
        %get3A_1940 = arith.constant 16 : index
        %get3A_1941 = tpu.vector_load %arg7[%get3A_1939, %get3A_1940] {strides = array<i32>} : memref<1024x64xf32, #tpu.memory_space<vmem>>, vector<16xf32>,
        %add3A_1942 = arith.addf %get3A_1941, %get3A_151 : vector<16xf32>
        %get3A_1943 = arith.index_cast %add3A_1914 : i32 to index
        %get3A_1944 = arith.constant 32 : index
        %get3A_1945 = tpu.vector_load %arg7[%get3A_1943, %get3A_1944] {strides = array<i32>} : memref<1024x64xf32, #tpu.memory_space<vmem>>, vector<16xf32>,
        %add3A_1946 = arith.addf %get3A_1945, %get3A_154 : vector<16xf32>
        %get3A_1947 = arith.index_cast %add3A_1914 : i32 to index
        %get3A_1948 = arith.constant 48 : index
        %get3A_1949 = tpu.vector_load %arg7[%get3A_1947, %get3A_1948] {strides = array<i32>} : memref<1024x64xf32, #tpu.memory_space<vmem>>, vector<16xf32>,
        %add3A_1950 = arith.addf %get3A_1949, %get3A_157 : vector<16xf32>
        tpu.vector_store_idx %arg8[%add3A_5, %broadcast_in_dim3A_1916], %add3A_1922 : memref<64x129xf32, #tpu.memory_space<vmem>>[vector<16xi32>, vector<16xi32>], vector<16xf32>,
        tpu.vector_store_idx %arg8[%add3A_8, %broadcast_in_dim3A_1916], %add3A_1926 : memref<64x129xf32, #tpu.memory_space<vmem>>[vector<16xi32>, vector<16xi32>], vector<16xf32>,
        tpu.vector_store_idx %arg8[%add3A_11, %broadcast_in_dim3A_1916], %add3A_1930 : memref<64x129xf32, #tpu.memory_space<vmem>>[vector<16xi32>, vector<16xi32>], vector<16xf32>,
        tpu.vector_store_idx %arg8[%add3A_14, %broadcast_in_dim3A_1916], %add3A_1934 : memref<64x129xf32, #tpu.memory_space<vmem>>[vector<16xi32>, vector<16xi32>], vector<16xf32>,
        tpu.vector_store_idx %arg8[%add3A_5, %broadcast_in_dim3A_1918], %add3A_1938 : memref<64x129xf32, #tpu.memory_space<vmem>>[vector<16xi32>, vector<16xi32>], vector<16xf32>,
        tpu.vector_store_idx %arg8[%add3A_8, %broadcast_in_dim3A_1918], %add3A_1942 : memref<64x129xf32, #tpu.memory_space<vmem>>[vector<16xi32>, vector<16xi32>], vector<16xf32>,
        tpu.vector_store_idx %arg8[%add3A_11, %broadcast_in_dim3A_1918], %add3A_1946 : memref<64x129xf32, #tpu.memory_space<vmem>>[vector<16xi32>, vector<16xi32>], vector<16xf32>,
        tpu.vector_store_idx %arg8[%add3A_14, %broadcast_in_dim3A_1918], %add3A_1950 : memref<64x129xf32, #tpu.memory_space<vmem>>[vector<16xi32>, vector<16xi32>], vector<16xf32>,
        %mul3A_1951 = arith.constant 128 : i32
        %mul3A_1952 = arith.muli %scan3A_132, %mul3A_1951 : i32
        %add3A_1953 = arith.constant 78 : i32
        %add3A_1954 = arith.addi %mul3A_1952, %add3A_1953 : i32
        %mul3A_1955 = arith.constant 128 : i32
        %mul3A_1956 = arith.muli %scan3A_132, %mul3A_1955 : i32
        %add3A_1957 = arith.constant 78 : i32
        %add3A_1958 = arith.addi %mul3A_1956, %add3A_1957 : i32
        %add3A_1959 = arith.constant 1 : i32
        %add3A_1960 = arith.addi %add3A_1958, %add3A_1959 : i32
        %broadcast_in_dim3A_1961 = arith.constant 78 : i32
        %broadcast_in_dim3A_1962 = vector.broadcast %broadcast_in_dim3A_1961 : i32 to vector<16xi32>
        %broadcast_in_dim3A_1963 = arith.constant 79 : i32
        %broadcast_in_dim3A_1964 = vector.broadcast %broadcast_in_dim3A_1963 : i32 to vector<16xi32>
        %get3A_1965 = arith.index_cast %add3A_1954 : i32 to index
        %get3A_1966 = arith.constant 0 : index
        %get3A_1967 = tpu.vector_load %arg7[%get3A_1965, %get3A_1966] {strides = array<i32>} : memref<1024x64xf32, #tpu.memory_space<vmem>>, vector<16xf32>,
        %add3A_1968 = arith.addf %get3A_1967, %get3A_148 : vector<16xf32>
        %get3A_1969 = arith.index_cast %add3A_1954 : i32 to index
        %get3A_1970 = arith.constant 16 : index
        %get3A_1971 = tpu.vector_load %arg7[%get3A_1969, %get3A_1970] {strides = array<i32>} : memref<1024x64xf32, #tpu.memory_space<vmem>>, vector<16xf32>,
        %add3A_1972 = arith.addf %get3A_1971, %get3A_151 : vector<16xf32>
        %get3A_1973 = arith.index_cast %add3A_1954 : i32 to index
        %get3A_1974 = arith.constant 32 : index
        %get3A_1975 = tpu.vector_load %arg7[%get3A_1973, %get3A_1974] {strides = array<i32>} : memref<1024x64xf32, #tpu.memory_space<vmem>>, vector<16xf32>,
        %add3A_1976 = arith.addf %get3A_1975, %get3A_154 : vector<16xf32>
        %get3A_1977 = arith.index_cast %add3A_1954 : i32 to index
        %get3A_1978 = arith.constant 48 : index
        %get3A_1979 = tpu.vector_load %arg7[%get3A_1977, %get3A_1978] {strides = array<i32>} : memref<1024x64xf32, #tpu.memory_space<vmem>>, vector<16xf32>,
        %add3A_1980 = arith.addf %get3A_1979, %get3A_157 : vector<16xf32>
        %get3A_1981 = arith.index_cast %add3A_1960 : i32 to index
        %get3A_1982 = arith.constant 0 : index
        %get3A_1983 = tpu.vector_load %arg7[%get3A_1981, %get3A_1982] {strides = array<i32>} : memref<1024x64xf32, #tpu.memory_space<vmem>>, vector<16xf32>,
        %add3A_1984 = arith.addf %get3A_1983, %get3A_148 : vector<16xf32>
        %get3A_1985 = arith.index_cast %add3A_1960 : i32 to index
        %get3A_1986 = arith.constant 16 : index
        %get3A_1987 = tpu.vector_load %arg7[%get3A_1985, %get3A_1986] {strides = array<i32>} : memref<1024x64xf32, #tpu.memory_space<vmem>>, vector<16xf32>,
        %add3A_1988 = arith.addf %get3A_1987, %get3A_151 : vector<16xf32>
        %get3A_1989 = arith.index_cast %add3A_1960 : i32 to index
        %get3A_1990 = arith.constant 32 : index
        %get3A_1991 = tpu.vector_load %arg7[%get3A_1989, %get3A_1990] {strides = array<i32>} : memref<1024x64xf32, #tpu.memory_space<vmem>>, vector<16xf32>,
        %add3A_1992 = arith.addf %get3A_1991, %get3A_154 : vector<16xf32>
        %get3A_1993 = arith.index_cast %add3A_1960 : i32 to index
        %get3A_1994 = arith.constant 48 : index
        %get3A_1995 = tpu.vector_load %arg7[%get3A_1993, %get3A_1994] {strides = array<i32>} : memref<1024x64xf32, #tpu.memory_space<vmem>>, vector<16xf32>,
        %add3A_1996 = arith.addf %get3A_1995, %get3A_157 : vector<16xf32>
        tpu.vector_store_idx %arg8[%add3A_5, %broadcast_in_dim3A_1962], %add3A_1968 : memref<64x129xf32, #tpu.memory_space<vmem>>[vector<16xi32>, vector<16xi32>], vector<16xf32>,
        tpu.vector_store_idx %arg8[%add3A_8, %broadcast_in_dim3A_1962], %add3A_1972 : memref<64x129xf32, #tpu.memory_space<vmem>>[vector<16xi32>, vector<16xi32>], vector<16xf32>,
        tpu.vector_store_idx %arg8[%add3A_11, %broadcast_in_dim3A_1962], %add3A_1976 : memref<64x129xf32, #tpu.memory_space<vmem>>[vector<16xi32>, vector<16xi32>], vector<16xf32>,
        tpu.vector_store_idx %arg8[%add3A_14, %broadcast_in_dim3A_1962], %add3A_1980 : memref<64x129xf32, #tpu.memory_space<vmem>>[vector<16xi32>, vector<16xi32>], vector<16xf32>,
        tpu.vector_store_idx %arg8[%add3A_5, %broadcast_in_dim3A_1964], %add3A_1984 : memref<64x129xf32, #tpu.memory_space<vmem>>[vector<16xi32>, vector<16xi32>], vector<16xf32>,
        tpu.vector_store_idx %arg8[%add3A_8, %broadcast_in_dim3A_1964], %add3A_1988 : memref<64x129xf32, #tpu.memory_space<vmem>>[vector<16xi32>, vector<16xi32>], vector<16xf32>,
        tpu.vector_store_idx %arg8[%add3A_11, %broadcast_in_dim3A_1964], %add3A_1992 : memref<64x129xf32, #tpu.memory_space<vmem>>[vector<16xi32>, vector<16xi32>], vector<16xf32>,
        tpu.vector_store_idx %arg8[%add3A_14, %broadcast_in_dim3A_1964], %add3A_1996 : memref<64x129xf32, #tpu.memory_space<vmem>>[vector<16xi32>, vector<16xi32>], vector<16xf32>,
        %mul3A_1997 = arith.constant 128 : i32
        %mul3A_1998 = arith.muli %scan3A_132, %mul3A_1997 : i32
        %add3A_1999 = arith.constant 80 : i32
        %add3A_2000 = arith.addi %mul3A_1998, %add3A_1999 : i32
        %mul3A_2001 = arith.constant 128 : i32
        %mul3A_2002 = arith.muli %scan3A_132, %mul3A_2001 : i32
        %add3A_2003 = arith.constant 80 : i32
        %add3A_2004 = arith.addi %mul3A_2002, %add3A_2003 : i32
        %add3A_2005 = arith.constant 1 : i32
        %add3A_2006 = arith.addi %add3A_2004, %add3A_2005 : i32
        %broadcast_in_dim3A_2007 = arith.constant 80 : i32
        %broadcast_in_dim3A_2008 = vector.broadcast %broadcast_in_dim3A_2007 : i32 to vector<16xi32>
        %broadcast_in_dim3A_2009 = arith.constant 81 : i32
        %broadcast_in_dim3A_2010 = vector.broadcast %broadcast_in_dim3A_2009 : i32 to vector<16xi32>
        %get3A_2011 = arith.index_cast %add3A_2000 : i32 to index
        %get3A_2012 = arith.constant 0 : index
        %get3A_2013 = tpu.vector_load %arg7[%get3A_2011, %get3A_2012] {strides = array<i32>} : memref<1024x64xf32, #tpu.memory_space<vmem>>, vector<16xf32>,
        %add3A_2014 = arith.addf %get3A_2013, %get3A_148 : vector<16xf32>
        %get3A_2015 = arith.index_cast %add3A_2000 : i32 to index
        %get3A_2016 = arith.constant 16 : index
        %get3A_2017 = tpu.vector_load %arg7[%get3A_2015, %get3A_2016] {strides = array<i32>} : memref<1024x64xf32, #tpu.memory_space<vmem>>, vector<16xf32>,
        %add3A_2018 = arith.addf %get3A_2017, %get3A_151 : vector<16xf32>
        %get3A_2019 = arith.index_cast %add3A_2000 : i32 to index
        %get3A_2020 = arith.constant 32 : index
        %get3A_2021 = tpu.vector_load %arg7[%get3A_2019, %get3A_2020] {strides = array<i32>} : memref<1024x64xf32, #tpu.memory_space<vmem>>, vector<16xf32>,
        %add3A_2022 = arith.addf %get3A_2021, %get3A_154 : vector<16xf32>
        %get3A_2023 = arith.index_cast %add3A_2000 : i32 to index
        %get3A_2024 = arith.constant 48 : index
        %get3A_2025 = tpu.vector_load %arg7[%get3A_2023, %get3A_2024] {strides = array<i32>} : memref<1024x64xf32, #tpu.memory_space<vmem>>, vector<16xf32>,
        %add3A_2026 = arith.addf %get3A_2025, %get3A_157 : vector<16xf32>
        %get3A_2027 = arith.index_cast %add3A_2006 : i32 to index
        %get3A_2028 = arith.constant 0 : index
        %get3A_2029 = tpu.vector_load %arg7[%get3A_2027, %get3A_2028] {strides = array<i32>} : memref<1024x64xf32, #tpu.memory_space<vmem>>, vector<16xf32>,
        %add3A_2030 = arith.addf %get3A_2029, %get3A_148 : vector<16xf32>
        %get3A_2031 = arith.index_cast %add3A_2006 : i32 to index
        %get3A_2032 = arith.constant 16 : index
        %get3A_2033 = tpu.vector_load %arg7[%get3A_2031, %get3A_2032] {strides = array<i32>} : memref<1024x64xf32, #tpu.memory_space<vmem>>, vector<16xf32>,
        %add3A_2034 = arith.addf %get3A_2033, %get3A_151 : vector<16xf32>
        %get3A_2035 = arith.index_cast %add3A_2006 : i32 to index
        %get3A_2036 = arith.constant 32 : index
        %get3A_2037 = tpu.vector_load %arg7[%get3A_2035, %get3A_2036] {strides = array<i32>} : memref<1024x64xf32, #tpu.memory_space<vmem>>, vector<16xf32>,
        %add3A_2038 = arith.addf %get3A_2037, %get3A_154 : vector<16xf32>
        %get3A_2039 = arith.index_cast %add3A_2006 : i32 to index
        %get3A_2040 = arith.constant 48 : index
        %get3A_2041 = tpu.vector_load %arg7[%get3A_2039, %get3A_2040] {strides = array<i32>} : memref<1024x64xf32, #tpu.memory_space<vmem>>, vector<16xf32>,
        %add3A_2042 = arith.addf %get3A_2041, %get3A_157 : vector<16xf32>
        tpu.vector_store_idx %arg8[%add3A_5, %broadcast_in_dim3A_2008], %add3A_2014 : memref<64x129xf32, #tpu.memory_space<vmem>>[vector<16xi32>, vector<16xi32>], vector<16xf32>,
        tpu.vector_store_idx %arg8[%add3A_8, %broadcast_in_dim3A_2008], %add3A_2018 : memref<64x129xf32, #tpu.memory_space<vmem>>[vector<16xi32>, vector<16xi32>], vector<16xf32>,
        tpu.vector_store_idx %arg8[%add3A_11, %broadcast_in_dim3A_2008], %add3A_2022 : memref<64x129xf32, #tpu.memory_space<vmem>>[vector<16xi32>, vector<16xi32>], vector<16xf32>,
        tpu.vector_store_idx %arg8[%add3A_14, %broadcast_in_dim3A_2008], %add3A_2026 : memref<64x129xf32, #tpu.memory_space<vmem>>[vector<16xi32>, vector<16xi32>], vector<16xf32>,
        tpu.vector_store_idx %arg8[%add3A_5, %broadcast_in_dim3A_2010], %add3A_2030 : memref<64x129xf32, #tpu.memory_space<vmem>>[vector<16xi32>, vector<16xi32>], vector<16xf32>,
        tpu.vector_store_idx %arg8[%add3A_8, %broadcast_in_dim3A_2010], %add3A_2034 : memref<64x129xf32, #tpu.memory_space<vmem>>[vector<16xi32>, vector<16xi32>], vector<16xf32>,
        tpu.vector_store_idx %arg8[%add3A_11, %broadcast_in_dim3A_2010], %add3A_2038 : memref<64x129xf32, #tpu.memory_space<vmem>>[vector<16xi32>, vector<16xi32>], vector<16xf32>,
        tpu.vector_store_idx %arg8[%add3A_14, %broadcast_in_dim3A_2010], %add3A_2042 : memref<64x129xf32, #tpu.memory_space<vmem>>[vector<16xi32>, vector<16xi32>], vector<16xf32>,
        %mul3A_2043 = arith.constant 128 : i32
        %mul3A_2044 = arith.muli %scan3A_132, %mul3A_2043 : i32
        %add3A_2045 = arith.constant 82 : i32
        %add3A_2046 = arith.addi %mul3A_2044, %add3A_2045 : i32
        %mul3A_2047 = arith.constant 128 : i32
        %mul3A_2048 = arith.muli %scan3A_132, %mul3A_2047 : i32
        %add3A_2049 = arith.constant 82 : i32
        %add3A_2050 = arith.addi %mul3A_2048, %add3A_2049 : i32
        %add3A_2051 = arith.constant 1 : i32
        %add3A_2052 = arith.addi %add3A_2050, %add3A_2051 : i32
        %broadcast_in_dim3A_2053 = arith.constant 82 : i32
        %broadcast_in_dim3A_2054 = vector.broadcast %broadcast_in_dim3A_2053 : i32 to vector<16xi32>
        %broadcast_in_dim3A_2055 = arith.constant 83 : i32
        %broadcast_in_dim3A_2056 = vector.broadcast %broadcast_in_dim3A_2055 : i32 to vector<16xi32>
        %get3A_2057 = arith.index_cast %add3A_2046 : i32 to index
        %get3A_2058 = arith.constant 0 : index
        %get3A_2059 = tpu.vector_load %arg7[%get3A_2057, %get3A_2058] {strides = array<i32>} : memref<1024x64xf32, #tpu.memory_space<vmem>>, vector<16xf32>,
        %add3A_2060 = arith.addf %get3A_2059, %get3A_148 : vector<16xf32>
        %get3A_2061 = arith.index_cast %add3A_2046 : i32 to index
        %get3A_2062 = arith.constant 16 : index
        %get3A_2063 = tpu.vector_load %arg7[%get3A_2061, %get3A_2062] {strides = array<i32>} : memref<1024x64xf32, #tpu.memory_space<vmem>>, vector<16xf32>,
        %add3A_2064 = arith.addf %get3A_2063, %get3A_151 : vector<16xf32>
        %get3A_2065 = arith.index_cast %add3A_2046 : i32 to index
        %get3A_2066 = arith.constant 32 : index
        %get3A_2067 = tpu.vector_load %arg7[%get3A_2065, %get3A_2066] {strides = array<i32>} : memref<1024x64xf32, #tpu.memory_space<vmem>>, vector<16xf32>,
        %add3A_2068 = arith.addf %get3A_2067, %get3A_154 : vector<16xf32>
        %get3A_2069 = arith.index_cast %add3A_2046 : i32 to index
        %get3A_2070 = arith.constant 48 : index
        %get3A_2071 = tpu.vector_load %arg7[%get3A_2069, %get3A_2070] {strides = array<i32>} : memref<1024x64xf32, #tpu.memory_space<vmem>>, vector<16xf32>,
        %add3A_2072 = arith.addf %get3A_2071, %get3A_157 : vector<16xf32>
        %get3A_2073 = arith.index_cast %add3A_2052 : i32 to index
        %get3A_2074 = arith.constant 0 : index
        %get3A_2075 = tpu.vector_load %arg7[%get3A_2073, %get3A_2074] {strides = array<i32>} : memref<1024x64xf32, #tpu.memory_space<vmem>>, vector<16xf32>,
        %add3A_2076 = arith.addf %get3A_2075, %get3A_148 : vector<16xf32>
        %get3A_2077 = arith.index_cast %add3A_2052 : i32 to index
        %get3A_2078 = arith.constant 16 : index
        %get3A_2079 = tpu.vector_load %arg7[%get3A_2077, %get3A_2078] {strides = array<i32>} : memref<1024x64xf32, #tpu.memory_space<vmem>>, vector<16xf32>,
        %add3A_2080 = arith.addf %get3A_2079, %get3A_151 : vector<16xf32>
        %get3A_2081 = arith.index_cast %add3A_2052 : i32 to index
        %get3A_2082 = arith.constant 32 : index
        %get3A_2083 = tpu.vector_load %arg7[%get3A_2081, %get3A_2082] {strides = array<i32>} : memref<1024x64xf32, #tpu.memory_space<vmem>>, vector<16xf32>,
        %add3A_2084 = arith.addf %get3A_2083, %get3A_154 : vector<16xf32>
        %get3A_2085 = arith.index_cast %add3A_2052 : i32 to index
        %get3A_2086 = arith.constant 48 : index
        %get3A_2087 = tpu.vector_load %arg7[%get3A_2085, %get3A_2086] {strides = array<i32>} : memref<1024x64xf32, #tpu.memory_space<vmem>>, vector<16xf32>,
        %add3A_2088 = arith.addf %get3A_2087, %get3A_157 : vector<16xf32>
        tpu.vector_store_idx %arg8[%add3A_5, %broadcast_in_dim3A_2054], %add3A_2060 : memref<64x129xf32, #tpu.memory_space<vmem>>[vector<16xi32>, vector<16xi32>], vector<16xf32>,
        tpu.vector_store_idx %arg8[%add3A_8, %broadcast_in_dim3A_2054], %add3A_2064 : memref<64x129xf32, #tpu.memory_space<vmem>>[vector<16xi32>, vector<16xi32>], vector<16xf32>,
        tpu.vector_store_idx %arg8[%add3A_11, %broadcast_in_dim3A_2054], %add3A_2068 : memref<64x129xf32, #tpu.memory_space<vmem>>[vector<16xi32>, vector<16xi32>], vector<16xf32>,
        tpu.vector_store_idx %arg8[%add3A_14, %broadcast_in_dim3A_2054], %add3A_2072 : memref<64x129xf32, #tpu.memory_space<vmem>>[vector<16xi32>, vector<16xi32>], vector<16xf32>,
        tpu.vector_store_idx %arg8[%add3A_5, %broadcast_in_dim3A_2056], %add3A_2076 : memref<64x129xf32, #tpu.memory_space<vmem>>[vector<16xi32>, vector<16xi32>], vector<16xf32>,
        tpu.vector_store_idx %arg8[%add3A_8, %broadcast_in_dim3A_2056], %add3A_2080 : memref<64x129xf32, #tpu.memory_space<vmem>>[vector<16xi32>, vector<16xi32>], vector<16xf32>,
        tpu.vector_store_idx %arg8[%add3A_11, %broadcast_in_dim3A_2056], %add3A_2084 : memref<64x129xf32, #tpu.memory_space<vmem>>[vector<16xi32>, vector<16xi32>], vector<16xf32>,
        tpu.vector_store_idx %arg8[%add3A_14, %broadcast_in_dim3A_2056], %add3A_2088 : memref<64x129xf32, #tpu.memory_space<vmem>>[vector<16xi32>, vector<16xi32>], vector<16xf32>,
        %mul3A_2089 = arith.constant 128 : i32
        %mul3A_2090 = arith.muli %scan3A_132, %mul3A_2089 : i32
        %add3A_2091 = arith.constant 84 : i32
        %add3A_2092 = arith.addi %mul3A_2090, %add3A_2091 : i32
        %mul3A_2093 = arith.constant 128 : i32
        %mul3A_2094 = arith.muli %scan3A_132, %mul3A_2093 : i32
        %add3A_2095 = arith.constant 84 : i32
        %add3A_2096 = arith.addi %mul3A_2094, %add3A_2095 : i32
        %add3A_2097 = arith.constant 1 : i32
        %add3A_2098 = arith.addi %add3A_2096, %add3A_2097 : i32
        %broadcast_in_dim3A_2099 = arith.constant 84 : i32
        %broadcast_in_dim3A_2100 = vector.broadcast %broadcast_in_dim3A_2099 : i32 to vector<16xi32>
        %broadcast_in_dim3A_2101 = arith.constant 85 : i32
        %broadcast_in_dim3A_2102 = vector.broadcast %broadcast_in_dim3A_2101 : i32 to vector<16xi32>
        %get3A_2103 = arith.index_cast %add3A_2092 : i32 to index
        %get3A_2104 = arith.constant 0 : index
        %get3A_2105 = tpu.vector_load %arg7[%get3A_2103, %get3A_2104] {strides = array<i32>} : memref<1024x64xf32, #tpu.memory_space<vmem>>, vector<16xf32>,
        %add3A_2106 = arith.addf %get3A_2105, %get3A_148 : vector<16xf32>
        %get3A_2107 = arith.index_cast %add3A_2092 : i32 to index
        %get3A_2108 = arith.constant 16 : index
        %get3A_2109 = tpu.vector_load %arg7[%get3A_2107, %get3A_2108] {strides = array<i32>} : memref<1024x64xf32, #tpu.memory_space<vmem>>, vector<16xf32>,
        %add3A_2110 = arith.addf %get3A_2109, %get3A_151 : vector<16xf32>
        %get3A_2111 = arith.index_cast %add3A_2092 : i32 to index
        %get3A_2112 = arith.constant 32 : index
        %get3A_2113 = tpu.vector_load %arg7[%get3A_2111, %get3A_2112] {strides = array<i32>} : memref<1024x64xf32, #tpu.memory_space<vmem>>, vector<16xf32>,
        %add3A_2114 = arith.addf %get3A_2113, %get3A_154 : vector<16xf32>
        %get3A_2115 = arith.index_cast %add3A_2092 : i32 to index
        %get3A_2116 = arith.constant 48 : index
        %get3A_2117 = tpu.vector_load %arg7[%get3A_2115, %get3A_2116] {strides = array<i32>} : memref<1024x64xf32, #tpu.memory_space<vmem>>, vector<16xf32>,
        %add3A_2118 = arith.addf %get3A_2117, %get3A_157 : vector<16xf32>
        %get3A_2119 = arith.index_cast %add3A_2098 : i32 to index
        %get3A_2120 = arith.constant 0 : index
        %get3A_2121 = tpu.vector_load %arg7[%get3A_2119, %get3A_2120] {strides = array<i32>} : memref<1024x64xf32, #tpu.memory_space<vmem>>, vector<16xf32>,
        %add3A_2122 = arith.addf %get3A_2121, %get3A_148 : vector<16xf32>
        %get3A_2123 = arith.index_cast %add3A_2098 : i32 to index
        %get3A_2124 = arith.constant 16 : index
        %get3A_2125 = tpu.vector_load %arg7[%get3A_2123, %get3A_2124] {strides = array<i32>} : memref<1024x64xf32, #tpu.memory_space<vmem>>, vector<16xf32>,
        %add3A_2126 = arith.addf %get3A_2125, %get3A_151 : vector<16xf32>
        %get3A_2127 = arith.index_cast %add3A_2098 : i32 to index
        %get3A_2128 = arith.constant 32 : index
        %get3A_2129 = tpu.vector_load %arg7[%get3A_2127, %get3A_2128] {strides = array<i32>} : memref<1024x64xf32, #tpu.memory_space<vmem>>, vector<16xf32>,
        %add3A_2130 = arith.addf %get3A_2129, %get3A_154 : vector<16xf32>
        %get3A_2131 = arith.index_cast %add3A_2098 : i32 to index
        %get3A_2132 = arith.constant 48 : index
        %get3A_2133 = tpu.vector_load %arg7[%get3A_2131, %get3A_2132] {strides = array<i32>} : memref<1024x64xf32, #tpu.memory_space<vmem>>, vector<16xf32>,
        %add3A_2134 = arith.addf %get3A_2133, %get3A_157 : vector<16xf32>
        tpu.vector_store_idx %arg8[%add3A_5, %broadcast_in_dim3A_2100], %add3A_2106 : memref<64x129xf32, #tpu.memory_space<vmem>>[vector<16xi32>, vector<16xi32>], vector<16xf32>,
        tpu.vector_store_idx %arg8[%add3A_8, %broadcast_in_dim3A_2100], %add3A_2110 : memref<64x129xf32, #tpu.memory_space<vmem>>[vector<16xi32>, vector<16xi32>], vector<16xf32>,
        tpu.vector_store_idx %arg8[%add3A_11, %broadcast_in_dim3A_2100], %add3A_2114 : memref<64x129xf32, #tpu.memory_space<vmem>>[vector<16xi32>, vector<16xi32>], vector<16xf32>,
        tpu.vector_store_idx %arg8[%add3A_14, %broadcast_in_dim3A_2100], %add3A_2118 : memref<64x129xf32, #tpu.memory_space<vmem>>[vector<16xi32>, vector<16xi32>], vector<16xf32>,
        tpu.vector_store_idx %arg8[%add3A_5, %broadcast_in_dim3A_2102], %add3A_2122 : memref<64x129xf32, #tpu.memory_space<vmem>>[vector<16xi32>, vector<16xi32>], vector<16xf32>,
        tpu.vector_store_idx %arg8[%add3A_8, %broadcast_in_dim3A_2102], %add3A_2126 : memref<64x129xf32, #tpu.memory_space<vmem>>[vector<16xi32>, vector<16xi32>], vector<16xf32>,
        tpu.vector_store_idx %arg8[%add3A_11, %broadcast_in_dim3A_2102], %add3A_2130 : memref<64x129xf32, #tpu.memory_space<vmem>>[vector<16xi32>, vector<16xi32>], vector<16xf32>,
        tpu.vector_store_idx %arg8[%add3A_14, %broadcast_in_dim3A_2102], %add3A_2134 : memref<64x129xf32, #tpu.memory_space<vmem>>[vector<16xi32>, vector<16xi32>], vector<16xf32>,
        %mul3A_2135 = arith.constant 128 : i32
        %mul3A_2136 = arith.muli %scan3A_132, %mul3A_2135 : i32
        %add3A_2137 = arith.constant 86 : i32
        %add3A_2138 = arith.addi %mul3A_2136, %add3A_2137 : i32
        %mul3A_2139 = arith.constant 128 : i32
        %mul3A_2140 = arith.muli %scan3A_132, %mul3A_2139 : i32
        %add3A_2141 = arith.constant 86 : i32
        %add3A_2142 = arith.addi %mul3A_2140, %add3A_2141 : i32
        %add3A_2143 = arith.constant 1 : i32
        %add3A_2144 = arith.addi %add3A_2142, %add3A_2143 : i32
        %broadcast_in_dim3A_2145 = arith.constant 86 : i32
        %broadcast_in_dim3A_2146 = vector.broadcast %broadcast_in_dim3A_2145 : i32 to vector<16xi32>
        %broadcast_in_dim3A_2147 = arith.constant 87 : i32
        %broadcast_in_dim3A_2148 = vector.broadcast %broadcast_in_dim3A_2147 : i32 to vector<16xi32>
        %get3A_2149 = arith.index_cast %add3A_2138 : i32 to index
        %get3A_2150 = arith.constant 0 : index
        %get3A_2151 = tpu.vector_load %arg7[%get3A_2149, %get3A_2150] {strides = array<i32>} : memref<1024x64xf32, #tpu.memory_space<vmem>>, vector<16xf32>,
        %add3A_2152 = arith.addf %get3A_2151, %get3A_148 : vector<16xf32>
        %get3A_2153 = arith.index_cast %add3A_2138 : i32 to index
        %get3A_2154 = arith.constant 16 : index
        %get3A_2155 = tpu.vector_load %arg7[%get3A_2153, %get3A_2154] {strides = array<i32>} : memref<1024x64xf32, #tpu.memory_space<vmem>>, vector<16xf32>,
        %add3A_2156 = arith.addf %get3A_2155, %get3A_151 : vector<16xf32>
        %get3A_2157 = arith.index_cast %add3A_2138 : i32 to index
        %get3A_2158 = arith.constant 32 : index
        %get3A_2159 = tpu.vector_load %arg7[%get3A_2157, %get3A_2158] {strides = array<i32>} : memref<1024x64xf32, #tpu.memory_space<vmem>>, vector<16xf32>,
        %add3A_2160 = arith.addf %get3A_2159, %get3A_154 : vector<16xf32>
        %get3A_2161 = arith.index_cast %add3A_2138 : i32 to index
        %get3A_2162 = arith.constant 48 : index
        %get3A_2163 = tpu.vector_load %arg7[%get3A_2161, %get3A_2162] {strides = array<i32>} : memref<1024x64xf32, #tpu.memory_space<vmem>>, vector<16xf32>,
        %add3A_2164 = arith.addf %get3A_2163, %get3A_157 : vector<16xf32>
        %get3A_2165 = arith.index_cast %add3A_2144 : i32 to index
        %get3A_2166 = arith.constant 0 : index
        %get3A_2167 = tpu.vector_load %arg7[%get3A_2165, %get3A_2166] {strides = array<i32>} : memref<1024x64xf32, #tpu.memory_space<vmem>>, vector<16xf32>,
        %add3A_2168 = arith.addf %get3A_2167, %get3A_148 : vector<16xf32>
        %get3A_2169 = arith.index_cast %add3A_2144 : i32 to index
        %get3A_2170 = arith.constant 16 : index
        %get3A_2171 = tpu.vector_load %arg7[%get3A_2169, %get3A_2170] {strides = array<i32>} : memref<1024x64xf32, #tpu.memory_space<vmem>>, vector<16xf32>,
        %add3A_2172 = arith.addf %get3A_2171, %get3A_151 : vector<16xf32>
        %get3A_2173 = arith.index_cast %add3A_2144 : i32 to index
        %get3A_2174 = arith.constant 32 : index
        %get3A_2175 = tpu.vector_load %arg7[%get3A_2173, %get3A_2174] {strides = array<i32>} : memref<1024x64xf32, #tpu.memory_space<vmem>>, vector<16xf32>,
        %add3A_2176 = arith.addf %get3A_2175, %get3A_154 : vector<16xf32>
        %get3A_2177 = arith.index_cast %add3A_2144 : i32 to index
        %get3A_2178 = arith.constant 48 : index
        %get3A_2179 = tpu.vector_load %arg7[%get3A_2177, %get3A_2178] {strides = array<i32>} : memref<1024x64xf32, #tpu.memory_space<vmem>>, vector<16xf32>,
        %add3A_2180 = arith.addf %get3A_2179, %get3A_157 : vector<16xf32>
        tpu.vector_store_idx %arg8[%add3A_5, %broadcast_in_dim3A_2146], %add3A_2152 : memref<64x129xf32, #tpu.memory_space<vmem>>[vector<16xi32>, vector<16xi32>], vector<16xf32>,
        tpu.vector_store_idx %arg8[%add3A_8, %broadcast_in_dim3A_2146], %add3A_2156 : memref<64x129xf32, #tpu.memory_space<vmem>>[vector<16xi32>, vector<16xi32>], vector<16xf32>,
        tpu.vector_store_idx %arg8[%add3A_11, %broadcast_in_dim3A_2146], %add3A_2160 : memref<64x129xf32, #tpu.memory_space<vmem>>[vector<16xi32>, vector<16xi32>], vector<16xf32>,
        tpu.vector_store_idx %arg8[%add3A_14, %broadcast_in_dim3A_2146], %add3A_2164 : memref<64x129xf32, #tpu.memory_space<vmem>>[vector<16xi32>, vector<16xi32>], vector<16xf32>,
        tpu.vector_store_idx %arg8[%add3A_5, %broadcast_in_dim3A_2148], %add3A_2168 : memref<64x129xf32, #tpu.memory_space<vmem>>[vector<16xi32>, vector<16xi32>], vector<16xf32>,
        tpu.vector_store_idx %arg8[%add3A_8, %broadcast_in_dim3A_2148], %add3A_2172 : memref<64x129xf32, #tpu.memory_space<vmem>>[vector<16xi32>, vector<16xi32>], vector<16xf32>,
        tpu.vector_store_idx %arg8[%add3A_11, %broadcast_in_dim3A_2148], %add3A_2176 : memref<64x129xf32, #tpu.memory_space<vmem>>[vector<16xi32>, vector<16xi32>], vector<16xf32>,
        tpu.vector_store_idx %arg8[%add3A_14, %broadcast_in_dim3A_2148], %add3A_2180 : memref<64x129xf32, #tpu.memory_space<vmem>>[vector<16xi32>, vector<16xi32>], vector<16xf32>,
        %mul3A_2181 = arith.constant 128 : i32
        %mul3A_2182 = arith.muli %scan3A_132, %mul3A_2181 : i32
        %add3A_2183 = arith.constant 88 : i32
        %add3A_2184 = arith.addi %mul3A_2182, %add3A_2183 : i32
        %mul3A_2185 = arith.constant 128 : i32
        %mul3A_2186 = arith.muli %scan3A_132, %mul3A_2185 : i32
        %add3A_2187 = arith.constant 88 : i32
        %add3A_2188 = arith.addi %mul3A_2186, %add3A_2187 : i32
        %add3A_2189 = arith.constant 1 : i32
        %add3A_2190 = arith.addi %add3A_2188, %add3A_2189 : i32
        %broadcast_in_dim3A_2191 = arith.constant 88 : i32
        %broadcast_in_dim3A_2192 = vector.broadcast %broadcast_in_dim3A_2191 : i32 to vector<16xi32>
        %broadcast_in_dim3A_2193 = arith.constant 89 : i32
        %broadcast_in_dim3A_2194 = vector.broadcast %broadcast_in_dim3A_2193 : i32 to vector<16xi32>
        %get3A_2195 = arith.index_cast %add3A_2184 : i32 to index
        %get3A_2196 = arith.constant 0 : index
        %get3A_2197 = tpu.vector_load %arg7[%get3A_2195, %get3A_2196] {strides = array<i32>} : memref<1024x64xf32, #tpu.memory_space<vmem>>, vector<16xf32>,
        %add3A_2198 = arith.addf %get3A_2197, %get3A_148 : vector<16xf32>
        %get3A_2199 = arith.index_cast %add3A_2184 : i32 to index
        %get3A_2200 = arith.constant 16 : index
        %get3A_2201 = tpu.vector_load %arg7[%get3A_2199, %get3A_2200] {strides = array<i32>} : memref<1024x64xf32, #tpu.memory_space<vmem>>, vector<16xf32>,
        %add3A_2202 = arith.addf %get3A_2201, %get3A_151 : vector<16xf32>
        %get3A_2203 = arith.index_cast %add3A_2184 : i32 to index
        %get3A_2204 = arith.constant 32 : index
        %get3A_2205 = tpu.vector_load %arg7[%get3A_2203, %get3A_2204] {strides = array<i32>} : memref<1024x64xf32, #tpu.memory_space<vmem>>, vector<16xf32>,
        %add3A_2206 = arith.addf %get3A_2205, %get3A_154 : vector<16xf32>
        %get3A_2207 = arith.index_cast %add3A_2184 : i32 to index
        %get3A_2208 = arith.constant 48 : index
        %get3A_2209 = tpu.vector_load %arg7[%get3A_2207, %get3A_2208] {strides = array<i32>} : memref<1024x64xf32, #tpu.memory_space<vmem>>, vector<16xf32>,
        %add3A_2210 = arith.addf %get3A_2209, %get3A_157 : vector<16xf32>
        %get3A_2211 = arith.index_cast %add3A_2190 : i32 to index
        %get3A_2212 = arith.constant 0 : index
        %get3A_2213 = tpu.vector_load %arg7[%get3A_2211, %get3A_2212] {strides = array<i32>} : memref<1024x64xf32, #tpu.memory_space<vmem>>, vector<16xf32>,
        %add3A_2214 = arith.addf %get3A_2213, %get3A_148 : vector<16xf32>
        %get3A_2215 = arith.index_cast %add3A_2190 : i32 to index
        %get3A_2216 = arith.constant 16 : index
        %get3A_2217 = tpu.vector_load %arg7[%get3A_2215, %get3A_2216] {strides = array<i32>} : memref<1024x64xf32, #tpu.memory_space<vmem>>, vector<16xf32>,
        %add3A_2218 = arith.addf %get3A_2217, %get3A_151 : vector<16xf32>
        %get3A_2219 = arith.index_cast %add3A_2190 : i32 to index
        %get3A_2220 = arith.constant 32 : index
        %get3A_2221 = tpu.vector_load %arg7[%get3A_2219, %get3A_2220] {strides = array<i32>} : memref<1024x64xf32, #tpu.memory_space<vmem>>, vector<16xf32>,
        %add3A_2222 = arith.addf %get3A_2221, %get3A_154 : vector<16xf32>
        %get3A_2223 = arith.index_cast %add3A_2190 : i32 to index
        %get3A_2224 = arith.constant 48 : index
        %get3A_2225 = tpu.vector_load %arg7[%get3A_2223, %get3A_2224] {strides = array<i32>} : memref<1024x64xf32, #tpu.memory_space<vmem>>, vector<16xf32>,
        %add3A_2226 = arith.addf %get3A_2225, %get3A_157 : vector<16xf32>
        tpu.vector_store_idx %arg8[%add3A_5, %broadcast_in_dim3A_2192], %add3A_2198 : memref<64x129xf32, #tpu.memory_space<vmem>>[vector<16xi32>, vector<16xi32>], vector<16xf32>,
        tpu.vector_store_idx %arg8[%add3A_8, %broadcast_in_dim3A_2192], %add3A_2202 : memref<64x129xf32, #tpu.memory_space<vmem>>[vector<16xi32>, vector<16xi32>], vector<16xf32>,
        tpu.vector_store_idx %arg8[%add3A_11, %broadcast_in_dim3A_2192], %add3A_2206 : memref<64x129xf32, #tpu.memory_space<vmem>>[vector<16xi32>, vector<16xi32>], vector<16xf32>,
        tpu.vector_store_idx %arg8[%add3A_14, %broadcast_in_dim3A_2192], %add3A_2210 : memref<64x129xf32, #tpu.memory_space<vmem>>[vector<16xi32>, vector<16xi32>], vector<16xf32>,
        tpu.vector_store_idx %arg8[%add3A_5, %broadcast_in_dim3A_2194], %add3A_2214 : memref<64x129xf32, #tpu.memory_space<vmem>>[vector<16xi32>, vector<16xi32>], vector<16xf32>,
        tpu.vector_store_idx %arg8[%add3A_8, %broadcast_in_dim3A_2194], %add3A_2218 : memref<64x129xf32, #tpu.memory_space<vmem>>[vector<16xi32>, vector<16xi32>], vector<16xf32>,
        tpu.vector_store_idx %arg8[%add3A_11, %broadcast_in_dim3A_2194], %add3A_2222 : memref<64x129xf32, #tpu.memory_space<vmem>>[vector<16xi32>, vector<16xi32>], vector<16xf32>,
        tpu.vector_store_idx %arg8[%add3A_14, %broadcast_in_dim3A_2194], %add3A_2226 : memref<64x129xf32, #tpu.memory_space<vmem>>[vector<16xi32>, vector<16xi32>], vector<16xf32>,
        %mul3A_2227 = arith.constant 128 : i32
        %mul3A_2228 = arith.muli %scan3A_132, %mul3A_2227 : i32
        %add3A_2229 = arith.constant 90 : i32
        %add3A_2230 = arith.addi %mul3A_2228, %add3A_2229 : i32
        %mul3A_2231 = arith.constant 128 : i32
        %mul3A_2232 = arith.muli %scan3A_132, %mul3A_2231 : i32
        %add3A_2233 = arith.constant 90 : i32
        %add3A_2234 = arith.addi %mul3A_2232, %add3A_2233 : i32
        %add3A_2235 = arith.constant 1 : i32
        %add3A_2236 = arith.addi %add3A_2234, %add3A_2235 : i32
        %broadcast_in_dim3A_2237 = arith.constant 90 : i32
        %broadcast_in_dim3A_2238 = vector.broadcast %broadcast_in_dim3A_2237 : i32 to vector<16xi32>
        %broadcast_in_dim3A_2239 = arith.constant 91 : i32
        %broadcast_in_dim3A_2240 = vector.broadcast %broadcast_in_dim3A_2239 : i32 to vector<16xi32>
        %get3A_2241 = arith.index_cast %add3A_2230 : i32 to index
        %get3A_2242 = arith.constant 0 : index
        %get3A_2243 = tpu.vector_load %arg7[%get3A_2241, %get3A_2242] {strides = array<i32>} : memref<1024x64xf32, #tpu.memory_space<vmem>>, vector<16xf32>,
        %add3A_2244 = arith.addf %get3A_2243, %get3A_148 : vector<16xf32>
        %get3A_2245 = arith.index_cast %add3A_2230 : i32 to index
        %get3A_2246 = arith.constant 16 : index
        %get3A_2247 = tpu.vector_load %arg7[%get3A_2245, %get3A_2246] {strides = array<i32>} : memref<1024x64xf32, #tpu.memory_space<vmem>>, vector<16xf32>,
        %add3A_2248 = arith.addf %get3A_2247, %get3A_151 : vector<16xf32>
        %get3A_2249 = arith.index_cast %add3A_2230 : i32 to index
        %get3A_2250 = arith.constant 32 : index
        %get3A_2251 = tpu.vector_load %arg7[%get3A_2249, %get3A_2250] {strides = array<i32>} : memref<1024x64xf32, #tpu.memory_space<vmem>>, vector<16xf32>,
        %add3A_2252 = arith.addf %get3A_2251, %get3A_154 : vector<16xf32>
        %get3A_2253 = arith.index_cast %add3A_2230 : i32 to index
        %get3A_2254 = arith.constant 48 : index
        %get3A_2255 = tpu.vector_load %arg7[%get3A_2253, %get3A_2254] {strides = array<i32>} : memref<1024x64xf32, #tpu.memory_space<vmem>>, vector<16xf32>,
        %add3A_2256 = arith.addf %get3A_2255, %get3A_157 : vector<16xf32>
        %get3A_2257 = arith.index_cast %add3A_2236 : i32 to index
        %get3A_2258 = arith.constant 0 : index
        %get3A_2259 = tpu.vector_load %arg7[%get3A_2257, %get3A_2258] {strides = array<i32>} : memref<1024x64xf32, #tpu.memory_space<vmem>>, vector<16xf32>,
        %add3A_2260 = arith.addf %get3A_2259, %get3A_148 : vector<16xf32>
        %get3A_2261 = arith.index_cast %add3A_2236 : i32 to index
        %get3A_2262 = arith.constant 16 : index
        %get3A_2263 = tpu.vector_load %arg7[%get3A_2261, %get3A_2262] {strides = array<i32>} : memref<1024x64xf32, #tpu.memory_space<vmem>>, vector<16xf32>,
        %add3A_2264 = arith.addf %get3A_2263, %get3A_151 : vector<16xf32>
        %get3A_2265 = arith.index_cast %add3A_2236 : i32 to index
        %get3A_2266 = arith.constant 32 : index
        %get3A_2267 = tpu.vector_load %arg7[%get3A_2265, %get3A_2266] {strides = array<i32>} : memref<1024x64xf32, #tpu.memory_space<vmem>>, vector<16xf32>,
        %add3A_2268 = arith.addf %get3A_2267, %get3A_154 : vector<16xf32>
        %get3A_2269 = arith.index_cast %add3A_2236 : i32 to index
        %get3A_2270 = arith.constant 48 : index
        %get3A_2271 = tpu.vector_load %arg7[%get3A_2269, %get3A_2270] {strides = array<i32>} : memref<1024x64xf32, #tpu.memory_space<vmem>>, vector<16xf32>,
        %add3A_2272 = arith.addf %get3A_2271, %get3A_157 : vector<16xf32>
        tpu.vector_store_idx %arg8[%add3A_5, %broadcast_in_dim3A_2238], %add3A_2244 : memref<64x129xf32, #tpu.memory_space<vmem>>[vector<16xi32>, vector<16xi32>], vector<16xf32>,
        tpu.vector_store_idx %arg8[%add3A_8, %broadcast_in_dim3A_2238], %add3A_2248 : memref<64x129xf32, #tpu.memory_space<vmem>>[vector<16xi32>, vector<16xi32>], vector<16xf32>,
        tpu.vector_store_idx %arg8[%add3A_11, %broadcast_in_dim3A_2238], %add3A_2252 : memref<64x129xf32, #tpu.memory_space<vmem>>[vector<16xi32>, vector<16xi32>], vector<16xf32>,
        tpu.vector_store_idx %arg8[%add3A_14, %broadcast_in_dim3A_2238], %add3A_2256 : memref<64x129xf32, #tpu.memory_space<vmem>>[vector<16xi32>, vector<16xi32>], vector<16xf32>,
        tpu.vector_store_idx %arg8[%add3A_5, %broadcast_in_dim3A_2240], %add3A_2260 : memref<64x129xf32, #tpu.memory_space<vmem>>[vector<16xi32>, vector<16xi32>], vector<16xf32>,
        tpu.vector_store_idx %arg8[%add3A_8, %broadcast_in_dim3A_2240], %add3A_2264 : memref<64x129xf32, #tpu.memory_space<vmem>>[vector<16xi32>, vector<16xi32>], vector<16xf32>,
        tpu.vector_store_idx %arg8[%add3A_11, %broadcast_in_dim3A_2240], %add3A_2268 : memref<64x129xf32, #tpu.memory_space<vmem>>[vector<16xi32>, vector<16xi32>], vector<16xf32>,
        tpu.vector_store_idx %arg8[%add3A_14, %broadcast_in_dim3A_2240], %add3A_2272 : memref<64x129xf32, #tpu.memory_space<vmem>>[vector<16xi32>, vector<16xi32>], vector<16xf32>,
        %mul3A_2273 = arith.constant 128 : i32
        %mul3A_2274 = arith.muli %scan3A_132, %mul3A_2273 : i32
        %add3A_2275 = arith.constant 92 : i32
        %add3A_2276 = arith.addi %mul3A_2274, %add3A_2275 : i32
        %mul3A_2277 = arith.constant 128 : i32
        %mul3A_2278 = arith.muli %scan3A_132, %mul3A_2277 : i32
        %add3A_2279 = arith.constant 92 : i32
        %add3A_2280 = arith.addi %mul3A_2278, %add3A_2279 : i32
        %add3A_2281 = arith.constant 1 : i32
        %add3A_2282 = arith.addi %add3A_2280, %add3A_2281 : i32
        %broadcast_in_dim3A_2283 = arith.constant 92 : i32
        %broadcast_in_dim3A_2284 = vector.broadcast %broadcast_in_dim3A_2283 : i32 to vector<16xi32>
        %broadcast_in_dim3A_2285 = arith.constant 93 : i32
        %broadcast_in_dim3A_2286 = vector.broadcast %broadcast_in_dim3A_2285 : i32 to vector<16xi32>
        %get3A_2287 = arith.index_cast %add3A_2276 : i32 to index
        %get3A_2288 = arith.constant 0 : index
        %get3A_2289 = tpu.vector_load %arg7[%get3A_2287, %get3A_2288] {strides = array<i32>} : memref<1024x64xf32, #tpu.memory_space<vmem>>, vector<16xf32>,
        %add3A_2290 = arith.addf %get3A_2289, %get3A_148 : vector<16xf32>
        %get3A_2291 = arith.index_cast %add3A_2276 : i32 to index
        %get3A_2292 = arith.constant 16 : index
        %get3A_2293 = tpu.vector_load %arg7[%get3A_2291, %get3A_2292] {strides = array<i32>} : memref<1024x64xf32, #tpu.memory_space<vmem>>, vector<16xf32>,
        %add3A_2294 = arith.addf %get3A_2293, %get3A_151 : vector<16xf32>
        %get3A_2295 = arith.index_cast %add3A_2276 : i32 to index
        %get3A_2296 = arith.constant 32 : index
        %get3A_2297 = tpu.vector_load %arg7[%get3A_2295, %get3A_2296] {strides = array<i32>} : memref<1024x64xf32, #tpu.memory_space<vmem>>, vector<16xf32>,
        %add3A_2298 = arith.addf %get3A_2297, %get3A_154 : vector<16xf32>
        %get3A_2299 = arith.index_cast %add3A_2276 : i32 to index
        %get3A_2300 = arith.constant 48 : index
        %get3A_2301 = tpu.vector_load %arg7[%get3A_2299, %get3A_2300] {strides = array<i32>} : memref<1024x64xf32, #tpu.memory_space<vmem>>, vector<16xf32>,
        %add3A_2302 = arith.addf %get3A_2301, %get3A_157 : vector<16xf32>
        %get3A_2303 = arith.index_cast %add3A_2282 : i32 to index
        %get3A_2304 = arith.constant 0 : index
        %get3A_2305 = tpu.vector_load %arg7[%get3A_2303, %get3A_2304] {strides = array<i32>} : memref<1024x64xf32, #tpu.memory_space<vmem>>, vector<16xf32>,
        %add3A_2306 = arith.addf %get3A_2305, %get3A_148 : vector<16xf32>
        %get3A_2307 = arith.index_cast %add3A_2282 : i32 to index
        %get3A_2308 = arith.constant 16 : index
        %get3A_2309 = tpu.vector_load %arg7[%get3A_2307, %get3A_2308] {strides = array<i32>} : memref<1024x64xf32, #tpu.memory_space<vmem>>, vector<16xf32>,
        %add3A_2310 = arith.addf %get3A_2309, %get3A_151 : vector<16xf32>
        %get3A_2311 = arith.index_cast %add3A_2282 : i32 to index
        %get3A_2312 = arith.constant 32 : index
        %get3A_2313 = tpu.vector_load %arg7[%get3A_2311, %get3A_2312] {strides = array<i32>} : memref<1024x64xf32, #tpu.memory_space<vmem>>, vector<16xf32>,
        %add3A_2314 = arith.addf %get3A_2313, %get3A_154 : vector<16xf32>
        %get3A_2315 = arith.index_cast %add3A_2282 : i32 to index
        %get3A_2316 = arith.constant 48 : index
        %get3A_2317 = tpu.vector_load %arg7[%get3A_2315, %get3A_2316] {strides = array<i32>} : memref<1024x64xf32, #tpu.memory_space<vmem>>, vector<16xf32>,
        %add3A_2318 = arith.addf %get3A_2317, %get3A_157 : vector<16xf32>
        tpu.vector_store_idx %arg8[%add3A_5, %broadcast_in_dim3A_2284], %add3A_2290 : memref<64x129xf32, #tpu.memory_space<vmem>>[vector<16xi32>, vector<16xi32>], vector<16xf32>,
        tpu.vector_store_idx %arg8[%add3A_8, %broadcast_in_dim3A_2284], %add3A_2294 : memref<64x129xf32, #tpu.memory_space<vmem>>[vector<16xi32>, vector<16xi32>], vector<16xf32>,
        tpu.vector_store_idx %arg8[%add3A_11, %broadcast_in_dim3A_2284], %add3A_2298 : memref<64x129xf32, #tpu.memory_space<vmem>>[vector<16xi32>, vector<16xi32>], vector<16xf32>,
        tpu.vector_store_idx %arg8[%add3A_14, %broadcast_in_dim3A_2284], %add3A_2302 : memref<64x129xf32, #tpu.memory_space<vmem>>[vector<16xi32>, vector<16xi32>], vector<16xf32>,
        tpu.vector_store_idx %arg8[%add3A_5, %broadcast_in_dim3A_2286], %add3A_2306 : memref<64x129xf32, #tpu.memory_space<vmem>>[vector<16xi32>, vector<16xi32>], vector<16xf32>,
        tpu.vector_store_idx %arg8[%add3A_8, %broadcast_in_dim3A_2286], %add3A_2310 : memref<64x129xf32, #tpu.memory_space<vmem>>[vector<16xi32>, vector<16xi32>], vector<16xf32>,
        tpu.vector_store_idx %arg8[%add3A_11, %broadcast_in_dim3A_2286], %add3A_2314 : memref<64x129xf32, #tpu.memory_space<vmem>>[vector<16xi32>, vector<16xi32>], vector<16xf32>,
        tpu.vector_store_idx %arg8[%add3A_14, %broadcast_in_dim3A_2286], %add3A_2318 : memref<64x129xf32, #tpu.memory_space<vmem>>[vector<16xi32>, vector<16xi32>], vector<16xf32>,
        %mul3A_2319 = arith.constant 128 : i32
        %mul3A_2320 = arith.muli %scan3A_132, %mul3A_2319 : i32
        %add3A_2321 = arith.constant 94 : i32
        %add3A_2322 = arith.addi %mul3A_2320, %add3A_2321 : i32
        %mul3A_2323 = arith.constant 128 : i32
        %mul3A_2324 = arith.muli %scan3A_132, %mul3A_2323 : i32
        %add3A_2325 = arith.constant 94 : i32
        %add3A_2326 = arith.addi %mul3A_2324, %add3A_2325 : i32
        %add3A_2327 = arith.constant 1 : i32
        %add3A_2328 = arith.addi %add3A_2326, %add3A_2327 : i32
        %broadcast_in_dim3A_2329 = arith.constant 94 : i32
        %broadcast_in_dim3A_2330 = vector.broadcast %broadcast_in_dim3A_2329 : i32 to vector<16xi32>
        %broadcast_in_dim3A_2331 = arith.constant 95 : i32
        %broadcast_in_dim3A_2332 = vector.broadcast %broadcast_in_dim3A_2331 : i32 to vector<16xi32>
        %get3A_2333 = arith.index_cast %add3A_2322 : i32 to index
        %get3A_2334 = arith.constant 0 : index
        %get3A_2335 = tpu.vector_load %arg7[%get3A_2333, %get3A_2334] {strides = array<i32>} : memref<1024x64xf32, #tpu.memory_space<vmem>>, vector<16xf32>,
        %add3A_2336 = arith.addf %get3A_2335, %get3A_148 : vector<16xf32>
        %get3A_2337 = arith.index_cast %add3A_2322 : i32 to index
        %get3A_2338 = arith.constant 16 : index
        %get3A_2339 = tpu.vector_load %arg7[%get3A_2337, %get3A_2338] {strides = array<i32>} : memref<1024x64xf32, #tpu.memory_space<vmem>>, vector<16xf32>,
        %add3A_2340 = arith.addf %get3A_2339, %get3A_151 : vector<16xf32>
        %get3A_2341 = arith.index_cast %add3A_2322 : i32 to index
        %get3A_2342 = arith.constant 32 : index
        %get3A_2343 = tpu.vector_load %arg7[%get3A_2341, %get3A_2342] {strides = array<i32>} : memref<1024x64xf32, #tpu.memory_space<vmem>>, vector<16xf32>,
        %add3A_2344 = arith.addf %get3A_2343, %get3A_154 : vector<16xf32>
        %get3A_2345 = arith.index_cast %add3A_2322 : i32 to index
        %get3A_2346 = arith.constant 48 : index
        %get3A_2347 = tpu.vector_load %arg7[%get3A_2345, %get3A_2346] {strides = array<i32>} : memref<1024x64xf32, #tpu.memory_space<vmem>>, vector<16xf32>,
        %add3A_2348 = arith.addf %get3A_2347, %get3A_157 : vector<16xf32>
        %get3A_2349 = arith.index_cast %add3A_2328 : i32 to index
        %get3A_2350 = arith.constant 0 : index
        %get3A_2351 = tpu.vector_load %arg7[%get3A_2349, %get3A_2350] {strides = array<i32>} : memref<1024x64xf32, #tpu.memory_space<vmem>>, vector<16xf32>,
        %add3A_2352 = arith.addf %get3A_2351, %get3A_148 : vector<16xf32>
        %get3A_2353 = arith.index_cast %add3A_2328 : i32 to index
        %get3A_2354 = arith.constant 16 : index
        %get3A_2355 = tpu.vector_load %arg7[%get3A_2353, %get3A_2354] {strides = array<i32>} : memref<1024x64xf32, #tpu.memory_space<vmem>>, vector<16xf32>,
        %add3A_2356 = arith.addf %get3A_2355, %get3A_151 : vector<16xf32>
        %get3A_2357 = arith.index_cast %add3A_2328 : i32 to index
        %get3A_2358 = arith.constant 32 : index
        %get3A_2359 = tpu.vector_load %arg7[%get3A_2357, %get3A_2358] {strides = array<i32>} : memref<1024x64xf32, #tpu.memory_space<vmem>>, vector<16xf32>,
        %add3A_2360 = arith.addf %get3A_2359, %get3A_154 : vector<16xf32>
        %get3A_2361 = arith.index_cast %add3A_2328 : i32 to index
        %get3A_2362 = arith.constant 48 : index
        %get3A_2363 = tpu.vector_load %arg7[%get3A_2361, %get3A_2362] {strides = array<i32>} : memref<1024x64xf32, #tpu.memory_space<vmem>>, vector<16xf32>,
        %add3A_2364 = arith.addf %get3A_2363, %get3A_157 : vector<16xf32>
        tpu.vector_store_idx %arg8[%add3A_5, %broadcast_in_dim3A_2330], %add3A_2336 : memref<64x129xf32, #tpu.memory_space<vmem>>[vector<16xi32>, vector<16xi32>], vector<16xf32>,
        tpu.vector_store_idx %arg8[%add3A_8, %broadcast_in_dim3A_2330], %add3A_2340 : memref<64x129xf32, #tpu.memory_space<vmem>>[vector<16xi32>, vector<16xi32>], vector<16xf32>,
        tpu.vector_store_idx %arg8[%add3A_11, %broadcast_in_dim3A_2330], %add3A_2344 : memref<64x129xf32, #tpu.memory_space<vmem>>[vector<16xi32>, vector<16xi32>], vector<16xf32>,
        tpu.vector_store_idx %arg8[%add3A_14, %broadcast_in_dim3A_2330], %add3A_2348 : memref<64x129xf32, #tpu.memory_space<vmem>>[vector<16xi32>, vector<16xi32>], vector<16xf32>,
        tpu.vector_store_idx %arg8[%add3A_5, %broadcast_in_dim3A_2332], %add3A_2352 : memref<64x129xf32, #tpu.memory_space<vmem>>[vector<16xi32>, vector<16xi32>], vector<16xf32>,
        tpu.vector_store_idx %arg8[%add3A_8, %broadcast_in_dim3A_2332], %add3A_2356 : memref<64x129xf32, #tpu.memory_space<vmem>>[vector<16xi32>, vector<16xi32>], vector<16xf32>,
        tpu.vector_store_idx %arg8[%add3A_11, %broadcast_in_dim3A_2332], %add3A_2360 : memref<64x129xf32, #tpu.memory_space<vmem>>[vector<16xi32>, vector<16xi32>], vector<16xf32>,
        tpu.vector_store_idx %arg8[%add3A_14, %broadcast_in_dim3A_2332], %add3A_2364 : memref<64x129xf32, #tpu.memory_space<vmem>>[vector<16xi32>, vector<16xi32>], vector<16xf32>,
        %mul3A_2365 = arith.constant 128 : i32
        %mul3A_2366 = arith.muli %scan3A_132, %mul3A_2365 : i32
        %add3A_2367 = arith.constant 96 : i32
        %add3A_2368 = arith.addi %mul3A_2366, %add3A_2367 : i32
        %mul3A_2369 = arith.constant 128 : i32
        %mul3A_2370 = arith.muli %scan3A_132, %mul3A_2369 : i32
        %add3A_2371 = arith.constant 96 : i32
        %add3A_2372 = arith.addi %mul3A_2370, %add3A_2371 : i32
        %add3A_2373 = arith.constant 1 : i32
        %add3A_2374 = arith.addi %add3A_2372, %add3A_2373 : i32
        %broadcast_in_dim3A_2375 = arith.constant 96 : i32
        %broadcast_in_dim3A_2376 = vector.broadcast %broadcast_in_dim3A_2375 : i32 to vector<16xi32>
        %broadcast_in_dim3A_2377 = arith.constant 97 : i32
        %broadcast_in_dim3A_2378 = vector.broadcast %broadcast_in_dim3A_2377 : i32 to vector<16xi32>
        %get3A_2379 = arith.index_cast %add3A_2368 : i32 to index
        %get3A_2380 = arith.constant 0 : index
        %get3A_2381 = tpu.vector_load %arg7[%get3A_2379, %get3A_2380] {strides = array<i32>} : memref<1024x64xf32, #tpu.memory_space<vmem>>, vector<16xf32>,
        %add3A_2382 = arith.addf %get3A_2381, %get3A_148 : vector<16xf32>
        %get3A_2383 = arith.index_cast %add3A_2368 : i32 to index
        %get3A_2384 = arith.constant 16 : index
        %get3A_2385 = tpu.vector_load %arg7[%get3A_2383, %get3A_2384] {strides = array<i32>} : memref<1024x64xf32, #tpu.memory_space<vmem>>, vector<16xf32>,
        %add3A_2386 = arith.addf %get3A_2385, %get3A_151 : vector<16xf32>
        %get3A_2387 = arith.index_cast %add3A_2368 : i32 to index
        %get3A_2388 = arith.constant 32 : index
        %get3A_2389 = tpu.vector_load %arg7[%get3A_2387, %get3A_2388] {strides = array<i32>} : memref<1024x64xf32, #tpu.memory_space<vmem>>, vector<16xf32>,
        %add3A_2390 = arith.addf %get3A_2389, %get3A_154 : vector<16xf32>
        %get3A_2391 = arith.index_cast %add3A_2368 : i32 to index
        %get3A_2392 = arith.constant 48 : index
        %get3A_2393 = tpu.vector_load %arg7[%get3A_2391, %get3A_2392] {strides = array<i32>} : memref<1024x64xf32, #tpu.memory_space<vmem>>, vector<16xf32>,
        %add3A_2394 = arith.addf %get3A_2393, %get3A_157 : vector<16xf32>
        %get3A_2395 = arith.index_cast %add3A_2374 : i32 to index
        %get3A_2396 = arith.constant 0 : index
        %get3A_2397 = tpu.vector_load %arg7[%get3A_2395, %get3A_2396] {strides = array<i32>} : memref<1024x64xf32, #tpu.memory_space<vmem>>, vector<16xf32>,
        %add3A_2398 = arith.addf %get3A_2397, %get3A_148 : vector<16xf32>
        %get3A_2399 = arith.index_cast %add3A_2374 : i32 to index
        %get3A_2400 = arith.constant 16 : index
        %get3A_2401 = tpu.vector_load %arg7[%get3A_2399, %get3A_2400] {strides = array<i32>} : memref<1024x64xf32, #tpu.memory_space<vmem>>, vector<16xf32>,
        %add3A_2402 = arith.addf %get3A_2401, %get3A_151 : vector<16xf32>
        %get3A_2403 = arith.index_cast %add3A_2374 : i32 to index
        %get3A_2404 = arith.constant 32 : index
        %get3A_2405 = tpu.vector_load %arg7[%get3A_2403, %get3A_2404] {strides = array<i32>} : memref<1024x64xf32, #tpu.memory_space<vmem>>, vector<16xf32>,
        %add3A_2406 = arith.addf %get3A_2405, %get3A_154 : vector<16xf32>
        %get3A_2407 = arith.index_cast %add3A_2374 : i32 to index
        %get3A_2408 = arith.constant 48 : index
        %get3A_2409 = tpu.vector_load %arg7[%get3A_2407, %get3A_2408] {strides = array<i32>} : memref<1024x64xf32, #tpu.memory_space<vmem>>, vector<16xf32>,
        %add3A_2410 = arith.addf %get3A_2409, %get3A_157 : vector<16xf32>
        tpu.vector_store_idx %arg8[%add3A_5, %broadcast_in_dim3A_2376], %add3A_2382 : memref<64x129xf32, #tpu.memory_space<vmem>>[vector<16xi32>, vector<16xi32>], vector<16xf32>,
        tpu.vector_store_idx %arg8[%add3A_8, %broadcast_in_dim3A_2376], %add3A_2386 : memref<64x129xf32, #tpu.memory_space<vmem>>[vector<16xi32>, vector<16xi32>], vector<16xf32>,
        tpu.vector_store_idx %arg8[%add3A_11, %broadcast_in_dim3A_2376], %add3A_2390 : memref<64x129xf32, #tpu.memory_space<vmem>>[vector<16xi32>, vector<16xi32>], vector<16xf32>,
        tpu.vector_store_idx %arg8[%add3A_14, %broadcast_in_dim3A_2376], %add3A_2394 : memref<64x129xf32, #tpu.memory_space<vmem>>[vector<16xi32>, vector<16xi32>], vector<16xf32>,
        tpu.vector_store_idx %arg8[%add3A_5, %broadcast_in_dim3A_2378], %add3A_2398 : memref<64x129xf32, #tpu.memory_space<vmem>>[vector<16xi32>, vector<16xi32>], vector<16xf32>,
        tpu.vector_store_idx %arg8[%add3A_8, %broadcast_in_dim3A_2378], %add3A_2402 : memref<64x129xf32, #tpu.memory_space<vmem>>[vector<16xi32>, vector<16xi32>], vector<16xf32>,
        tpu.vector_store_idx %arg8[%add3A_11, %broadcast_in_dim3A_2378], %add3A_2406 : memref<64x129xf32, #tpu.memory_space<vmem>>[vector<16xi32>, vector<16xi32>], vector<16xf32>,
        tpu.vector_store_idx %arg8[%add3A_14, %broadcast_in_dim3A_2378], %add3A_2410 : memref<64x129xf32, #tpu.memory_space<vmem>>[vector<16xi32>, vector<16xi32>], vector<16xf32>,
        %mul3A_2411 = arith.constant 128 : i32
        %mul3A_2412 = arith.muli %scan3A_132, %mul3A_2411 : i32
        %add3A_2413 = arith.constant 98 : i32
        %add3A_2414 = arith.addi %mul3A_2412, %add3A_2413 : i32
        %mul3A_2415 = arith.constant 128 : i32
        %mul3A_2416 = arith.muli %scan3A_132, %mul3A_2415 : i32
        %add3A_2417 = arith.constant 98 : i32
        %add3A_2418 = arith.addi %mul3A_2416, %add3A_2417 : i32
        %add3A_2419 = arith.constant 1 : i32
        %add3A_2420 = arith.addi %add3A_2418, %add3A_2419 : i32
        %broadcast_in_dim3A_2421 = arith.constant 98 : i32
        %broadcast_in_dim3A_2422 = vector.broadcast %broadcast_in_dim3A_2421 : i32 to vector<16xi32>
        %broadcast_in_dim3A_2423 = arith.constant 99 : i32
        %broadcast_in_dim3A_2424 = vector.broadcast %broadcast_in_dim3A_2423 : i32 to vector<16xi32>
        %get3A_2425 = arith.index_cast %add3A_2414 : i32 to index
        %get3A_2426 = arith.constant 0 : index
        %get3A_2427 = tpu.vector_load %arg7[%get3A_2425, %get3A_2426] {strides = array<i32>} : memref<1024x64xf32, #tpu.memory_space<vmem>>, vector<16xf32>,
        %add3A_2428 = arith.addf %get3A_2427, %get3A_148 : vector<16xf32>
        %get3A_2429 = arith.index_cast %add3A_2414 : i32 to index
        %get3A_2430 = arith.constant 16 : index
        %get3A_2431 = tpu.vector_load %arg7[%get3A_2429, %get3A_2430] {strides = array<i32>} : memref<1024x64xf32, #tpu.memory_space<vmem>>, vector<16xf32>,
        %add3A_2432 = arith.addf %get3A_2431, %get3A_151 : vector<16xf32>
        %get3A_2433 = arith.index_cast %add3A_2414 : i32 to index
        %get3A_2434 = arith.constant 32 : index
        %get3A_2435 = tpu.vector_load %arg7[%get3A_2433, %get3A_2434] {strides = array<i32>} : memref<1024x64xf32, #tpu.memory_space<vmem>>, vector<16xf32>,
        %add3A_2436 = arith.addf %get3A_2435, %get3A_154 : vector<16xf32>
        %get3A_2437 = arith.index_cast %add3A_2414 : i32 to index
        %get3A_2438 = arith.constant 48 : index
        %get3A_2439 = tpu.vector_load %arg7[%get3A_2437, %get3A_2438] {strides = array<i32>} : memref<1024x64xf32, #tpu.memory_space<vmem>>, vector<16xf32>,
        %add3A_2440 = arith.addf %get3A_2439, %get3A_157 : vector<16xf32>
        %get3A_2441 = arith.index_cast %add3A_2420 : i32 to index
        %get3A_2442 = arith.constant 0 : index
        %get3A_2443 = tpu.vector_load %arg7[%get3A_2441, %get3A_2442] {strides = array<i32>} : memref<1024x64xf32, #tpu.memory_space<vmem>>, vector<16xf32>,
        %add3A_2444 = arith.addf %get3A_2443, %get3A_148 : vector<16xf32>
        %get3A_2445 = arith.index_cast %add3A_2420 : i32 to index
        %get3A_2446 = arith.constant 16 : index
        %get3A_2447 = tpu.vector_load %arg7[%get3A_2445, %get3A_2446] {strides = array<i32>} : memref<1024x64xf32, #tpu.memory_space<vmem>>, vector<16xf32>,
        %add3A_2448 = arith.addf %get3A_2447, %get3A_151 : vector<16xf32>
        %get3A_2449 = arith.index_cast %add3A_2420 : i32 to index
        %get3A_2450 = arith.constant 32 : index
        %get3A_2451 = tpu.vector_load %arg7[%get3A_2449, %get3A_2450] {strides = array<i32>} : memref<1024x64xf32, #tpu.memory_space<vmem>>, vector<16xf32>,
        %add3A_2452 = arith.addf %get3A_2451, %get3A_154 : vector<16xf32>
        %get3A_2453 = arith.index_cast %add3A_2420 : i32 to index
        %get3A_2454 = arith.constant 48 : index
        %get3A_2455 = tpu.vector_load %arg7[%get3A_2453, %get3A_2454] {strides = array<i32>} : memref<1024x64xf32, #tpu.memory_space<vmem>>, vector<16xf32>,
        %add3A_2456 = arith.addf %get3A_2455, %get3A_157 : vector<16xf32>
        tpu.vector_store_idx %arg8[%add3A_5, %broadcast_in_dim3A_2422], %add3A_2428 : memref<64x129xf32, #tpu.memory_space<vmem>>[vector<16xi32>, vector<16xi32>], vector<16xf32>,
        tpu.vector_store_idx %arg8[%add3A_8, %broadcast_in_dim3A_2422], %add3A_2432 : memref<64x129xf32, #tpu.memory_space<vmem>>[vector<16xi32>, vector<16xi32>], vector<16xf32>,
        tpu.vector_store_idx %arg8[%add3A_11, %broadcast_in_dim3A_2422], %add3A_2436 : memref<64x129xf32, #tpu.memory_space<vmem>>[vector<16xi32>, vector<16xi32>], vector<16xf32>,
        tpu.vector_store_idx %arg8[%add3A_14, %broadcast_in_dim3A_2422], %add3A_2440 : memref<64x129xf32, #tpu.memory_space<vmem>>[vector<16xi32>, vector<16xi32>], vector<16xf32>,
        tpu.vector_store_idx %arg8[%add3A_5, %broadcast_in_dim3A_2424], %add3A_2444 : memref<64x129xf32, #tpu.memory_space<vmem>>[vector<16xi32>, vector<16xi32>], vector<16xf32>,
        tpu.vector_store_idx %arg8[%add3A_8, %broadcast_in_dim3A_2424], %add3A_2448 : memref<64x129xf32, #tpu.memory_space<vmem>>[vector<16xi32>, vector<16xi32>], vector<16xf32>,
        tpu.vector_store_idx %arg8[%add3A_11, %broadcast_in_dim3A_2424], %add3A_2452 : memref<64x129xf32, #tpu.memory_space<vmem>>[vector<16xi32>, vector<16xi32>], vector<16xf32>,
        tpu.vector_store_idx %arg8[%add3A_14, %broadcast_in_dim3A_2424], %add3A_2456 : memref<64x129xf32, #tpu.memory_space<vmem>>[vector<16xi32>, vector<16xi32>], vector<16xf32>,
        %mul3A_2457 = arith.constant 128 : i32
        %mul3A_2458 = arith.muli %scan3A_132, %mul3A_2457 : i32
        %add3A_2459 = arith.constant 100 : i32
        %add3A_2460 = arith.addi %mul3A_2458, %add3A_2459 : i32
        %mul3A_2461 = arith.constant 128 : i32
        %mul3A_2462 = arith.muli %scan3A_132, %mul3A_2461 : i32
        %add3A_2463 = arith.constant 100 : i32
        %add3A_2464 = arith.addi %mul3A_2462, %add3A_2463 : i32
        %add3A_2465 = arith.constant 1 : i32
        %add3A_2466 = arith.addi %add3A_2464, %add3A_2465 : i32
        %broadcast_in_dim3A_2467 = arith.constant 100 : i32
        %broadcast_in_dim3A_2468 = vector.broadcast %broadcast_in_dim3A_2467 : i32 to vector<16xi32>
        %broadcast_in_dim3A_2469 = arith.constant 101 : i32
        %broadcast_in_dim3A_2470 = vector.broadcast %broadcast_in_dim3A_2469 : i32 to vector<16xi32>
        %get3A_2471 = arith.index_cast %add3A_2460 : i32 to index
        %get3A_2472 = arith.constant 0 : index
        %get3A_2473 = tpu.vector_load %arg7[%get3A_2471, %get3A_2472] {strides = array<i32>} : memref<1024x64xf32, #tpu.memory_space<vmem>>, vector<16xf32>,
        %add3A_2474 = arith.addf %get3A_2473, %get3A_148 : vector<16xf32>
        %get3A_2475 = arith.index_cast %add3A_2460 : i32 to index
        %get3A_2476 = arith.constant 16 : index
        %get3A_2477 = tpu.vector_load %arg7[%get3A_2475, %get3A_2476] {strides = array<i32>} : memref<1024x64xf32, #tpu.memory_space<vmem>>, vector<16xf32>,
        %add3A_2478 = arith.addf %get3A_2477, %get3A_151 : vector<16xf32>
        %get3A_2479 = arith.index_cast %add3A_2460 : i32 to index
        %get3A_2480 = arith.constant 32 : index
        %get3A_2481 = tpu.vector_load %arg7[%get3A_2479, %get3A_2480] {strides = array<i32>} : memref<1024x64xf32, #tpu.memory_space<vmem>>, vector<16xf32>,
        %add3A_2482 = arith.addf %get3A_2481, %get3A_154 : vector<16xf32>
        %get3A_2483 = arith.index_cast %add3A_2460 : i32 to index
        %get3A_2484 = arith.constant 48 : index
        %get3A_2485 = tpu.vector_load %arg7[%get3A_2483, %get3A_2484] {strides = array<i32>} : memref<1024x64xf32, #tpu.memory_space<vmem>>, vector<16xf32>,
        %add3A_2486 = arith.addf %get3A_2485, %get3A_157 : vector<16xf32>
        %get3A_2487 = arith.index_cast %add3A_2466 : i32 to index
        %get3A_2488 = arith.constant 0 : index
        %get3A_2489 = tpu.vector_load %arg7[%get3A_2487, %get3A_2488] {strides = array<i32>} : memref<1024x64xf32, #tpu.memory_space<vmem>>, vector<16xf32>,
        %add3A_2490 = arith.addf %get3A_2489, %get3A_148 : vector<16xf32>
        %get3A_2491 = arith.index_cast %add3A_2466 : i32 to index
        %get3A_2492 = arith.constant 16 : index
        %get3A_2493 = tpu.vector_load %arg7[%get3A_2491, %get3A_2492] {strides = array<i32>} : memref<1024x64xf32, #tpu.memory_space<vmem>>, vector<16xf32>,
        %add3A_2494 = arith.addf %get3A_2493, %get3A_151 : vector<16xf32>
        %get3A_2495 = arith.index_cast %add3A_2466 : i32 to index
        %get3A_2496 = arith.constant 32 : index
        %get3A_2497 = tpu.vector_load %arg7[%get3A_2495, %get3A_2496] {strides = array<i32>} : memref<1024x64xf32, #tpu.memory_space<vmem>>, vector<16xf32>,
        %add3A_2498 = arith.addf %get3A_2497, %get3A_154 : vector<16xf32>
        %get3A_2499 = arith.index_cast %add3A_2466 : i32 to index
        %get3A_2500 = arith.constant 48 : index
        %get3A_2501 = tpu.vector_load %arg7[%get3A_2499, %get3A_2500] {strides = array<i32>} : memref<1024x64xf32, #tpu.memory_space<vmem>>, vector<16xf32>,
        %add3A_2502 = arith.addf %get3A_2501, %get3A_157 : vector<16xf32>
        tpu.vector_store_idx %arg8[%add3A_5, %broadcast_in_dim3A_2468], %add3A_2474 : memref<64x129xf32, #tpu.memory_space<vmem>>[vector<16xi32>, vector<16xi32>], vector<16xf32>,
        tpu.vector_store_idx %arg8[%add3A_8, %broadcast_in_dim3A_2468], %add3A_2478 : memref<64x129xf32, #tpu.memory_space<vmem>>[vector<16xi32>, vector<16xi32>], vector<16xf32>,
        tpu.vector_store_idx %arg8[%add3A_11, %broadcast_in_dim3A_2468], %add3A_2482 : memref<64x129xf32, #tpu.memory_space<vmem>>[vector<16xi32>, vector<16xi32>], vector<16xf32>,
        tpu.vector_store_idx %arg8[%add3A_14, %broadcast_in_dim3A_2468], %add3A_2486 : memref<64x129xf32, #tpu.memory_space<vmem>>[vector<16xi32>, vector<16xi32>], vector<16xf32>,
        tpu.vector_store_idx %arg8[%add3A_5, %broadcast_in_dim3A_2470], %add3A_2490 : memref<64x129xf32, #tpu.memory_space<vmem>>[vector<16xi32>, vector<16xi32>], vector<16xf32>,
        tpu.vector_store_idx %arg8[%add3A_8, %broadcast_in_dim3A_2470], %add3A_2494 : memref<64x129xf32, #tpu.memory_space<vmem>>[vector<16xi32>, vector<16xi32>], vector<16xf32>,
        tpu.vector_store_idx %arg8[%add3A_11, %broadcast_in_dim3A_2470], %add3A_2498 : memref<64x129xf32, #tpu.memory_space<vmem>>[vector<16xi32>, vector<16xi32>], vector<16xf32>,
        tpu.vector_store_idx %arg8[%add3A_14, %broadcast_in_dim3A_2470], %add3A_2502 : memref<64x129xf32, #tpu.memory_space<vmem>>[vector<16xi32>, vector<16xi32>], vector<16xf32>,
        %mul3A_2503 = arith.constant 128 : i32
        %mul3A_2504 = arith.muli %scan3A_132, %mul3A_2503 : i32
        %add3A_2505 = arith.constant 102 : i32
        %add3A_2506 = arith.addi %mul3A_2504, %add3A_2505 : i32
        %mul3A_2507 = arith.constant 128 : i32
        %mul3A_2508 = arith.muli %scan3A_132, %mul3A_2507 : i32
        %add3A_2509 = arith.constant 102 : i32
        %add3A_2510 = arith.addi %mul3A_2508, %add3A_2509 : i32
        %add3A_2511 = arith.constant 1 : i32
        %add3A_2512 = arith.addi %add3A_2510, %add3A_2511 : i32
        %broadcast_in_dim3A_2513 = arith.constant 102 : i32
        %broadcast_in_dim3A_2514 = vector.broadcast %broadcast_in_dim3A_2513 : i32 to vector<16xi32>
        %broadcast_in_dim3A_2515 = arith.constant 103 : i32
        %broadcast_in_dim3A_2516 = vector.broadcast %broadcast_in_dim3A_2515 : i32 to vector<16xi32>
        %get3A_2517 = arith.index_cast %add3A_2506 : i32 to index
        %get3A_2518 = arith.constant 0 : index
        %get3A_2519 = tpu.vector_load %arg7[%get3A_2517, %get3A_2518] {strides = array<i32>} : memref<1024x64xf32, #tpu.memory_space<vmem>>, vector<16xf32>,
        %add3A_2520 = arith.addf %get3A_2519, %get3A_148 : vector<16xf32>
        %get3A_2521 = arith.index_cast %add3A_2506 : i32 to index
        %get3A_2522 = arith.constant 16 : index
        %get3A_2523 = tpu.vector_load %arg7[%get3A_2521, %get3A_2522] {strides = array<i32>} : memref<1024x64xf32, #tpu.memory_space<vmem>>, vector<16xf32>,
        %add3A_2524 = arith.addf %get3A_2523, %get3A_151 : vector<16xf32>
        %get3A_2525 = arith.index_cast %add3A_2506 : i32 to index
        %get3A_2526 = arith.constant 32 : index
        %get3A_2527 = tpu.vector_load %arg7[%get3A_2525, %get3A_2526] {strides = array<i32>} : memref<1024x64xf32, #tpu.memory_space<vmem>>, vector<16xf32>,
        %add3A_2528 = arith.addf %get3A_2527, %get3A_154 : vector<16xf32>
        %get3A_2529 = arith.index_cast %add3A_2506 : i32 to index
        %get3A_2530 = arith.constant 48 : index
        %get3A_2531 = tpu.vector_load %arg7[%get3A_2529, %get3A_2530] {strides = array<i32>} : memref<1024x64xf32, #tpu.memory_space<vmem>>, vector<16xf32>,
        %add3A_2532 = arith.addf %get3A_2531, %get3A_157 : vector<16xf32>
        %get3A_2533 = arith.index_cast %add3A_2512 : i32 to index
        %get3A_2534 = arith.constant 0 : index
        %get3A_2535 = tpu.vector_load %arg7[%get3A_2533, %get3A_2534] {strides = array<i32>} : memref<1024x64xf32, #tpu.memory_space<vmem>>, vector<16xf32>,
        %add3A_2536 = arith.addf %get3A_2535, %get3A_148 : vector<16xf32>
        %get3A_2537 = arith.index_cast %add3A_2512 : i32 to index
        %get3A_2538 = arith.constant 16 : index
        %get3A_2539 = tpu.vector_load %arg7[%get3A_2537, %get3A_2538] {strides = array<i32>} : memref<1024x64xf32, #tpu.memory_space<vmem>>, vector<16xf32>,
        %add3A_2540 = arith.addf %get3A_2539, %get3A_151 : vector<16xf32>
        %get3A_2541 = arith.index_cast %add3A_2512 : i32 to index
        %get3A_2542 = arith.constant 32 : index
        %get3A_2543 = tpu.vector_load %arg7[%get3A_2541, %get3A_2542] {strides = array<i32>} : memref<1024x64xf32, #tpu.memory_space<vmem>>, vector<16xf32>,
        %add3A_2544 = arith.addf %get3A_2543, %get3A_154 : vector<16xf32>
        %get3A_2545 = arith.index_cast %add3A_2512 : i32 to index
        %get3A_2546 = arith.constant 48 : index
        %get3A_2547 = tpu.vector_load %arg7[%get3A_2545, %get3A_2546] {strides = array<i32>} : memref<1024x64xf32, #tpu.memory_space<vmem>>, vector<16xf32>,
        %add3A_2548 = arith.addf %get3A_2547, %get3A_157 : vector<16xf32>
        tpu.vector_store_idx %arg8[%add3A_5, %broadcast_in_dim3A_2514], %add3A_2520 : memref<64x129xf32, #tpu.memory_space<vmem>>[vector<16xi32>, vector<16xi32>], vector<16xf32>,
        tpu.vector_store_idx %arg8[%add3A_8, %broadcast_in_dim3A_2514], %add3A_2524 : memref<64x129xf32, #tpu.memory_space<vmem>>[vector<16xi32>, vector<16xi32>], vector<16xf32>,
        tpu.vector_store_idx %arg8[%add3A_11, %broadcast_in_dim3A_2514], %add3A_2528 : memref<64x129xf32, #tpu.memory_space<vmem>>[vector<16xi32>, vector<16xi32>], vector<16xf32>,
        tpu.vector_store_idx %arg8[%add3A_14, %broadcast_in_dim3A_2514], %add3A_2532 : memref<64x129xf32, #tpu.memory_space<vmem>>[vector<16xi32>, vector<16xi32>], vector<16xf32>,
        tpu.vector_store_idx %arg8[%add3A_5, %broadcast_in_dim3A_2516], %add3A_2536 : memref<64x129xf32, #tpu.memory_space<vmem>>[vector<16xi32>, vector<16xi32>], vector<16xf32>,
        tpu.vector_store_idx %arg8[%add3A_8, %broadcast_in_dim3A_2516], %add3A_2540 : memref<64x129xf32, #tpu.memory_space<vmem>>[vector<16xi32>, vector<16xi32>], vector<16xf32>,
        tpu.vector_store_idx %arg8[%add3A_11, %broadcast_in_dim3A_2516], %add3A_2544 : memref<64x129xf32, #tpu.memory_space<vmem>>[vector<16xi32>, vector<16xi32>], vector<16xf32>,
        tpu.vector_store_idx %arg8[%add3A_14, %broadcast_in_dim3A_2516], %add3A_2548 : memref<64x129xf32, #tpu.memory_space<vmem>>[vector<16xi32>, vector<16xi32>], vector<16xf32>,
        %mul3A_2549 = arith.constant 128 : i32
        %mul3A_2550 = arith.muli %scan3A_132, %mul3A_2549 : i32
        %add3A_2551 = arith.constant 104 : i32
        %add3A_2552 = arith.addi %mul3A_2550, %add3A_2551 : i32
        %mul3A_2553 = arith.constant 128 : i32
        %mul3A_2554 = arith.muli %scan3A_132, %mul3A_2553 : i32
        %add3A_2555 = arith.constant 104 : i32
        %add3A_2556 = arith.addi %mul3A_2554, %add3A_2555 : i32
        %add3A_2557 = arith.constant 1 : i32
        %add3A_2558 = arith.addi %add3A_2556, %add3A_2557 : i32
        %broadcast_in_dim3A_2559 = arith.constant 104 : i32
        %broadcast_in_dim3A_2560 = vector.broadcast %broadcast_in_dim3A_2559 : i32 to vector<16xi32>
        %broadcast_in_dim3A_2561 = arith.constant 105 : i32
        %broadcast_in_dim3A_2562 = vector.broadcast %broadcast_in_dim3A_2561 : i32 to vector<16xi32>
        %get3A_2563 = arith.index_cast %add3A_2552 : i32 to index
        %get3A_2564 = arith.constant 0 : index
        %get3A_2565 = tpu.vector_load %arg7[%get3A_2563, %get3A_2564] {strides = array<i32>} : memref<1024x64xf32, #tpu.memory_space<vmem>>, vector<16xf32>,
        %add3A_2566 = arith.addf %get3A_2565, %get3A_148 : vector<16xf32>
        %get3A_2567 = arith.index_cast %add3A_2552 : i32 to index
        %get3A_2568 = arith.constant 16 : index
        %get3A_2569 = tpu.vector_load %arg7[%get3A_2567, %get3A_2568] {strides = array<i32>} : memref<1024x64xf32, #tpu.memory_space<vmem>>, vector<16xf32>,
        %add3A_2570 = arith.addf %get3A_2569, %get3A_151 : vector<16xf32>
        %get3A_2571 = arith.index_cast %add3A_2552 : i32 to index
        %get3A_2572 = arith.constant 32 : index
        %get3A_2573 = tpu.vector_load %arg7[%get3A_2571, %get3A_2572] {strides = array<i32>} : memref<1024x64xf32, #tpu.memory_space<vmem>>, vector<16xf32>,
        %add3A_2574 = arith.addf %get3A_2573, %get3A_154 : vector<16xf32>
        %get3A_2575 = arith.index_cast %add3A_2552 : i32 to index
        %get3A_2576 = arith.constant 48 : index
        %get3A_2577 = tpu.vector_load %arg7[%get3A_2575, %get3A_2576] {strides = array<i32>} : memref<1024x64xf32, #tpu.memory_space<vmem>>, vector<16xf32>,
        %add3A_2578 = arith.addf %get3A_2577, %get3A_157 : vector<16xf32>
        %get3A_2579 = arith.index_cast %add3A_2558 : i32 to index
        %get3A_2580 = arith.constant 0 : index
        %get3A_2581 = tpu.vector_load %arg7[%get3A_2579, %get3A_2580] {strides = array<i32>} : memref<1024x64xf32, #tpu.memory_space<vmem>>, vector<16xf32>,
        %add3A_2582 = arith.addf %get3A_2581, %get3A_148 : vector<16xf32>
        %get3A_2583 = arith.index_cast %add3A_2558 : i32 to index
        %get3A_2584 = arith.constant 16 : index
        %get3A_2585 = tpu.vector_load %arg7[%get3A_2583, %get3A_2584] {strides = array<i32>} : memref<1024x64xf32, #tpu.memory_space<vmem>>, vector<16xf32>,
        %add3A_2586 = arith.addf %get3A_2585, %get3A_151 : vector<16xf32>
        %get3A_2587 = arith.index_cast %add3A_2558 : i32 to index
        %get3A_2588 = arith.constant 32 : index
        %get3A_2589 = tpu.vector_load %arg7[%get3A_2587, %get3A_2588] {strides = array<i32>} : memref<1024x64xf32, #tpu.memory_space<vmem>>, vector<16xf32>,
        %add3A_2590 = arith.addf %get3A_2589, %get3A_154 : vector<16xf32>
        %get3A_2591 = arith.index_cast %add3A_2558 : i32 to index
        %get3A_2592 = arith.constant 48 : index
        %get3A_2593 = tpu.vector_load %arg7[%get3A_2591, %get3A_2592] {strides = array<i32>} : memref<1024x64xf32, #tpu.memory_space<vmem>>, vector<16xf32>,
        %add3A_2594 = arith.addf %get3A_2593, %get3A_157 : vector<16xf32>
        tpu.vector_store_idx %arg8[%add3A_5, %broadcast_in_dim3A_2560], %add3A_2566 : memref<64x129xf32, #tpu.memory_space<vmem>>[vector<16xi32>, vector<16xi32>], vector<16xf32>,
        tpu.vector_store_idx %arg8[%add3A_8, %broadcast_in_dim3A_2560], %add3A_2570 : memref<64x129xf32, #tpu.memory_space<vmem>>[vector<16xi32>, vector<16xi32>], vector<16xf32>,
        tpu.vector_store_idx %arg8[%add3A_11, %broadcast_in_dim3A_2560], %add3A_2574 : memref<64x129xf32, #tpu.memory_space<vmem>>[vector<16xi32>, vector<16xi32>], vector<16xf32>,
        tpu.vector_store_idx %arg8[%add3A_14, %broadcast_in_dim3A_2560], %add3A_2578 : memref<64x129xf32, #tpu.memory_space<vmem>>[vector<16xi32>, vector<16xi32>], vector<16xf32>,
        tpu.vector_store_idx %arg8[%add3A_5, %broadcast_in_dim3A_2562], %add3A_2582 : memref<64x129xf32, #tpu.memory_space<vmem>>[vector<16xi32>, vector<16xi32>], vector<16xf32>,
        tpu.vector_store_idx %arg8[%add3A_8, %broadcast_in_dim3A_2562], %add3A_2586 : memref<64x129xf32, #tpu.memory_space<vmem>>[vector<16xi32>, vector<16xi32>], vector<16xf32>,
        tpu.vector_store_idx %arg8[%add3A_11, %broadcast_in_dim3A_2562], %add3A_2590 : memref<64x129xf32, #tpu.memory_space<vmem>>[vector<16xi32>, vector<16xi32>], vector<16xf32>,
        tpu.vector_store_idx %arg8[%add3A_14, %broadcast_in_dim3A_2562], %add3A_2594 : memref<64x129xf32, #tpu.memory_space<vmem>>[vector<16xi32>, vector<16xi32>], vector<16xf32>,
        %mul3A_2595 = arith.constant 128 : i32
        %mul3A_2596 = arith.muli %scan3A_132, %mul3A_2595 : i32
        %add3A_2597 = arith.constant 106 : i32
        %add3A_2598 = arith.addi %mul3A_2596, %add3A_2597 : i32
        %mul3A_2599 = arith.constant 128 : i32
        %mul3A_2600 = arith.muli %scan3A_132, %mul3A_2599 : i32
        %add3A_2601 = arith.constant 106 : i32
        %add3A_2602 = arith.addi %mul3A_2600, %add3A_2601 : i32
        %add3A_2603 = arith.constant 1 : i32
        %add3A_2604 = arith.addi %add3A_2602, %add3A_2603 : i32
        %broadcast_in_dim3A_2605 = arith.constant 106 : i32
        %broadcast_in_dim3A_2606 = vector.broadcast %broadcast_in_dim3A_2605 : i32 to vector<16xi32>
        %broadcast_in_dim3A_2607 = arith.constant 107 : i32
        %broadcast_in_dim3A_2608 = vector.broadcast %broadcast_in_dim3A_2607 : i32 to vector<16xi32>
        %get3A_2609 = arith.index_cast %add3A_2598 : i32 to index
        %get3A_2610 = arith.constant 0 : index
        %get3A_2611 = tpu.vector_load %arg7[%get3A_2609, %get3A_2610] {strides = array<i32>} : memref<1024x64xf32, #tpu.memory_space<vmem>>, vector<16xf32>,
        %add3A_2612 = arith.addf %get3A_2611, %get3A_148 : vector<16xf32>
        %get3A_2613 = arith.index_cast %add3A_2598 : i32 to index
        %get3A_2614 = arith.constant 16 : index
        %get3A_2615 = tpu.vector_load %arg7[%get3A_2613, %get3A_2614] {strides = array<i32>} : memref<1024x64xf32, #tpu.memory_space<vmem>>, vector<16xf32>,
        %add3A_2616 = arith.addf %get3A_2615, %get3A_151 : vector<16xf32>
        %get3A_2617 = arith.index_cast %add3A_2598 : i32 to index
        %get3A_2618 = arith.constant 32 : index
        %get3A_2619 = tpu.vector_load %arg7[%get3A_2617, %get3A_2618] {strides = array<i32>} : memref<1024x64xf32, #tpu.memory_space<vmem>>, vector<16xf32>,
        %add3A_2620 = arith.addf %get3A_2619, %get3A_154 : vector<16xf32>
        %get3A_2621 = arith.index_cast %add3A_2598 : i32 to index
        %get3A_2622 = arith.constant 48 : index
        %get3A_2623 = tpu.vector_load %arg7[%get3A_2621, %get3A_2622] {strides = array<i32>} : memref<1024x64xf32, #tpu.memory_space<vmem>>, vector<16xf32>,
        %add3A_2624 = arith.addf %get3A_2623, %get3A_157 : vector<16xf32>
        %get3A_2625 = arith.index_cast %add3A_2604 : i32 to index
        %get3A_2626 = arith.constant 0 : index
        %get3A_2627 = tpu.vector_load %arg7[%get3A_2625, %get3A_2626] {strides = array<i32>} : memref<1024x64xf32, #tpu.memory_space<vmem>>, vector<16xf32>,
        %add3A_2628 = arith.addf %get3A_2627, %get3A_148 : vector<16xf32>
        %get3A_2629 = arith.index_cast %add3A_2604 : i32 to index
        %get3A_2630 = arith.constant 16 : index
        %get3A_2631 = tpu.vector_load %arg7[%get3A_2629, %get3A_2630] {strides = array<i32>} : memref<1024x64xf32, #tpu.memory_space<vmem>>, vector<16xf32>,
        %add3A_2632 = arith.addf %get3A_2631, %get3A_151 : vector<16xf32>
        %get3A_2633 = arith.index_cast %add3A_2604 : i32 to index
        %get3A_2634 = arith.constant 32 : index
        %get3A_2635 = tpu.vector_load %arg7[%get3A_2633, %get3A_2634] {strides = array<i32>} : memref<1024x64xf32, #tpu.memory_space<vmem>>, vector<16xf32>,
        %add3A_2636 = arith.addf %get3A_2635, %get3A_154 : vector<16xf32>
        %get3A_2637 = arith.index_cast %add3A_2604 : i32 to index
        %get3A_2638 = arith.constant 48 : index
        %get3A_2639 = tpu.vector_load %arg7[%get3A_2637, %get3A_2638] {strides = array<i32>} : memref<1024x64xf32, #tpu.memory_space<vmem>>, vector<16xf32>,
        %add3A_2640 = arith.addf %get3A_2639, %get3A_157 : vector<16xf32>
        tpu.vector_store_idx %arg8[%add3A_5, %broadcast_in_dim3A_2606], %add3A_2612 : memref<64x129xf32, #tpu.memory_space<vmem>>[vector<16xi32>, vector<16xi32>], vector<16xf32>,
        tpu.vector_store_idx %arg8[%add3A_8, %broadcast_in_dim3A_2606], %add3A_2616 : memref<64x129xf32, #tpu.memory_space<vmem>>[vector<16xi32>, vector<16xi32>], vector<16xf32>,
        tpu.vector_store_idx %arg8[%add3A_11, %broadcast_in_dim3A_2606], %add3A_2620 : memref<64x129xf32, #tpu.memory_space<vmem>>[vector<16xi32>, vector<16xi32>], vector<16xf32>,
        tpu.vector_store_idx %arg8[%add3A_14, %broadcast_in_dim3A_2606], %add3A_2624 : memref<64x129xf32, #tpu.memory_space<vmem>>[vector<16xi32>, vector<16xi32>], vector<16xf32>,
        tpu.vector_store_idx %arg8[%add3A_5, %broadcast_in_dim3A_2608], %add3A_2628 : memref<64x129xf32, #tpu.memory_space<vmem>>[vector<16xi32>, vector<16xi32>], vector<16xf32>,
        tpu.vector_store_idx %arg8[%add3A_8, %broadcast_in_dim3A_2608], %add3A_2632 : memref<64x129xf32, #tpu.memory_space<vmem>>[vector<16xi32>, vector<16xi32>], vector<16xf32>,
        tpu.vector_store_idx %arg8[%add3A_11, %broadcast_in_dim3A_2608], %add3A_2636 : memref<64x129xf32, #tpu.memory_space<vmem>>[vector<16xi32>, vector<16xi32>], vector<16xf32>,
        tpu.vector_store_idx %arg8[%add3A_14, %broadcast_in_dim3A_2608], %add3A_2640 : memref<64x129xf32, #tpu.memory_space<vmem>>[vector<16xi32>, vector<16xi32>], vector<16xf32>,
        %mul3A_2641 = arith.constant 128 : i32
        %mul3A_2642 = arith.muli %scan3A_132, %mul3A_2641 : i32
        %add3A_2643 = arith.constant 108 : i32
        %add3A_2644 = arith.addi %mul3A_2642, %add3A_2643 : i32
        %mul3A_2645 = arith.constant 128 : i32
        %mul3A_2646 = arith.muli %scan3A_132, %mul3A_2645 : i32
        %add3A_2647 = arith.constant 108 : i32
        %add3A_2648 = arith.addi %mul3A_2646, %add3A_2647 : i32
        %add3A_2649 = arith.constant 1 : i32
        %add3A_2650 = arith.addi %add3A_2648, %add3A_2649 : i32
        %broadcast_in_dim3A_2651 = arith.constant 108 : i32
        %broadcast_in_dim3A_2652 = vector.broadcast %broadcast_in_dim3A_2651 : i32 to vector<16xi32>
        %broadcast_in_dim3A_2653 = arith.constant 109 : i32
        %broadcast_in_dim3A_2654 = vector.broadcast %broadcast_in_dim3A_2653 : i32 to vector<16xi32>
        %get3A_2655 = arith.index_cast %add3A_2644 : i32 to index
        %get3A_2656 = arith.constant 0 : index
        %get3A_2657 = tpu.vector_load %arg7[%get3A_2655, %get3A_2656] {strides = array<i32>} : memref<1024x64xf32, #tpu.memory_space<vmem>>, vector<16xf32>,
        %add3A_2658 = arith.addf %get3A_2657, %get3A_148 : vector<16xf32>
        %get3A_2659 = arith.index_cast %add3A_2644 : i32 to index
        %get3A_2660 = arith.constant 16 : index
        %get3A_2661 = tpu.vector_load %arg7[%get3A_2659, %get3A_2660] {strides = array<i32>} : memref<1024x64xf32, #tpu.memory_space<vmem>>, vector<16xf32>,
        %add3A_2662 = arith.addf %get3A_2661, %get3A_151 : vector<16xf32>
        %get3A_2663 = arith.index_cast %add3A_2644 : i32 to index
        %get3A_2664 = arith.constant 32 : index
        %get3A_2665 = tpu.vector_load %arg7[%get3A_2663, %get3A_2664] {strides = array<i32>} : memref<1024x64xf32, #tpu.memory_space<vmem>>, vector<16xf32>,
        %add3A_2666 = arith.addf %get3A_2665, %get3A_154 : vector<16xf32>
        %get3A_2667 = arith.index_cast %add3A_2644 : i32 to index
        %get3A_2668 = arith.constant 48 : index
        %get3A_2669 = tpu.vector_load %arg7[%get3A_2667, %get3A_2668] {strides = array<i32>} : memref<1024x64xf32, #tpu.memory_space<vmem>>, vector<16xf32>,
        %add3A_2670 = arith.addf %get3A_2669, %get3A_157 : vector<16xf32>
        %get3A_2671 = arith.index_cast %add3A_2650 : i32 to index
        %get3A_2672 = arith.constant 0 : index
        %get3A_2673 = tpu.vector_load %arg7[%get3A_2671, %get3A_2672] {strides = array<i32>} : memref<1024x64xf32, #tpu.memory_space<vmem>>, vector<16xf32>,
        %add3A_2674 = arith.addf %get3A_2673, %get3A_148 : vector<16xf32>
        %get3A_2675 = arith.index_cast %add3A_2650 : i32 to index
        %get3A_2676 = arith.constant 16 : index
        %get3A_2677 = tpu.vector_load %arg7[%get3A_2675, %get3A_2676] {strides = array<i32>} : memref<1024x64xf32, #tpu.memory_space<vmem>>, vector<16xf32>,
        %add3A_2678 = arith.addf %get3A_2677, %get3A_151 : vector<16xf32>
        %get3A_2679 = arith.index_cast %add3A_2650 : i32 to index
        %get3A_2680 = arith.constant 32 : index
        %get3A_2681 = tpu.vector_load %arg7[%get3A_2679, %get3A_2680] {strides = array<i32>} : memref<1024x64xf32, #tpu.memory_space<vmem>>, vector<16xf32>,
        %add3A_2682 = arith.addf %get3A_2681, %get3A_154 : vector<16xf32>
        %get3A_2683 = arith.index_cast %add3A_2650 : i32 to index
        %get3A_2684 = arith.constant 48 : index
        %get3A_2685 = tpu.vector_load %arg7[%get3A_2683, %get3A_2684] {strides = array<i32>} : memref<1024x64xf32, #tpu.memory_space<vmem>>, vector<16xf32>,
        %add3A_2686 = arith.addf %get3A_2685, %get3A_157 : vector<16xf32>
        tpu.vector_store_idx %arg8[%add3A_5, %broadcast_in_dim3A_2652], %add3A_2658 : memref<64x129xf32, #tpu.memory_space<vmem>>[vector<16xi32>, vector<16xi32>], vector<16xf32>,
        tpu.vector_store_idx %arg8[%add3A_8, %broadcast_in_dim3A_2652], %add3A_2662 : memref<64x129xf32, #tpu.memory_space<vmem>>[vector<16xi32>, vector<16xi32>], vector<16xf32>,
        tpu.vector_store_idx %arg8[%add3A_11, %broadcast_in_dim3A_2652], %add3A_2666 : memref<64x129xf32, #tpu.memory_space<vmem>>[vector<16xi32>, vector<16xi32>], vector<16xf32>,
        tpu.vector_store_idx %arg8[%add3A_14, %broadcast_in_dim3A_2652], %add3A_2670 : memref<64x129xf32, #tpu.memory_space<vmem>>[vector<16xi32>, vector<16xi32>], vector<16xf32>,
        tpu.vector_store_idx %arg8[%add3A_5, %broadcast_in_dim3A_2654], %add3A_2674 : memref<64x129xf32, #tpu.memory_space<vmem>>[vector<16xi32>, vector<16xi32>], vector<16xf32>,
        tpu.vector_store_idx %arg8[%add3A_8, %broadcast_in_dim3A_2654], %add3A_2678 : memref<64x129xf32, #tpu.memory_space<vmem>>[vector<16xi32>, vector<16xi32>], vector<16xf32>,
        tpu.vector_store_idx %arg8[%add3A_11, %broadcast_in_dim3A_2654], %add3A_2682 : memref<64x129xf32, #tpu.memory_space<vmem>>[vector<16xi32>, vector<16xi32>], vector<16xf32>,
        tpu.vector_store_idx %arg8[%add3A_14, %broadcast_in_dim3A_2654], %add3A_2686 : memref<64x129xf32, #tpu.memory_space<vmem>>[vector<16xi32>, vector<16xi32>], vector<16xf32>,
        %mul3A_2687 = arith.constant 128 : i32
        %mul3A_2688 = arith.muli %scan3A_132, %mul3A_2687 : i32
        %add3A_2689 = arith.constant 110 : i32
        %add3A_2690 = arith.addi %mul3A_2688, %add3A_2689 : i32
        %mul3A_2691 = arith.constant 128 : i32
        %mul3A_2692 = arith.muli %scan3A_132, %mul3A_2691 : i32
        %add3A_2693 = arith.constant 110 : i32
        %add3A_2694 = arith.addi %mul3A_2692, %add3A_2693 : i32
        %add3A_2695 = arith.constant 1 : i32
        %add3A_2696 = arith.addi %add3A_2694, %add3A_2695 : i32
        %broadcast_in_dim3A_2697 = arith.constant 110 : i32
        %broadcast_in_dim3A_2698 = vector.broadcast %broadcast_in_dim3A_2697 : i32 to vector<16xi32>
        %broadcast_in_dim3A_2699 = arith.constant 111 : i32
        %broadcast_in_dim3A_2700 = vector.broadcast %broadcast_in_dim3A_2699 : i32 to vector<16xi32>
        %get3A_2701 = arith.index_cast %add3A_2690 : i32 to index
        %get3A_2702 = arith.constant 0 : index
        %get3A_2703 = tpu.vector_load %arg7[%get3A_2701, %get3A_2702] {strides = array<i32>} : memref<1024x64xf32, #tpu.memory_space<vmem>>, vector<16xf32>,
        %add3A_2704 = arith.addf %get3A_2703, %get3A_148 : vector<16xf32>
        %get3A_2705 = arith.index_cast %add3A_2690 : i32 to index
        %get3A_2706 = arith.constant 16 : index
        %get3A_2707 = tpu.vector_load %arg7[%get3A_2705, %get3A_2706] {strides = array<i32>} : memref<1024x64xf32, #tpu.memory_space<vmem>>, vector<16xf32>,
        %add3A_2708 = arith.addf %get3A_2707, %get3A_151 : vector<16xf32>
        %get3A_2709 = arith.index_cast %add3A_2690 : i32 to index
        %get3A_2710 = arith.constant 32 : index
        %get3A_2711 = tpu.vector_load %arg7[%get3A_2709, %get3A_2710] {strides = array<i32>} : memref<1024x64xf32, #tpu.memory_space<vmem>>, vector<16xf32>,
        %add3A_2712 = arith.addf %get3A_2711, %get3A_154 : vector<16xf32>
        %get3A_2713 = arith.index_cast %add3A_2690 : i32 to index
        %get3A_2714 = arith.constant 48 : index
        %get3A_2715 = tpu.vector_load %arg7[%get3A_2713, %get3A_2714] {strides = array<i32>} : memref<1024x64xf32, #tpu.memory_space<vmem>>, vector<16xf32>,
        %add3A_2716 = arith.addf %get3A_2715, %get3A_157 : vector<16xf32>
        %get3A_2717 = arith.index_cast %add3A_2696 : i32 to index
        %get3A_2718 = arith.constant 0 : index
        %get3A_2719 = tpu.vector_load %arg7[%get3A_2717, %get3A_2718] {strides = array<i32>} : memref<1024x64xf32, #tpu.memory_space<vmem>>, vector<16xf32>,
        %add3A_2720 = arith.addf %get3A_2719, %get3A_148 : vector<16xf32>
        %get3A_2721 = arith.index_cast %add3A_2696 : i32 to index
        %get3A_2722 = arith.constant 16 : index
        %get3A_2723 = tpu.vector_load %arg7[%get3A_2721, %get3A_2722] {strides = array<i32>} : memref<1024x64xf32, #tpu.memory_space<vmem>>, vector<16xf32>,
        %add3A_2724 = arith.addf %get3A_2723, %get3A_151 : vector<16xf32>
        %get3A_2725 = arith.index_cast %add3A_2696 : i32 to index
        %get3A_2726 = arith.constant 32 : index
        %get3A_2727 = tpu.vector_load %arg7[%get3A_2725, %get3A_2726] {strides = array<i32>} : memref<1024x64xf32, #tpu.memory_space<vmem>>, vector<16xf32>,
        %add3A_2728 = arith.addf %get3A_2727, %get3A_154 : vector<16xf32>
        %get3A_2729 = arith.index_cast %add3A_2696 : i32 to index
        %get3A_2730 = arith.constant 48 : index
        %get3A_2731 = tpu.vector_load %arg7[%get3A_2729, %get3A_2730] {strides = array<i32>} : memref<1024x64xf32, #tpu.memory_space<vmem>>, vector<16xf32>,
        %add3A_2732 = arith.addf %get3A_2731, %get3A_157 : vector<16xf32>
        tpu.vector_store_idx %arg8[%add3A_5, %broadcast_in_dim3A_2698], %add3A_2704 : memref<64x129xf32, #tpu.memory_space<vmem>>[vector<16xi32>, vector<16xi32>], vector<16xf32>,
        tpu.vector_store_idx %arg8[%add3A_8, %broadcast_in_dim3A_2698], %add3A_2708 : memref<64x129xf32, #tpu.memory_space<vmem>>[vector<16xi32>, vector<16xi32>], vector<16xf32>,
        tpu.vector_store_idx %arg8[%add3A_11, %broadcast_in_dim3A_2698], %add3A_2712 : memref<64x129xf32, #tpu.memory_space<vmem>>[vector<16xi32>, vector<16xi32>], vector<16xf32>,
        tpu.vector_store_idx %arg8[%add3A_14, %broadcast_in_dim3A_2698], %add3A_2716 : memref<64x129xf32, #tpu.memory_space<vmem>>[vector<16xi32>, vector<16xi32>], vector<16xf32>,
        tpu.vector_store_idx %arg8[%add3A_5, %broadcast_in_dim3A_2700], %add3A_2720 : memref<64x129xf32, #tpu.memory_space<vmem>>[vector<16xi32>, vector<16xi32>], vector<16xf32>,
        tpu.vector_store_idx %arg8[%add3A_8, %broadcast_in_dim3A_2700], %add3A_2724 : memref<64x129xf32, #tpu.memory_space<vmem>>[vector<16xi32>, vector<16xi32>], vector<16xf32>,
        tpu.vector_store_idx %arg8[%add3A_11, %broadcast_in_dim3A_2700], %add3A_2728 : memref<64x129xf32, #tpu.memory_space<vmem>>[vector<16xi32>, vector<16xi32>], vector<16xf32>,
        tpu.vector_store_idx %arg8[%add3A_14, %broadcast_in_dim3A_2700], %add3A_2732 : memref<64x129xf32, #tpu.memory_space<vmem>>[vector<16xi32>, vector<16xi32>], vector<16xf32>,
        %mul3A_2733 = arith.constant 128 : i32
        %mul3A_2734 = arith.muli %scan3A_132, %mul3A_2733 : i32
        %add3A_2735 = arith.constant 112 : i32
        %add3A_2736 = arith.addi %mul3A_2734, %add3A_2735 : i32
        %mul3A_2737 = arith.constant 128 : i32
        %mul3A_2738 = arith.muli %scan3A_132, %mul3A_2737 : i32
        %add3A_2739 = arith.constant 112 : i32
        %add3A_2740 = arith.addi %mul3A_2738, %add3A_2739 : i32
        %add3A_2741 = arith.constant 1 : i32
        %add3A_2742 = arith.addi %add3A_2740, %add3A_2741 : i32
        %broadcast_in_dim3A_2743 = arith.constant 112 : i32
        %broadcast_in_dim3A_2744 = vector.broadcast %broadcast_in_dim3A_2743 : i32 to vector<16xi32>
        %broadcast_in_dim3A_2745 = arith.constant 113 : i32
        %broadcast_in_dim3A_2746 = vector.broadcast %broadcast_in_dim3A_2745 : i32 to vector<16xi32>
        %get3A_2747 = arith.index_cast %add3A_2736 : i32 to index
        %get3A_2748 = arith.constant 0 : index
        %get3A_2749 = tpu.vector_load %arg7[%get3A_2747, %get3A_2748] {strides = array<i32>} : memref<1024x64xf32, #tpu.memory_space<vmem>>, vector<16xf32>,
        %add3A_2750 = arith.addf %get3A_2749, %get3A_148 : vector<16xf32>
        %get3A_2751 = arith.index_cast %add3A_2736 : i32 to index
        %get3A_2752 = arith.constant 16 : index
        %get3A_2753 = tpu.vector_load %arg7[%get3A_2751, %get3A_2752] {strides = array<i32>} : memref<1024x64xf32, #tpu.memory_space<vmem>>, vector<16xf32>,
        %add3A_2754 = arith.addf %get3A_2753, %get3A_151 : vector<16xf32>
        %get3A_2755 = arith.index_cast %add3A_2736 : i32 to index
        %get3A_2756 = arith.constant 32 : index
        %get3A_2757 = tpu.vector_load %arg7[%get3A_2755, %get3A_2756] {strides = array<i32>} : memref<1024x64xf32, #tpu.memory_space<vmem>>, vector<16xf32>,
        %add3A_2758 = arith.addf %get3A_2757, %get3A_154 : vector<16xf32>
        %get3A_2759 = arith.index_cast %add3A_2736 : i32 to index
        %get3A_2760 = arith.constant 48 : index
        %get3A_2761 = tpu.vector_load %arg7[%get3A_2759, %get3A_2760] {strides = array<i32>} : memref<1024x64xf32, #tpu.memory_space<vmem>>, vector<16xf32>,
        %add3A_2762 = arith.addf %get3A_2761, %get3A_157 : vector<16xf32>
        %get3A_2763 = arith.index_cast %add3A_2742 : i32 to index
        %get3A_2764 = arith.constant 0 : index
        %get3A_2765 = tpu.vector_load %arg7[%get3A_2763, %get3A_2764] {strides = array<i32>} : memref<1024x64xf32, #tpu.memory_space<vmem>>, vector<16xf32>,
        %add3A_2766 = arith.addf %get3A_2765, %get3A_148 : vector<16xf32>
        %get3A_2767 = arith.index_cast %add3A_2742 : i32 to index
        %get3A_2768 = arith.constant 16 : index
        %get3A_2769 = tpu.vector_load %arg7[%get3A_2767, %get3A_2768] {strides = array<i32>} : memref<1024x64xf32, #tpu.memory_space<vmem>>, vector<16xf32>,
        %add3A_2770 = arith.addf %get3A_2769, %get3A_151 : vector<16xf32>
        %get3A_2771 = arith.index_cast %add3A_2742 : i32 to index
        %get3A_2772 = arith.constant 32 : index
        %get3A_2773 = tpu.vector_load %arg7[%get3A_2771, %get3A_2772] {strides = array<i32>} : memref<1024x64xf32, #tpu.memory_space<vmem>>, vector<16xf32>,
        %add3A_2774 = arith.addf %get3A_2773, %get3A_154 : vector<16xf32>
        %get3A_2775 = arith.index_cast %add3A_2742 : i32 to index
        %get3A_2776 = arith.constant 48 : index
        %get3A_2777 = tpu.vector_load %arg7[%get3A_2775, %get3A_2776] {strides = array<i32>} : memref<1024x64xf32, #tpu.memory_space<vmem>>, vector<16xf32>,
        %add3A_2778 = arith.addf %get3A_2777, %get3A_157 : vector<16xf32>
        tpu.vector_store_idx %arg8[%add3A_5, %broadcast_in_dim3A_2744], %add3A_2750 : memref<64x129xf32, #tpu.memory_space<vmem>>[vector<16xi32>, vector<16xi32>], vector<16xf32>,
        tpu.vector_store_idx %arg8[%add3A_8, %broadcast_in_dim3A_2744], %add3A_2754 : memref<64x129xf32, #tpu.memory_space<vmem>>[vector<16xi32>, vector<16xi32>], vector<16xf32>,
        tpu.vector_store_idx %arg8[%add3A_11, %broadcast_in_dim3A_2744], %add3A_2758 : memref<64x129xf32, #tpu.memory_space<vmem>>[vector<16xi32>, vector<16xi32>], vector<16xf32>,
        tpu.vector_store_idx %arg8[%add3A_14, %broadcast_in_dim3A_2744], %add3A_2762 : memref<64x129xf32, #tpu.memory_space<vmem>>[vector<16xi32>, vector<16xi32>], vector<16xf32>,
        tpu.vector_store_idx %arg8[%add3A_5, %broadcast_in_dim3A_2746], %add3A_2766 : memref<64x129xf32, #tpu.memory_space<vmem>>[vector<16xi32>, vector<16xi32>], vector<16xf32>,
        tpu.vector_store_idx %arg8[%add3A_8, %broadcast_in_dim3A_2746], %add3A_2770 : memref<64x129xf32, #tpu.memory_space<vmem>>[vector<16xi32>, vector<16xi32>], vector<16xf32>,
        tpu.vector_store_idx %arg8[%add3A_11, %broadcast_in_dim3A_2746], %add3A_2774 : memref<64x129xf32, #tpu.memory_space<vmem>>[vector<16xi32>, vector<16xi32>], vector<16xf32>,
        tpu.vector_store_idx %arg8[%add3A_14, %broadcast_in_dim3A_2746], %add3A_2778 : memref<64x129xf32, #tpu.memory_space<vmem>>[vector<16xi32>, vector<16xi32>], vector<16xf32>,
        %mul3A_2779 = arith.constant 128 : i32
        %mul3A_2780 = arith.muli %scan3A_132, %mul3A_2779 : i32
        %add3A_2781 = arith.constant 114 : i32
        %add3A_2782 = arith.addi %mul3A_2780, %add3A_2781 : i32
        %mul3A_2783 = arith.constant 128 : i32
        %mul3A_2784 = arith.muli %scan3A_132, %mul3A_2783 : i32
        %add3A_2785 = arith.constant 114 : i32
        %add3A_2786 = arith.addi %mul3A_2784, %add3A_2785 : i32
        %add3A_2787 = arith.constant 1 : i32
        %add3A_2788 = arith.addi %add3A_2786, %add3A_2787 : i32
        %broadcast_in_dim3A_2789 = arith.constant 114 : i32
        %broadcast_in_dim3A_2790 = vector.broadcast %broadcast_in_dim3A_2789 : i32 to vector<16xi32>
        %broadcast_in_dim3A_2791 = arith.constant 115 : i32
        %broadcast_in_dim3A_2792 = vector.broadcast %broadcast_in_dim3A_2791 : i32 to vector<16xi32>
        %get3A_2793 = arith.index_cast %add3A_2782 : i32 to index
        %get3A_2794 = arith.constant 0 : index
        %get3A_2795 = tpu.vector_load %arg7[%get3A_2793, %get3A_2794] {strides = array<i32>} : memref<1024x64xf32, #tpu.memory_space<vmem>>, vector<16xf32>,
        %add3A_2796 = arith.addf %get3A_2795, %get3A_148 : vector<16xf32>
        %get3A_2797 = arith.index_cast %add3A_2782 : i32 to index
        %get3A_2798 = arith.constant 16 : index
        %get3A_2799 = tpu.vector_load %arg7[%get3A_2797, %get3A_2798] {strides = array<i32>} : memref<1024x64xf32, #tpu.memory_space<vmem>>, vector<16xf32>,
        %add3A_2800 = arith.addf %get3A_2799, %get3A_151 : vector<16xf32>
        %get3A_2801 = arith.index_cast %add3A_2782 : i32 to index
        %get3A_2802 = arith.constant 32 : index
        %get3A_2803 = tpu.vector_load %arg7[%get3A_2801, %get3A_2802] {strides = array<i32>} : memref<1024x64xf32, #tpu.memory_space<vmem>>, vector<16xf32>,
        %add3A_2804 = arith.addf %get3A_2803, %get3A_154 : vector<16xf32>
        %get3A_2805 = arith.index_cast %add3A_2782 : i32 to index
        %get3A_2806 = arith.constant 48 : index
        %get3A_2807 = tpu.vector_load %arg7[%get3A_2805, %get3A_2806] {strides = array<i32>} : memref<1024x64xf32, #tpu.memory_space<vmem>>, vector<16xf32>,
        %add3A_2808 = arith.addf %get3A_2807, %get3A_157 : vector<16xf32>
        %get3A_2809 = arith.index_cast %add3A_2788 : i32 to index
        %get3A_2810 = arith.constant 0 : index
        %get3A_2811 = tpu.vector_load %arg7[%get3A_2809, %get3A_2810] {strides = array<i32>} : memref<1024x64xf32, #tpu.memory_space<vmem>>, vector<16xf32>,
        %add3A_2812 = arith.addf %get3A_2811, %get3A_148 : vector<16xf32>
        %get3A_2813 = arith.index_cast %add3A_2788 : i32 to index
        %get3A_2814 = arith.constant 16 : index
        %get3A_2815 = tpu.vector_load %arg7[%get3A_2813, %get3A_2814] {strides = array<i32>} : memref<1024x64xf32, #tpu.memory_space<vmem>>, vector<16xf32>,
        %add3A_2816 = arith.addf %get3A_2815, %get3A_151 : vector<16xf32>
        %get3A_2817 = arith.index_cast %add3A_2788 : i32 to index
        %get3A_2818 = arith.constant 32 : index
        %get3A_2819 = tpu.vector_load %arg7[%get3A_2817, %get3A_2818] {strides = array<i32>} : memref<1024x64xf32, #tpu.memory_space<vmem>>, vector<16xf32>,
        %add3A_2820 = arith.addf %get3A_2819, %get3A_154 : vector<16xf32>
        %get3A_2821 = arith.index_cast %add3A_2788 : i32 to index
        %get3A_2822 = arith.constant 48 : index
        %get3A_2823 = tpu.vector_load %arg7[%get3A_2821, %get3A_2822] {strides = array<i32>} : memref<1024x64xf32, #tpu.memory_space<vmem>>, vector<16xf32>,
        %add3A_2824 = arith.addf %get3A_2823, %get3A_157 : vector<16xf32>
        tpu.vector_store_idx %arg8[%add3A_5, %broadcast_in_dim3A_2790], %add3A_2796 : memref<64x129xf32, #tpu.memory_space<vmem>>[vector<16xi32>, vector<16xi32>], vector<16xf32>,
        tpu.vector_store_idx %arg8[%add3A_8, %broadcast_in_dim3A_2790], %add3A_2800 : memref<64x129xf32, #tpu.memory_space<vmem>>[vector<16xi32>, vector<16xi32>], vector<16xf32>,
        tpu.vector_store_idx %arg8[%add3A_11, %broadcast_in_dim3A_2790], %add3A_2804 : memref<64x129xf32, #tpu.memory_space<vmem>>[vector<16xi32>, vector<16xi32>], vector<16xf32>,
        tpu.vector_store_idx %arg8[%add3A_14, %broadcast_in_dim3A_2790], %add3A_2808 : memref<64x129xf32, #tpu.memory_space<vmem>>[vector<16xi32>, vector<16xi32>], vector<16xf32>,
        tpu.vector_store_idx %arg8[%add3A_5, %broadcast_in_dim3A_2792], %add3A_2812 : memref<64x129xf32, #tpu.memory_space<vmem>>[vector<16xi32>, vector<16xi32>], vector<16xf32>,
        tpu.vector_store_idx %arg8[%add3A_8, %broadcast_in_dim3A_2792], %add3A_2816 : memref<64x129xf32, #tpu.memory_space<vmem>>[vector<16xi32>, vector<16xi32>], vector<16xf32>,
        tpu.vector_store_idx %arg8[%add3A_11, %broadcast_in_dim3A_2792], %add3A_2820 : memref<64x129xf32, #tpu.memory_space<vmem>>[vector<16xi32>, vector<16xi32>], vector<16xf32>,
        tpu.vector_store_idx %arg8[%add3A_14, %broadcast_in_dim3A_2792], %add3A_2824 : memref<64x129xf32, #tpu.memory_space<vmem>>[vector<16xi32>, vector<16xi32>], vector<16xf32>,
        %mul3A_2825 = arith.constant 128 : i32
        %mul3A_2826 = arith.muli %scan3A_132, %mul3A_2825 : i32
        %add3A_2827 = arith.constant 116 : i32
        %add3A_2828 = arith.addi %mul3A_2826, %add3A_2827 : i32
        %mul3A_2829 = arith.constant 128 : i32
        %mul3A_2830 = arith.muli %scan3A_132, %mul3A_2829 : i32
        %add3A_2831 = arith.constant 116 : i32
        %add3A_2832 = arith.addi %mul3A_2830, %add3A_2831 : i32
        %add3A_2833 = arith.constant 1 : i32
        %add3A_2834 = arith.addi %add3A_2832, %add3A_2833 : i32
        %broadcast_in_dim3A_2835 = arith.constant 116 : i32
        %broadcast_in_dim3A_2836 = vector.broadcast %broadcast_in_dim3A_2835 : i32 to vector<16xi32>
        %broadcast_in_dim3A_2837 = arith.constant 117 : i32
        %broadcast_in_dim3A_2838 = vector.broadcast %broadcast_in_dim3A_2837 : i32 to vector<16xi32>
        %get3A_2839 = arith.index_cast %add3A_2828 : i32 to index
        %get3A_2840 = arith.constant 0 : index
        %get3A_2841 = tpu.vector_load %arg7[%get3A_2839, %get3A_2840] {strides = array<i32>} : memref<1024x64xf32, #tpu.memory_space<vmem>>, vector<16xf32>,
        %add3A_2842 = arith.addf %get3A_2841, %get3A_148 : vector<16xf32>
        %get3A_2843 = arith.index_cast %add3A_2828 : i32 to index
        %get3A_2844 = arith.constant 16 : index
        %get3A_2845 = tpu.vector_load %arg7[%get3A_2843, %get3A_2844] {strides = array<i32>} : memref<1024x64xf32, #tpu.memory_space<vmem>>, vector<16xf32>,
        %add3A_2846 = arith.addf %get3A_2845, %get3A_151 : vector<16xf32>
        %get3A_2847 = arith.index_cast %add3A_2828 : i32 to index
        %get3A_2848 = arith.constant 32 : index
        %get3A_2849 = tpu.vector_load %arg7[%get3A_2847, %get3A_2848] {strides = array<i32>} : memref<1024x64xf32, #tpu.memory_space<vmem>>, vector<16xf32>,
        %add3A_2850 = arith.addf %get3A_2849, %get3A_154 : vector<16xf32>
        %get3A_2851 = arith.index_cast %add3A_2828 : i32 to index
        %get3A_2852 = arith.constant 48 : index
        %get3A_2853 = tpu.vector_load %arg7[%get3A_2851, %get3A_2852] {strides = array<i32>} : memref<1024x64xf32, #tpu.memory_space<vmem>>, vector<16xf32>,
        %add3A_2854 = arith.addf %get3A_2853, %get3A_157 : vector<16xf32>
        %get3A_2855 = arith.index_cast %add3A_2834 : i32 to index
        %get3A_2856 = arith.constant 0 : index
        %get3A_2857 = tpu.vector_load %arg7[%get3A_2855, %get3A_2856] {strides = array<i32>} : memref<1024x64xf32, #tpu.memory_space<vmem>>, vector<16xf32>,
        %add3A_2858 = arith.addf %get3A_2857, %get3A_148 : vector<16xf32>
        %get3A_2859 = arith.index_cast %add3A_2834 : i32 to index
        %get3A_2860 = arith.constant 16 : index
        %get3A_2861 = tpu.vector_load %arg7[%get3A_2859, %get3A_2860] {strides = array<i32>} : memref<1024x64xf32, #tpu.memory_space<vmem>>, vector<16xf32>,
        %add3A_2862 = arith.addf %get3A_2861, %get3A_151 : vector<16xf32>
        %get3A_2863 = arith.index_cast %add3A_2834 : i32 to index
        %get3A_2864 = arith.constant 32 : index
        %get3A_2865 = tpu.vector_load %arg7[%get3A_2863, %get3A_2864] {strides = array<i32>} : memref<1024x64xf32, #tpu.memory_space<vmem>>, vector<16xf32>,
        %add3A_2866 = arith.addf %get3A_2865, %get3A_154 : vector<16xf32>
        %get3A_2867 = arith.index_cast %add3A_2834 : i32 to index
        %get3A_2868 = arith.constant 48 : index
        %get3A_2869 = tpu.vector_load %arg7[%get3A_2867, %get3A_2868] {strides = array<i32>} : memref<1024x64xf32, #tpu.memory_space<vmem>>, vector<16xf32>,
        %add3A_2870 = arith.addf %get3A_2869, %get3A_157 : vector<16xf32>
        tpu.vector_store_idx %arg8[%add3A_5, %broadcast_in_dim3A_2836], %add3A_2842 : memref<64x129xf32, #tpu.memory_space<vmem>>[vector<16xi32>, vector<16xi32>], vector<16xf32>,
        tpu.vector_store_idx %arg8[%add3A_8, %broadcast_in_dim3A_2836], %add3A_2846 : memref<64x129xf32, #tpu.memory_space<vmem>>[vector<16xi32>, vector<16xi32>], vector<16xf32>,
        tpu.vector_store_idx %arg8[%add3A_11, %broadcast_in_dim3A_2836], %add3A_2850 : memref<64x129xf32, #tpu.memory_space<vmem>>[vector<16xi32>, vector<16xi32>], vector<16xf32>,
        tpu.vector_store_idx %arg8[%add3A_14, %broadcast_in_dim3A_2836], %add3A_2854 : memref<64x129xf32, #tpu.memory_space<vmem>>[vector<16xi32>, vector<16xi32>], vector<16xf32>,
        tpu.vector_store_idx %arg8[%add3A_5, %broadcast_in_dim3A_2838], %add3A_2858 : memref<64x129xf32, #tpu.memory_space<vmem>>[vector<16xi32>, vector<16xi32>], vector<16xf32>,
        tpu.vector_store_idx %arg8[%add3A_8, %broadcast_in_dim3A_2838], %add3A_2862 : memref<64x129xf32, #tpu.memory_space<vmem>>[vector<16xi32>, vector<16xi32>], vector<16xf32>,
        tpu.vector_store_idx %arg8[%add3A_11, %broadcast_in_dim3A_2838], %add3A_2866 : memref<64x129xf32, #tpu.memory_space<vmem>>[vector<16xi32>, vector<16xi32>], vector<16xf32>,
        tpu.vector_store_idx %arg8[%add3A_14, %broadcast_in_dim3A_2838], %add3A_2870 : memref<64x129xf32, #tpu.memory_space<vmem>>[vector<16xi32>, vector<16xi32>], vector<16xf32>,
        %mul3A_2871 = arith.constant 128 : i32
        %mul3A_2872 = arith.muli %scan3A_132, %mul3A_2871 : i32
        %add3A_2873 = arith.constant 118 : i32
        %add3A_2874 = arith.addi %mul3A_2872, %add3A_2873 : i32
        %mul3A_2875 = arith.constant 128 : i32
        %mul3A_2876 = arith.muli %scan3A_132, %mul3A_2875 : i32
        %add3A_2877 = arith.constant 118 : i32
        %add3A_2878 = arith.addi %mul3A_2876, %add3A_2877 : i32
        %add3A_2879 = arith.constant 1 : i32
        %add3A_2880 = arith.addi %add3A_2878, %add3A_2879 : i32
        %broadcast_in_dim3A_2881 = arith.constant 118 : i32
        %broadcast_in_dim3A_2882 = vector.broadcast %broadcast_in_dim3A_2881 : i32 to vector<16xi32>
        %broadcast_in_dim3A_2883 = arith.constant 119 : i32
        %broadcast_in_dim3A_2884 = vector.broadcast %broadcast_in_dim3A_2883 : i32 to vector<16xi32>
        %get3A_2885 = arith.index_cast %add3A_2874 : i32 to index
        %get3A_2886 = arith.constant 0 : index
        %get3A_2887 = tpu.vector_load %arg7[%get3A_2885, %get3A_2886] {strides = array<i32>} : memref<1024x64xf32, #tpu.memory_space<vmem>>, vector<16xf32>,
        %add3A_2888 = arith.addf %get3A_2887, %get3A_148 : vector<16xf32>
        %get3A_2889 = arith.index_cast %add3A_2874 : i32 to index
        %get3A_2890 = arith.constant 16 : index
        %get3A_2891 = tpu.vector_load %arg7[%get3A_2889, %get3A_2890] {strides = array<i32>} : memref<1024x64xf32, #tpu.memory_space<vmem>>, vector<16xf32>,
        %add3A_2892 = arith.addf %get3A_2891, %get3A_151 : vector<16xf32>
        %get3A_2893 = arith.index_cast %add3A_2874 : i32 to index
        %get3A_2894 = arith.constant 32 : index
        %get3A_2895 = tpu.vector_load %arg7[%get3A_2893, %get3A_2894] {strides = array<i32>} : memref<1024x64xf32, #tpu.memory_space<vmem>>, vector<16xf32>,
        %add3A_2896 = arith.addf %get3A_2895, %get3A_154 : vector<16xf32>
        %get3A_2897 = arith.index_cast %add3A_2874 : i32 to index
        %get3A_2898 = arith.constant 48 : index
        %get3A_2899 = tpu.vector_load %arg7[%get3A_2897, %get3A_2898] {strides = array<i32>} : memref<1024x64xf32, #tpu.memory_space<vmem>>, vector<16xf32>,
        %add3A_2900 = arith.addf %get3A_2899, %get3A_157 : vector<16xf32>
        %get3A_2901 = arith.index_cast %add3A_2880 : i32 to index
        %get3A_2902 = arith.constant 0 : index
        %get3A_2903 = tpu.vector_load %arg7[%get3A_2901, %get3A_2902] {strides = array<i32>} : memref<1024x64xf32, #tpu.memory_space<vmem>>, vector<16xf32>,
        %add3A_2904 = arith.addf %get3A_2903, %get3A_148 : vector<16xf32>
        %get3A_2905 = arith.index_cast %add3A_2880 : i32 to index
        %get3A_2906 = arith.constant 16 : index
        %get3A_2907 = tpu.vector_load %arg7[%get3A_2905, %get3A_2906] {strides = array<i32>} : memref<1024x64xf32, #tpu.memory_space<vmem>>, vector<16xf32>,
        %add3A_2908 = arith.addf %get3A_2907, %get3A_151 : vector<16xf32>
        %get3A_2909 = arith.index_cast %add3A_2880 : i32 to index
        %get3A_2910 = arith.constant 32 : index
        %get3A_2911 = tpu.vector_load %arg7[%get3A_2909, %get3A_2910] {strides = array<i32>} : memref<1024x64xf32, #tpu.memory_space<vmem>>, vector<16xf32>,
        %add3A_2912 = arith.addf %get3A_2911, %get3A_154 : vector<16xf32>
        %get3A_2913 = arith.index_cast %add3A_2880 : i32 to index
        %get3A_2914 = arith.constant 48 : index
        %get3A_2915 = tpu.vector_load %arg7[%get3A_2913, %get3A_2914] {strides = array<i32>} : memref<1024x64xf32, #tpu.memory_space<vmem>>, vector<16xf32>,
        %add3A_2916 = arith.addf %get3A_2915, %get3A_157 : vector<16xf32>
        tpu.vector_store_idx %arg8[%add3A_5, %broadcast_in_dim3A_2882], %add3A_2888 : memref<64x129xf32, #tpu.memory_space<vmem>>[vector<16xi32>, vector<16xi32>], vector<16xf32>,
        tpu.vector_store_idx %arg8[%add3A_8, %broadcast_in_dim3A_2882], %add3A_2892 : memref<64x129xf32, #tpu.memory_space<vmem>>[vector<16xi32>, vector<16xi32>], vector<16xf32>,
        tpu.vector_store_idx %arg8[%add3A_11, %broadcast_in_dim3A_2882], %add3A_2896 : memref<64x129xf32, #tpu.memory_space<vmem>>[vector<16xi32>, vector<16xi32>], vector<16xf32>,
        tpu.vector_store_idx %arg8[%add3A_14, %broadcast_in_dim3A_2882], %add3A_2900 : memref<64x129xf32, #tpu.memory_space<vmem>>[vector<16xi32>, vector<16xi32>], vector<16xf32>,
        tpu.vector_store_idx %arg8[%add3A_5, %broadcast_in_dim3A_2884], %add3A_2904 : memref<64x129xf32, #tpu.memory_space<vmem>>[vector<16xi32>, vector<16xi32>], vector<16xf32>,
        tpu.vector_store_idx %arg8[%add3A_8, %broadcast_in_dim3A_2884], %add3A_2908 : memref<64x129xf32, #tpu.memory_space<vmem>>[vector<16xi32>, vector<16xi32>], vector<16xf32>,
        tpu.vector_store_idx %arg8[%add3A_11, %broadcast_in_dim3A_2884], %add3A_2912 : memref<64x129xf32, #tpu.memory_space<vmem>>[vector<16xi32>, vector<16xi32>], vector<16xf32>,
        tpu.vector_store_idx %arg8[%add3A_14, %broadcast_in_dim3A_2884], %add3A_2916 : memref<64x129xf32, #tpu.memory_space<vmem>>[vector<16xi32>, vector<16xi32>], vector<16xf32>,
        %mul3A_2917 = arith.constant 128 : i32
        %mul3A_2918 = arith.muli %scan3A_132, %mul3A_2917 : i32
        %add3A_2919 = arith.constant 120 : i32
        %add3A_2920 = arith.addi %mul3A_2918, %add3A_2919 : i32
        %mul3A_2921 = arith.constant 128 : i32
        %mul3A_2922 = arith.muli %scan3A_132, %mul3A_2921 : i32
        %add3A_2923 = arith.constant 120 : i32
        %add3A_2924 = arith.addi %mul3A_2922, %add3A_2923 : i32
        %add3A_2925 = arith.constant 1 : i32
        %add3A_2926 = arith.addi %add3A_2924, %add3A_2925 : i32
        %broadcast_in_dim3A_2927 = arith.constant 120 : i32
        %broadcast_in_dim3A_2928 = vector.broadcast %broadcast_in_dim3A_2927 : i32 to vector<16xi32>
        %broadcast_in_dim3A_2929 = arith.constant 121 : i32
        %broadcast_in_dim3A_2930 = vector.broadcast %broadcast_in_dim3A_2929 : i32 to vector<16xi32>
        %get3A_2931 = arith.index_cast %add3A_2920 : i32 to index
        %get3A_2932 = arith.constant 0 : index
        %get3A_2933 = tpu.vector_load %arg7[%get3A_2931, %get3A_2932] {strides = array<i32>} : memref<1024x64xf32, #tpu.memory_space<vmem>>, vector<16xf32>,
        %add3A_2934 = arith.addf %get3A_2933, %get3A_148 : vector<16xf32>
        %get3A_2935 = arith.index_cast %add3A_2920 : i32 to index
        %get3A_2936 = arith.constant 16 : index
        %get3A_2937 = tpu.vector_load %arg7[%get3A_2935, %get3A_2936] {strides = array<i32>} : memref<1024x64xf32, #tpu.memory_space<vmem>>, vector<16xf32>,
        %add3A_2938 = arith.addf %get3A_2937, %get3A_151 : vector<16xf32>
        %get3A_2939 = arith.index_cast %add3A_2920 : i32 to index
        %get3A_2940 = arith.constant 32 : index
        %get3A_2941 = tpu.vector_load %arg7[%get3A_2939, %get3A_2940] {strides = array<i32>} : memref<1024x64xf32, #tpu.memory_space<vmem>>, vector<16xf32>,
        %add3A_2942 = arith.addf %get3A_2941, %get3A_154 : vector<16xf32>
        %get3A_2943 = arith.index_cast %add3A_2920 : i32 to index
        %get3A_2944 = arith.constant 48 : index
        %get3A_2945 = tpu.vector_load %arg7[%get3A_2943, %get3A_2944] {strides = array<i32>} : memref<1024x64xf32, #tpu.memory_space<vmem>>, vector<16xf32>,
        %add3A_2946 = arith.addf %get3A_2945, %get3A_157 : vector<16xf32>
        %get3A_2947 = arith.index_cast %add3A_2926 : i32 to index
        %get3A_2948 = arith.constant 0 : index
        %get3A_2949 = tpu.vector_load %arg7[%get3A_2947, %get3A_2948] {strides = array<i32>} : memref<1024x64xf32, #tpu.memory_space<vmem>>, vector<16xf32>,
        %add3A_2950 = arith.addf %get3A_2949, %get3A_148 : vector<16xf32>
        %get3A_2951 = arith.index_cast %add3A_2926 : i32 to index
        %get3A_2952 = arith.constant 16 : index
        %get3A_2953 = tpu.vector_load %arg7[%get3A_2951, %get3A_2952] {strides = array<i32>} : memref<1024x64xf32, #tpu.memory_space<vmem>>, vector<16xf32>,
        %add3A_2954 = arith.addf %get3A_2953, %get3A_151 : vector<16xf32>
        %get3A_2955 = arith.index_cast %add3A_2926 : i32 to index
        %get3A_2956 = arith.constant 32 : index
        %get3A_2957 = tpu.vector_load %arg7[%get3A_2955, %get3A_2956] {strides = array<i32>} : memref<1024x64xf32, #tpu.memory_space<vmem>>, vector<16xf32>,
        %add3A_2958 = arith.addf %get3A_2957, %get3A_154 : vector<16xf32>
        %get3A_2959 = arith.index_cast %add3A_2926 : i32 to index
        %get3A_2960 = arith.constant 48 : index
        %get3A_2961 = tpu.vector_load %arg7[%get3A_2959, %get3A_2960] {strides = array<i32>} : memref<1024x64xf32, #tpu.memory_space<vmem>>, vector<16xf32>,
        %add3A_2962 = arith.addf %get3A_2961, %get3A_157 : vector<16xf32>
        tpu.vector_store_idx %arg8[%add3A_5, %broadcast_in_dim3A_2928], %add3A_2934 : memref<64x129xf32, #tpu.memory_space<vmem>>[vector<16xi32>, vector<16xi32>], vector<16xf32>,
        tpu.vector_store_idx %arg8[%add3A_8, %broadcast_in_dim3A_2928], %add3A_2938 : memref<64x129xf32, #tpu.memory_space<vmem>>[vector<16xi32>, vector<16xi32>], vector<16xf32>,
        tpu.vector_store_idx %arg8[%add3A_11, %broadcast_in_dim3A_2928], %add3A_2942 : memref<64x129xf32, #tpu.memory_space<vmem>>[vector<16xi32>, vector<16xi32>], vector<16xf32>,
        tpu.vector_store_idx %arg8[%add3A_14, %broadcast_in_dim3A_2928], %add3A_2946 : memref<64x129xf32, #tpu.memory_space<vmem>>[vector<16xi32>, vector<16xi32>], vector<16xf32>,
        tpu.vector_store_idx %arg8[%add3A_5, %broadcast_in_dim3A_2930], %add3A_2950 : memref<64x129xf32, #tpu.memory_space<vmem>>[vector<16xi32>, vector<16xi32>], vector<16xf32>,
        tpu.vector_store_idx %arg8[%add3A_8, %broadcast_in_dim3A_2930], %add3A_2954 : memref<64x129xf32, #tpu.memory_space<vmem>>[vector<16xi32>, vector<16xi32>], vector<16xf32>,
        tpu.vector_store_idx %arg8[%add3A_11, %broadcast_in_dim3A_2930], %add3A_2958 : memref<64x129xf32, #tpu.memory_space<vmem>>[vector<16xi32>, vector<16xi32>], vector<16xf32>,
        tpu.vector_store_idx %arg8[%add3A_14, %broadcast_in_dim3A_2930], %add3A_2962 : memref<64x129xf32, #tpu.memory_space<vmem>>[vector<16xi32>, vector<16xi32>], vector<16xf32>,
        %mul3A_2963 = arith.constant 128 : i32
        %mul3A_2964 = arith.muli %scan3A_132, %mul3A_2963 : i32
        %add3A_2965 = arith.constant 122 : i32
        %add3A_2966 = arith.addi %mul3A_2964, %add3A_2965 : i32
        %mul3A_2967 = arith.constant 128 : i32
        %mul3A_2968 = arith.muli %scan3A_132, %mul3A_2967 : i32
        %add3A_2969 = arith.constant 122 : i32
        %add3A_2970 = arith.addi %mul3A_2968, %add3A_2969 : i32
        %add3A_2971 = arith.constant 1 : i32
        %add3A_2972 = arith.addi %add3A_2970, %add3A_2971 : i32
        %broadcast_in_dim3A_2973 = arith.constant 122 : i32
        %broadcast_in_dim3A_2974 = vector.broadcast %broadcast_in_dim3A_2973 : i32 to vector<16xi32>
        %broadcast_in_dim3A_2975 = arith.constant 123 : i32
        %broadcast_in_dim3A_2976 = vector.broadcast %broadcast_in_dim3A_2975 : i32 to vector<16xi32>
        %get3A_2977 = arith.index_cast %add3A_2966 : i32 to index
        %get3A_2978 = arith.constant 0 : index
        %get3A_2979 = tpu.vector_load %arg7[%get3A_2977, %get3A_2978] {strides = array<i32>} : memref<1024x64xf32, #tpu.memory_space<vmem>>, vector<16xf32>,
        %add3A_2980 = arith.addf %get3A_2979, %get3A_148 : vector<16xf32>
        %get3A_2981 = arith.index_cast %add3A_2966 : i32 to index
        %get3A_2982 = arith.constant 16 : index
        %get3A_2983 = tpu.vector_load %arg7[%get3A_2981, %get3A_2982] {strides = array<i32>} : memref<1024x64xf32, #tpu.memory_space<vmem>>, vector<16xf32>,
        %add3A_2984 = arith.addf %get3A_2983, %get3A_151 : vector<16xf32>
        %get3A_2985 = arith.index_cast %add3A_2966 : i32 to index
        %get3A_2986 = arith.constant 32 : index
        %get3A_2987 = tpu.vector_load %arg7[%get3A_2985, %get3A_2986] {strides = array<i32>} : memref<1024x64xf32, #tpu.memory_space<vmem>>, vector<16xf32>,
        %add3A_2988 = arith.addf %get3A_2987, %get3A_154 : vector<16xf32>
        %get3A_2989 = arith.index_cast %add3A_2966 : i32 to index
        %get3A_2990 = arith.constant 48 : index
        %get3A_2991 = tpu.vector_load %arg7[%get3A_2989, %get3A_2990] {strides = array<i32>} : memref<1024x64xf32, #tpu.memory_space<vmem>>, vector<16xf32>,
        %add3A_2992 = arith.addf %get3A_2991, %get3A_157 : vector<16xf32>
        %get3A_2993 = arith.index_cast %add3A_2972 : i32 to index
        %get3A_2994 = arith.constant 0 : index
        %get3A_2995 = tpu.vector_load %arg7[%get3A_2993, %get3A_2994] {strides = array<i32>} : memref<1024x64xf32, #tpu.memory_space<vmem>>, vector<16xf32>,
        %add3A_2996 = arith.addf %get3A_2995, %get3A_148 : vector<16xf32>
        %get3A_2997 = arith.index_cast %add3A_2972 : i32 to index
        %get3A_2998 = arith.constant 16 : index
        %get3A_2999 = tpu.vector_load %arg7[%get3A_2997, %get3A_2998] {strides = array<i32>} : memref<1024x64xf32, #tpu.memory_space<vmem>>, vector<16xf32>,
        %add3A_3000 = arith.addf %get3A_2999, %get3A_151 : vector<16xf32>
        %get3A_3001 = arith.index_cast %add3A_2972 : i32 to index
        %get3A_3002 = arith.constant 32 : index
        %get3A_3003 = tpu.vector_load %arg7[%get3A_3001, %get3A_3002] {strides = array<i32>} : memref<1024x64xf32, #tpu.memory_space<vmem>>, vector<16xf32>,
        %add3A_3004 = arith.addf %get3A_3003, %get3A_154 : vector<16xf32>
        %get3A_3005 = arith.index_cast %add3A_2972 : i32 to index
        %get3A_3006 = arith.constant 48 : index
        %get3A_3007 = tpu.vector_load %arg7[%get3A_3005, %get3A_3006] {strides = array<i32>} : memref<1024x64xf32, #tpu.memory_space<vmem>>, vector<16xf32>,
        %add3A_3008 = arith.addf %get3A_3007, %get3A_157 : vector<16xf32>
        tpu.vector_store_idx %arg8[%add3A_5, %broadcast_in_dim3A_2974], %add3A_2980 : memref<64x129xf32, #tpu.memory_space<vmem>>[vector<16xi32>, vector<16xi32>], vector<16xf32>,
        tpu.vector_store_idx %arg8[%add3A_8, %broadcast_in_dim3A_2974], %add3A_2984 : memref<64x129xf32, #tpu.memory_space<vmem>>[vector<16xi32>, vector<16xi32>], vector<16xf32>,
        tpu.vector_store_idx %arg8[%add3A_11, %broadcast_in_dim3A_2974], %add3A_2988 : memref<64x129xf32, #tpu.memory_space<vmem>>[vector<16xi32>, vector<16xi32>], vector<16xf32>,
        tpu.vector_store_idx %arg8[%add3A_14, %broadcast_in_dim3A_2974], %add3A_2992 : memref<64x129xf32, #tpu.memory_space<vmem>>[vector<16xi32>, vector<16xi32>], vector<16xf32>,
        tpu.vector_store_idx %arg8[%add3A_5, %broadcast_in_dim3A_2976], %add3A_2996 : memref<64x129xf32, #tpu.memory_space<vmem>>[vector<16xi32>, vector<16xi32>], vector<16xf32>,
        tpu.vector_store_idx %arg8[%add3A_8, %broadcast_in_dim3A_2976], %add3A_3000 : memref<64x129xf32, #tpu.memory_space<vmem>>[vector<16xi32>, vector<16xi32>], vector<16xf32>,
        tpu.vector_store_idx %arg8[%add3A_11, %broadcast_in_dim3A_2976], %add3A_3004 : memref<64x129xf32, #tpu.memory_space<vmem>>[vector<16xi32>, vector<16xi32>], vector<16xf32>,
        tpu.vector_store_idx %arg8[%add3A_14, %broadcast_in_dim3A_2976], %add3A_3008 : memref<64x129xf32, #tpu.memory_space<vmem>>[vector<16xi32>, vector<16xi32>], vector<16xf32>,
        %mul3A_3009 = arith.constant 128 : i32
        %mul3A_3010 = arith.muli %scan3A_132, %mul3A_3009 : i32
        %add3A_3011 = arith.constant 124 : i32
        %add3A_3012 = arith.addi %mul3A_3010, %add3A_3011 : i32
        %mul3A_3013 = arith.constant 128 : i32
        %mul3A_3014 = arith.muli %scan3A_132, %mul3A_3013 : i32
        %add3A_3015 = arith.constant 124 : i32
        %add3A_3016 = arith.addi %mul3A_3014, %add3A_3015 : i32
        %add3A_3017 = arith.constant 1 : i32
        %add3A_3018 = arith.addi %add3A_3016, %add3A_3017 : i32
        %broadcast_in_dim3A_3019 = arith.constant 124 : i32
        %broadcast_in_dim3A_3020 = vector.broadcast %broadcast_in_dim3A_3019 : i32 to vector<16xi32>
        %broadcast_in_dim3A_3021 = arith.constant 125 : i32
        %broadcast_in_dim3A_3022 = vector.broadcast %broadcast_in_dim3A_3021 : i32 to vector<16xi32>
        %get3A_3023 = arith.index_cast %add3A_3012 : i32 to index
        %get3A_3024 = arith.constant 0 : index
        %get3A_3025 = tpu.vector_load %arg7[%get3A_3023, %get3A_3024] {strides = array<i32>} : memref<1024x64xf32, #tpu.memory_space<vmem>>, vector<16xf32>,
        %add3A_3026 = arith.addf %get3A_3025, %get3A_148 : vector<16xf32>
        %get3A_3027 = arith.index_cast %add3A_3012 : i32 to index
        %get3A_3028 = arith.constant 16 : index
        %get3A_3029 = tpu.vector_load %arg7[%get3A_3027, %get3A_3028] {strides = array<i32>} : memref<1024x64xf32, #tpu.memory_space<vmem>>, vector<16xf32>,
        %add3A_3030 = arith.addf %get3A_3029, %get3A_151 : vector<16xf32>
        %get3A_3031 = arith.index_cast %add3A_3012 : i32 to index
        %get3A_3032 = arith.constant 32 : index
        %get3A_3033 = tpu.vector_load %arg7[%get3A_3031, %get3A_3032] {strides = array<i32>} : memref<1024x64xf32, #tpu.memory_space<vmem>>, vector<16xf32>,
        %add3A_3034 = arith.addf %get3A_3033, %get3A_154 : vector<16xf32>
        %get3A_3035 = arith.index_cast %add3A_3012 : i32 to index
        %get3A_3036 = arith.constant 48 : index
        %get3A_3037 = tpu.vector_load %arg7[%get3A_3035, %get3A_3036] {strides = array<i32>} : memref<1024x64xf32, #tpu.memory_space<vmem>>, vector<16xf32>,
        %add3A_3038 = arith.addf %get3A_3037, %get3A_157 : vector<16xf32>
        %get3A_3039 = arith.index_cast %add3A_3018 : i32 to index
        %get3A_3040 = arith.constant 0 : index
        %get3A_3041 = tpu.vector_load %arg7[%get3A_3039, %get3A_3040] {strides = array<i32>} : memref<1024x64xf32, #tpu.memory_space<vmem>>, vector<16xf32>,
        %add3A_3042 = arith.addf %get3A_3041, %get3A_148 : vector<16xf32>
        %get3A_3043 = arith.index_cast %add3A_3018 : i32 to index
        %get3A_3044 = arith.constant 16 : index
        %get3A_3045 = tpu.vector_load %arg7[%get3A_3043, %get3A_3044] {strides = array<i32>} : memref<1024x64xf32, #tpu.memory_space<vmem>>, vector<16xf32>,
        %add3A_3046 = arith.addf %get3A_3045, %get3A_151 : vector<16xf32>
        %get3A_3047 = arith.index_cast %add3A_3018 : i32 to index
        %get3A_3048 = arith.constant 32 : index
        %get3A_3049 = tpu.vector_load %arg7[%get3A_3047, %get3A_3048] {strides = array<i32>} : memref<1024x64xf32, #tpu.memory_space<vmem>>, vector<16xf32>,
        %add3A_3050 = arith.addf %get3A_3049, %get3A_154 : vector<16xf32>
        %get3A_3051 = arith.index_cast %add3A_3018 : i32 to index
        %get3A_3052 = arith.constant 48 : index
        %get3A_3053 = tpu.vector_load %arg7[%get3A_3051, %get3A_3052] {strides = array<i32>} : memref<1024x64xf32, #tpu.memory_space<vmem>>, vector<16xf32>,
        %add3A_3054 = arith.addf %get3A_3053, %get3A_157 : vector<16xf32>
        tpu.vector_store_idx %arg8[%add3A_5, %broadcast_in_dim3A_3020], %add3A_3026 : memref<64x129xf32, #tpu.memory_space<vmem>>[vector<16xi32>, vector<16xi32>], vector<16xf32>,
        tpu.vector_store_idx %arg8[%add3A_8, %broadcast_in_dim3A_3020], %add3A_3030 : memref<64x129xf32, #tpu.memory_space<vmem>>[vector<16xi32>, vector<16xi32>], vector<16xf32>,
        tpu.vector_store_idx %arg8[%add3A_11, %broadcast_in_dim3A_3020], %add3A_3034 : memref<64x129xf32, #tpu.memory_space<vmem>>[vector<16xi32>, vector<16xi32>], vector<16xf32>,
        tpu.vector_store_idx %arg8[%add3A_14, %broadcast_in_dim3A_3020], %add3A_3038 : memref<64x129xf32, #tpu.memory_space<vmem>>[vector<16xi32>, vector<16xi32>], vector<16xf32>,
        tpu.vector_store_idx %arg8[%add3A_5, %broadcast_in_dim3A_3022], %add3A_3042 : memref<64x129xf32, #tpu.memory_space<vmem>>[vector<16xi32>, vector<16xi32>], vector<16xf32>,
        tpu.vector_store_idx %arg8[%add3A_8, %broadcast_in_dim3A_3022], %add3A_3046 : memref<64x129xf32, #tpu.memory_space<vmem>>[vector<16xi32>, vector<16xi32>], vector<16xf32>,
        tpu.vector_store_idx %arg8[%add3A_11, %broadcast_in_dim3A_3022], %add3A_3050 : memref<64x129xf32, #tpu.memory_space<vmem>>[vector<16xi32>, vector<16xi32>], vector<16xf32>,
        tpu.vector_store_idx %arg8[%add3A_14, %broadcast_in_dim3A_3022], %add3A_3054 : memref<64x129xf32, #tpu.memory_space<vmem>>[vector<16xi32>, vector<16xi32>], vector<16xf32>,
        %mul3A_3055 = arith.constant 128 : i32
        %mul3A_3056 = arith.muli %scan3A_132, %mul3A_3055 : i32
        %add3A_3057 = arith.constant 126 : i32
        %add3A_3058 = arith.addi %mul3A_3056, %add3A_3057 : i32
        %mul3A_3059 = arith.constant 128 : i32
        %mul3A_3060 = arith.muli %scan3A_132, %mul3A_3059 : i32
        %add3A_3061 = arith.constant 126 : i32
        %add3A_3062 = arith.addi %mul3A_3060, %add3A_3061 : i32
        %add3A_3063 = arith.constant 1 : i32
        %add3A_3064 = arith.addi %add3A_3062, %add3A_3063 : i32
        %broadcast_in_dim3A_3065 = arith.constant 126 : i32
        %broadcast_in_dim3A_3066 = vector.broadcast %broadcast_in_dim3A_3065 : i32 to vector<16xi32>
        %broadcast_in_dim3A_3067 = arith.constant 127 : i32
        %broadcast_in_dim3A_3068 = vector.broadcast %broadcast_in_dim3A_3067 : i32 to vector<16xi32>
        %get3A_3069 = arith.index_cast %add3A_3058 : i32 to index
        %get3A_3070 = arith.constant 0 : index
        %get3A_3071 = tpu.vector_load %arg7[%get3A_3069, %get3A_3070] {strides = array<i32>} : memref<1024x64xf32, #tpu.memory_space<vmem>>, vector<16xf32>,
        %add3A_3072 = arith.addf %get3A_3071, %get3A_148 : vector<16xf32>
        %get3A_3073 = arith.index_cast %add3A_3058 : i32 to index
        %get3A_3074 = arith.constant 16 : index
        %get3A_3075 = tpu.vector_load %arg7[%get3A_3073, %get3A_3074] {strides = array<i32>} : memref<1024x64xf32, #tpu.memory_space<vmem>>, vector<16xf32>,
        %add3A_3076 = arith.addf %get3A_3075, %get3A_151 : vector<16xf32>
        %get3A_3077 = arith.index_cast %add3A_3058 : i32 to index
        %get3A_3078 = arith.constant 32 : index
        %get3A_3079 = tpu.vector_load %arg7[%get3A_3077, %get3A_3078] {strides = array<i32>} : memref<1024x64xf32, #tpu.memory_space<vmem>>, vector<16xf32>,
        %add3A_3080 = arith.addf %get3A_3079, %get3A_154 : vector<16xf32>
        %get3A_3081 = arith.index_cast %add3A_3058 : i32 to index
        %get3A_3082 = arith.constant 48 : index
        %get3A_3083 = tpu.vector_load %arg7[%get3A_3081, %get3A_3082] {strides = array<i32>} : memref<1024x64xf32, #tpu.memory_space<vmem>>, vector<16xf32>,
        %add3A_3084 = arith.addf %get3A_3083, %get3A_157 : vector<16xf32>
        %get3A_3085 = arith.index_cast %add3A_3064 : i32 to index
        %get3A_3086 = arith.constant 0 : index
        %get3A_3087 = tpu.vector_load %arg7[%get3A_3085, %get3A_3086] {strides = array<i32>} : memref<1024x64xf32, #tpu.memory_space<vmem>>, vector<16xf32>,
        %add3A_3088 = arith.addf %get3A_3087, %get3A_148 : vector<16xf32>
        %get3A_3089 = arith.index_cast %add3A_3064 : i32 to index
        %get3A_3090 = arith.constant 16 : index
        %get3A_3091 = tpu.vector_load %arg7[%get3A_3089, %get3A_3090] {strides = array<i32>} : memref<1024x64xf32, #tpu.memory_space<vmem>>, vector<16xf32>,
        %add3A_3092 = arith.addf %get3A_3091, %get3A_151 : vector<16xf32>
        %get3A_3093 = arith.index_cast %add3A_3064 : i32 to index
        %get3A_3094 = arith.constant 32 : index
        %get3A_3095 = tpu.vector_load %arg7[%get3A_3093, %get3A_3094] {strides = array<i32>} : memref<1024x64xf32, #tpu.memory_space<vmem>>, vector<16xf32>,
        %add3A_3096 = arith.addf %get3A_3095, %get3A_154 : vector<16xf32>
        %get3A_3097 = arith.index_cast %add3A_3064 : i32 to index
        %get3A_3098 = arith.constant 48 : index
        %get3A_3099 = tpu.vector_load %arg7[%get3A_3097, %get3A_3098] {strides = array<i32>} : memref<1024x64xf32, #tpu.memory_space<vmem>>, vector<16xf32>,
        %add3A_3100 = arith.addf %get3A_3099, %get3A_157 : vector<16xf32>
        tpu.vector_store_idx %arg8[%add3A_5, %broadcast_in_dim3A_3066], %add3A_3072 : memref<64x129xf32, #tpu.memory_space<vmem>>[vector<16xi32>, vector<16xi32>], vector<16xf32>,
        tpu.vector_store_idx %arg8[%add3A_8, %broadcast_in_dim3A_3066], %add3A_3076 : memref<64x129xf32, #tpu.memory_space<vmem>>[vector<16xi32>, vector<16xi32>], vector<16xf32>,
        tpu.vector_store_idx %arg8[%add3A_11, %broadcast_in_dim3A_3066], %add3A_3080 : memref<64x129xf32, #tpu.memory_space<vmem>>[vector<16xi32>, vector<16xi32>], vector<16xf32>,
        tpu.vector_store_idx %arg8[%add3A_14, %broadcast_in_dim3A_3066], %add3A_3084 : memref<64x129xf32, #tpu.memory_space<vmem>>[vector<16xi32>, vector<16xi32>], vector<16xf32>,
        tpu.vector_store_idx %arg8[%add3A_5, %broadcast_in_dim3A_3068], %add3A_3088 : memref<64x129xf32, #tpu.memory_space<vmem>>[vector<16xi32>, vector<16xi32>], vector<16xf32>,
        tpu.vector_store_idx %arg8[%add3A_8, %broadcast_in_dim3A_3068], %add3A_3092 : memref<64x129xf32, #tpu.memory_space<vmem>>[vector<16xi32>, vector<16xi32>], vector<16xf32>,
        tpu.vector_store_idx %arg8[%add3A_11, %broadcast_in_dim3A_3068], %add3A_3096 : memref<64x129xf32, #tpu.memory_space<vmem>>[vector<16xi32>, vector<16xi32>], vector<16xf32>,
        tpu.vector_store_idx %arg8[%add3A_14, %broadcast_in_dim3A_3068], %add3A_3100 : memref<64x129xf32, #tpu.memory_space<vmem>>[vector<16xi32>, vector<16xi32>], vector<16xf32>,
        %run_scoped3A = arith.constant 0 : i32
        "tpu.region"() ({
          %run_scoped3A_3108 = tpu.sem_alloc : memref<!tpu.dma_semaphore, #tpu.memory_space<semaphore_mem>>
          %dma_start3A_3109 = arith.constant 0 : i32
          %dma_start3A_3110 = arith.constant 0 : i32
          %dma_start3A_3111 = tpu.memref_slice %arg8[%dma_start3A_3109, %dma_start3A_3110] : memref<64x129xf32, #tpu.memory_space<vmem>> -> memref<8x128xf32, #tpu.memory_space<vmem>>
          %dma_start3A_3112 = arith.constant 0 : i32
          %dma_start3A_3113 = arith.constant 0 : i32
          %dma_start3A_3114 = tpu.memref_slice %arg5[%add3A_133, %run_scoped3A, %add3A, %dma_start3A_3112, %dma_start3A_3113] : memref<200x8x32x8x128xf32, #tpu.memory_space<hbm>> -> memref<1x1x1x8x128xf32, #tpu.memory_space<hbm>>
          %dma_start3A_3115 = tpu.memref_squeeze %dma_start3A_3114 : memref<1x1x1x8x128xf32, #tpu.memory_space<hbm>> -> memref<8x128xf32, #tpu.memory_space<hbm>>
          %dma_start3A_3116 = arith.constant 0 : i32
          %dma_start3A_3117 = arith.constant 0 : i32
          %dma_start3A_3118 = tpu.memref_slice %arg5[%add3A_133, %run_scoped3A, %add3A, %dma_start3A_3116, %dma_start3A_3117] : memref<200x8x32x8x128xf32, #tpu.memory_space<hbm>> -> memref<1x1x1x8x128xf32, #tpu.memory_space<hbm>>
          %dma_start3A_3119 = tpu.memref_squeeze %dma_start3A_3118 : memref<1x1x1x8x128xf32, #tpu.memory_space<hbm>> -> memref<8x128xf32, #tpu.memory_space<hbm>>
          %dma_start3A_3120 = arith.constant 0 : i32
          %dma_start3A_3121 = arith.constant 0 : i32
          %dma_start3A_3122 = tpu.memref_slice %arg8[%dma_start3A_3120, %dma_start3A_3121] : memref<64x129xf32, #tpu.memory_space<vmem>> -> memref<8x128xf32, #tpu.memory_space<vmem>>
          tpu.enqueue_dma source(%dma_start3A_3122 : memref<8x128xf32, #tpu.memory_space<vmem>>) target(%dma_start3A_3119 : memref<8x128xf32, #tpu.memory_space<hbm>>) target_semaphore(%run_scoped3A_3108 : memref<!tpu.dma_semaphore, #tpu.memory_space<semaphore_mem>>)
          %dma_wait3A_3123 = arith.constant 0 : i32
          %dma_wait3A_3124 = arith.constant 0 : i32
          %dma_wait3A_3125 = tpu.memref_slice %arg8[%dma_wait3A_3123, %dma_wait3A_3124] : memref<64x129xf32, #tpu.memory_space<vmem>> -> memref<8x128xf32, #tpu.memory_space<vmem>>
          %dma_wait3A_3126 = arith.constant 0 : i32
          %dma_wait3A_3127 = arith.constant 0 : i32
          %dma_wait3A_3128 = tpu.memref_slice %arg5[%add3A_133, %run_scoped3A, %add3A, %dma_wait3A_3126, %dma_wait3A_3127] : memref<200x8x32x8x128xf32, #tpu.memory_space<hbm>> -> memref<1x1x1x8x128xf32, #tpu.memory_space<hbm>>
          %dma_wait3A_3129 = tpu.memref_squeeze %dma_wait3A_3128 : memref<1x1x1x8x128xf32, #tpu.memory_space<hbm>> -> memref<8x128xf32, #tpu.memory_space<hbm>>
          %dma_wait3A_3130 = arith.constant 0 : i32
          %dma_wait3A_3131 = arith.constant 0 : i32
          %dma_wait3A_3132 = tpu.memref_slice %arg5[%add3A_133, %run_scoped3A, %add3A, %dma_wait3A_3130, %dma_wait3A_3131] : memref<200x8x32x8x128xf32, #tpu.memory_space<hbm>> -> memref<1x1x1x8x128xf32, #tpu.memory_space<hbm>>
          %dma_wait3A_3133 = tpu.memref_squeeze %dma_wait3A_3132 : memref<1x1x1x8x128xf32, #tpu.memory_space<hbm>> -> memref<8x128xf32, #tpu.memory_space<hbm>>
          %dma_wait3A_3134 = arith.constant 0 : i32
          %dma_wait3A_3135 = arith.constant 0 : i32
          %dma_wait3A_3136 = tpu.memref_slice %arg8[%dma_wait3A_3134, %dma_wait3A_3135] : memref<64x129xf32, #tpu.memory_space<vmem>> -> memref<8x128xf32, #tpu.memory_space<vmem>>
          tpu.wait_dma2 semaphore(%run_scoped3A_3108 : memref<!tpu.dma_semaphore, #tpu.memory_space<semaphore_mem>>) src(%dma_wait3A_3136 : memref<8x128xf32, #tpu.memory_space<vmem>>) dst(%dma_wait3A_3133 : memref<8x128xf32, #tpu.memory_space<hbm>>)
          tpu.yield
        }) : () -> ()
        %run_scoped3A_3101 = arith.constant 1 : i32
        "tpu.region"() ({
          %run_scoped3A_3108 = tpu.sem_alloc : memref<!tpu.dma_semaphore, #tpu.memory_space<semaphore_mem>>
          %dma_start3A_3109 = arith.constant 8 : i32
          %dma_start3A_3110 = arith.constant 0 : i32
          %dma_start3A_3111 = tpu.memref_slice %arg8[%dma_start3A_3109, %dma_start3A_3110] : memref<64x129xf32, #tpu.memory_space<vmem>> -> memref<8x128xf32, #tpu.memory_space<vmem>>
          %dma_start3A_3112 = arith.constant 0 : i32
          %dma_start3A_3113 = arith.constant 0 : i32
          %dma_start3A_3114 = tpu.memref_slice %arg5[%add3A_133, %run_scoped3A_3101, %add3A, %dma_start3A_3112, %dma_start3A_3113] : memref<200x8x32x8x128xf32, #tpu.memory_space<hbm>> -> memref<1x1x1x8x128xf32, #tpu.memory_space<hbm>>
          %dma_start3A_3115 = tpu.memref_squeeze %dma_start3A_3114 : memref<1x1x1x8x128xf32, #tpu.memory_space<hbm>> -> memref<8x128xf32, #tpu.memory_space<hbm>>
          %dma_start3A_3116 = arith.constant 0 : i32
          %dma_start3A_3117 = arith.constant 0 : i32
          %dma_start3A_3118 = tpu.memref_slice %arg5[%add3A_133, %run_scoped3A_3101, %add3A, %dma_start3A_3116, %dma_start3A_3117] : memref<200x8x32x8x128xf32, #tpu.memory_space<hbm>> -> memref<1x1x1x8x128xf32, #tpu.memory_space<hbm>>
          %dma_start3A_3119 = tpu.memref_squeeze %dma_start3A_3118 : memref<1x1x1x8x128xf32, #tpu.memory_space<hbm>> -> memref<8x128xf32, #tpu.memory_space<hbm>>
          %dma_start3A_3120 = arith.constant 8 : i32
          %dma_start3A_3121 = arith.constant 0 : i32
          %dma_start3A_3122 = tpu.memref_slice %arg8[%dma_start3A_3120, %dma_start3A_3121] : memref<64x129xf32, #tpu.memory_space<vmem>> -> memref<8x128xf32, #tpu.memory_space<vmem>>
          tpu.enqueue_dma source(%dma_start3A_3122 : memref<8x128xf32, #tpu.memory_space<vmem>>) target(%dma_start3A_3119 : memref<8x128xf32, #tpu.memory_space<hbm>>) target_semaphore(%run_scoped3A_3108 : memref<!tpu.dma_semaphore, #tpu.memory_space<semaphore_mem>>)
          %dma_wait3A_3123 = arith.constant 8 : i32
          %dma_wait3A_3124 = arith.constant 0 : i32
          %dma_wait3A_3125 = tpu.memref_slice %arg8[%dma_wait3A_3123, %dma_wait3A_3124] : memref<64x129xf32, #tpu.memory_space<vmem>> -> memref<8x128xf32, #tpu.memory_space<vmem>>
          %dma_wait3A_3126 = arith.constant 0 : i32
          %dma_wait3A_3127 = arith.constant 0 : i32
          %dma_wait3A_3128 = tpu.memref_slice %arg5[%add3A_133, %run_scoped3A_3101, %add3A, %dma_wait3A_3126, %dma_wait3A_3127] : memref<200x8x32x8x128xf32, #tpu.memory_space<hbm>> -> memref<1x1x1x8x128xf32, #tpu.memory_space<hbm>>
          %dma_wait3A_3129 = tpu.memref_squeeze %dma_wait3A_3128 : memref<1x1x1x8x128xf32, #tpu.memory_space<hbm>> -> memref<8x128xf32, #tpu.memory_space<hbm>>
          %dma_wait3A_3130 = arith.constant 0 : i32
          %dma_wait3A_3131 = arith.constant 0 : i32
          %dma_wait3A_3132 = tpu.memref_slice %arg5[%add3A_133, %run_scoped3A_3101, %add3A, %dma_wait3A_3130, %dma_wait3A_3131] : memref<200x8x32x8x128xf32, #tpu.memory_space<hbm>> -> memref<1x1x1x8x128xf32, #tpu.memory_space<hbm>>
          %dma_wait3A_3133 = tpu.memref_squeeze %dma_wait3A_3132 : memref<1x1x1x8x128xf32, #tpu.memory_space<hbm>> -> memref<8x128xf32, #tpu.memory_space<hbm>>
          %dma_wait3A_3134 = arith.constant 8 : i32
          %dma_wait3A_3135 = arith.constant 0 : i32
          %dma_wait3A_3136 = tpu.memref_slice %arg8[%dma_wait3A_3134, %dma_wait3A_3135] : memref<64x129xf32, #tpu.memory_space<vmem>> -> memref<8x128xf32, #tpu.memory_space<vmem>>
          tpu.wait_dma2 semaphore(%run_scoped3A_3108 : memref<!tpu.dma_semaphore, #tpu.memory_space<semaphore_mem>>) src(%dma_wait3A_3136 : memref<8x128xf32, #tpu.memory_space<vmem>>) dst(%dma_wait3A_3133 : memref<8x128xf32, #tpu.memory_space<hbm>>)
          tpu.yield
        }) : () -> ()
        %run_scoped3A_3102 = arith.constant 2 : i32
        "tpu.region"() ({
          %run_scoped3A_3108 = tpu.sem_alloc : memref<!tpu.dma_semaphore, #tpu.memory_space<semaphore_mem>>
          %dma_start3A_3109 = arith.constant 16 : i32
          %dma_start3A_3110 = arith.constant 0 : i32
          %dma_start3A_3111 = tpu.memref_slice %arg8[%dma_start3A_3109, %dma_start3A_3110] : memref<64x129xf32, #tpu.memory_space<vmem>> -> memref<8x128xf32, #tpu.memory_space<vmem>>
          %dma_start3A_3112 = arith.constant 0 : i32
          %dma_start3A_3113 = arith.constant 0 : i32
          %dma_start3A_3114 = tpu.memref_slice %arg5[%add3A_133, %run_scoped3A_3102, %add3A, %dma_start3A_3112, %dma_start3A_3113] : memref<200x8x32x8x128xf32, #tpu.memory_space<hbm>> -> memref<1x1x1x8x128xf32, #tpu.memory_space<hbm>>
          %dma_start3A_3115 = tpu.memref_squeeze %dma_start3A_3114 : memref<1x1x1x8x128xf32, #tpu.memory_space<hbm>> -> memref<8x128xf32, #tpu.memory_space<hbm>>
          %dma_start3A_3116 = arith.constant 0 : i32
          %dma_start3A_3117 = arith.constant 0 : i32
          %dma_start3A_3118 = tpu.memref_slice %arg5[%add3A_133, %run_scoped3A_3102, %add3A, %dma_start3A_3116, %dma_start3A_3117] : memref<200x8x32x8x128xf32, #tpu.memory_space<hbm>> -> memref<1x1x1x8x128xf32, #tpu.memory_space<hbm>>
          %dma_start3A_3119 = tpu.memref_squeeze %dma_start3A_3118 : memref<1x1x1x8x128xf32, #tpu.memory_space<hbm>> -> memref<8x128xf32, #tpu.memory_space<hbm>>
          %dma_start3A_3120 = arith.constant 16 : i32
          %dma_start3A_3121 = arith.constant 0 : i32
          %dma_start3A_3122 = tpu.memref_slice %arg8[%dma_start3A_3120, %dma_start3A_3121] : memref<64x129xf32, #tpu.memory_space<vmem>> -> memref<8x128xf32, #tpu.memory_space<vmem>>
          tpu.enqueue_dma source(%dma_start3A_3122 : memref<8x128xf32, #tpu.memory_space<vmem>>) target(%dma_start3A_3119 : memref<8x128xf32, #tpu.memory_space<hbm>>) target_semaphore(%run_scoped3A_3108 : memref<!tpu.dma_semaphore, #tpu.memory_space<semaphore_mem>>)
          %dma_wait3A_3123 = arith.constant 16 : i32
          %dma_wait3A_3124 = arith.constant 0 : i32
          %dma_wait3A_3125 = tpu.memref_slice %arg8[%dma_wait3A_3123, %dma_wait3A_3124] : memref<64x129xf32, #tpu.memory_space<vmem>> -> memref<8x128xf32, #tpu.memory_space<vmem>>
          %dma_wait3A_3126 = arith.constant 0 : i32
          %dma_wait3A_3127 = arith.constant 0 : i32
          %dma_wait3A_3128 = tpu.memref_slice %arg5[%add3A_133, %run_scoped3A_3102, %add3A, %dma_wait3A_3126, %dma_wait3A_3127] : memref<200x8x32x8x128xf32, #tpu.memory_space<hbm>> -> memref<1x1x1x8x128xf32, #tpu.memory_space<hbm>>
          %dma_wait3A_3129 = tpu.memref_squeeze %dma_wait3A_3128 : memref<1x1x1x8x128xf32, #tpu.memory_space<hbm>> -> memref<8x128xf32, #tpu.memory_space<hbm>>
          %dma_wait3A_3130 = arith.constant 0 : i32
          %dma_wait3A_3131 = arith.constant 0 : i32
          %dma_wait3A_3132 = tpu.memref_slice %arg5[%add3A_133, %run_scoped3A_3102, %add3A, %dma_wait3A_3130, %dma_wait3A_3131] : memref<200x8x32x8x128xf32, #tpu.memory_space<hbm>> -> memref<1x1x1x8x128xf32, #tpu.memory_space<hbm>>
          %dma_wait3A_3133 = tpu.memref_squeeze %dma_wait3A_3132 : memref<1x1x1x8x128xf32, #tpu.memory_space<hbm>> -> memref<8x128xf32, #tpu.memory_space<hbm>>
          %dma_wait3A_3134 = arith.constant 16 : i32
          %dma_wait3A_3135 = arith.constant 0 : i32
          %dma_wait3A_3136 = tpu.memref_slice %arg8[%dma_wait3A_3134, %dma_wait3A_3135] : memref<64x129xf32, #tpu.memory_space<vmem>> -> memref<8x128xf32, #tpu.memory_space<vmem>>
          tpu.wait_dma2 semaphore(%run_scoped3A_3108 : memref<!tpu.dma_semaphore, #tpu.memory_space<semaphore_mem>>) src(%dma_wait3A_3136 : memref<8x128xf32, #tpu.memory_space<vmem>>) dst(%dma_wait3A_3133 : memref<8x128xf32, #tpu.memory_space<hbm>>)
          tpu.yield
        }) : () -> ()
        %run_scoped3A_3103 = arith.constant 3 : i32
        "tpu.region"() ({
          %run_scoped3A_3108 = tpu.sem_alloc : memref<!tpu.dma_semaphore, #tpu.memory_space<semaphore_mem>>
          %dma_start3A_3109 = arith.constant 24 : i32
          %dma_start3A_3110 = arith.constant 0 : i32
          %dma_start3A_3111 = tpu.memref_slice %arg8[%dma_start3A_3109, %dma_start3A_3110] : memref<64x129xf32, #tpu.memory_space<vmem>> -> memref<8x128xf32, #tpu.memory_space<vmem>>
          %dma_start3A_3112 = arith.constant 0 : i32
          %dma_start3A_3113 = arith.constant 0 : i32
          %dma_start3A_3114 = tpu.memref_slice %arg5[%add3A_133, %run_scoped3A_3103, %add3A, %dma_start3A_3112, %dma_start3A_3113] : memref<200x8x32x8x128xf32, #tpu.memory_space<hbm>> -> memref<1x1x1x8x128xf32, #tpu.memory_space<hbm>>
          %dma_start3A_3115 = tpu.memref_squeeze %dma_start3A_3114 : memref<1x1x1x8x128xf32, #tpu.memory_space<hbm>> -> memref<8x128xf32, #tpu.memory_space<hbm>>
          %dma_start3A_3116 = arith.constant 0 : i32
          %dma_start3A_3117 = arith.constant 0 : i32
          %dma_start3A_3118 = tpu.memref_slice %arg5[%add3A_133, %run_scoped3A_3103, %add3A, %dma_start3A_3116, %dma_start3A_3117] : memref<200x8x32x8x128xf32, #tpu.memory_space<hbm>> -> memref<1x1x1x8x128xf32, #tpu.memory_space<hbm>>
          %dma_start3A_3119 = tpu.memref_squeeze %dma_start3A_3118 : memref<1x1x1x8x128xf32, #tpu.memory_space<hbm>> -> memref<8x128xf32, #tpu.memory_space<hbm>>
          %dma_start3A_3120 = arith.constant 24 : i32
          %dma_start3A_3121 = arith.constant 0 : i32
          %dma_start3A_3122 = tpu.memref_slice %arg8[%dma_start3A_3120, %dma_start3A_3121] : memref<64x129xf32, #tpu.memory_space<vmem>> -> memref<8x128xf32, #tpu.memory_space<vmem>>
          tpu.enqueue_dma source(%dma_start3A_3122 : memref<8x128xf32, #tpu.memory_space<vmem>>) target(%dma_start3A_3119 : memref<8x128xf32, #tpu.memory_space<hbm>>) target_semaphore(%run_scoped3A_3108 : memref<!tpu.dma_semaphore, #tpu.memory_space<semaphore_mem>>)
          %dma_wait3A_3123 = arith.constant 24 : i32
          %dma_wait3A_3124 = arith.constant 0 : i32
          %dma_wait3A_3125 = tpu.memref_slice %arg8[%dma_wait3A_3123, %dma_wait3A_3124] : memref<64x129xf32, #tpu.memory_space<vmem>> -> memref<8x128xf32, #tpu.memory_space<vmem>>
          %dma_wait3A_3126 = arith.constant 0 : i32
          %dma_wait3A_3127 = arith.constant 0 : i32
          %dma_wait3A_3128 = tpu.memref_slice %arg5[%add3A_133, %run_scoped3A_3103, %add3A, %dma_wait3A_3126, %dma_wait3A_3127] : memref<200x8x32x8x128xf32, #tpu.memory_space<hbm>> -> memref<1x1x1x8x128xf32, #tpu.memory_space<hbm>>
          %dma_wait3A_3129 = tpu.memref_squeeze %dma_wait3A_3128 : memref<1x1x1x8x128xf32, #tpu.memory_space<hbm>> -> memref<8x128xf32, #tpu.memory_space<hbm>>
          %dma_wait3A_3130 = arith.constant 0 : i32
          %dma_wait3A_3131 = arith.constant 0 : i32
          %dma_wait3A_3132 = tpu.memref_slice %arg5[%add3A_133, %run_scoped3A_3103, %add3A, %dma_wait3A_3130, %dma_wait3A_3131] : memref<200x8x32x8x128xf32, #tpu.memory_space<hbm>> -> memref<1x1x1x8x128xf32, #tpu.memory_space<hbm>>
          %dma_wait3A_3133 = tpu.memref_squeeze %dma_wait3A_3132 : memref<1x1x1x8x128xf32, #tpu.memory_space<hbm>> -> memref<8x128xf32, #tpu.memory_space<hbm>>
          %dma_wait3A_3134 = arith.constant 24 : i32
          %dma_wait3A_3135 = arith.constant 0 : i32
          %dma_wait3A_3136 = tpu.memref_slice %arg8[%dma_wait3A_3134, %dma_wait3A_3135] : memref<64x129xf32, #tpu.memory_space<vmem>> -> memref<8x128xf32, #tpu.memory_space<vmem>>
          tpu.wait_dma2 semaphore(%run_scoped3A_3108 : memref<!tpu.dma_semaphore, #tpu.memory_space<semaphore_mem>>) src(%dma_wait3A_3136 : memref<8x128xf32, #tpu.memory_space<vmem>>) dst(%dma_wait3A_3133 : memref<8x128xf32, #tpu.memory_space<hbm>>)
          tpu.yield
        }) : () -> ()
        %run_scoped3A_3104 = arith.constant 4 : i32
        "tpu.region"() ({
          %run_scoped3A_3108 = tpu.sem_alloc : memref<!tpu.dma_semaphore, #tpu.memory_space<semaphore_mem>>
          %dma_start3A_3109 = arith.constant 32 : i32
          %dma_start3A_3110 = arith.constant 0 : i32
          %dma_start3A_3111 = tpu.memref_slice %arg8[%dma_start3A_3109, %dma_start3A_3110] : memref<64x129xf32, #tpu.memory_space<vmem>> -> memref<8x128xf32, #tpu.memory_space<vmem>>
          %dma_start3A_3112 = arith.constant 0 : i32
          %dma_start3A_3113 = arith.constant 0 : i32
          %dma_start3A_3114 = tpu.memref_slice %arg5[%add3A_133, %run_scoped3A_3104, %add3A, %dma_start3A_3112, %dma_start3A_3113] : memref<200x8x32x8x128xf32, #tpu.memory_space<hbm>> -> memref<1x1x1x8x128xf32, #tpu.memory_space<hbm>>
          %dma_start3A_3115 = tpu.memref_squeeze %dma_start3A_3114 : memref<1x1x1x8x128xf32, #tpu.memory_space<hbm>> -> memref<8x128xf32, #tpu.memory_space<hbm>>
          %dma_start3A_3116 = arith.constant 0 : i32
          %dma_start3A_3117 = arith.constant 0 : i32
          %dma_start3A_3118 = tpu.memref_slice %arg5[%add3A_133, %run_scoped3A_3104, %add3A, %dma_start3A_3116, %dma_start3A_3117] : memref<200x8x32x8x128xf32, #tpu.memory_space<hbm>> -> memref<1x1x1x8x128xf32, #tpu.memory_space<hbm>>
          %dma_start3A_3119 = tpu.memref_squeeze %dma_start3A_3118 : memref<1x1x1x8x128xf32, #tpu.memory_space<hbm>> -> memref<8x128xf32, #tpu.memory_space<hbm>>
          %dma_start3A_3120 = arith.constant 32 : i32
          %dma_start3A_3121 = arith.constant 0 : i32
          %dma_start3A_3122 = tpu.memref_slice %arg8[%dma_start3A_3120, %dma_start3A_3121] : memref<64x129xf32, #tpu.memory_space<vmem>> -> memref<8x128xf32, #tpu.memory_space<vmem>>
          tpu.enqueue_dma source(%dma_start3A_3122 : memref<8x128xf32, #tpu.memory_space<vmem>>) target(%dma_start3A_3119 : memref<8x128xf32, #tpu.memory_space<hbm>>) target_semaphore(%run_scoped3A_3108 : memref<!tpu.dma_semaphore, #tpu.memory_space<semaphore_mem>>)
          %dma_wait3A_3123 = arith.constant 32 : i32
          %dma_wait3A_3124 = arith.constant 0 : i32
          %dma_wait3A_3125 = tpu.memref_slice %arg8[%dma_wait3A_3123, %dma_wait3A_3124] : memref<64x129xf32, #tpu.memory_space<vmem>> -> memref<8x128xf32, #tpu.memory_space<vmem>>
          %dma_wait3A_3126 = arith.constant 0 : i32
          %dma_wait3A_3127 = arith.constant 0 : i32
          %dma_wait3A_3128 = tpu.memref_slice %arg5[%add3A_133, %run_scoped3A_3104, %add3A, %dma_wait3A_3126, %dma_wait3A_3127] : memref<200x8x32x8x128xf32, #tpu.memory_space<hbm>> -> memref<1x1x1x8x128xf32, #tpu.memory_space<hbm>>
          %dma_wait3A_3129 = tpu.memref_squeeze %dma_wait3A_3128 : memref<1x1x1x8x128xf32, #tpu.memory_space<hbm>> -> memref<8x128xf32, #tpu.memory_space<hbm>>
          %dma_wait3A_3130 = arith.constant 0 : i32
          %dma_wait3A_3131 = arith.constant 0 : i32
          %dma_wait3A_3132 = tpu.memref_slice %arg5[%add3A_133, %run_scoped3A_3104, %add3A, %dma_wait3A_3130, %dma_wait3A_3131] : memref<200x8x32x8x128xf32, #tpu.memory_space<hbm>> -> memref<1x1x1x8x128xf32, #tpu.memory_space<hbm>>
          %dma_wait3A_3133 = tpu.memref_squeeze %dma_wait3A_3132 : memref<1x1x1x8x128xf32, #tpu.memory_space<hbm>> -> memref<8x128xf32, #tpu.memory_space<hbm>>
          %dma_wait3A_3134 = arith.constant 32 : i32
          %dma_wait3A_3135 = arith.constant 0 : i32
          %dma_wait3A_3136 = tpu.memref_slice %arg8[%dma_wait3A_3134, %dma_wait3A_3135] : memref<64x129xf32, #tpu.memory_space<vmem>> -> memref<8x128xf32, #tpu.memory_space<vmem>>
          tpu.wait_dma2 semaphore(%run_scoped3A_3108 : memref<!tpu.dma_semaphore, #tpu.memory_space<semaphore_mem>>) src(%dma_wait3A_3136 : memref<8x128xf32, #tpu.memory_space<vmem>>) dst(%dma_wait3A_3133 : memref<8x128xf32, #tpu.memory_space<hbm>>)
          tpu.yield
        }) : () -> ()
        %run_scoped3A_3105 = arith.constant 5 : i32
        "tpu.region"() ({
          %run_scoped3A_3108 = tpu.sem_alloc : memref<!tpu.dma_semaphore, #tpu.memory_space<semaphore_mem>>
          %dma_start3A_3109 = arith.constant 40 : i32
          %dma_start3A_3110 = arith.constant 0 : i32
          %dma_start3A_3111 = tpu.memref_slice %arg8[%dma_start3A_3109, %dma_start3A_3110] : memref<64x129xf32, #tpu.memory_space<vmem>> -> memref<8x128xf32, #tpu.memory_space<vmem>>
          %dma_start3A_3112 = arith.constant 0 : i32
          %dma_start3A_3113 = arith.constant 0 : i32
          %dma_start3A_3114 = tpu.memref_slice %arg5[%add3A_133, %run_scoped3A_3105, %add3A, %dma_start3A_3112, %dma_start3A_3113] : memref<200x8x32x8x128xf32, #tpu.memory_space<hbm>> -> memref<1x1x1x8x128xf32, #tpu.memory_space<hbm>>
          %dma_start3A_3115 = tpu.memref_squeeze %dma_start3A_3114 : memref<1x1x1x8x128xf32, #tpu.memory_space<hbm>> -> memref<8x128xf32, #tpu.memory_space<hbm>>
          %dma_start3A_3116 = arith.constant 0 : i32
          %dma_start3A_3117 = arith.constant 0 : i32
          %dma_start3A_3118 = tpu.memref_slice %arg5[%add3A_133, %run_scoped3A_3105, %add3A, %dma_start3A_3116, %dma_start3A_3117] : memref<200x8x32x8x128xf32, #tpu.memory_space<hbm>> -> memref<1x1x1x8x128xf32, #tpu.memory_space<hbm>>
          %dma_start3A_3119 = tpu.memref_squeeze %dma_start3A_3118 : memref<1x1x1x8x128xf32, #tpu.memory_space<hbm>> -> memref<8x128xf32, #tpu.memory_space<hbm>>
          %dma_start3A_3120 = arith.constant 40 : i32
          %dma_start3A_3121 = arith.constant 0 : i32
          %dma_start3A_3122 = tpu.memref_slice %arg8[%dma_start3A_3120, %dma_start3A_3121] : memref<64x129xf32, #tpu.memory_space<vmem>> -> memref<8x128xf32, #tpu.memory_space<vmem>>
          tpu.enqueue_dma source(%dma_start3A_3122 : memref<8x128xf32, #tpu.memory_space<vmem>>) target(%dma_start3A_3119 : memref<8x128xf32, #tpu.memory_space<hbm>>) target_semaphore(%run_scoped3A_3108 : memref<!tpu.dma_semaphore, #tpu.memory_space<semaphore_mem>>)
          %dma_wait3A_3123 = arith.constant 40 : i32
          %dma_wait3A_3124 = arith.constant 0 : i32
          %dma_wait3A_3125 = tpu.memref_slice %arg8[%dma_wait3A_3123, %dma_wait3A_3124] : memref<64x129xf32, #tpu.memory_space<vmem>> -> memref<8x128xf32, #tpu.memory_space<vmem>>
          %dma_wait3A_3126 = arith.constant 0 : i32
          %dma_wait3A_3127 = arith.constant 0 : i32
          %dma_wait3A_3128 = tpu.memref_slice %arg5[%add3A_133, %run_scoped3A_3105, %add3A, %dma_wait3A_3126, %dma_wait3A_3127] : memref<200x8x32x8x128xf32, #tpu.memory_space<hbm>> -> memref<1x1x1x8x128xf32, #tpu.memory_space<hbm>>
          %dma_wait3A_3129 = tpu.memref_squeeze %dma_wait3A_3128 : memref<1x1x1x8x128xf32, #tpu.memory_space<hbm>> -> memref<8x128xf32, #tpu.memory_space<hbm>>
          %dma_wait3A_3130 = arith.constant 0 : i32
          %dma_wait3A_3131 = arith.constant 0 : i32
          %dma_wait3A_3132 = tpu.memref_slice %arg5[%add3A_133, %run_scoped3A_3105, %add3A, %dma_wait3A_3130, %dma_wait3A_3131] : memref<200x8x32x8x128xf32, #tpu.memory_space<hbm>> -> memref<1x1x1x8x128xf32, #tpu.memory_space<hbm>>
          %dma_wait3A_3133 = tpu.memref_squeeze %dma_wait3A_3132 : memref<1x1x1x8x128xf32, #tpu.memory_space<hbm>> -> memref<8x128xf32, #tpu.memory_space<hbm>>
          %dma_wait3A_3134 = arith.constant 40 : i32
          %dma_wait3A_3135 = arith.constant 0 : i32
          %dma_wait3A_3136 = tpu.memref_slice %arg8[%dma_wait3A_3134, %dma_wait3A_3135] : memref<64x129xf32, #tpu.memory_space<vmem>> -> memref<8x128xf32, #tpu.memory_space<vmem>>
          tpu.wait_dma2 semaphore(%run_scoped3A_3108 : memref<!tpu.dma_semaphore, #tpu.memory_space<semaphore_mem>>) src(%dma_wait3A_3136 : memref<8x128xf32, #tpu.memory_space<vmem>>) dst(%dma_wait3A_3133 : memref<8x128xf32, #tpu.memory_space<hbm>>)
          tpu.yield
        }) : () -> ()
        %run_scoped3A_3106 = arith.constant 6 : i32
        "tpu.region"() ({
          %run_scoped3A_3108 = tpu.sem_alloc : memref<!tpu.dma_semaphore, #tpu.memory_space<semaphore_mem>>
          %dma_start3A_3109 = arith.constant 48 : i32
          %dma_start3A_3110 = arith.constant 0 : i32
          %dma_start3A_3111 = tpu.memref_slice %arg8[%dma_start3A_3109, %dma_start3A_3110] : memref<64x129xf32, #tpu.memory_space<vmem>> -> memref<8x128xf32, #tpu.memory_space<vmem>>
          %dma_start3A_3112 = arith.constant 0 : i32
          %dma_start3A_3113 = arith.constant 0 : i32
          %dma_start3A_3114 = tpu.memref_slice %arg5[%add3A_133, %run_scoped3A_3106, %add3A, %dma_start3A_3112, %dma_start3A_3113] : memref<200x8x32x8x128xf32, #tpu.memory_space<hbm>> -> memref<1x1x1x8x128xf32, #tpu.memory_space<hbm>>
          %dma_start3A_3115 = tpu.memref_squeeze %dma_start3A_3114 : memref<1x1x1x8x128xf32, #tpu.memory_space<hbm>> -> memref<8x128xf32, #tpu.memory_space<hbm>>
          %dma_start3A_3116 = arith.constant 0 : i32
          %dma_start3A_3117 = arith.constant 0 : i32
          %dma_start3A_3118 = tpu.memref_slice %arg5[%add3A_133, %run_scoped3A_3106, %add3A, %dma_start3A_3116, %dma_start3A_3117] : memref<200x8x32x8x128xf32, #tpu.memory_space<hbm>> -> memref<1x1x1x8x128xf32, #tpu.memory_space<hbm>>
          %dma_start3A_3119 = tpu.memref_squeeze %dma_start3A_3118 : memref<1x1x1x8x128xf32, #tpu.memory_space<hbm>> -> memref<8x128xf32, #tpu.memory_space<hbm>>
          %dma_start3A_3120 = arith.constant 48 : i32
          %dma_start3A_3121 = arith.constant 0 : i32
          %dma_start3A_3122 = tpu.memref_slice %arg8[%dma_start3A_3120, %dma_start3A_3121] : memref<64x129xf32, #tpu.memory_space<vmem>> -> memref<8x128xf32, #tpu.memory_space<vmem>>
          tpu.enqueue_dma source(%dma_start3A_3122 : memref<8x128xf32, #tpu.memory_space<vmem>>) target(%dma_start3A_3119 : memref<8x128xf32, #tpu.memory_space<hbm>>) target_semaphore(%run_scoped3A_3108 : memref<!tpu.dma_semaphore, #tpu.memory_space<semaphore_mem>>)
          %dma_wait3A_3123 = arith.constant 48 : i32
          %dma_wait3A_3124 = arith.constant 0 : i32
          %dma_wait3A_3125 = tpu.memref_slice %arg8[%dma_wait3A_3123, %dma_wait3A_3124] : memref<64x129xf32, #tpu.memory_space<vmem>> -> memref<8x128xf32, #tpu.memory_space<vmem>>
          %dma_wait3A_3126 = arith.constant 0 : i32
          %dma_wait3A_3127 = arith.constant 0 : i32
          %dma_wait3A_3128 = tpu.memref_slice %arg5[%add3A_133, %run_scoped3A_3106, %add3A, %dma_wait3A_3126, %dma_wait3A_3127] : memref<200x8x32x8x128xf32, #tpu.memory_space<hbm>> -> memref<1x1x1x8x128xf32, #tpu.memory_space<hbm>>
          %dma_wait3A_3129 = tpu.memref_squeeze %dma_wait3A_3128 : memref<1x1x1x8x128xf32, #tpu.memory_space<hbm>> -> memref<8x128xf32, #tpu.memory_space<hbm>>
          %dma_wait3A_3130 = arith.constant 0 : i32
          %dma_wait3A_3131 = arith.constant 0 : i32
          %dma_wait3A_3132 = tpu.memref_slice %arg5[%add3A_133, %run_scoped3A_3106, %add3A, %dma_wait3A_3130, %dma_wait3A_3131] : memref<200x8x32x8x128xf32, #tpu.memory_space<hbm>> -> memref<1x1x1x8x128xf32, #tpu.memory_space<hbm>>
          %dma_wait3A_3133 = tpu.memref_squeeze %dma_wait3A_3132 : memref<1x1x1x8x128xf32, #tpu.memory_space<hbm>> -> memref<8x128xf32, #tpu.memory_space<hbm>>
          %dma_wait3A_3134 = arith.constant 48 : i32
          %dma_wait3A_3135 = arith.constant 0 : i32
          %dma_wait3A_3136 = tpu.memref_slice %arg8[%dma_wait3A_3134, %dma_wait3A_3135] : memref<64x129xf32, #tpu.memory_space<vmem>> -> memref<8x128xf32, #tpu.memory_space<vmem>>
          tpu.wait_dma2 semaphore(%run_scoped3A_3108 : memref<!tpu.dma_semaphore, #tpu.memory_space<semaphore_mem>>) src(%dma_wait3A_3136 : memref<8x128xf32, #tpu.memory_space<vmem>>) dst(%dma_wait3A_3133 : memref<8x128xf32, #tpu.memory_space<hbm>>)
          tpu.yield
        }) : () -> ()
        %run_scoped3A_3107 = arith.constant 7 : i32
        "tpu.region"() ({
          %run_scoped3A_3108 = tpu.sem_alloc : memref<!tpu.dma_semaphore, #tpu.memory_space<semaphore_mem>>
          %dma_start3A_3109 = arith.constant 56 : i32
          %dma_start3A_3110 = arith.constant 0 : i32
          %dma_start3A_3111 = tpu.memref_slice %arg8[%dma_start3A_3109, %dma_start3A_3110] : memref<64x129xf32, #tpu.memory_space<vmem>> -> memref<8x128xf32, #tpu.memory_space<vmem>>
          %dma_start3A_3112 = arith.constant 0 : i32
          %dma_start3A_3113 = arith.constant 0 : i32
          %dma_start3A_3114 = tpu.memref_slice %arg5[%add3A_133, %run_scoped3A_3107, %add3A, %dma_start3A_3112, %dma_start3A_3113] : memref<200x8x32x8x128xf32, #tpu.memory_space<hbm>> -> memref<1x1x1x8x128xf32, #tpu.memory_space<hbm>>
          %dma_start3A_3115 = tpu.memref_squeeze %dma_start3A_3114 : memref<1x1x1x8x128xf32, #tpu.memory_space<hbm>> -> memref<8x128xf32, #tpu.memory_space<hbm>>
          %dma_start3A_3116 = arith.constant 0 : i32
          %dma_start3A_3117 = arith.constant 0 : i32
          %dma_start3A_3118 = tpu.memref_slice %arg5[%add3A_133, %run_scoped3A_3107, %add3A, %dma_start3A_3116, %dma_start3A_3117] : memref<200x8x32x8x128xf32, #tpu.memory_space<hbm>> -> memref<1x1x1x8x128xf32, #tpu.memory_space<hbm>>
          %dma_start3A_3119 = tpu.memref_squeeze %dma_start3A_3118 : memref<1x1x1x8x128xf32, #tpu.memory_space<hbm>> -> memref<8x128xf32, #tpu.memory_space<hbm>>
          %dma_start3A_3120 = arith.constant 56 : i32
          %dma_start3A_3121 = arith.constant 0 : i32
          %dma_start3A_3122 = tpu.memref_slice %arg8[%dma_start3A_3120, %dma_start3A_3121] : memref<64x129xf32, #tpu.memory_space<vmem>> -> memref<8x128xf32, #tpu.memory_space<vmem>>
          tpu.enqueue_dma source(%dma_start3A_3122 : memref<8x128xf32, #tpu.memory_space<vmem>>) target(%dma_start3A_3119 : memref<8x128xf32, #tpu.memory_space<hbm>>) target_semaphore(%run_scoped3A_3108 : memref<!tpu.dma_semaphore, #tpu.memory_space<semaphore_mem>>)
          %dma_wait3A_3123 = arith.constant 56 : i32
          %dma_wait3A_3124 = arith.constant 0 : i32
          %dma_wait3A_3125 = tpu.memref_slice %arg8[%dma_wait3A_3123, %dma_wait3A_3124] : memref<64x129xf32, #tpu.memory_space<vmem>> -> memref<8x128xf32, #tpu.memory_space<vmem>>
          %dma_wait3A_3126 = arith.constant 0 : i32
          %dma_wait3A_3127 = arith.constant 0 : i32
          %dma_wait3A_3128 = tpu.memref_slice %arg5[%add3A_133, %run_scoped3A_3107, %add3A, %dma_wait3A_3126, %dma_wait3A_3127] : memref<200x8x32x8x128xf32, #tpu.memory_space<hbm>> -> memref<1x1x1x8x128xf32, #tpu.memory_space<hbm>>
          %dma_wait3A_3129 = tpu.memref_squeeze %dma_wait3A_3128 : memref<1x1x1x8x128xf32, #tpu.memory_space<hbm>> -> memref<8x128xf32, #tpu.memory_space<hbm>>
          %dma_wait3A_3130 = arith.constant 0 : i32
          %dma_wait3A_3131 = arith.constant 0 : i32
          %dma_wait3A_3132 = tpu.memref_slice %arg5[%add3A_133, %run_scoped3A_3107, %add3A, %dma_wait3A_3130, %dma_wait3A_3131] : memref<200x8x32x8x128xf32, #tpu.memory_space<hbm>> -> memref<1x1x1x8x128xf32, #tpu.memory_space<hbm>>
          %dma_wait3A_3133 = tpu.memref_squeeze %dma_wait3A_3132 : memref<1x1x1x8x128xf32, #tpu.memory_space<hbm>> -> memref<8x128xf32, #tpu.memory_space<hbm>>
          %dma_wait3A_3134 = arith.constant 56 : i32
          %dma_wait3A_3135 = arith.constant 0 : i32
          %dma_wait3A_3136 = tpu.memref_slice %arg8[%dma_wait3A_3134, %dma_wait3A_3135] : memref<64x129xf32, #tpu.memory_space<vmem>> -> memref<8x128xf32, #tpu.memory_space<vmem>>
          tpu.wait_dma2 semaphore(%run_scoped3A_3108 : memref<!tpu.dma_semaphore, #tpu.memory_space<semaphore_mem>>) src(%dma_wait3A_3136 : memref<8x128xf32, #tpu.memory_space<vmem>>) dst(%dma_wait3A_3133 : memref<8x128xf32, #tpu.memory_space<hbm>>)
          tpu.yield
        }) : () -> ()
      }
      %scan3A_131 = arith.constant 8 : i32
    }
    %scan3A_19 = arith.constant 25 : i32
    return
  }
}

</mosaic_0001>

<sc_bundles>
// kernel: kernel.3.cloned.1.call-start
scs
__scs_entry_jumppad:
0x0: {  	(pc) =	sbr.rel $0x88, $3  }
0x1: {  	(tag) =	ssettag $0x0;
	lr =	simm.s32 $0x1  }
0x2: {  	[smem:$0x3F9E] =	sst lr;
	_ =	strace $0xD0000000  }
0x3: {  	_ = 	snop  }
0x4: {  	_ = 	snop  }
0x5: {  	_ = 	snop  }
0x6: {  	_ = 	snop  }
0x7: {  	_ = 	snop  }
__scs_overlays_trampoline_lowered:
0x8: {  	[smem:$0x3FAD] =	sst s0  }
0x9: {  	[smem:$0x3FAE] =	sst s1  }
0xa: {  	[smem:$0x3FAF] =	sst s2  }
0xb: {  	[smem:$0x3FB0] =	sst s3  }
0xc: {  	[smem:$0x3FB1] =	sst s4  }
0xd: {  	[smem:$0x3FB2] =	sst s5  }
0xe: {  	[smem:$0x3FB3] =	sst s6  }
0xf: {  	[smem:$0x3FB4] =	sst s7  }
0x10: {  	[smem:$0x3FB5] =	sst s8  }
0x11: {  	[smem:$0x3FB6] =	sst s9;
	s0 =	simm.s32 @!p0 $0x0  }
0x12: {  	s1 =	sld [smem:$0x3F9C];
	s0 =	simm.s32 @p0 $0x1  }
0x13: {  	[smem:$0x3FB7] =	sst s0;
	s0 =	simm.s32 @!p1 $0x0  }
0x14: {  	s2 =	sld [smem:$0x3F9B];
	s0 =	simm.s32 @p1 $0x1  }
0x15: {  	[smem:$0x3FB8] =	sst s0;
	s0 =	simm.s32 @!p2 $0x0  }
0x16: {  	s3 =	sld [smem:$0x3FDB];
	s0 =	simm.s32 @p2 $0x1  }
0x17: {  	s4 =	simm.s32 $0x1BF5;
	[smem:$0x3FBA] =	sst s0  }
0x18: {  	s0 =	sld [smem:$0x3F9D];
	_ =	swait.ge [sflag:s4], $0x0  }
0x19: {  	s7 =	sld [smem:$0x3F9E]  }
0x1a: {  	s8 =	sadd.s32 $0xFFFFE003, lr  }
0x1b: {  	s9 =	sadd.s32 $0xFFFFFEF7, lr;
	s5 =	simm.s32 $0xFFFFFFFF;
	p2 =	slt.u32 s8, $0xFFFFF086  }
0x1c: {  	p1 =	slt.u32 s9, $0xF7A;
	s5 =	simm.s32 @!p2 $0x0  }
0x1d: {  	s5 =	simm.s32 @p1 $0x1;
	p0 =	seq.s32 s7, s2  }
0x1e: {  	s7 =	smul.u32 @!p0 $0xF7A, s2;
	p2 =	seq.s32 @!p0 s5, $0x0  }
0x1f: {  	s9 =	smul.u32 $0xF7A, s1;
	s8 =	simm.s32 @!p0 $0x1BF5;
	p2 =	por !p2, p0  }
0x20: {  	[sflag:s8] =	ssyncset.s32 @!p0 $0xFFFFF086;
	s6 =	sadd.s32 @!p0 s3, s7;
	s7 =	simm.s32 @!p0 $0x108  }
0x21: {  	s3 =	sadd.s32 s3, s9;
	s6 =	sadd.s32 @!p0 $0x88, s6;
	s7 =	simm.s32 @p2 $0x1082  }
0x22: {  	[simem:s7], [sflag:s8] =	dma.local @!p0 [hbm:s6], $0xF7A  }
0x23: {  	s9 =	sor.u32 $0xD0000000, s2;
	s6 =	simm.s32 $0x108;
	_ =	swait.ge @!p0 [sflag:s8], $0x0  }
0x24: {  	s3 =	sadd.s32 $0x88, s3;
	s6 =	simm.s32 @!p1 $0x1082;
	[sflag:s4] =	ssyncset.s32 $0xFFFFF086  }
0x25: {  	[simem:s6], [sflag:s4] =	dma.local [hbm:s3], $0xF7A  }
0x26: {  	[smem:$0x3F9E] =	sst s1;
	(tag) =	ssettag s2;
	_ =	strace s9  }
0x27: {  	s1 =	sld [smem:$0x3FAE]  }
0x28: {  	s2 =	sld [smem:$0x3FAF]  }
0x29: {  	s4 =	sld [smem:$0x3FB1]  }
0x2a: {  	p0 =	seq.s32 s5, $0x0;
	s5 =	sld [smem:$0x3FB2]  }
0x2b: {  	s6 =	sld [smem:$0x3FB3]  }
0x2c: {  	s7 =	sld [smem:$0x3FB4]  }
0x2d: {  	s3 =	simm.s32 $0x108;
	s8 =	sld [smem:$0x3FB5]  }
0x2e: {  	s3 =	simm.s32 @!p0 $0x1082;
	s9 =	sld [smem:$0x3FB6]  }
0x2f: {  	lr =	sadd.s32 s0, s3;
	s0 =	sld [smem:$0x3FAD]  }
0x30: {  	s3 =	sld [smem:$0x3FB0]  }
0x31: {  	[smem:$0x3FB9] =	sst s10  }
0x32: {  	s10 =	sld [smem:$0x3FB7];
	_ =	sdelay $0x3  }
0x33: {  	p0 =	seq.s32 s10, $0x1;
	s10 =	sld [smem:$0x3FB9];
	_ =	sdelay $0x3  }
0x34: {  	[smem:$0x3FB9] =	sst s10  }
0x35: {  	s10 =	sld [smem:$0x3FB8];
	_ =	sdelay $0x3  }
0x36: {  	p1 =	seq.s32 s10, $0x1;
	s10 =	sld [smem:$0x3FB9];
	_ =	sdelay $0x3  }
0x37: {  	[smem:$0x3FB9] =	sst s10  }
0x38: {  	s10 =	sld [smem:$0x3FBA]  }
0x39: {  	_ = 	snop;
	(pc) =	sbr.ind lr, $3  }
0x3a: {  	_ = 	snop  }
0x3b: {  	_ = 	snop  }
0x3c: {  	p2 =	seq.s32 s10, $0x1;
	s10 =	sld [smem:$0x3FB9]  }
0x3d: {  	_ =	shalt  }
0x3e: {  	_ =	shalt  }
0x3f: {  	_ =	shalt  }
0x40: {  	_ =	shalt  }
0x41: {  	_ =	shalt  }
0x42: {  	_ =	shalt  }
0x43: {  	_ =	shalt  }
0x44: {  	_ =	shalt  }
0x45: {  	_ =	shalt  }
0x46: {  	_ =	shalt  }
0x47: {  	_ =	shalt  }
0x48: {  	_ =	shalt  }
0x49: {  	_ =	shalt  }
0x4a: {  	_ =	shalt  }
0x4b: {  	_ =	shalt  }
0x4c: {  	_ =	shalt  }
0x4d: {  	_ =	shalt  }
0x4e: {  	_ =	shalt  }
0x4f: {  	_ =	shalt  }
0x50: {  	_ =	shalt  }
0x51: {  	_ =	shalt  }
0x52: {  	_ =	shalt  }
0x53: {  	_ =	shalt  }
0x54: {  	_ =	shalt  }
0x55: {  	_ =	shalt  }
0x56: {  	_ =	shalt  }
0x57: {  	_ =	shalt  }
0x58: {  	_ =	shalt  }
0x59: {  	_ =	shalt  }
0x5a: {  	_ =	shalt  }
0x5b: {  	_ =	shalt  }
0x5c: {  	_ =	shalt  }
0x5d: {  	_ =	shalt  }
0x5e: {  	_ =	shalt  }
0x5f: {  	_ =	shalt  }
0x60: {  	_ =	shalt  }
0x61: {  	_ =	shalt  }
0x62: {  	_ =	shalt  }
0x63: {  	_ =	shalt  }
0x64: {  	_ =	shalt  }
0x65: {  	_ =	shalt  }
0x66: {  	_ =	shalt  }
0x67: {  	_ =	shalt  }
0x68: {  	_ =	shalt  }
0x69: {  	_ =	shalt  }
0x6a: {  	_ =	shalt  }
0x6b: {  	_ =	shalt  }
0x6c: {  	_ =	shalt  }
0x6d: {  	_ =	shalt  }
0x6e: {  	_ =	shalt  }
0x6f: {  	_ =	shalt  }
0x70: {  	_ =	shalt  }
0x71: {  	_ =	shalt  }
0x72: {  	_ =	shalt  }
0x73: {  	_ =	shalt  }
0x74: {  	_ =	shalt  }
0x75: {  	_ =	shalt  }
0x76: {  	_ =	shalt  }
0x77: {  	_ =	shalt  }
0x78: {  	_ =	shalt  }
0x79: {  	_ =	shalt  }
0x7a: {  	_ =	shalt  }
0x7b: {  	_ =	shalt  }
0x7c: {  	_ =	shalt  }
0x7d: {  	_ =	shalt  }
0x7e: {  	_ =	shalt  }
0x7f: {  	_ =	shalt  }
0x80: {  	_ =	shalt  }
0x81: {  	_ =	shalt  }
0x82: {  	_ =	shalt  }
0x83: {  	_ =	shalt  }
0x84: {  	_ =	shalt  }
0x85: {  	_ =	shalt  }
0x86: {  	_ =	shalt  }
0x87: {  	_ =	shalt  }
.Lfunc_end0:
.L_simem_size_0:
called_computation_lowered:
.L_overlay_start_0:
0x88: {  	s2 =	sld [smem:$0x3FD9]  }
0x89: {  	s3 =	sld [smem:$0x3FFE];
	_ =	sdelay $0x1  }
0x8a: {  	s1 =	srdreg.scid  }
0x8b: {  	s0 =	sand.u32 $0x1, s1  }
0x8c: {  	s17 =	sshll.u32 s0, $0xA;
	s2 =	sadd.s32 s3, s2  }
0x8d: {  	s2 =	sadd.s32 s2, s17  }
0x8e: {  	[smem:$0x3FC5] =	sst s2  }
0x8f: {  	_ = 	snop  }
0x90: {  	s2 =	sld [smem:$0x3FD0];
	(tm) =	ssettm $0x1  }
0x91: {  	s18 =	sld [smem:$0x3FFB];
	_ =	sdelay $0x3  }
0x92: {  	_ =	strace s18  }
0x93: {  	s3 =	sld [smem:$0x3FFC];
	_ =	sdelay $0x3  }
0x94: {  	_ =	strace s3  }
0x95: {  	s3 =	sld [smem:$0x3FFD];
	_ =	sdelay $0x3  }
0x96: {  	_ =	strace s3  }
0x97: {  	_ =	strace $0x8FFFFFFF  }
0x98: {  	s19 =	sld [smem:$0x3FDB];
	_ =	sdelay $0x1  }
0x99: {  	s4 =	simm.s32 $_scs_section_size  }
0x9a: {  	s5 =	simm.s32 $_size__tile_overlayer_lowered;
	s6 =	simm.s32 $_tile_overlayer_lowered  }
0x9b: {  	s22 =	simm.s32 $0x1BFF;
	s21 =	sshll.u32 s6, $0x1;
	s3 =	sadd.s32 s4, s19  }
0x9c: {  	s7 =	simm.s32 $0x0;
	s20 =	sshll.u32 s5, $0x1;
	s5 =	sadd.s32 s21, s3  }
0x9d: {  	[timem:s7], [sflag:s22] =	dma.local [hbm:s5], s20  }
0x9e: {  	_ =	swait.ge [sflag:s22], s20  }
0x9f: {  	s4 =	ssub.s32 $0x0, s20;
	[sflag:s22] =	ssyncset.done $0x0  }
0xa0: {  	[sflag:s22] =	ssyncadd.s32 s4;
	_ =	sdelay $0x1  }
0xa1: {  	s23 =	simm.s32 $0x1B8B  }
0xa2: {  	_ =	swait.ge [sflag:s23], $0x1  }
0xa3: {  	[sflag:s23] =	ssyncset.done $0x0  }
0xa4: {  	s25 =	simm.s32 $0x1B8E;
	s24 =	sld [smem:$0x3FFE];
	[sflag:s23] =	ssyncadd.s32 $0xFFFFFFFF  }
0xa5: {  	s26 =	simm.s32 $execute0_lowered;
	[smem:$0x3FD2] =	sst s25  }
0xa6: {  	s5 =	sshll.u32 s26, $0x1;
	_ =	strace $0x80000046;
	[dreg:$0x1] =	wrdreg $0xFFFFFFFF  }
0xa7: {  	s28 =	simm.s32 $_size_execute0_lowered;
	s3 =	sadd.s32 s3, s5;
	[dreg:$0x0] =	wrdreg $0x0  }
0xa8: {  	s5 =	sshll.u32 s28, $0x1;
	[dreg:$0x2] =	wrdreg s3  }
0xa9: {  	[dreg:$0x3] =	wrdreg s5  }
0xaa: {  	[dreg:$0x4] =	wrdreg $0xC0  }
0xab: {  	_ =	task [dreg:s7], $0x5FFFF  }
0xac: {  	[dreg:$0x1] =	wrdreg $0xFFFFFFFF  }
0xad: {  	[dreg:$0x0] =	wrdreg $0x60  }
0xae: {  	[dreg:$0x2] =	wrdreg s24  }
0xaf: {  	[dreg:$0x3] =	wrdreg s2  }
0xb0: {  	[dreg:$0x4] =	wrdreg $0x9  }
0xb1: {  	_ =	task.clear_ibuf [dreg:s7], $0x5FFFF;
	_ =	strace $0x90000046  }
0xb2: {  	s29 =	simm.s32 $0x9;
	_ =	strace $0x80000048  }
0xb3: {  	_ =	swait.ge [sflag:s29], $0x1  }
0xb4: {  	[sflag:s29] =	ssyncadd.s32 $0xFFFFFFFF  }
0xb5: {  	_ =	strace $0x90000048  }
0xb6: {  	_ =	sfence  }
0xb7: {  	s30 =	sld [smem:$0x0];
	_ =	sdelay $0x2  }
0xb8: {  	s31 =	sshll.u32 s1, $0xD;
	s1 =	sshrl.u32 s1, $0x2  }
0xb9: {  	s3 =	sand.u32 $0x4000, s31;
	s1 =	sadd.s32 s1, s30  }
0xba: {  	s0 =	sor.u32 s3, s0;
	s1 =	sshll.u32 s1, $0x11  }
0xbb: {  	s0 =	sor.u32 s1, s0  }
0xbc: {  	s0 =	sadd.s32 $0x8F2B, s0  }
0xbd: {  	[sflag:s0] =	ssyncadd.remote.s32 $0x1  }
0xbe: {  	_ =	sfence.sel $0xFFFF  }
0xbf: {  	[dreg:$0x0] =	wrdreg $0xFFFFFFFF;
	(pc) =	sbr.abs _section_cstart, $3  }
0xc0: {  	[dreg:$0x1] =	wrdreg $0xFFFFFFFF  }
0xc1: {  	_ =	task.clear_ibuf [dreg:s7], $0x2FFFF;
	_ =	strace $0x9FFFFFFF  }
0xc2: {  	(tm) =	ssettm $0x7FFFFFFF  }
0xc3: {  	_ =	shalt  }
tec
execute0_lowered:
.L_overlay_start_1:
0x0: {  	(tag) =	ssettag $0x1  }
0x1: {  	s0 =	rddreg [dreg:$0x0]  }
0x2: {  	s2 =	rddreg [dreg:$0x1];
	s3 =	simm.s32 $0x0  }
0x3: {  	[smem:$0x7FF] =	sst s3;
	s7 =	sadd.s32 $0x1000, s2  }
0x4: {  	s8 =	sadd.s32 $0x2000, s2;
	_ =	strace $0x80000047;
	[dreg:$0x4] =	wrdreg s7  }
0x5: {  	s9 =	sadd.s32 $0x3000, s2;
	[dreg:$0x5] =	wrdreg s8  }
0x6: {  	s10 =	sadd.s32 $0x4000, s2;
	[dreg:$0x6] =	wrdreg s9  }
0x7: {  	s11 =	sadd.s32 $0x5000, s2;
	[dreg:$0x7] =	wrdreg s10  }
0x8: {  	s12 =	sadd.s32 $0x6000, s2;
	[dreg:$0x8] =	wrdreg s11  }
0x9: {  	s13 =	sadd.s32 $0x7000, s2;
	[dreg:$0x9] =	wrdreg s12  }
0xa: {  	s14 =	simm.s32 $0x10488;
	[dreg:$0xa] =	wrdreg s13  }
0xb: {  	s15 =	simm.s32 $0x10510;
	[dreg:$0xc] =	wrdreg s14  }
0xc: {  	s16 =	simm.s32 $0x10598;
	[dreg:$0xd] =	wrdreg s15  }
0xd: {  	s17 =	simm.s32 $0x10620;
	[dreg:$0xe] =	wrdreg s16  }
0xe: {  	s18 =	simm.s32 $0x106A8;
	[dreg:$0xf] =	wrdreg s17  }
0xf: {  	s19 =	simm.s32 $0x10730;
	[dreg:$0x10] =	wrdreg s18  }
0x10: {  	s20 =	simm.s32 $0x107B8;
	[dreg:$0x11] =	wrdreg s19  }
0x11: {  	s21 =	simm.s32 $0x10840;
	[dreg:$0x12] =	wrdreg s20  }
0x12: {  	s22 =	simm.s32 $0x108C8;
	[dreg:$0x13] =	wrdreg s21  }
0x13: {  	s23 =	simm.s32 $0x10950;
	[dreg:$0x14] =	wrdreg s22  }
0x14: {  	s24 =	simm.s32 $0x109D8;
	[dreg:$0x15] =	wrdreg s23  }
0x15: {  	s25 =	simm.s32 $0x10A60;
	[dreg:$0x16] =	wrdreg s24  }
0x16: {  	s26 =	simm.s32 $0x10AE8;
	[dreg:$0x17] =	wrdreg s25  }
0x17: {  	s29 =	simm.s32 $0x10B70;
	[dreg:$0x18] =	wrdreg s26  }
0x18: {  	s30 =	simm.s32 $0x10BF8;
	[dreg:$0x19] =	wrdreg s29  }
0x19: {  	s31 =	simm.s32 $0x10C80;
	[dreg:$0x1a] =	wrdreg s30  }
0x1a: {  	s6 =	simm.s32 $0x10D08;
	[dreg:$0x1b] =	wrdreg s31  }
0x1b: {  	[dreg:$0x1c] =	wrdreg s6;
	s7 =	simm.s32 $0x10D90  }
0x1c: {  	s8 =	simm.s32 $0x10E18;
	[dreg:$0x1d] =	wrdreg s7  }
0x1d: {  	s9 =	simm.s32 $0x10EA0;
	[dreg:$0x1e] =	wrdreg s8  }
0x1e: {  	s10 =	simm.s32 $0x10F28;
	[dreg:$0x1f] =	wrdreg s9  }
0x1f: {  	s11 =	simm.s32 $0x10FB0;
	[smem:$0x7D1] =	sst s10  }
0x20: {  	s12 =	simm.s32 $0x11038;
	[smem:$0x7D2] =	sst s11  }
0x21: {  	s13 =	simm.s32 $0x110C0;
	[smem:$0x7D3] =	sst s12  }
0x22: {  	s14 =	simm.s32 $0x11148;
	[smem:$0x7D4] =	sst s13  }
0x23: {  	s15 =	simm.s32 $0x111D0;
	[smem:$0x7D5] =	sst s14  }
0x24: {  	s16 =	simm.s32 $0x11258;
	[smem:$0x7D6] =	sst s15  }
0x25: {  	s17 =	simm.s32 $0x112E0;
	[smem:$0x7D7] =	sst s16  }
0x26: {  	s18 =	simm.s32 $0x11368;
	[smem:$0x7D8] =	sst s17  }
0x27: {  	s19 =	simm.s32 $0x113F0;
	[smem:$0x7D9] =	sst s18  }
0x28: {  	s20 =	simm.s32 $0x11478;
	[smem:$0x7DA] =	sst s19  }
0x29: {  	s21 =	simm.s32 $0x11500;
	[smem:$0x7DB] =	sst s20  }
0x2a: {  	s22 =	simm.s32 $0x11588;
	[smem:$0x7DC] =	sst s21  }
0x2b: {  	s23 =	simm.s32 $0x11610;
	[smem:$0x7DD] =	sst s22  }
0x2c: {  	s24 =	simm.s32 $0x11698;
	[smem:$0x7DE] =	sst s23  }
0x2d: {  	s1 =	srdreg.scid;
	s25 =	simm.s32 $0x11720;
	[smem:$0x7DF] =	sst s24  }
0x2e: {  	s4 =	stileid.u32;
	s26 =	simm.s32 $0x117A8;
	[smem:$0x7E0] =	sst s25  }
0x2f: {  	s1 =	sand.u32 $0x1, s1;
	s29 =	simm.s32 $0x11830;
	[smem:$0x7E1] =	sst s26  }
0x30: {  	s4 =	sshll.u32 s4, $0x1;
	s30 =	simm.s32 $0x118B8;
	[smem:$0x7E2] =	sst s29  }
0x31: {  	s4 =	sor.u32 s1, s4;
	s31 =	simm.s32 $0x11940;
	[smem:$0x7E3] =	sst s30  }
0x32: {  	s5 =	sshll.u32 s4, $0x7;
	[smem:$0x7E4] =	sst s31  }
0x33: {  	v0 =	vlaneseq.u32;
	s7 =	simm.s32 $0x119C8;
	[dreg:$0x3] =	wrdreg s5  }
0x34: {  	s28 =	simm.s32 $0x0;
	v0 =	vmul.u32 $0x88, v0;
	s8 =	simm.s32 $0x11AD8;
	[smem:$0x7E5] =	sst s7  }
0x35: {  	s1 =	ssub.s32 $0x2, s1;
	s9 =	simm.s32 $0x11B60;
	[smem:$0x7E8] =	sst s8  }
0x36: {  	s4 =	sshll.u32 s4, $0x4;
	v13 =	vadd.s32 $0x880, v0;
	s11 =	simm.s32 $0x11BE8;
	[smem:$0x7E9] =	sst s9  }
0x37: {  	s10 =	sshrl.u32 s1, $0x1;
	v19 =	vadd.s32 $0x1100, v0;
	v20 =	vadd.s32 $0x1980, v0;
	v22 =	vadd.s32 $0x881, v0;
	s12 =	simm.s32 $0x11C70;
	[smem:$0x7EA] =	sst s11  }
0x38: {  	v23 =	vadd.s32 $0x1101, v0;
	v24 =	vadd.s32 $0x1981, v0;
	v26 =	vadd.s32 $0x882, v0;
	s13 =	simm.s32 $0x11CF8;
	s14 =	simm.s32 $0x11D80;
	[smem:$0x7EB] =	sst s12  }
0x39: {  	v27 =	vadd.s32 $0x1102, v0;
	v28 =	vadd.s32 $0x1982, v0;
	v30 =	vadd.s32 $0x883, v0;
	s15 =	simm.s32 $0x11E08;
	s16 =	simm.s32 $0x11E90;
	[smem:$0x7ED] =	sst s13  }
0x3a: {  	v31 =	vadd.s32 $0x1103, v0;
	v32 =	vadd.s32 $0x1983, v0;
	v34 =	vadd.s32 $0x884, v0;
	s17 =	simm.s32 $0x11F18;
	s18 =	simm.s32 $0x11FA0;
	[smem:$0x7EE] =	sst s14  }
0x3b: {  	v35 =	vadd.s32 $0x1104, v0;
	v36 =	vadd.s32 $0x1984, v0;
	s19 =	simm.s32 $0x12028;
	s20 =	simm.s32 $0x120B0;
	v1 =	vadd.s32 $0xD, v0;
	[smem:$0x7EF] =	sst s15  }
0x3c: {  	v38 =	vadd.s32 $0x885, v0;
	v39 =	vadd.s32 $0x1105, v0;
	s21 =	simm.s32 $0x12138;
	s22 =	simm.s32 $0x121C0;
	[smem:$0x7F0] =	sst s16;
	[tilespmem:$0x1FEF0] =	vst v1  }
0x3d: {  	v40 =	vadd.s32 $0x1985, v0;
	s23 =	simm.s32 $0x12248;
	s24 =	simm.s32 $0x122D0;
	v14 =	vadd.s32 $0xC, v0;
	[smem:$0x7F1] =	sst s17;
	[tilespmem:$0x1FFB0] =	vst v13  }
0x3e: {  	v42 =	vadd.s32 $0x886, v0;
	s25 =	simm.s32 $0x12358;
	s26 =	simm.s32 $0x123E0;
	v15 =	vadd.s32 $0x88C, v0;
	[smem:$0x7F2] =	sst s18;
	[tilespmem:$0x1FFC0] =	vst v14  }
0x3f: {  	v43 =	vadd.s32 $0x1106, v0;
	v16 =	vadd.s32 $0x110C, v0;
	s29 =	simm.s32 $0x12468;
	s30 =	simm.s32 $0x124F0;
	[smem:$0x7F3] =	sst s19;
	[tilespmem:$0x1FFD0] =	vst v15  }
0x40: {  	v44 =	vadd.s32 $0x1986, v0;
	v46 =	vadd.s32 $0x887, v0;
	v17 =	vadd.s32 $0x198C, v0;
	s31 =	simm.s32 $0x12578;
	s6 =	sadd.s32 s4, s0;
	[smem:$0x7F4] =	sst s20;
	[tilespmem:$0x1FFE0] =	vst v16  }
0x41: {  	v21 =	vor.u32 $0x1, v0;
	v47 =	vadd.s32 $0x1107, v0;
	s4 =	sadd.s32 $0x19C00, s0;
	s7 =	simm.s32 $0x11A50;
	[smem:$0x7F5] =	sst s21;
	v1 =	vadd.s32 $0x88D, v0;
	[tilespmem:$0x1FFF0] =	vst v17  }
0x42: {  	v48 =	vadd.s32 $0x1987, v0;
	v50 =	vadd.s32 $0x888, v0;
	s0 =	sadd.s32 $0x400, s0;
	s1 =	ssub.s32 s1, s10;
	[smem:$0x7F6] =	sst s22;
	[tilespmem:$0x1FF00] =	vst v1;
	v1 =	vadd.s32 $0x110D, v0  }
0x43: {  	v51 =	vadd.s32 $0x1108, v0;
	v52 =	vadd.s32 $0x1988, v0;
	s9 =	simm.s32 $0x9;
	s10 =	simm.s32 $0x80;
	[smem:$0x7F7] =	sst s23;
	[tilespmem:$0x1FF10] =	vst v1;
	v1 =	vadd.s32 $0x198D, v0  }
0x44: {  	v25 =	vor.u32 $0x2, v0;
	v53 =	vadd.s32 $0x9, v0;
	s11 =	simm.s32 $0x1000;
	s12 =	simm.s32 $0x400;
	[smem:$0x7F8] =	sst s24;
	[tilespmem:$0x1FF20] =	vst v1;
	v1 =	vadd.s32 $0xE, v0  }
0x45: {  	v54 =	vadd.s32 $0x889, v0;
	v55 =	vadd.s32 $0x1109, v0;
	s13 =	simm.s32 $0x2400;
	s14 =	simm.s32 $0x100;
	[smem:$0x7F9] =	sst s25;
	[tilespmem:$0x1FF30] =	vst v1;
	v1 =	vadd.s32 $0x88E, v0  }
0x46: {  	v29 =	vor.u32 $0x3, v0;
	v56 =	vadd.s32 $0x1989, v0;
	s15 =	simm.s32 $0x4400;
	s16 =	simm.s32 $0x180;
	[smem:$0x7FA] =	sst s26;
	[tilespmem:$0x1FF40] =	vst v1;
	v1 =	vadd.s32 $0x110E, v0  }
0x47: {  	v33 =	vor.u32 $0x4, v0;
	v57 =	vadd.s32 $0xA, v0;
	s17 =	simm.s32 $0x6400;
	s18 =	simm.s32 $0x200;
	[smem:$0x7FB] =	sst s29;
	[tilespmem:$0x1FF50] =	vst v1;
	v1 =	vadd.s32 $0x198E, v0  }
0x48: {  	v37 =	vor.u32 $0x5, v0;
	v58 =	vadd.s32 $0x88A, v0;
	s19 =	simm.s32 $0x8400;
	s20 =	simm.s32 $0x280;
	[smem:$0x7FC] =	sst s30;
	[tilespmem:$0x1FF60] =	vst v1;
	v1 =	vadd.s32 $0xF, v0  }
0x49: {  	v41 =	vor.u32 $0x6, v0;
	v59 =	vadd.s32 $0x110A, v0;
	s21 =	simm.s32 $0xA400;
	s22 =	simm.s32 $0x300;
	[smem:$0x7FD] =	sst s31;
	[tilespmem:$0x1FF70] =	vst v1;
	v1 =	vadd.s32 $0x88F, v0  }
0x4a: {  	v45 =	vor.u32 $0x7, v0;
	v60 =	vadd.s32 $0x198A, v0;
	s23 =	simm.s32 $0xC400;
	s24 =	simm.s32 $0x380;
	[smem:$0x7E6] =	sst s0;
	[tilespmem:$0x1FF80] =	vst v1;
	v1 =	vadd.s32 $0x110F, v0  }
0x4b: {  	v61 =	vadd.s32 $0xB, v0;
	v62 =	vadd.s32 $0x88B, v0;
	s25 =	simm.s32 $0xE400;
	[smem:$0x7E7] =	sst s7;
	s1 =	smax.u32 s1, $0x1;
	[tilespmem:$0x1FF90] =	vst v1;
	v1 =	vadd.s32 $0x198F, v0  }
0x4c: {  	v49 =	vadd.s32 $0x8, v0;
	v63 =	vadd.s32 $0x110B, v0;
	v18 =	vadd.s32 $0x198B, v0;
	s26 =	simm.s32 $0x10400;
	s6 =	sadd.s32 $0xC00, s6;
	[smem:$0x7EC] =	sst s1;
	[tilespmem:$0x1FFA0] =	vst v1  }
.LBB2_1:
0x4d: {  	s0 =	sld [smem:$0x7E6];
	_ =	sdelay $0x1  }
0x4e: {  	s1 =	simm.s32 $0x12600  }
0x4f: {  	[tilespmem:s1], [sflag:$0x9] =	stream.linear.gather [hbm4b:s0+s3], $0x3200, $0x38;
	[tilespmem:$0x15800] =	vst v63  }
0x50: {  	_ =	swait.ge [sflag:s9], $0x3200  }
0x51: {  	[sflag:s9] =	ssyncset.done $0x0  }
0x52: {  	s29 =	simm.s32 $0x0;
	[sflag:s9] =	ssyncadd.s32 $0xFFFFCE00  }
.LBB2_2:
0x53: {  	s0 =	sshll.u32 s29, $0x3;
	s1 =	sshll.u32 s29, $0xC  }
0x54: {  	s30 =	simm.s32 $0x0;
	[dreg:$0xb] =	wrdreg s0;
	s31 =	sadd.s32 s1, s6  }
0x55: {  	[tilespmem:s30], [sflag:$0x9] =	stream.strided.gather [hbm4b:s31+s10], $0x400, s11, s10, $0x38;
	[tilespmem:$0x15800] =	vst v63  }
0x56: {  	_ =	swait.ge [sflag:s9], $0x400  }
0x57: {  	[sflag:s9] =	ssyncset.done $0x0  }
0x58: {  	[sflag:s9] =	ssyncadd.s32 $0xFFFFFC00  }
0x59: {  	[tilespmem:s12], [sflag:$0x1] =	stream.indirect.gather [hbm4b:s4+s10], $0x40, s30, s10, $0xb8;
	[tilespmem:$0x15800] =	vst v63  }
0x5a: {  	_ = 	snop  }
0x5b: {  	[tilespmem:s13], [sflag:$0x2] =	stream.indirect.gather [hbm4b:s4+s10], $0x40, s10, s10, $0xb8;
	[tilespmem:$0x15800] =	vst v63  }
0x5c: {  	_ = 	snop  }
0x5d: {  	[tilespmem:s15], [sflag:$0x3] =	stream.indirect.gather [hbm4b:s4+s10], $0x40, s14, s10, $0xb8;
	[tilespmem:$0x15800] =	vst v63  }
0x5e: {  	_ = 	snop  }
0x5f: {  	[tilespmem:s17], [sflag:$0x4] =	stream.indirect.gather [hbm4b:s4+s10], $0x40, s16, s10, $0xb8;
	[tilespmem:$0x15800] =	vst v63  }
0x60: {  	_ = 	snop  }
0x61: {  	[tilespmem:s19], [sflag:$0x5] =	stream.indirect.gather [hbm4b:s4+s10], $0x40, s18, s10, $0xb8;
	[tilespmem:$0x15800] =	vst v63  }
0x62: {  	_ = 	snop  }
0x63: {  	[tilespmem:s21], [sflag:$0x6] =	stream.indirect.gather [hbm4b:s4+s10], $0x40, s20, s10, $0xb8;
	[tilespmem:$0x15800] =	vst v63  }
0x64: {  	_ = 	snop  }
0x65: {  	[tilespmem:s23], [sflag:$0x7] =	stream.indirect.gather [hbm4b:s4+s10], $0x40, s22, s10, $0xb8;
	[tilespmem:$0x15800] =	vst v63  }
0x66: {  	_ = 	snop  }
0x67: {  	[tilespmem:s25], [sflag:$0x8] =	stream.indirect.gather [hbm4b:s4+s10], $0x40, s24, s10, $0xb8;
	[tilespmem:$0x15800] =	vst v63  }
.LBB2_3:
0x68: {  	s0 =	rddreg [dreg:$0xb];
	s31 =	sadd.s32 $0x1, s30  }
0x69: {  	s0 =	sadd.s32 s0, s30;
	_ =	swait.ge [sflag:s31], $0x2000  }
0x6a: {  	[sflag:s31] =	ssyncset.done $0x0;
	s1 =	sshll.u32 s0, $0x6  }
0x6b: {  	[sflag:s31] =	ssyncadd.s32 $0xFFFFE000;
	s1 =	sand.u32 $0x3FFFFFC0, s1  }
0x6c: {  	v4 =	vld [tilespmem:s1+$0x12600]  }
0x6d: {  	v3 =	vld [tilespmem:s1+$0x12610]  }
0x6e: {  	s8 =	sshll.u32 s30, $0xD;
	v1 =	vld [tilespmem:s1+$0x12620]  }
0x6f: {  	s8 =	sand.u32 $0x3FFFE000, s8;
	v2 =	vld [tilespmem:s1+$0x12630]  }
0x70: {  	v5 =	vld [tilespmem:s8+$0x400]  }
0x71: {  	v6 =	vld [tilespmem:s8+$0x410]  }
0x72: {  	v7 =	vld [tilespmem:s8+$0x420]  }
0x73: {  	v8 =	vld [tilespmem:s8+$0x430]  }
0x74: {  	v9 =	vld [tilespmem:s8+$0x440]  }
0x75: {  	v10 =	vld [tilespmem:s8+$0x450];
	v5 =	vadd.f32 v5, v4  }
0x76: {  	v11 =	vld [tilespmem:s8+$0x460];
	v6 =	vadd.f32 v6, v3  }
0x77: {  	v12 =	vld [tilespmem:s8+$0x470];
	v7 =	vadd.f32 v7, v1;
	[tilespmem:v0+s26+$0x0] =	vst.idx.msk $0xffff, v5  }
0x78: {  	v5 =	vadd.f32 v8, v2;
	[tilespmem:v13+s26+$0x0] =	vst.idx.msk $0xffff, v6  }
0x79: {  	v6 =	vadd.f32 v9, v4;
	[tilespmem:v19+s26+$0x0] =	vst.idx.msk $0xffff, v7  }
0x7a: {  	v9 =	vadd.f32 v10, v3;
	[tilespmem:v20+s26+$0x0] =	vst.idx.msk $0xffff, v5  }
0x7b: {  	v10 =	vadd.f32 v11, v1;
	[tilespmem:v21+s26+$0x0] =	vst.idx.msk $0xffff, v6  }
0x7c: {  	v11 =	vadd.f32 v12, v2;
	[tilespmem:v22+s26+$0x0] =	vst.idx.msk $0xffff, v9  }
0x7d: {  	[tilespmem:v23+s26+$0x0] =	vst.idx.msk $0xffff, v10  }
0x7e: {  	[tilespmem:v24+s26+$0x0] =	vst.idx.msk $0xffff, v11  }
0x7f: {  	v5 =	vld [tilespmem:s8+$0x480]  }
0x80: {  	v6 =	vld [tilespmem:s8+$0x490]  }
0x81: {  	v7 =	vld [tilespmem:s8+$0x4A0]  }
0x82: {  	v8 =	vld [tilespmem:s8+$0x4B0]  }
0x83: {  	v9 =	vld [tilespmem:s8+$0x4C0]  }
0x84: {  	v10 =	vld [tilespmem:s8+$0x4D0];
	v5 =	vadd.f32 v5, v4  }
0x85: {  	v11 =	vld [tilespmem:s8+$0x4E0];
	v6 =	vadd.f32 v6, v3  }
0x86: {  	v12 =	vld [tilespmem:s8+$0x4F0];
	v7 =	vadd.f32 v7, v1;
	[tilespmem:v25+s26+$0x0] =	vst.idx.msk $0xffff, v5  }
0x87: {  	v5 =	vadd.f32 v8, v2;
	[tilespmem:v26+s26+$0x0] =	vst.idx.msk $0xffff, v6  }
0x88: {  	v6 =	vadd.f32 v9, v4;
	[tilespmem:v27+s26+$0x0] =	vst.idx.msk $0xffff, v7  }
0x89: {  	v9 =	vadd.f32 v10, v3;
	[tilespmem:v28+s26+$0x0] =	vst.idx.msk $0xffff, v5  }
0x8a: {  	v10 =	vadd.f32 v11, v1;
	[tilespmem:v29+s26+$0x0] =	vst.idx.msk $0xffff, v6  }
0x8b: {  	v11 =	vadd.f32 v12, v2;
	[tilespmem:v30+s26+$0x0] =	vst.idx.msk $0xffff, v9  }
0x8c: {  	[tilespmem:v31+s26+$0x0] =	vst.idx.msk $0xffff, v10  }
0x8d: {  	[tilespmem:v32+s26+$0x0] =	vst.idx.msk $0xffff, v11  }
0x8e: {  	v5 =	vld [tilespmem:s8+$0x500]  }
0x8f: {  	v6 =	vld [tilespmem:s8+$0x510]  }
0x90: {  	v7 =	vld [tilespmem:s8+$0x520]  }
0x91: {  	v8 =	vld [tilespmem:s8+$0x530]  }
0x92: {  	v9 =	vld [tilespmem:s8+$0x540]  }
0x93: {  	v10 =	vld [tilespmem:s8+$0x550];
	v5 =	vadd.f32 v5, v4  }
0x94: {  	v11 =	vld [tilespmem:s8+$0x560];
	v6 =	vadd.f32 v6, v3  }
0x95: {  	v12 =	vld [tilespmem:s8+$0x570];
	v7 =	vadd.f32 v7, v1;
	[tilespmem:v33+s26+$0x0] =	vst.idx.msk $0xffff, v5  }
0x96: {  	v5 =	vadd.f32 v8, v2;
	[tilespmem:v34+s26+$0x0] =	vst.idx.msk $0xffff, v6  }
0x97: {  	v6 =	vadd.f32 v9, v4;
	[tilespmem:v35+s26+$0x0] =	vst.idx.msk $0xffff, v7  }
0x98: {  	v9 =	vadd.f32 v10, v3;
	[tilespmem:v36+s26+$0x0] =	vst.idx.msk $0xffff, v5  }
0x99: {  	v10 =	vadd.f32 v11, v1;
	[tilespmem:v37+s26+$0x0] =	vst.idx.msk $0xffff, v6  }
0x9a: {  	v11 =	vadd.f32 v12, v2;
	[tilespmem:v38+s26+$0x0] =	vst.idx.msk $0xffff, v9  }
0x9b: {  	[tilespmem:v39+s26+$0x0] =	vst.idx.msk $0xffff, v10  }
0x9c: {  	[tilespmem:v40+s26+$0x0] =	vst.idx.msk $0xffff, v11  }
0x9d: {  	v5 =	vld [tilespmem:s8+$0x580]  }
0x9e: {  	v6 =	vld [tilespmem:s8+$0x590]  }
0x9f: {  	v7 =	vld [tilespmem:s8+$0x5A0]  }
0xa0: {  	v8 =	vld [tilespmem:s8+$0x5B0]  }
0xa1: {  	v9 =	vld [tilespmem:s8+$0x5C0]  }
0xa2: {  	v10 =	vld [tilespmem:s8+$0x5D0];
	v5 =	vadd.f32 v5, v4  }
0xa3: {  	v11 =	vld [tilespmem:s8+$0x5E0];
	v6 =	vadd.f32 v6, v3  }
0xa4: {  	v12 =	vld [tilespmem:s8+$0x5F0];
	v7 =	vadd.f32 v7, v1;
	[tilespmem:v41+s26+$0x0] =	vst.idx.msk $0xffff, v5  }
0xa5: {  	v5 =	vadd.f32 v8, v2;
	[tilespmem:v42+s26+$0x0] =	vst.idx.msk $0xffff, v6  }
0xa6: {  	v6 =	vadd.f32 v9, v4;
	[tilespmem:v43+s26+$0x0] =	vst.idx.msk $0xffff, v7  }
0xa7: {  	v9 =	vadd.f32 v10, v3;
	[tilespmem:v44+s26+$0x0] =	vst.idx.msk $0xffff, v5  }
0xa8: {  	v10 =	vadd.f32 v11, v1;
	[tilespmem:v45+s26+$0x0] =	vst.idx.msk $0xffff, v6  }
0xa9: {  	v11 =	vadd.f32 v12, v2;
	[tilespmem:v46+s26+$0x0] =	vst.idx.msk $0xffff, v9  }
0xaa: {  	[tilespmem:v47+s26+$0x0] =	vst.idx.msk $0xffff, v10  }
0xab: {  	[tilespmem:v48+s26+$0x0] =	vst.idx.msk $0xffff, v11  }
0xac: {  	v5 =	vld [tilespmem:s8+$0x600]  }
0xad: {  	v6 =	vld [tilespmem:s8+$0x610]  }
0xae: {  	v7 =	vld [tilespmem:s8+$0x620]  }
0xaf: {  	v8 =	vld [tilespmem:s8+$0x630]  }
0xb0: {  	v9 =	vld [tilespmem:s8+$0x640]  }
0xb1: {  	v10 =	vld [tilespmem:s8+$0x650];
	v5 =	vadd.f32 v5, v4  }
0xb2: {  	v11 =	vld [tilespmem:s8+$0x660];
	v6 =	vadd.f32 v6, v3  }
0xb3: {  	v12 =	vld [tilespmem:s8+$0x670];
	v7 =	vadd.f32 v7, v1;
	[tilespmem:v49+s26+$0x0] =	vst.idx.msk $0xffff, v5  }
0xb4: {  	v5 =	vadd.f32 v8, v2;
	[tilespmem:v50+s26+$0x0] =	vst.idx.msk $0xffff, v6  }
0xb5: {  	v6 =	vadd.f32 v9, v4;
	[tilespmem:v51+s26+$0x0] =	vst.idx.msk $0xffff, v7  }
0xb6: {  	v9 =	vadd.f32 v10, v3;
	[tilespmem:v52+s26+$0x0] =	vst.idx.msk $0xffff, v5  }
0xb7: {  	v10 =	vadd.f32 v11, v1;
	[tilespmem:v53+s26+$0x0] =	vst.idx.msk $0xffff, v6  }
0xb8: {  	v11 =	vadd.f32 v12, v2;
	[tilespmem:v54+s26+$0x0] =	vst.idx.msk $0xffff, v9  }
0xb9: {  	[tilespmem:v55+s26+$0x0] =	vst.idx.msk $0xffff, v10  }
0xba: {  	[tilespmem:v56+s26+$0x0] =	vst.idx.msk $0xffff, v11  }
0xbb: {  	v5 =	vld [tilespmem:s8+$0x680]  }
0xbc: {  	v6 =	vld [tilespmem:s8+$0x690]  }
0xbd: {  	v7 =	vld [tilespmem:s8+$0x6A0]  }
0xbe: {  	v8 =	vld [tilespmem:s8+$0x6B0]  }
0xbf: {  	v9 =	vld [tilespmem:s8+$0x6C0]  }
0xc0: {  	v10 =	vld [tilespmem:s8+$0x6D0];
	v5 =	vadd.f32 v5, v4  }
0xc1: {  	v11 =	vld [tilespmem:s8+$0x6E0];
	v6 =	vadd.f32 v6, v3  }
0xc2: {  	v12 =	vld [tilespmem:s8+$0x6F0];
	v7 =	vadd.f32 v7, v1;
	[tilespmem:v57+s26+$0x0] =	vst.idx.msk $0xffff, v5  }
0xc3: {  	v5 =	vadd.f32 v8, v2;
	[tilespmem:v58+s26+$0x0] =	vst.idx.msk $0xffff, v6  }
0xc4: {  	v6 =	vadd.f32 v9, v4;
	[tilespmem:v59+s26+$0x0] =	vst.idx.msk $0xffff, v7  }
0xc5: {  	v7 =	vadd.f32 v10, v3;
	[tilespmem:v60+s26+$0x0] =	vst.idx.msk $0xffff, v5  }
0xc6: {  	v9 =	vadd.f32 v11, v1;
	[tilespmem:v61+s26+$0x0] =	vst.idx.msk $0xffff, v6  }
0xc7: {  	v10 =	vadd.f32 v12, v2;
	[tilespmem:v62+s26+$0x0] =	vst.idx.msk $0xffff, v7  }
0xc8: {  	[tilespmem:v63+s26+$0x0] =	vst.idx.msk $0xffff, v9  }
0xc9: {  	[tilespmem:v18+s26+$0x0] =	vst.idx.msk $0xffff, v10  }
0xca: {  	v5 =	vld [tilespmem:s8+$0x700]  }
0xcb: {  	v6 =	vld [tilespmem:s8+$0x710]  }
0xcc: {  	v7 =	vld [tilespmem:s8+$0x720]  }
0xcd: {  	v8 =	vld [tilespmem:s8+$0x730]  }
0xce: {  	v9 =	vld [tilespmem:s8+$0x740]  }
0xcf: {  	v10 =	vld [tilespmem:s8+$0x750]  }
0xd0: {  	v11 =	vld [tilespmem:s8+$0x760];
	v5 =	vadd.f32 v5, v4  }
0xd1: {  	v12 =	vld [tilespmem:s8+$0x770]  }
0xd2: {  	[tilespmem:v14+s26+$0x0] =	vst.idx.msk $0xffff, v5;
	v5 =	vadd.f32 v8, v2;
	v8 =	vld [tilespmem:$0x1FEF0];
	_ =	sdelay $0x2  }
0xd3: {  	v6 =	vadd.f32 v6, v3  }
0xd4: {  	v7 =	vadd.f32 v7, v1  }
0xd5: {  	[tilespmem:v15+s26+$0x0] =	vst.idx.msk $0xffff, v6  }
0xd6: {  	v6 =	vadd.f32 v9, v4;
	[tilespmem:v16+s26+$0x0] =	vst.idx.msk $0xffff, v7  }
0xd7: {  	[tilespmem:v17+s26+$0x0] =	vst.idx.msk $0xffff, v5  }
0xd8: {  	[tilespmem:v8+s26+$0x0] =	vst.idx.msk $0xffff, v6;
	v8 =	vld [tilespmem:$0x1FF00];
	_ =	sdelay $0x5  }
0xd9: {  	v7 =	vadd.f32 v10, v3  }
0xda: {  	v5 =	vadd.f32 v11, v1;
	v11 =	vld [tilespmem:$0x1FF10]  }
0xdb: {  	[tilespmem:v8+s26+$0x0] =	vst.idx.msk $0xffff, v7;
	v8 =	vld [tilespmem:$0x1FF20];
	_ =	sdelay $0x5  }
0xdc: {  	v6 =	vadd.f32 v12, v2  }
0xdd: {  	[tilespmem:v11+s26+$0x0] =	vst.idx.msk $0xffff, v5  }
0xde: {  	v13 =	vld [tilespmem:$0x1FF30];
	[tilespmem:v8+s26+$0x0] =	vst.idx.msk $0xffff, v6  }
0xdf: {  	v5 =	vld [tilespmem:s8+$0x780]  }
0xe0: {  	v6 =	vld [tilespmem:s8+$0x790]  }
0xe1: {  	v7 =	vld [tilespmem:s8+$0x7A0]  }
0xe2: {  	v8 =	vld [tilespmem:s8+$0x7B0]  }
0xe3: {  	v9 =	vld [tilespmem:s8+$0x7C0]  }
0xe4: {  	v10 =	vld [tilespmem:s8+$0x7D0]  }
0xe5: {  	v11 =	vld [tilespmem:s8+$0x7E0];
	v5 =	vadd.f32 v5, v4  }
0xe6: {  	v12 =	vld [tilespmem:s8+$0x7F0]  }
0xe7: {  	[tilespmem:v13+s26+$0x0] =	vst.idx.msk $0xffff, v5;
	v5 =	vadd.f32 v8, v2;
	v8 =	vld [tilespmem:$0x1FF40];
	_ =	sdelay $0x5  }
0xe8: {  	v6 =	vadd.f32 v6, v3;
	_ =	sdelay $0x1  }
0xe9: {  	[tilespmem:v8+s26+$0x0] =	vst.idx.msk $0xffff, v6;
	v8 =	vld [tilespmem:$0x1FF50];
	_ =	sdelay $0x5  }
0xea: {  	v7 =	vadd.f32 v7, v1;
	_ =	sdelay $0x1  }
0xeb: {  	[tilespmem:v8+s26+$0x0] =	vst.idx.msk $0xffff, v7;
	v8 =	vld [tilespmem:$0x1FF60];
	_ =	sdelay $0x7  }
0xec: {  	[tilespmem:v8+s26+$0x0] =	vst.idx.msk $0xffff, v5;
	v8 =	vld [tilespmem:$0x1FF70];
	_ =	sdelay $0x5  }
0xed: {  	v6 =	vadd.f32 v9, v4;
	_ =	sdelay $0x1  }
0xee: {  	[tilespmem:v8+s26+$0x0] =	vst.idx.msk $0xffff, v6;
	v8 =	vld [tilespmem:$0x1FF80]  }
0xef: {  	v9 =	vld [tilespmem:$0x1FF90]  }
0xf0: {  	v7 =	vadd.f32 v10, v3;
	v10 =	vld [tilespmem:$0x1FFA0];
	_ =	sdelay $0x4  }
0xf1: {  	v5 =	vadd.f32 v11, v1  }
0xf2: {  	v6 =	vadd.f32 v12, v2;
	[tilespmem:v8+s26+$0x0] =	vst.idx.msk $0xffff, v7  }
0xf3: {  	[tilespmem:v9+s26+$0x0] =	vst.idx.msk $0xffff, v5  }
0xf4: {  	[tilespmem:v10+s26+$0x0] =	vst.idx.msk $0xffff, v6  }
0xf5: {  	v5 =	vld [tilespmem:s8+$0x800]  }
0xf6: {  	v6 =	vld [tilespmem:s8+$0x810]  }
0xf7: {  	v9 =	vadd.s32 $0x10, v0;
	v7 =	vld [tilespmem:s8+$0x820]  }
0xf8: {  	v11 =	vadd.s32 $0x890, v0;
	v8 =	vld [tilespmem:s8+$0x830]  }
0xf9: {  	v13 =	vadd.s32 $0x1110, v0;
	v10 =	vld [tilespmem:s8+$0x840]  }
0xfa: {  	v15 =	vadd.s32 $0x1990, v0;
	v12 =	vld [tilespmem:s8+$0x850];
	v5 =	vadd.f32 v5, v4  }
0xfb: {  	v17 =	vadd.s32 $0x11, v0;
	v14 =	vld [tilespmem:s8+$0x860];
	v6 =	vadd.f32 v6, v3  }
0xfc: {  	v16 =	vld [tilespmem:s8+$0x870];
	v7 =	vadd.f32 v7, v1;
	[tilespmem:v9+s26+$0x0] =	vst.idx.msk $0xffff, v5;
	v5 =	vadd.s32 $0x891, v0  }
0xfd: {  	v8 =	vadd.f32 v8, v2;
	[tilespmem:v11+s26+$0x0] =	vst.idx.msk $0xffff, v6;
	v6 =	vadd.s32 $0x1111, v0  }
0xfe: {  	v9 =	vadd.f32 v10, v4;
	[tilespmem:v13+s26+$0x0] =	vst.idx.msk $0xffff, v7;
	v7 =	vadd.s32 $0x1991, v0  }
0xff: {  	v10 =	vadd.f32 v12, v3;
	[tilespmem:v15+s26+$0x0] =	vst.idx.msk $0xffff, v8  }
0x100: {  	v8 =	vadd.f32 v14, v1;
	[tilespmem:v17+s26+$0x0] =	vst.idx.msk $0xffff, v9  }
0x101: {  	v9 =	vadd.f32 v16, v2;
	[tilespmem:v5+s26+$0x0] =	vst.idx.msk $0xffff, v10  }
0x102: {  	[tilespmem:v6+s26+$0x0] =	vst.idx.msk $0xffff, v8  }
0x103: {  	[tilespmem:v7+s26+$0x0] =	vst.idx.msk $0xffff, v9  }
0x104: {  	v5 =	vld [tilespmem:s8+$0x880]  }
0x105: {  	v6 =	vld [tilespmem:s8+$0x890]  }
0x106: {  	v9 =	vadd.s32 $0x12, v0;
	v7 =	vld [tilespmem:s8+$0x8A0]  }
0x107: {  	v11 =	vadd.s32 $0x892, v0;
	v8 =	vld [tilespmem:s8+$0x8B0]  }
0x108: {  	v13 =	vadd.s32 $0x1112, v0;
	v10 =	vld [tilespmem:s8+$0x8C0]  }
0x109: {  	v15 =	vadd.s32 $0x1992, v0;
	v12 =	vld [tilespmem:s8+$0x8D0];
	v5 =	vadd.f32 v5, v4  }
0x10a: {  	v17 =	vadd.s32 $0x13, v0;
	v14 =	vld [tilespmem:s8+$0x8E0];
	v6 =	vadd.f32 v6, v3  }
0x10b: {  	v16 =	vld [tilespmem:s8+$0x8F0];
	v7 =	vadd.f32 v7, v1;
	[tilespmem:v9+s26+$0x0] =	vst.idx.msk $0xffff, v5;
	v5 =	vadd.s32 $0x893, v0  }
0x10c: {  	v8 =	vadd.f32 v8, v2;
	[tilespmem:v11+s26+$0x0] =	vst.idx.msk $0xffff, v6;
	v6 =	vadd.s32 $0x1113, v0  }
0x10d: {  	v9 =	vadd.f32 v10, v4;
	[tilespmem:v13+s26+$0x0] =	vst.idx.msk $0xffff, v7;
	v7 =	vadd.s32 $0x1993, v0  }
0x10e: {  	v10 =	vadd.f32 v12, v3;
	[tilespmem:v15+s26+$0x0] =	vst.idx.msk $0xffff, v8  }
0x10f: {  	v8 =	vadd.f32 v14, v1;
	[tilespmem:v17+s26+$0x0] =	vst.idx.msk $0xffff, v9  }
0x110: {  	v9 =	vadd.f32 v16, v2;
	[tilespmem:v5+s26+$0x0] =	vst.idx.msk $0xffff, v10  }
0x111: {  	[tilespmem:v6+s26+$0x0] =	vst.idx.msk $0xffff, v8  }
0x112: {  	[tilespmem:v7+s26+$0x0] =	vst.idx.msk $0xffff, v9  }
0x113: {  	v5 =	vld [tilespmem:s8+$0x900]  }
0x114: {  	v6 =	vld [tilespmem:s8+$0x910]  }
0x115: {  	v9 =	vadd.s32 $0x14, v0;
	v7 =	vld [tilespmem:s8+$0x920]  }
0x116: {  	v11 =	vadd.s32 $0x894, v0;
	v8 =	vld [tilespmem:s8+$0x930]  }
0x117: {  	v13 =	vadd.s32 $0x1114, v0;
	v10 =	vld [tilespmem:s8+$0x940]  }
0x118: {  	v15 =	vadd.s32 $0x1994, v0;
	v12 =	vld [tilespmem:s8+$0x950];
	v5 =	vadd.f32 v5, v4  }
0x119: {  	v17 =	vadd.s32 $0x15, v0;
	v14 =	vld [tilespmem:s8+$0x960];
	v6 =	vadd.f32 v6, v3  }
0x11a: {  	v16 =	vld [tilespmem:s8+$0x970];
	v7 =	vadd.f32 v7, v1;
	[tilespmem:v9+s26+$0x0] =	vst.idx.msk $0xffff, v5;
	v5 =	vadd.s32 $0x895, v0  }
0x11b: {  	v8 =	vadd.f32 v8, v2;
	[tilespmem:v11+s26+$0x0] =	vst.idx.msk $0xffff, v6;
	v6 =	vadd.s32 $0x1115, v0  }
0x11c: {  	v9 =	vadd.f32 v10, v4;
	[tilespmem:v13+s26+$0x0] =	vst.idx.msk $0xffff, v7;
	v7 =	vadd.s32 $0x1995, v0  }
0x11d: {  	v10 =	vadd.f32 v12, v3;
	[tilespmem:v15+s26+$0x0] =	vst.idx.msk $0xffff, v8  }
0x11e: {  	v8 =	vadd.f32 v14, v1;
	[tilespmem:v17+s26+$0x0] =	vst.idx.msk $0xffff, v9  }
0x11f: {  	v9 =	vadd.f32 v16, v2;
	[tilespmem:v5+s26+$0x0] =	vst.idx.msk $0xffff, v10  }
0x120: {  	[tilespmem:v6+s26+$0x0] =	vst.idx.msk $0xffff, v8  }
0x121: {  	[tilespmem:v7+s26+$0x0] =	vst.idx.msk $0xffff, v9  }
0x122: {  	v5 =	vld [tilespmem:s8+$0x980]  }
0x123: {  	v6 =	vld [tilespmem:s8+$0x990]  }
0x124: {  	v9 =	vadd.s32 $0x16, v0;
	v7 =	vld [tilespmem:s8+$0x9A0]  }
0x125: {  	v11 =	vadd.s32 $0x896, v0;
	v8 =	vld [tilespmem:s8+$0x9B0]  }
0x126: {  	v13 =	vadd.s32 $0x1116, v0;
	v10 =	vld [tilespmem:s8+$0x9C0]  }
0x127: {  	v15 =	vadd.s32 $0x1996, v0;
	v12 =	vld [tilespmem:s8+$0x9D0];
	v5 =	vadd.f32 v5, v4  }
0x128: {  	v17 =	vadd.s32 $0x17, v0;
	v14 =	vld [tilespmem:s8+$0x9E0];
	v6 =	vadd.f32 v6, v3  }
0x129: {  	v16 =	vld [tilespmem:s8+$0x9F0];
	v7 =	vadd.f32 v7, v1;
	[tilespmem:v9+s26+$0x0] =	vst.idx.msk $0xffff, v5;
	v5 =	vadd.s32 $0x897, v0  }
0x12a: {  	v8 =	vadd.f32 v8, v2;
	[tilespmem:v11+s26+$0x0] =	vst.idx.msk $0xffff, v6;
	v6 =	vadd.s32 $0x1117, v0  }
0x12b: {  	v9 =	vadd.f32 v10, v4;
	[tilespmem:v13+s26+$0x0] =	vst.idx.msk $0xffff, v7;
	v7 =	vadd.s32 $0x1997, v0  }
0x12c: {  	v10 =	vadd.f32 v12, v3;
	[tilespmem:v15+s26+$0x0] =	vst.idx.msk $0xffff, v8  }
0x12d: {  	v8 =	vadd.f32 v14, v1;
	[tilespmem:v17+s26+$0x0] =	vst.idx.msk $0xffff, v9  }
0x12e: {  	v9 =	vadd.f32 v16, v2;
	[tilespmem:v5+s26+$0x0] =	vst.idx.msk $0xffff, v10  }
0x12f: {  	[tilespmem:v6+s26+$0x0] =	vst.idx.msk $0xffff, v8  }
0x130: {  	[tilespmem:v7+s26+$0x0] =	vst.idx.msk $0xffff, v9  }
0x131: {  	v5 =	vld [tilespmem:s8+$0xA00]  }
0x132: {  	v6 =	vld [tilespmem:s8+$0xA10]  }
0x133: {  	v9 =	vadd.s32 $0x18, v0;
	v7 =	vld [tilespmem:s8+$0xA20]  }
0x134: {  	v11 =	vadd.s32 $0x898, v0;
	v8 =	vld [tilespmem:s8+$0xA30]  }
0x135: {  	v13 =	vadd.s32 $0x1118, v0;
	v10 =	vld [tilespmem:s8+$0xA40]  }
0x136: {  	v15 =	vadd.s32 $0x1998, v0;
	v12 =	vld [tilespmem:s8+$0xA50];
	v5 =	vadd.f32 v5, v4  }
0x137: {  	v17 =	vadd.s32 $0x19, v0;
	v14 =	vld [tilespmem:s8+$0xA60];
	v6 =	vadd.f32 v6, v3  }
0x138: {  	v16 =	vld [tilespmem:s8+$0xA70];
	v7 =	vadd.f32 v7, v1;
	[tilespmem:v9+s26+$0x0] =	vst.idx.msk $0xffff, v5;
	v5 =	vadd.s32 $0x899, v0  }
0x139: {  	v8 =	vadd.f32 v8, v2;
	[tilespmem:v11+s26+$0x0] =	vst.idx.msk $0xffff, v6;
	v6 =	vadd.s32 $0x1119, v0  }
0x13a: {  	v9 =	vadd.f32 v10, v4;
	[tilespmem:v13+s26+$0x0] =	vst.idx.msk $0xffff, v7;
	v7 =	vadd.s32 $0x1999, v0  }
0x13b: {  	v10 =	vadd.f32 v12, v3;
	[tilespmem:v15+s26+$0x0] =	vst.idx.msk $0xffff, v8  }
0x13c: {  	v8 =	vadd.f32 v14, v1;
	[tilespmem:v17+s26+$0x0] =	vst.idx.msk $0xffff, v9  }
0x13d: {  	v9 =	vadd.f32 v16, v2;
	[tilespmem:v5+s26+$0x0] =	vst.idx.msk $0xffff, v10  }
0x13e: {  	[tilespmem:v6+s26+$0x0] =	vst.idx.msk $0xffff, v8  }
0x13f: {  	[tilespmem:v7+s26+$0x0] =	vst.idx.msk $0xffff, v9  }
0x140: {  	v5 =	vld [tilespmem:s8+$0xA80]  }
0x141: {  	v6 =	vld [tilespmem:s8+$0xA90]  }
0x142: {  	v9 =	vadd.s32 $0x1A, v0;
	v7 =	vld [tilespmem:s8+$0xAA0]  }
0x143: {  	v11 =	vadd.s32 $0x89A, v0;
	v8 =	vld [tilespmem:s8+$0xAB0]  }
0x144: {  	v13 =	vadd.s32 $0x111A, v0;
	v10 =	vld [tilespmem:s8+$0xAC0]  }
0x145: {  	v15 =	vadd.s32 $0x199A, v0;
	v12 =	vld [tilespmem:s8+$0xAD0];
	v5 =	vadd.f32 v5, v4  }
0x146: {  	v17 =	vadd.s32 $0x1B, v0;
	v14 =	vld [tilespmem:s8+$0xAE0];
	v6 =	vadd.f32 v6, v3  }
0x147: {  	v16 =	vld [tilespmem:s8+$0xAF0];
	v7 =	vadd.f32 v7, v1;
	[tilespmem:v9+s26+$0x0] =	vst.idx.msk $0xffff, v5;
	v5 =	vadd.s32 $0x89B, v0  }
0x148: {  	v8 =	vadd.f32 v8, v2;
	[tilespmem:v11+s26+$0x0] =	vst.idx.msk $0xffff, v6;
	v6 =	vadd.s32 $0x111B, v0  }
0x149: {  	v9 =	vadd.f32 v10, v4;
	[tilespmem:v13+s26+$0x0] =	vst.idx.msk $0xffff, v7;
	v7 =	vadd.s32 $0x199B, v0  }
0x14a: {  	v10 =	vadd.f32 v12, v3;
	[tilespmem:v15+s26+$0x0] =	vst.idx.msk $0xffff, v8  }
0x14b: {  	v8 =	vadd.f32 v14, v1;
	[tilespmem:v17+s26+$0x0] =	vst.idx.msk $0xffff, v9  }
0x14c: {  	v9 =	vadd.f32 v16, v2;
	[tilespmem:v5+s26+$0x0] =	vst.idx.msk $0xffff, v10  }
0x14d: {  	[tilespmem:v6+s26+$0x0] =	vst.idx.msk $0xffff, v8  }
0x14e: {  	[tilespmem:v7+s26+$0x0] =	vst.idx.msk $0xffff, v9  }
0x14f: {  	v5 =	vld [tilespmem:s8+$0xB00]  }
0x150: {  	v6 =	vld [tilespmem:s8+$0xB10]  }
0x151: {  	v9 =	vadd.s32 $0x1C, v0;
	v7 =	vld [tilespmem:s8+$0xB20]  }
0x152: {  	v11 =	vadd.s32 $0x89C, v0;
	v8 =	vld [tilespmem:s8+$0xB30]  }
0x153: {  	v13 =	vadd.s32 $0x111C, v0;
	v10 =	vld [tilespmem:s8+$0xB40]  }
0x154: {  	v15 =	vadd.s32 $0x199C, v0;
	v12 =	vld [tilespmem:s8+$0xB50];
	v5 =	vadd.f32 v5, v4  }
0x155: {  	v17 =	vadd.s32 $0x1D, v0;
	v14 =	vld [tilespmem:s8+$0xB60];
	v6 =	vadd.f32 v6, v3  }
0x156: {  	v16 =	vld [tilespmem:s8+$0xB70];
	v7 =	vadd.f32 v7, v1;
	[tilespmem:v9+s26+$0x0] =	vst.idx.msk $0xffff, v5;
	v5 =	vadd.s32 $0x89D, v0  }
0x157: {  	v8 =	vadd.f32 v8, v2;
	[tilespmem:v11+s26+$0x0] =	vst.idx.msk $0xffff, v6;
	v6 =	vadd.s32 $0x111D, v0  }
0x158: {  	v9 =	vadd.f32 v10, v4;
	[tilespmem:v13+s26+$0x0] =	vst.idx.msk $0xffff, v7;
	v7 =	vadd.s32 $0x199D, v0  }
0x159: {  	v10 =	vadd.f32 v12, v3;
	[tilespmem:v15+s26+$0x0] =	vst.idx.msk $0xffff, v8  }
0x15a: {  	v8 =	vadd.f32 v14, v1;
	[tilespmem:v17+s26+$0x0] =	vst.idx.msk $0xffff, v9  }
0x15b: {  	v9 =	vadd.f32 v16, v2;
	[tilespmem:v5+s26+$0x0] =	vst.idx.msk $0xffff, v10  }
0x15c: {  	[tilespmem:v6+s26+$0x0] =	vst.idx.msk $0xffff, v8  }
0x15d: {  	[tilespmem:v7+s26+$0x0] =	vst.idx.msk $0xffff, v9  }
0x15e: {  	v5 =	vld [tilespmem:s8+$0xB80]  }
0x15f: {  	v6 =	vld [tilespmem:s8+$0xB90]  }
0x160: {  	v9 =	vadd.s32 $0x1E, v0;
	v7 =	vld [tilespmem:s8+$0xBA0]  }
0x161: {  	v11 =	vadd.s32 $0x89E, v0;
	v8 =	vld [tilespmem:s8+$0xBB0]  }
0x162: {  	v13 =	vadd.s32 $0x111E, v0;
	v10 =	vld [tilespmem:s8+$0xBC0]  }
0x163: {  	v15 =	vadd.s32 $0x199E, v0;
	v12 =	vld [tilespmem:s8+$0xBD0];
	v5 =	vadd.f32 v5, v4  }
0x164: {  	v17 =	vadd.s32 $0x1F, v0;
	v14 =	vld [tilespmem:s8+$0xBE0];
	v6 =	vadd.f32 v6, v3  }
0x165: {  	v16 =	vld [tilespmem:s8+$0xBF0];
	v7 =	vadd.f32 v7, v1;
	[tilespmem:v9+s26+$0x0] =	vst.idx.msk $0xffff, v5;
	v5 =	vadd.s32 $0x89F, v0  }
0x166: {  	v8 =	vadd.f32 v8, v2;
	[tilespmem:v11+s26+$0x0] =	vst.idx.msk $0xffff, v6;
	v6 =	vadd.s32 $0x111F, v0  }
0x167: {  	v9 =	vadd.f32 v10, v4;
	[tilespmem:v13+s26+$0x0] =	vst.idx.msk $0xffff, v7;
	v7 =	vadd.s32 $0x199F, v0  }
0x168: {  	v10 =	vadd.f32 v12, v3;
	[tilespmem:v15+s26+$0x0] =	vst.idx.msk $0xffff, v8  }
0x169: {  	v8 =	vadd.f32 v14, v1;
	[tilespmem:v17+s26+$0x0] =	vst.idx.msk $0xffff, v9  }
0x16a: {  	v9 =	vadd.f32 v16, v2;
	[tilespmem:v5+s26+$0x0] =	vst.idx.msk $0xffff, v10  }
0x16b: {  	[tilespmem:v6+s26+$0x0] =	vst.idx.msk $0xffff, v8  }
0x16c: {  	[tilespmem:v7+s26+$0x0] =	vst.idx.msk $0xffff, v9  }
0x16d: {  	v5 =	vld [tilespmem:s8+$0xC00]  }
0x16e: {  	v6 =	vld [tilespmem:s8+$0xC10]  }
0x16f: {  	v9 =	vadd.s32 $0x20, v0;
	v7 =	vld [tilespmem:s8+$0xC20]  }
0x170: {  	v11 =	vadd.s32 $0x8A0, v0;
	v8 =	vld [tilespmem:s8+$0xC30]  }
0x171: {  	v13 =	vadd.s32 $0x1120, v0;
	v10 =	vld [tilespmem:s8+$0xC40]  }
0x172: {  	v15 =	vadd.s32 $0x19A0, v0;
	v12 =	vld [tilespmem:s8+$0xC50];
	v5 =	vadd.f32 v5, v4  }
0x173: {  	v17 =	vadd.s32 $0x21, v0;
	v14 =	vld [tilespmem:s8+$0xC60];
	v6 =	vadd.f32 v6, v3  }
0x174: {  	v16 =	vld [tilespmem:s8+$0xC70];
	v7 =	vadd.f32 v7, v1;
	[tilespmem:v9+s26+$0x0] =	vst.idx.msk $0xffff, v5;
	v5 =	vadd.s32 $0x8A1, v0  }
0x175: {  	v8 =	vadd.f32 v8, v2;
	[tilespmem:v11+s26+$0x0] =	vst.idx.msk $0xffff, v6;
	v6 =	vadd.s32 $0x1121, v0  }
0x176: {  	v9 =	vadd.f32 v10, v4;
	[tilespmem:v13+s26+$0x0] =	vst.idx.msk $0xffff, v7;
	v7 =	vadd.s32 $0x19A1, v0  }
0x177: {  	v10 =	vadd.f32 v12, v3;
	[tilespmem:v15+s26+$0x0] =	vst.idx.msk $0xffff, v8  }
0x178: {  	v8 =	vadd.f32 v14, v1;
	[tilespmem:v17+s26+$0x0] =	vst.idx.msk $0xffff, v9  }
0x179: {  	v9 =	vadd.f32 v16, v2;
	[tilespmem:v5+s26+$0x0] =	vst.idx.msk $0xffff, v10  }
0x17a: {  	[tilespmem:v6+s26+$0x0] =	vst.idx.msk $0xffff, v8  }
0x17b: {  	[tilespmem:v7+s26+$0x0] =	vst.idx.msk $0xffff, v9  }
0x17c: {  	v5 =	vld [tilespmem:s8+$0xC80]  }
0x17d: {  	v6 =	vld [tilespmem:s8+$0xC90]  }
0x17e: {  	v9 =	vadd.s32 $0x22, v0;
	v7 =	vld [tilespmem:s8+$0xCA0]  }
0x17f: {  	v11 =	vadd.s32 $0x8A2, v0;
	v8 =	vld [tilespmem:s8+$0xCB0]  }
0x180: {  	v13 =	vadd.s32 $0x1122, v0;
	v10 =	vld [tilespmem:s8+$0xCC0]  }
0x181: {  	v15 =	vadd.s32 $0x19A2, v0;
	v12 =	vld [tilespmem:s8+$0xCD0];
	v5 =	vadd.f32 v5, v4  }
0x182: {  	v17 =	vadd.s32 $0x23, v0;
	v14 =	vld [tilespmem:s8+$0xCE0];
	v6 =	vadd.f32 v6, v3  }
0x183: {  	v16 =	vld [tilespmem:s8+$0xCF0];
	v7 =	vadd.f32 v7, v1;
	[tilespmem:v9+s26+$0x0] =	vst.idx.msk $0xffff, v5;
	v5 =	vadd.s32 $0x8A3, v0  }
0x184: {  	v8 =	vadd.f32 v8, v2;
	[tilespmem:v11+s26+$0x0] =	vst.idx.msk $0xffff, v6;
	v6 =	vadd.s32 $0x1123, v0  }
0x185: {  	v9 =	vadd.f32 v10, v4;
	[tilespmem:v13+s26+$0x0] =	vst.idx.msk $0xffff, v7;
	v7 =	vadd.s32 $0x19A3, v0  }
0x186: {  	v10 =	vadd.f32 v12, v3;
	[tilespmem:v15+s26+$0x0] =	vst.idx.msk $0xffff, v8  }
0x187: {  	v8 =	vadd.f32 v14, v1;
	[tilespmem:v17+s26+$0x0] =	vst.idx.msk $0xffff, v9  }
0x188: {  	v9 =	vadd.f32 v16, v2;
	[tilespmem:v5+s26+$0x0] =	vst.idx.msk $0xffff, v10  }
0x189: {  	[tilespmem:v6+s26+$0x0] =	vst.idx.msk $0xffff, v8  }
0x18a: {  	[tilespmem:v7+s26+$0x0] =	vst.idx.msk $0xffff, v9  }
0x18b: {  	v5 =	vld [tilespmem:s8+$0xD00]  }
0x18c: {  	v6 =	vld [tilespmem:s8+$0xD10]  }
0x18d: {  	v9 =	vadd.s32 $0x24, v0;
	v7 =	vld [tilespmem:s8+$0xD20]  }
0x18e: {  	v11 =	vadd.s32 $0x8A4, v0;
	v8 =	vld [tilespmem:s8+$0xD30]  }
0x18f: {  	v13 =	vadd.s32 $0x1124, v0;
	v10 =	vld [tilespmem:s8+$0xD40]  }
0x190: {  	v15 =	vadd.s32 $0x19A4, v0;
	v12 =	vld [tilespmem:s8+$0xD50];
	v5 =	vadd.f32 v5, v4  }
0x191: {  	v17 =	vadd.s32 $0x25, v0;
	v14 =	vld [tilespmem:s8+$0xD60];
	v6 =	vadd.f32 v6, v3  }
0x192: {  	v16 =	vld [tilespmem:s8+$0xD70];
	v7 =	vadd.f32 v7, v1;
	[tilespmem:v9+s26+$0x0] =	vst.idx.msk $0xffff, v5;
	v5 =	vadd.s32 $0x8A5, v0  }
0x193: {  	v8 =	vadd.f32 v8, v2;
	[tilespmem:v11+s26+$0x0] =	vst.idx.msk $0xffff, v6;
	v6 =	vadd.s32 $0x1125, v0  }
0x194: {  	v9 =	vadd.f32 v10, v4;
	[tilespmem:v13+s26+$0x0] =	vst.idx.msk $0xffff, v7;
	v7 =	vadd.s32 $0x19A5, v0  }
0x195: {  	v10 =	vadd.f32 v12, v3;
	[tilespmem:v15+s26+$0x0] =	vst.idx.msk $0xffff, v8  }
0x196: {  	v8 =	vadd.f32 v14, v1;
	[tilespmem:v17+s26+$0x0] =	vst.idx.msk $0xffff, v9  }
0x197: {  	v9 =	vadd.f32 v16, v2;
	[tilespmem:v5+s26+$0x0] =	vst.idx.msk $0xffff, v10  }
0x198: {  	[tilespmem:v6+s26+$0x0] =	vst.idx.msk $0xffff, v8  }
0x199: {  	[tilespmem:v7+s26+$0x0] =	vst.idx.msk $0xffff, v9  }
0x19a: {  	v5 =	vld [tilespmem:s8+$0xD80]  }
0x19b: {  	v6 =	vld [tilespmem:s8+$0xD90]  }
0x19c: {  	v9 =	vadd.s32 $0x26, v0;
	v7 =	vld [tilespmem:s8+$0xDA0]  }
0x19d: {  	v11 =	vadd.s32 $0x8A6, v0;
	v8 =	vld [tilespmem:s8+$0xDB0]  }
0x19e: {  	v13 =	vadd.s32 $0x1126, v0;
	v10 =	vld [tilespmem:s8+$0xDC0]  }
0x19f: {  	v15 =	vadd.s32 $0x19A6, v0;
	v12 =	vld [tilespmem:s8+$0xDD0];
	v5 =	vadd.f32 v5, v4  }
0x1a0: {  	v17 =	vadd.s32 $0x27, v0;
	v14 =	vld [tilespmem:s8+$0xDE0];
	v6 =	vadd.f32 v6, v3  }
0x1a1: {  	v16 =	vld [tilespmem:s8+$0xDF0];
	v7 =	vadd.f32 v7, v1;
	[tilespmem:v9+s26+$0x0] =	vst.idx.msk $0xffff, v5;
	v5 =	vadd.s32 $0x8A7, v0  }
0x1a2: {  	v8 =	vadd.f32 v8, v2;
	[tilespmem:v11+s26+$0x0] =	vst.idx.msk $0xffff, v6;
	v6 =	vadd.s32 $0x1127, v0  }
0x1a3: {  	v9 =	vadd.f32 v10, v4;
	[tilespmem:v13+s26+$0x0] =	vst.idx.msk $0xffff, v7;
	v7 =	vadd.s32 $0x19A7, v0  }
0x1a4: {  	v10 =	vadd.f32 v12, v3;
	[tilespmem:v15+s26+$0x0] =	vst.idx.msk $0xffff, v8  }
0x1a5: {  	v8 =	vadd.f32 v14, v1;
	[tilespmem:v17+s26+$0x0] =	vst.idx.msk $0xffff, v9  }
0x1a6: {  	v9 =	vadd.f32 v16, v2;
	[tilespmem:v5+s26+$0x0] =	vst.idx.msk $0xffff, v10  }
0x1a7: {  	[tilespmem:v6+s26+$0x0] =	vst.idx.msk $0xffff, v8  }
0x1a8: {  	[tilespmem:v7+s26+$0x0] =	vst.idx.msk $0xffff, v9  }
0x1a9: {  	v5 =	vld [tilespmem:s8+$0xE00]  }
0x1aa: {  	v6 =	vld [tilespmem:s8+$0xE10]  }
0x1ab: {  	v9 =	vadd.s32 $0x28, v0;
	v7 =	vld [tilespmem:s8+$0xE20]  }
0x1ac: {  	v11 =	vadd.s32 $0x8A8, v0;
	v8 =	vld [tilespmem:s8+$0xE30]  }
0x1ad: {  	v13 =	vadd.s32 $0x1128, v0;
	v10 =	vld [tilespmem:s8+$0xE40]  }
0x1ae: {  	v15 =	vadd.s32 $0x19A8, v0;
	v12 =	vld [tilespmem:s8+$0xE50];
	v5 =	vadd.f32 v5, v4  }
0x1af: {  	v17 =	vadd.s32 $0x29, v0;
	v14 =	vld [tilespmem:s8+$0xE60];
	v6 =	vadd.f32 v6, v3  }
0x1b0: {  	v16 =	vld [tilespmem:s8+$0xE70];
	v7 =	vadd.f32 v7, v1;
	[tilespmem:v9+s26+$0x0] =	vst.idx.msk $0xffff, v5;
	v5 =	vadd.s32 $0x8A9, v0  }
0x1b1: {  	v8 =	vadd.f32 v8, v2;
	[tilespmem:v11+s26+$0x0] =	vst.idx.msk $0xffff, v6;
	v6 =	vadd.s32 $0x1129, v0  }
0x1b2: {  	v9 =	vadd.f32 v10, v4;
	[tilespmem:v13+s26+$0x0] =	vst.idx.msk $0xffff, v7;
	v7 =	vadd.s32 $0x19A9, v0  }
0x1b3: {  	v10 =	vadd.f32 v12, v3;
	[tilespmem:v15+s26+$0x0] =	vst.idx.msk $0xffff, v8  }
0x1b4: {  	v8 =	vadd.f32 v14, v1;
	[tilespmem:v17+s26+$0x0] =	vst.idx.msk $0xffff, v9  }
0x1b5: {  	v9 =	vadd.f32 v16, v2;
	[tilespmem:v5+s26+$0x0] =	vst.idx.msk $0xffff, v10  }
0x1b6: {  	[tilespmem:v6+s26+$0x0] =	vst.idx.msk $0xffff, v8  }
0x1b7: {  	[tilespmem:v7+s26+$0x0] =	vst.idx.msk $0xffff, v9  }
0x1b8: {  	v5 =	vld [tilespmem:s8+$0xE80]  }
0x1b9: {  	v6 =	vld [tilespmem:s8+$0xE90]  }
0x1ba: {  	v9 =	vadd.s32 $0x2A, v0;
	v7 =	vld [tilespmem:s8+$0xEA0]  }
0x1bb: {  	v11 =	vadd.s32 $0x8AA, v0;
	v8 =	vld [tilespmem:s8+$0xEB0]  }
0x1bc: {  	v13 =	vadd.s32 $0x112A, v0;
	v10 =	vld [tilespmem:s8+$0xEC0]  }
0x1bd: {  	v15 =	vadd.s32 $0x19AA, v0;
	v12 =	vld [tilespmem:s8+$0xED0];
	v5 =	vadd.f32 v5, v4  }
0x1be: {  	v17 =	vadd.s32 $0x2B, v0;
	v14 =	vld [tilespmem:s8+$0xEE0];
	v6 =	vadd.f32 v6, v3  }
0x1bf: {  	v16 =	vld [tilespmem:s8+$0xEF0];
	v7 =	vadd.f32 v7, v1;
	[tilespmem:v9+s26+$0x0] =	vst.idx.msk $0xffff, v5;
	v5 =	vadd.s32 $0x8AB, v0  }
0x1c0: {  	v8 =	vadd.f32 v8, v2;
	[tilespmem:v11+s26+$0x0] =	vst.idx.msk $0xffff, v6;
	v6 =	vadd.s32 $0x112B, v0  }
0x1c1: {  	v9 =	vadd.f32 v10, v4;
	[tilespmem:v13+s26+$0x0] =	vst.idx.msk $0xffff, v7;
	v7 =	vadd.s32 $0x19AB, v0  }
0x1c2: {  	v10 =	vadd.f32 v12, v3;
	[tilespmem:v15+s26+$0x0] =	vst.idx.msk $0xffff, v8  }
0x1c3: {  	v8 =	vadd.f32 v14, v1;
	[tilespmem:v17+s26+$0x0] =	vst.idx.msk $0xffff, v9  }
0x1c4: {  	v9 =	vadd.f32 v16, v2;
	[tilespmem:v5+s26+$0x0] =	vst.idx.msk $0xffff, v10  }
0x1c5: {  	[tilespmem:v6+s26+$0x0] =	vst.idx.msk $0xffff, v8  }
0x1c6: {  	[tilespmem:v7+s26+$0x0] =	vst.idx.msk $0xffff, v9  }
0x1c7: {  	v5 =	vld [tilespmem:s8+$0xF00]  }
0x1c8: {  	v6 =	vld [tilespmem:s8+$0xF10]  }
0x1c9: {  	v9 =	vadd.s32 $0x2C, v0;
	v7 =	vld [tilespmem:s8+$0xF20]  }
0x1ca: {  	v11 =	vadd.s32 $0x8AC, v0;
	v8 =	vld [tilespmem:s8+$0xF30]  }
0x1cb: {  	v13 =	vadd.s32 $0x112C, v0;
	v10 =	vld [tilespmem:s8+$0xF40]  }
0x1cc: {  	v15 =	vadd.s32 $0x19AC, v0;
	v12 =	vld [tilespmem:s8+$0xF50];
	v5 =	vadd.f32 v5, v4  }
0x1cd: {  	v17 =	vadd.s32 $0x2D, v0;
	v14 =	vld [tilespmem:s8+$0xF60];
	v6 =	vadd.f32 v6, v3  }
0x1ce: {  	v16 =	vld [tilespmem:s8+$0xF70];
	v7 =	vadd.f32 v7, v1;
	[tilespmem:v9+s26+$0x0] =	vst.idx.msk $0xffff, v5;
	v5 =	vadd.s32 $0x8AD, v0  }
0x1cf: {  	v8 =	vadd.f32 v8, v2;
	[tilespmem:v11+s26+$0x0] =	vst.idx.msk $0xffff, v6;
	v6 =	vadd.s32 $0x112D, v0  }
0x1d0: {  	v9 =	vadd.f32 v10, v4;
	[tilespmem:v13+s26+$0x0] =	vst.idx.msk $0xffff, v7;
	v7 =	vadd.s32 $0x19AD, v0  }
0x1d1: {  	v10 =	vadd.f32 v12, v3;
	[tilespmem:v15+s26+$0x0] =	vst.idx.msk $0xffff, v8  }
0x1d2: {  	v8 =	vadd.f32 v14, v1;
	[tilespmem:v17+s26+$0x0] =	vst.idx.msk $0xffff, v9  }
0x1d3: {  	v9 =	vadd.f32 v16, v2;
	[tilespmem:v5+s26+$0x0] =	vst.idx.msk $0xffff, v10  }
0x1d4: {  	[tilespmem:v6+s26+$0x0] =	vst.idx.msk $0xffff, v8  }
0x1d5: {  	[tilespmem:v7+s26+$0x0] =	vst.idx.msk $0xffff, v9  }
0x1d6: {  	v5 =	vld [tilespmem:s8+$0xF80]  }
0x1d7: {  	v6 =	vld [tilespmem:s8+$0xF90]  }
0x1d8: {  	v9 =	vadd.s32 $0x2E, v0;
	v7 =	vld [tilespmem:s8+$0xFA0]  }
0x1d9: {  	v11 =	vadd.s32 $0x8AE, v0;
	v8 =	vld [tilespmem:s8+$0xFB0]  }
0x1da: {  	v13 =	vadd.s32 $0x112E, v0;
	v10 =	vld [tilespmem:s8+$0xFC0]  }
0x1db: {  	v15 =	vadd.s32 $0x19AE, v0;
	v12 =	vld [tilespmem:s8+$0xFD0];
	v5 =	vadd.f32 v5, v4  }
0x1dc: {  	v17 =	vadd.s32 $0x2F, v0;
	v14 =	vld [tilespmem:s8+$0xFE0];
	v6 =	vadd.f32 v6, v3  }
0x1dd: {  	v16 =	vld [tilespmem:s8+$0xFF0];
	v7 =	vadd.f32 v7, v1;
	[tilespmem:v9+s26+$0x0] =	vst.idx.msk $0xffff, v5;
	v5 =	vadd.s32 $0x8AF, v0  }
0x1de: {  	v8 =	vadd.f32 v8, v2;
	[tilespmem:v11+s26+$0x0] =	vst.idx.msk $0xffff, v6;
	v6 =	vadd.s32 $0x112F, v0  }
0x1df: {  	v9 =	vadd.f32 v10, v4;
	[tilespmem:v13+s26+$0x0] =	vst.idx.msk $0xffff, v7;
	v7 =	vadd.s32 $0x19AF, v0  }
0x1e0: {  	v10 =	vadd.f32 v12, v3;
	[tilespmem:v15+s26+$0x0] =	vst.idx.msk $0xffff, v8  }
0x1e1: {  	v8 =	vadd.f32 v14, v1;
	[tilespmem:v17+s26+$0x0] =	vst.idx.msk $0xffff, v9  }
0x1e2: {  	v9 =	vadd.f32 v16, v2;
	[tilespmem:v5+s26+$0x0] =	vst.idx.msk $0xffff, v10  }
0x1e3: {  	[tilespmem:v6+s26+$0x0] =	vst.idx.msk $0xffff, v8  }
0x1e4: {  	[tilespmem:v7+s26+$0x0] =	vst.idx.msk $0xffff, v9  }
0x1e5: {  	v5 =	vld [tilespmem:s8+$0x1000]  }
0x1e6: {  	v6 =	vld [tilespmem:s8+$0x1010]  }
0x1e7: {  	v9 =	vadd.s32 $0x30, v0;
	v7 =	vld [tilespmem:s8+$0x1020]  }
0x1e8: {  	v11 =	vadd.s32 $0x8B0, v0;
	v8 =	vld [tilespmem:s8+$0x1030]  }
0x1e9: {  	v13 =	vadd.s32 $0x1130, v0;
	v10 =	vld [tilespmem:s8+$0x1040]  }
0x1ea: {  	v15 =	vadd.s32 $0x19B0, v0;
	v12 =	vld [tilespmem:s8+$0x1050];
	v5 =	vadd.f32 v5, v4  }
0x1eb: {  	v17 =	vadd.s32 $0x31, v0;
	v14 =	vld [tilespmem:s8+$0x1060];
	v6 =	vadd.f32 v6, v3  }
0x1ec: {  	v16 =	vld [tilespmem:s8+$0x1070];
	v7 =	vadd.f32 v7, v1;
	[tilespmem:v9+s26+$0x0] =	vst.idx.msk $0xffff, v5;
	v5 =	vadd.s32 $0x8B1, v0  }
0x1ed: {  	v8 =	vadd.f32 v8, v2;
	[tilespmem:v11+s26+$0x0] =	vst.idx.msk $0xffff, v6;
	v6 =	vadd.s32 $0x1131, v0  }
0x1ee: {  	v9 =	vadd.f32 v10, v4;
	[tilespmem:v13+s26+$0x0] =	vst.idx.msk $0xffff, v7;
	v7 =	vadd.s32 $0x19B1, v0  }
0x1ef: {  	v10 =	vadd.f32 v12, v3;
	[tilespmem:v15+s26+$0x0] =	vst.idx.msk $0xffff, v8  }
0x1f0: {  	v8 =	vadd.f32 v14, v1;
	[tilespmem:v17+s26+$0x0] =	vst.idx.msk $0xffff, v9  }
0x1f1: {  	v9 =	vadd.f32 v16, v2;
	[tilespmem:v5+s26+$0x0] =	vst.idx.msk $0xffff, v10  }
0x1f2: {  	[tilespmem:v6+s26+$0x0] =	vst.idx.msk $0xffff, v8  }
0x1f3: {  	[tilespmem:v7+s26+$0x0] =	vst.idx.msk $0xffff, v9  }
0x1f4: {  	v5 =	vld [tilespmem:s8+$0x1080]  }
0x1f5: {  	v6 =	vld [tilespmem:s8+$0x1090]  }
0x1f6: {  	v9 =	vadd.s32 $0x32, v0;
	v7 =	vld [tilespmem:s8+$0x10A0]  }
0x1f7: {  	v11 =	vadd.s32 $0x8B2, v0;
	v8 =	vld [tilespmem:s8+$0x10B0]  }
0x1f8: {  	v13 =	vadd.s32 $0x1132, v0;
	v10 =	vld [tilespmem:s8+$0x10C0]  }
0x1f9: {  	v15 =	vadd.s32 $0x19B2, v0;
	v12 =	vld [tilespmem:s8+$0x10D0];
	v5 =	vadd.f32 v5, v4  }
0x1fa: {  	v17 =	vadd.s32 $0x33, v0;
	v14 =	vld [tilespmem:s8+$0x10E0];
	v6 =	vadd.f32 v6, v3  }
0x1fb: {  	v16 =	vld [tilespmem:s8+$0x10F0];
	v7 =	vadd.f32 v7, v1;
	[tilespmem:v9+s26+$0x0] =	vst.idx.msk $0xffff, v5;
	v5 =	vadd.s32 $0x8B3, v0  }
0x1fc: {  	v8 =	vadd.f32 v8, v2;
	[tilespmem:v11+s26+$0x0] =	vst.idx.msk $0xffff, v6;
	v6 =	vadd.s32 $0x1133, v0  }
0x1fd: {  	v9 =	vadd.f32 v10, v4;
	[tilespmem:v13+s26+$0x0] =	vst.idx.msk $0xffff, v7;
	v7 =	vadd.s32 $0x19B3, v0  }
0x1fe: {  	v10 =	vadd.f32 v12, v3;
	[tilespmem:v15+s26+$0x0] =	vst.idx.msk $0xffff, v8  }
0x1ff: {  	v8 =	vadd.f32 v14, v1;
	[tilespmem:v17+s26+$0x0] =	vst.idx.msk $0xffff, v9  }
0x200: {  	v9 =	vadd.f32 v16, v2;
	[tilespmem:v5+s26+$0x0] =	vst.idx.msk $0xffff, v10  }
0x201: {  	[tilespmem:v6+s26+$0x0] =	vst.idx.msk $0xffff, v8  }
0x202: {  	[tilespmem:v7+s26+$0x0] =	vst.idx.msk $0xffff, v9  }
0x203: {  	v5 =	vld [tilespmem:s8+$0x1100]  }
0x204: {  	v6 =	vld [tilespmem:s8+$0x1110]  }
0x205: {  	v9 =	vadd.s32 $0x34, v0;
	v7 =	vld [tilespmem:s8+$0x1120]  }
0x206: {  	v11 =	vadd.s32 $0x8B4, v0;
	v8 =	vld [tilespmem:s8+$0x1130]  }
0x207: {  	v13 =	vadd.s32 $0x1134, v0;
	v10 =	vld [tilespmem:s8+$0x1140]  }
0x208: {  	v15 =	vadd.s32 $0x19B4, v0;
	v12 =	vld [tilespmem:s8+$0x1150];
	v5 =	vadd.f32 v5, v4  }
0x209: {  	v17 =	vadd.s32 $0x35, v0;
	v14 =	vld [tilespmem:s8+$0x1160];
	v6 =	vadd.f32 v6, v3  }
0x20a: {  	v16 =	vld [tilespmem:s8+$0x1170];
	v7 =	vadd.f32 v7, v1;
	[tilespmem:v9+s26+$0x0] =	vst.idx.msk $0xffff, v5;
	v5 =	vadd.s32 $0x8B5, v0  }
0x20b: {  	v8 =	vadd.f32 v8, v2;
	[tilespmem:v11+s26+$0x0] =	vst.idx.msk $0xffff, v6;
	v6 =	vadd.s32 $0x1135, v0  }
0x20c: {  	v9 =	vadd.f32 v10, v4;
	[tilespmem:v13+s26+$0x0] =	vst.idx.msk $0xffff, v7;
	v7 =	vadd.s32 $0x19B5, v0  }
0x20d: {  	v10 =	vadd.f32 v12, v3;
	[tilespmem:v15+s26+$0x0] =	vst.idx.msk $0xffff, v8  }
0x20e: {  	v8 =	vadd.f32 v14, v1;
	[tilespmem:v17+s26+$0x0] =	vst.idx.msk $0xffff, v9  }
0x20f: {  	v9 =	vadd.f32 v16, v2;
	[tilespmem:v5+s26+$0x0] =	vst.idx.msk $0xffff, v10  }
0x210: {  	[tilespmem:v6+s26+$0x0] =	vst.idx.msk $0xffff, v8  }
0x211: {  	[tilespmem:v7+s26+$0x0] =	vst.idx.msk $0xffff, v9  }
0x212: {  	v5 =	vld [tilespmem:s8+$0x1180]  }
0x213: {  	v6 =	vld [tilespmem:s8+$0x1190]  }
0x214: {  	v9 =	vadd.s32 $0x36, v0;
	v7 =	vld [tilespmem:s8+$0x11A0]  }
0x215: {  	v11 =	vadd.s32 $0x8B6, v0;
	v8 =	vld [tilespmem:s8+$0x11B0]  }
0x216: {  	v13 =	vadd.s32 $0x1136, v0;
	v10 =	vld [tilespmem:s8+$0x11C0]  }
0x217: {  	v15 =	vadd.s32 $0x19B6, v0;
	v12 =	vld [tilespmem:s8+$0x11D0];
	v5 =	vadd.f32 v5, v4  }
0x218: {  	v17 =	vadd.s32 $0x37, v0;
	v14 =	vld [tilespmem:s8+$0x11E0];
	v6 =	vadd.f32 v6, v3  }
0x219: {  	v16 =	vld [tilespmem:s8+$0x11F0];
	v7 =	vadd.f32 v7, v1;
	[tilespmem:v9+s26+$0x0] =	vst.idx.msk $0xffff, v5;
	v5 =	vadd.s32 $0x8B7, v0  }
0x21a: {  	v8 =	vadd.f32 v8, v2;
	[tilespmem:v11+s26+$0x0] =	vst.idx.msk $0xffff, v6;
	v6 =	vadd.s32 $0x1137, v0  }
0x21b: {  	v9 =	vadd.f32 v10, v4;
	[tilespmem:v13+s26+$0x0] =	vst.idx.msk $0xffff, v7;
	v7 =	vadd.s32 $0x19B7, v0  }
0x21c: {  	v10 =	vadd.f32 v12, v3;
	[tilespmem:v15+s26+$0x0] =	vst.idx.msk $0xffff, v8  }
0x21d: {  	v8 =	vadd.f32 v14, v1;
	[tilespmem:v17+s26+$0x0] =	vst.idx.msk $0xffff, v9  }
0x21e: {  	v9 =	vadd.f32 v16, v2;
	[tilespmem:v5+s26+$0x0] =	vst.idx.msk $0xffff, v10  }
0x21f: {  	[tilespmem:v6+s26+$0x0] =	vst.idx.msk $0xffff, v8  }
0x220: {  	[tilespmem:v7+s26+$0x0] =	vst.idx.msk $0xffff, v9  }
0x221: {  	v5 =	vld [tilespmem:s8+$0x1200]  }
0x222: {  	v6 =	vld [tilespmem:s8+$0x1210]  }
0x223: {  	v9 =	vadd.s32 $0x38, v0;
	v7 =	vld [tilespmem:s8+$0x1220]  }
0x224: {  	v11 =	vadd.s32 $0x8B8, v0;
	v8 =	vld [tilespmem:s8+$0x1230]  }
0x225: {  	v13 =	vadd.s32 $0x1138, v0;
	v10 =	vld [tilespmem:s8+$0x1240]  }
0x226: {  	v15 =	vadd.s32 $0x19B8, v0;
	v12 =	vld [tilespmem:s8+$0x1250];
	v5 =	vadd.f32 v5, v4  }
0x227: {  	v17 =	vadd.s32 $0x39, v0;
	v14 =	vld [tilespmem:s8+$0x1260];
	v6 =	vadd.f32 v6, v3  }
0x228: {  	v16 =	vld [tilespmem:s8+$0x1270];
	v7 =	vadd.f32 v7, v1;
	[tilespmem:v9+s26+$0x0] =	vst.idx.msk $0xffff, v5;
	v5 =	vadd.s32 $0x8B9, v0  }
0x229: {  	v8 =	vadd.f32 v8, v2;
	[tilespmem:v11+s26+$0x0] =	vst.idx.msk $0xffff, v6;
	v6 =	vadd.s32 $0x1139, v0  }
0x22a: {  	v9 =	vadd.f32 v10, v4;
	[tilespmem:v13+s26+$0x0] =	vst.idx.msk $0xffff, v7;
	v7 =	vadd.s32 $0x19B9, v0  }
0x22b: {  	v10 =	vadd.f32 v12, v3;
	[tilespmem:v15+s26+$0x0] =	vst.idx.msk $0xffff, v8  }
0x22c: {  	v8 =	vadd.f32 v14, v1;
	[tilespmem:v17+s26+$0x0] =	vst.idx.msk $0xffff, v9  }
0x22d: {  	v9 =	vadd.f32 v16, v2;
	[tilespmem:v5+s26+$0x0] =	vst.idx.msk $0xffff, v10  }
0x22e: {  	[tilespmem:v6+s26+$0x0] =	vst.idx.msk $0xffff, v8  }
0x22f: {  	[tilespmem:v7+s26+$0x0] =	vst.idx.msk $0xffff, v9  }
0x230: {  	v5 =	vld [tilespmem:s8+$0x1280]  }
0x231: {  	v6 =	vld [tilespmem:s8+$0x1290]  }
0x232: {  	v9 =	vadd.s32 $0x3A, v0;
	v7 =	vld [tilespmem:s8+$0x12A0]  }
0x233: {  	v11 =	vadd.s32 $0x8BA, v0;
	v8 =	vld [tilespmem:s8+$0x12B0]  }
0x234: {  	v13 =	vadd.s32 $0x113A, v0;
	v10 =	vld [tilespmem:s8+$0x12C0]  }
0x235: {  	v15 =	vadd.s32 $0x19BA, v0;
	v12 =	vld [tilespmem:s8+$0x12D0];
	v5 =	vadd.f32 v5, v4  }
0x236: {  	v17 =	vadd.s32 $0x3B, v0;
	v14 =	vld [tilespmem:s8+$0x12E0];
	v6 =	vadd.f32 v6, v3  }
0x237: {  	v16 =	vld [tilespmem:s8+$0x12F0];
	v7 =	vadd.f32 v7, v1;
	[tilespmem:v9+s26+$0x0] =	vst.idx.msk $0xffff, v5;
	v5 =	vadd.s32 $0x8BB, v0  }
0x238: {  	v8 =	vadd.f32 v8, v2;
	[tilespmem:v11+s26+$0x0] =	vst.idx.msk $0xffff, v6;
	v6 =	vadd.s32 $0x113B, v0  }
0x239: {  	v9 =	vadd.f32 v10, v4;
	[tilespmem:v13+s26+$0x0] =	vst.idx.msk $0xffff, v7;
	v7 =	vadd.s32 $0x19BB, v0  }
0x23a: {  	v10 =	vadd.f32 v12, v3;
	[tilespmem:v15+s26+$0x0] =	vst.idx.msk $0xffff, v8  }
0x23b: {  	v8 =	vadd.f32 v14, v1;
	[tilespmem:v17+s26+$0x0] =	vst.idx.msk $0xffff, v9  }
0x23c: {  	v9 =	vadd.f32 v16, v2;
	[tilespmem:v5+s26+$0x0] =	vst.idx.msk $0xffff, v10  }
0x23d: {  	[tilespmem:v6+s26+$0x0] =	vst.idx.msk $0xffff, v8  }
0x23e: {  	[tilespmem:v7+s26+$0x0] =	vst.idx.msk $0xffff, v9  }
0x23f: {  	v5 =	vld [tilespmem:s8+$0x1300]  }
0x240: {  	v6 =	vld [tilespmem:s8+$0x1310]  }
0x241: {  	v9 =	vadd.s32 $0x3C, v0;
	v7 =	vld [tilespmem:s8+$0x1320]  }
0x242: {  	v11 =	vadd.s32 $0x8BC, v0;
	v8 =	vld [tilespmem:s8+$0x1330]  }
0x243: {  	v13 =	vadd.s32 $0x113C, v0;
	v10 =	vld [tilespmem:s8+$0x1340]  }
0x244: {  	v15 =	vadd.s32 $0x19BC, v0;
	v12 =	vld [tilespmem:s8+$0x1350];
	v5 =	vadd.f32 v5, v4  }
0x245: {  	v17 =	vadd.s32 $0x3D, v0;
	v14 =	vld [tilespmem:s8+$0x1360];
	v6 =	vadd.f32 v6, v3  }
0x246: {  	v16 =	vld [tilespmem:s8+$0x1370];
	v7 =	vadd.f32 v7, v1;
	[tilespmem:v9+s26+$0x0] =	vst.idx.msk $0xffff, v5;
	v5 =	vadd.s32 $0x8BD, v0  }
0x247: {  	v8 =	vadd.f32 v8, v2;
	[tilespmem:v11+s26+$0x0] =	vst.idx.msk $0xffff, v6;
	v6 =	vadd.s32 $0x113D, v0  }
0x248: {  	v9 =	vadd.f32 v10, v4;
	[tilespmem:v13+s26+$0x0] =	vst.idx.msk $0xffff, v7;
	v7 =	vadd.s32 $0x19BD, v0  }
0x249: {  	v10 =	vadd.f32 v12, v3;
	[tilespmem:v15+s26+$0x0] =	vst.idx.msk $0xffff, v8  }
0x24a: {  	v8 =	vadd.f32 v14, v1;
	[tilespmem:v17+s26+$0x0] =	vst.idx.msk $0xffff, v9  }
0x24b: {  	v9 =	vadd.f32 v16, v2;
	[tilespmem:v5+s26+$0x0] =	vst.idx.msk $0xffff, v10  }
0x24c: {  	[tilespmem:v6+s26+$0x0] =	vst.idx.msk $0xffff, v8  }
0x24d: {  	[tilespmem:v7+s26+$0x0] =	vst.idx.msk $0xffff, v9  }
0x24e: {  	v5 =	vld [tilespmem:s8+$0x1380]  }
0x24f: {  	v6 =	vld [tilespmem:s8+$0x1390]  }
0x250: {  	v9 =	vadd.s32 $0x3E, v0;
	v7 =	vld [tilespmem:s8+$0x13A0]  }
0x251: {  	v11 =	vadd.s32 $0x8BE, v0;
	v8 =	vld [tilespmem:s8+$0x13B0]  }
0x252: {  	v13 =	vadd.s32 $0x113E, v0;
	v10 =	vld [tilespmem:s8+$0x13C0]  }
0x253: {  	v15 =	vadd.s32 $0x19BE, v0;
	v12 =	vld [tilespmem:s8+$0x13D0];
	v5 =	vadd.f32 v5, v4  }
0x254: {  	v17 =	vadd.s32 $0x3F, v0;
	v14 =	vld [tilespmem:s8+$0x13E0];
	v6 =	vadd.f32 v6, v3  }
0x255: {  	v16 =	vld [tilespmem:s8+$0x13F0];
	v7 =	vadd.f32 v7, v1;
	[tilespmem:v9+s26+$0x0] =	vst.idx.msk $0xffff, v5;
	v5 =	vadd.s32 $0x8BF, v0  }
0x256: {  	v8 =	vadd.f32 v8, v2;
	[tilespmem:v11+s26+$0x0] =	vst.idx.msk $0xffff, v6;
	v6 =	vadd.s32 $0x113F, v0  }
0x257: {  	v9 =	vadd.f32 v10, v4;
	[tilespmem:v13+s26+$0x0] =	vst.idx.msk $0xffff, v7;
	v7 =	vadd.s32 $0x19BF, v0  }
0x258: {  	v10 =	vadd.f32 v12, v3;
	[tilespmem:v15+s26+$0x0] =	vst.idx.msk $0xffff, v8  }
0x259: {  	v8 =	vadd.f32 v14, v1;
	[tilespmem:v17+s26+$0x0] =	vst.idx.msk $0xffff, v9  }
0x25a: {  	v9 =	vadd.f32 v16, v2;
	[tilespmem:v5+s26+$0x0] =	vst.idx.msk $0xffff, v10  }
0x25b: {  	[tilespmem:v6+s26+$0x0] =	vst.idx.msk $0xffff, v8  }
0x25c: {  	[tilespmem:v7+s26+$0x0] =	vst.idx.msk $0xffff, v9  }
0x25d: {  	v5 =	vld [tilespmem:s8+$0x1400]  }
0x25e: {  	v6 =	vld [tilespmem:s8+$0x1410]  }
0x25f: {  	v9 =	vadd.s32 $0x40, v0;
	v7 =	vld [tilespmem:s8+$0x1420]  }
0x260: {  	v11 =	vadd.s32 $0x8C0, v0;
	v8 =	vld [tilespmem:s8+$0x1430]  }
0x261: {  	v13 =	vadd.s32 $0x1140, v0;
	v10 =	vld [tilespmem:s8+$0x1440]  }
0x262: {  	v15 =	vadd.s32 $0x19C0, v0;
	v12 =	vld [tilespmem:s8+$0x1450];
	v5 =	vadd.f32 v5, v4  }
0x263: {  	v17 =	vadd.s32 $0x41, v0;
	v14 =	vld [tilespmem:s8+$0x1460];
	v6 =	vadd.f32 v6, v3  }
0x264: {  	v16 =	vld [tilespmem:s8+$0x1470];
	v7 =	vadd.f32 v7, v1;
	[tilespmem:v9+s26+$0x0] =	vst.idx.msk $0xffff, v5;
	v5 =	vadd.s32 $0x8C1, v0  }
0x265: {  	v8 =	vadd.f32 v8, v2;
	[tilespmem:v11+s26+$0x0] =	vst.idx.msk $0xffff, v6;
	v6 =	vadd.s32 $0x1141, v0  }
0x266: {  	v9 =	vadd.f32 v10, v4;
	[tilespmem:v13+s26+$0x0] =	vst.idx.msk $0xffff, v7;
	v7 =	vadd.s32 $0x19C1, v0  }
0x267: {  	v10 =	vadd.f32 v12, v3;
	[tilespmem:v15+s26+$0x0] =	vst.idx.msk $0xffff, v8  }
0x268: {  	v8 =	vadd.f32 v14, v1;
	[tilespmem:v17+s26+$0x0] =	vst.idx.msk $0xffff, v9  }
0x269: {  	v9 =	vadd.f32 v16, v2;
	[tilespmem:v5+s26+$0x0] =	vst.idx.msk $0xffff, v10  }
0x26a: {  	[tilespmem:v6+s26+$0x0] =	vst.idx.msk $0xffff, v8  }
0x26b: {  	[tilespmem:v7+s26+$0x0] =	vst.idx.msk $0xffff, v9  }
0x26c: {  	v5 =	vld [tilespmem:s8+$0x1480]  }
0x26d: {  	v6 =	vld [tilespmem:s8+$0x1490]  }
0x26e: {  	v9 =	vadd.s32 $0x42, v0;
	v7 =	vld [tilespmem:s8+$0x14A0]  }
0x26f: {  	v11 =	vadd.s32 $0x8C2, v0;
	v8 =	vld [tilespmem:s8+$0x14B0]  }
0x270: {  	v13 =	vadd.s32 $0x1142, v0;
	v10 =	vld [tilespmem:s8+$0x14C0]  }
0x271: {  	v15 =	vadd.s32 $0x19C2, v0;
	v12 =	vld [tilespmem:s8+$0x14D0];
	v5 =	vadd.f32 v5, v4  }
0x272: {  	v17 =	vadd.s32 $0x43, v0;
	v14 =	vld [tilespmem:s8+$0x14E0];
	v6 =	vadd.f32 v6, v3  }
0x273: {  	v16 =	vld [tilespmem:s8+$0x14F0];
	v7 =	vadd.f32 v7, v1;
	[tilespmem:v9+s26+$0x0] =	vst.idx.msk $0xffff, v5;
	v5 =	vadd.s32 $0x8C3, v0  }
0x274: {  	v8 =	vadd.f32 v8, v2;
	[tilespmem:v11+s26+$0x0] =	vst.idx.msk $0xffff, v6;
	v6 =	vadd.s32 $0x1143, v0  }
0x275: {  	v9 =	vadd.f32 v10, v4;
	[tilespmem:v13+s26+$0x0] =	vst.idx.msk $0xffff, v7;
	v7 =	vadd.s32 $0x19C3, v0  }
0x276: {  	v10 =	vadd.f32 v12, v3;
	[tilespmem:v15+s26+$0x0] =	vst.idx.msk $0xffff, v8  }
0x277: {  	v8 =	vadd.f32 v14, v1;
	[tilespmem:v17+s26+$0x0] =	vst.idx.msk $0xffff, v9  }
0x278: {  	v9 =	vadd.f32 v16, v2;
	[tilespmem:v5+s26+$0x0] =	vst.idx.msk $0xffff, v10  }
0x279: {  	[tilespmem:v6+s26+$0x0] =	vst.idx.msk $0xffff, v8  }
0x27a: {  	[tilespmem:v7+s26+$0x0] =	vst.idx.msk $0xffff, v9  }
0x27b: {  	v5 =	vld [tilespmem:s8+$0x1500]  }
0x27c: {  	v6 =	vld [tilespmem:s8+$0x1510]  }
0x27d: {  	v9 =	vadd.s32 $0x44, v0;
	v7 =	vld [tilespmem:s8+$0x1520]  }
0x27e: {  	v11 =	vadd.s32 $0x8C4, v0;
	v8 =	vld [tilespmem:s8+$0x1530]  }
0x27f: {  	v13 =	vadd.s32 $0x1144, v0;
	v10 =	vld [tilespmem:s8+$0x1540]  }
0x280: {  	v15 =	vadd.s32 $0x19C4, v0;
	v12 =	vld [tilespmem:s8+$0x1550];
	v5 =	vadd.f32 v5, v4  }
0x281: {  	v17 =	vadd.s32 $0x45, v0;
	v14 =	vld [tilespmem:s8+$0x1560];
	v6 =	vadd.f32 v6, v3  }
0x282: {  	v16 =	vld [tilespmem:s8+$0x1570];
	v7 =	vadd.f32 v7, v1;
	[tilespmem:v9+s26+$0x0] =	vst.idx.msk $0xffff, v5;
	v5 =	vadd.s32 $0x8C5, v0  }
0x283: {  	v8 =	vadd.f32 v8, v2;
	[tilespmem:v11+s26+$0x0] =	vst.idx.msk $0xffff, v6;
	v6 =	vadd.s32 $0x1145, v0  }
0x284: {  	v9 =	vadd.f32 v10, v4;
	[tilespmem:v13+s26+$0x0] =	vst.idx.msk $0xffff, v7;
	v7 =	vadd.s32 $0x19C5, v0  }
0x285: {  	v10 =	vadd.f32 v12, v3;
	[tilespmem:v15+s26+$0x0] =	vst.idx.msk $0xffff, v8  }
0x286: {  	v8 =	vadd.f32 v14, v1;
	[tilespmem:v17+s26+$0x0] =	vst.idx.msk $0xffff, v9  }
0x287: {  	v9 =	vadd.f32 v16, v2;
	[tilespmem:v5+s26+$0x0] =	vst.idx.msk $0xffff, v10  }
0x288: {  	[tilespmem:v6+s26+$0x0] =	vst.idx.msk $0xffff, v8  }
0x289: {  	[tilespmem:v7+s26+$0x0] =	vst.idx.msk $0xffff, v9  }
0x28a: {  	v5 =	vld [tilespmem:s8+$0x1580]  }
0x28b: {  	v6 =	vld [tilespmem:s8+$0x1590]  }
0x28c: {  	v9 =	vadd.s32 $0x46, v0;
	v7 =	vld [tilespmem:s8+$0x15A0]  }
0x28d: {  	v11 =	vadd.s32 $0x8C6, v0;
	v8 =	vld [tilespmem:s8+$0x15B0]  }
0x28e: {  	v13 =	vadd.s32 $0x1146, v0;
	v10 =	vld [tilespmem:s8+$0x15C0]  }
0x28f: {  	v15 =	vadd.s32 $0x19C6, v0;
	v12 =	vld [tilespmem:s8+$0x15D0];
	v5 =	vadd.f32 v5, v4  }
0x290: {  	v17 =	vadd.s32 $0x47, v0;
	v14 =	vld [tilespmem:s8+$0x15E0];
	v6 =	vadd.f32 v6, v3  }
0x291: {  	v16 =	vld [tilespmem:s8+$0x15F0];
	v7 =	vadd.f32 v7, v1;
	[tilespmem:v9+s26+$0x0] =	vst.idx.msk $0xffff, v5;
	v5 =	vadd.s32 $0x8C7, v0  }
0x292: {  	v8 =	vadd.f32 v8, v2;
	[tilespmem:v11+s26+$0x0] =	vst.idx.msk $0xffff, v6;
	v6 =	vadd.s32 $0x1147, v0  }
0x293: {  	v9 =	vadd.f32 v10, v4;
	[tilespmem:v13+s26+$0x0] =	vst.idx.msk $0xffff, v7;
	v7 =	vadd.s32 $0x19C7, v0  }
0x294: {  	v10 =	vadd.f32 v12, v3;
	[tilespmem:v15+s26+$0x0] =	vst.idx.msk $0xffff, v8  }
0x295: {  	v8 =	vadd.f32 v14, v1;
	[tilespmem:v17+s26+$0x0] =	vst.idx.msk $0xffff, v9  }
0x296: {  	v9 =	vadd.f32 v16, v2;
	[tilespmem:v5+s26+$0x0] =	vst.idx.msk $0xffff, v10  }
0x297: {  	[tilespmem:v6+s26+$0x0] =	vst.idx.msk $0xffff, v8  }
0x298: {  	[tilespmem:v7+s26+$0x0] =	vst.idx.msk $0xffff, v9  }
0x299: {  	v5 =	vld [tilespmem:s8+$0x1600]  }
0x29a: {  	v6 =	vld [tilespmem:s8+$0x1610]  }
0x29b: {  	v9 =	vadd.s32 $0x48, v0;
	v7 =	vld [tilespmem:s8+$0x1620]  }
0x29c: {  	v11 =	vadd.s32 $0x8C8, v0;
	v8 =	vld [tilespmem:s8+$0x1630]  }
0x29d: {  	v13 =	vadd.s32 $0x1148, v0;
	v10 =	vld [tilespmem:s8+$0x1640]  }
0x29e: {  	v15 =	vadd.s32 $0x19C8, v0;
	v12 =	vld [tilespmem:s8+$0x1650];
	v5 =	vadd.f32 v5, v4  }
0x29f: {  	v17 =	vadd.s32 $0x49, v0;
	v14 =	vld [tilespmem:s8+$0x1660];
	v6 =	vadd.f32 v6, v3  }
0x2a0: {  	v16 =	vld [tilespmem:s8+$0x1670];
	v7 =	vadd.f32 v7, v1;
	[tilespmem:v9+s26+$0x0] =	vst.idx.msk $0xffff, v5;
	v5 =	vadd.s32 $0x8C9, v0  }
0x2a1: {  	v8 =	vadd.f32 v8, v2;
	[tilespmem:v11+s26+$0x0] =	vst.idx.msk $0xffff, v6;
	v6 =	vadd.s32 $0x1149, v0  }
0x2a2: {  	v9 =	vadd.f32 v10, v4;
	[tilespmem:v13+s26+$0x0] =	vst.idx.msk $0xffff, v7;
	v7 =	vadd.s32 $0x19C9, v0  }
0x2a3: {  	v10 =	vadd.f32 v12, v3;
	[tilespmem:v15+s26+$0x0] =	vst.idx.msk $0xffff, v8  }
0x2a4: {  	v8 =	vadd.f32 v14, v1;
	[tilespmem:v17+s26+$0x0] =	vst.idx.msk $0xffff, v9  }
0x2a5: {  	v9 =	vadd.f32 v16, v2;
	[tilespmem:v5+s26+$0x0] =	vst.idx.msk $0xffff, v10  }
0x2a6: {  	[tilespmem:v6+s26+$0x0] =	vst.idx.msk $0xffff, v8  }
0x2a7: {  	[tilespmem:v7+s26+$0x0] =	vst.idx.msk $0xffff, v9  }
0x2a8: {  	v5 =	vld [tilespmem:s8+$0x1680]  }
0x2a9: {  	v6 =	vld [tilespmem:s8+$0x1690]  }
0x2aa: {  	v9 =	vadd.s32 $0x4A, v0;
	v7 =	vld [tilespmem:s8+$0x16A0]  }
0x2ab: {  	v11 =	vadd.s32 $0x8CA, v0;
	v8 =	vld [tilespmem:s8+$0x16B0]  }
0x2ac: {  	v13 =	vadd.s32 $0x114A, v0;
	v10 =	vld [tilespmem:s8+$0x16C0]  }
0x2ad: {  	v15 =	vadd.s32 $0x19CA, v0;
	v12 =	vld [tilespmem:s8+$0x16D0];
	v5 =	vadd.f32 v5, v4  }
0x2ae: {  	v17 =	vadd.s32 $0x4B, v0;
	v14 =	vld [tilespmem:s8+$0x16E0];
	v6 =	vadd.f32 v6, v3  }
0x2af: {  	v16 =	vld [tilespmem:s8+$0x16F0];
	v7 =	vadd.f32 v7, v1;
	[tilespmem:v9+s26+$0x0] =	vst.idx.msk $0xffff, v5;
	v5 =	vadd.s32 $0x8CB, v0  }
0x2b0: {  	v8 =	vadd.f32 v8, v2;
	[tilespmem:v11+s26+$0x0] =	vst.idx.msk $0xffff, v6;
	v6 =	vadd.s32 $0x114B, v0  }
0x2b1: {  	v9 =	vadd.f32 v10, v4;
	[tilespmem:v13+s26+$0x0] =	vst.idx.msk $0xffff, v7;
	v7 =	vadd.s32 $0x19CB, v0  }
0x2b2: {  	v10 =	vadd.f32 v12, v3;
	[tilespmem:v15+s26+$0x0] =	vst.idx.msk $0xffff, v8  }
0x2b3: {  	v8 =	vadd.f32 v14, v1;
	[tilespmem:v17+s26+$0x0] =	vst.idx.msk $0xffff, v9  }
0x2b4: {  	v9 =	vadd.f32 v16, v2;
	[tilespmem:v5+s26+$0x0] =	vst.idx.msk $0xffff, v10  }
0x2b5: {  	[tilespmem:v6+s26+$0x0] =	vst.idx.msk $0xffff, v8  }
0x2b6: {  	[tilespmem:v7+s26+$0x0] =	vst.idx.msk $0xffff, v9  }
0x2b7: {  	v5 =	vld [tilespmem:s8+$0x1700]  }
0x2b8: {  	v6 =	vld [tilespmem:s8+$0x1710]  }
0x2b9: {  	v9 =	vadd.s32 $0x4C, v0;
	v7 =	vld [tilespmem:s8+$0x1720]  }
0x2ba: {  	v11 =	vadd.s32 $0x8CC, v0;
	v8 =	vld [tilespmem:s8+$0x1730]  }
0x2bb: {  	v13 =	vadd.s32 $0x114C, v0;
	v10 =	vld [tilespmem:s8+$0x1740]  }
0x2bc: {  	v15 =	vadd.s32 $0x19CC, v0;
	v12 =	vld [tilespmem:s8+$0x1750];
	v5 =	vadd.f32 v5, v4  }
0x2bd: {  	v17 =	vadd.s32 $0x4D, v0;
	v14 =	vld [tilespmem:s8+$0x1760];
	v6 =	vadd.f32 v6, v3  }
0x2be: {  	v16 =	vld [tilespmem:s8+$0x1770];
	v7 =	vadd.f32 v7, v1;
	[tilespmem:v9+s26+$0x0] =	vst.idx.msk $0xffff, v5;
	v5 =	vadd.s32 $0x8CD, v0  }
0x2bf: {  	v8 =	vadd.f32 v8, v2;
	[tilespmem:v11+s26+$0x0] =	vst.idx.msk $0xffff, v6;
	v6 =	vadd.s32 $0x114D, v0  }
0x2c0: {  	v9 =	vadd.f32 v10, v4;
	[tilespmem:v13+s26+$0x0] =	vst.idx.msk $0xffff, v7;
	v7 =	vadd.s32 $0x19CD, v0  }
0x2c1: {  	v10 =	vadd.f32 v12, v3;
	[tilespmem:v15+s26+$0x0] =	vst.idx.msk $0xffff, v8  }
0x2c2: {  	v8 =	vadd.f32 v14, v1;
	[tilespmem:v17+s26+$0x0] =	vst.idx.msk $0xffff, v9  }
0x2c3: {  	v9 =	vadd.f32 v16, v2;
	[tilespmem:v5+s26+$0x0] =	vst.idx.msk $0xffff, v10  }
0x2c4: {  	[tilespmem:v6+s26+$0x0] =	vst.idx.msk $0xffff, v8  }
0x2c5: {  	[tilespmem:v7+s26+$0x0] =	vst.idx.msk $0xffff, v9  }
0x2c6: {  	v5 =	vld [tilespmem:s8+$0x1780]  }
0x2c7: {  	v6 =	vld [tilespmem:s8+$0x1790]  }
0x2c8: {  	v9 =	vadd.s32 $0x4E, v0;
	v7 =	vld [tilespmem:s8+$0x17A0]  }
0x2c9: {  	v11 =	vadd.s32 $0x8CE, v0;
	v8 =	vld [tilespmem:s8+$0x17B0]  }
0x2ca: {  	v13 =	vadd.s32 $0x114E, v0;
	v10 =	vld [tilespmem:s8+$0x17C0]  }
0x2cb: {  	v15 =	vadd.s32 $0x19CE, v0;
	v12 =	vld [tilespmem:s8+$0x17D0];
	v5 =	vadd.f32 v5, v4  }
0x2cc: {  	v17 =	vadd.s32 $0x4F, v0;
	v14 =	vld [tilespmem:s8+$0x17E0];
	v6 =	vadd.f32 v6, v3  }
0x2cd: {  	v16 =	vld [tilespmem:s8+$0x17F0];
	v7 =	vadd.f32 v7, v1;
	[tilespmem:v9+s26+$0x0] =	vst.idx.msk $0xffff, v5;
	v5 =	vadd.s32 $0x8CF, v0  }
0x2ce: {  	v8 =	vadd.f32 v8, v2;
	[tilespmem:v11+s26+$0x0] =	vst.idx.msk $0xffff, v6;
	v6 =	vadd.s32 $0x114F, v0  }
0x2cf: {  	v9 =	vadd.f32 v10, v4;
	[tilespmem:v13+s26+$0x0] =	vst.idx.msk $0xffff, v7;
	v7 =	vadd.s32 $0x19CF, v0  }
0x2d0: {  	v10 =	vadd.f32 v12, v3;
	[tilespmem:v15+s26+$0x0] =	vst.idx.msk $0xffff, v8  }
0x2d1: {  	v8 =	vadd.f32 v14, v1;
	[tilespmem:v17+s26+$0x0] =	vst.idx.msk $0xffff, v9  }
0x2d2: {  	v9 =	vadd.f32 v16, v2;
	[tilespmem:v5+s26+$0x0] =	vst.idx.msk $0xffff, v10  }
0x2d3: {  	[tilespmem:v6+s26+$0x0] =	vst.idx.msk $0xffff, v8  }
0x2d4: {  	[tilespmem:v7+s26+$0x0] =	vst.idx.msk $0xffff, v9  }
0x2d5: {  	v5 =	vld [tilespmem:s8+$0x1800]  }
0x2d6: {  	v6 =	vld [tilespmem:s8+$0x1810]  }
0x2d7: {  	v9 =	vadd.s32 $0x50, v0;
	v7 =	vld [tilespmem:s8+$0x1820]  }
0x2d8: {  	v11 =	vadd.s32 $0x8D0, v0;
	v8 =	vld [tilespmem:s8+$0x1830]  }
0x2d9: {  	v13 =	vadd.s32 $0x1150, v0;
	v10 =	vld [tilespmem:s8+$0x1840]  }
0x2da: {  	v15 =	vadd.s32 $0x19D0, v0;
	v12 =	vld [tilespmem:s8+$0x1850];
	v5 =	vadd.f32 v5, v4  }
0x2db: {  	v17 =	vadd.s32 $0x51, v0;
	v14 =	vld [tilespmem:s8+$0x1860];
	v6 =	vadd.f32 v6, v3  }
0x2dc: {  	v16 =	vld [tilespmem:s8+$0x1870];
	v7 =	vadd.f32 v7, v1;
	[tilespmem:v9+s26+$0x0] =	vst.idx.msk $0xffff, v5;
	v5 =	vadd.s32 $0x8D1, v0  }
0x2dd: {  	v8 =	vadd.f32 v8, v2;
	[tilespmem:v11+s26+$0x0] =	vst.idx.msk $0xffff, v6;
	v6 =	vadd.s32 $0x1151, v0  }
0x2de: {  	v9 =	vadd.f32 v10, v4;
	[tilespmem:v13+s26+$0x0] =	vst.idx.msk $0xffff, v7;
	v7 =	vadd.s32 $0x19D1, v0  }
0x2df: {  	v10 =	vadd.f32 v12, v3;
	[tilespmem:v15+s26+$0x0] =	vst.idx.msk $0xffff, v8  }
0x2e0: {  	v8 =	vadd.f32 v14, v1;
	[tilespmem:v17+s26+$0x0] =	vst.idx.msk $0xffff, v9  }
0x2e1: {  	v9 =	vadd.f32 v16, v2;
	[tilespmem:v5+s26+$0x0] =	vst.idx.msk $0xffff, v10  }
0x2e2: {  	[tilespmem:v6+s26+$0x0] =	vst.idx.msk $0xffff, v8  }
0x2e3: {  	[tilespmem:v7+s26+$0x0] =	vst.idx.msk $0xffff, v9  }
0x2e4: {  	v5 =	vld [tilespmem:s8+$0x1880]  }
0x2e5: {  	v6 =	vld [tilespmem:s8+$0x1890]  }
0x2e6: {  	v9 =	vadd.s32 $0x52, v0;
	v7 =	vld [tilespmem:s8+$0x18A0]  }
0x2e7: {  	v11 =	vadd.s32 $0x8D2, v0;
	v8 =	vld [tilespmem:s8+$0x18B0]  }
0x2e8: {  	v13 =	vadd.s32 $0x1152, v0;
	v10 =	vld [tilespmem:s8+$0x18C0]  }
0x2e9: {  	v15 =	vadd.s32 $0x19D2, v0;
	v12 =	vld [tilespmem:s8+$0x18D0];
	v5 =	vadd.f32 v5, v4  }
0x2ea: {  	v17 =	vadd.s32 $0x53, v0;
	v14 =	vld [tilespmem:s8+$0x18E0];
	v6 =	vadd.f32 v6, v3  }
0x2eb: {  	v16 =	vld [tilespmem:s8+$0x18F0];
	v7 =	vadd.f32 v7, v1;
	[tilespmem:v9+s26+$0x0] =	vst.idx.msk $0xffff, v5;
	v5 =	vadd.s32 $0x8D3, v0  }
0x2ec: {  	v8 =	vadd.f32 v8, v2;
	[tilespmem:v11+s26+$0x0] =	vst.idx.msk $0xffff, v6;
	v6 =	vadd.s32 $0x1153, v0  }
0x2ed: {  	v9 =	vadd.f32 v10, v4;
	[tilespmem:v13+s26+$0x0] =	vst.idx.msk $0xffff, v7;
	v7 =	vadd.s32 $0x19D3, v0  }
0x2ee: {  	v10 =	vadd.f32 v12, v3;
	[tilespmem:v15+s26+$0x0] =	vst.idx.msk $0xffff, v8  }
0x2ef: {  	v8 =	vadd.f32 v14, v1;
	[tilespmem:v17+s26+$0x0] =	vst.idx.msk $0xffff, v9  }
0x2f0: {  	v9 =	vadd.f32 v16, v2;
	[tilespmem:v5+s26+$0x0] =	vst.idx.msk $0xffff, v10  }
0x2f1: {  	[tilespmem:v6+s26+$0x0] =	vst.idx.msk $0xffff, v8  }
0x2f2: {  	[tilespmem:v7+s26+$0x0] =	vst.idx.msk $0xffff, v9  }
0x2f3: {  	v5 =	vld [tilespmem:s8+$0x1900]  }
0x2f4: {  	v6 =	vld [tilespmem:s8+$0x1910]  }
0x2f5: {  	v9 =	vadd.s32 $0x54, v0;
	v7 =	vld [tilespmem:s8+$0x1920]  }
0x2f6: {  	v11 =	vadd.s32 $0x8D4, v0;
	v8 =	vld [tilespmem:s8+$0x1930]  }
0x2f7: {  	v13 =	vadd.s32 $0x1154, v0;
	v10 =	vld [tilespmem:s8+$0x1940]  }
0x2f8: {  	v15 =	vadd.s32 $0x19D4, v0;
	v12 =	vld [tilespmem:s8+$0x1950];
	v5 =	vadd.f32 v5, v4  }
0x2f9: {  	v17 =	vadd.s32 $0x55, v0;
	v14 =	vld [tilespmem:s8+$0x1960];
	v6 =	vadd.f32 v6, v3  }
0x2fa: {  	v16 =	vld [tilespmem:s8+$0x1970];
	v7 =	vadd.f32 v7, v1;
	[tilespmem:v9+s26+$0x0] =	vst.idx.msk $0xffff, v5;
	v5 =	vadd.s32 $0x8D5, v0  }
0x2fb: {  	v8 =	vadd.f32 v8, v2;
	[tilespmem:v11+s26+$0x0] =	vst.idx.msk $0xffff, v6;
	v6 =	vadd.s32 $0x1155, v0  }
0x2fc: {  	v9 =	vadd.f32 v10, v4;
	[tilespmem:v13+s26+$0x0] =	vst.idx.msk $0xffff, v7;
	v7 =	vadd.s32 $0x19D5, v0  }
0x2fd: {  	v10 =	vadd.f32 v12, v3;
	[tilespmem:v15+s26+$0x0] =	vst.idx.msk $0xffff, v8  }
0x2fe: {  	v8 =	vadd.f32 v14, v1;
	[tilespmem:v17+s26+$0x0] =	vst.idx.msk $0xffff, v9  }
0x2ff: {  	v9 =	vadd.f32 v16, v2;
	[tilespmem:v5+s26+$0x0] =	vst.idx.msk $0xffff, v10  }
0x300: {  	[tilespmem:v6+s26+$0x0] =	vst.idx.msk $0xffff, v8  }
0x301: {  	[tilespmem:v7+s26+$0x0] =	vst.idx.msk $0xffff, v9  }
0x302: {  	v5 =	vld [tilespmem:s8+$0x1980]  }
0x303: {  	v6 =	vld [tilespmem:s8+$0x1990]  }
0x304: {  	v9 =	vadd.s32 $0x56, v0;
	v7 =	vld [tilespmem:s8+$0x19A0]  }
0x305: {  	v11 =	vadd.s32 $0x8D6, v0;
	v8 =	vld [tilespmem:s8+$0x19B0]  }
0x306: {  	v13 =	vadd.s32 $0x1156, v0;
	v10 =	vld [tilespmem:s8+$0x19C0]  }
0x307: {  	v15 =	vadd.s32 $0x19D6, v0;
	v12 =	vld [tilespmem:s8+$0x19D0];
	v5 =	vadd.f32 v5, v4  }
0x308: {  	v17 =	vadd.s32 $0x57, v0;
	v14 =	vld [tilespmem:s8+$0x19E0];
	v6 =	vadd.f32 v6, v3  }
0x309: {  	v16 =	vld [tilespmem:s8+$0x19F0];
	v7 =	vadd.f32 v7, v1;
	[tilespmem:v9+s26+$0x0] =	vst.idx.msk $0xffff, v5;
	v5 =	vadd.s32 $0x8D7, v0  }
0x30a: {  	v8 =	vadd.f32 v8, v2;
	[tilespmem:v11+s26+$0x0] =	vst.idx.msk $0xffff, v6;
	v6 =	vadd.s32 $0x1157, v0  }
0x30b: {  	v9 =	vadd.f32 v10, v4;
	[tilespmem:v13+s26+$0x0] =	vst.idx.msk $0xffff, v7;
	v7 =	vadd.s32 $0x19D7, v0  }
0x30c: {  	v10 =	vadd.f32 v12, v3;
	[tilespmem:v15+s26+$0x0] =	vst.idx.msk $0xffff, v8  }
0x30d: {  	v8 =	vadd.f32 v14, v1;
	[tilespmem:v17+s26+$0x0] =	vst.idx.msk $0xffff, v9  }
0x30e: {  	v9 =	vadd.f32 v16, v2;
	[tilespmem:v5+s26+$0x0] =	vst.idx.msk $0xffff, v10  }
0x30f: {  	[tilespmem:v6+s26+$0x0] =	vst.idx.msk $0xffff, v8  }
0x310: {  	[tilespmem:v7+s26+$0x0] =	vst.idx.msk $0xffff, v9  }
0x311: {  	v5 =	vld [tilespmem:s8+$0x1A00]  }
0x312: {  	v6 =	vld [tilespmem:s8+$0x1A10]  }
0x313: {  	v9 =	vadd.s32 $0x58, v0;
	v7 =	vld [tilespmem:s8+$0x1A20]  }
0x314: {  	v11 =	vadd.s32 $0x8D8, v0;
	v8 =	vld [tilespmem:s8+$0x1A30]  }
0x315: {  	v13 =	vadd.s32 $0x1158, v0;
	v10 =	vld [tilespmem:s8+$0x1A40]  }
0x316: {  	v15 =	vadd.s32 $0x19D8, v0;
	v12 =	vld [tilespmem:s8+$0x1A50];
	v5 =	vadd.f32 v5, v4  }
0x317: {  	v17 =	vadd.s32 $0x59, v0;
	v14 =	vld [tilespmem:s8+$0x1A60];
	v6 =	vadd.f32 v6, v3  }
0x318: {  	v16 =	vld [tilespmem:s8+$0x1A70];
	v7 =	vadd.f32 v7, v1;
	[tilespmem:v9+s26+$0x0] =	vst.idx.msk $0xffff, v5;
	v5 =	vadd.s32 $0x8D9, v0  }
0x319: {  	v8 =	vadd.f32 v8, v2;
	[tilespmem:v11+s26+$0x0] =	vst.idx.msk $0xffff, v6;
	v6 =	vadd.s32 $0x1159, v0  }
0x31a: {  	v9 =	vadd.f32 v10, v4;
	[tilespmem:v13+s26+$0x0] =	vst.idx.msk $0xffff, v7;
	v7 =	vadd.s32 $0x19D9, v0  }
0x31b: {  	v10 =	vadd.f32 v12, v3;
	[tilespmem:v15+s26+$0x0] =	vst.idx.msk $0xffff, v8  }
0x31c: {  	v8 =	vadd.f32 v14, v1;
	[tilespmem:v17+s26+$0x0] =	vst.idx.msk $0xffff, v9  }
0x31d: {  	v9 =	vadd.f32 v16, v2;
	[tilespmem:v5+s26+$0x0] =	vst.idx.msk $0xffff, v10  }
0x31e: {  	[tilespmem:v6+s26+$0x0] =	vst.idx.msk $0xffff, v8  }
0x31f: {  	[tilespmem:v7+s26+$0x0] =	vst.idx.msk $0xffff, v9  }
0x320: {  	v5 =	vld [tilespmem:s8+$0x1A80]  }
0x321: {  	v6 =	vld [tilespmem:s8+$0x1A90]  }
0x322: {  	v9 =	vadd.s32 $0x5A, v0;
	v7 =	vld [tilespmem:s8+$0x1AA0]  }
0x323: {  	v11 =	vadd.s32 $0x8DA, v0;
	v8 =	vld [tilespmem:s8+$0x1AB0]  }
0x324: {  	v13 =	vadd.s32 $0x115A, v0;
	v10 =	vld [tilespmem:s8+$0x1AC0]  }
0x325: {  	v15 =	vadd.s32 $0x19DA, v0;
	v12 =	vld [tilespmem:s8+$0x1AD0];
	v5 =	vadd.f32 v5, v4  }
0x326: {  	v17 =	vadd.s32 $0x5B, v0;
	v14 =	vld [tilespmem:s8+$0x1AE0];
	v6 =	vadd.f32 v6, v3  }
0x327: {  	v16 =	vld [tilespmem:s8+$0x1AF0];
	v7 =	vadd.f32 v7, v1;
	[tilespmem:v9+s26+$0x0] =	vst.idx.msk $0xffff, v5;
	v5 =	vadd.s32 $0x8DB, v0  }
0x328: {  	v8 =	vadd.f32 v8, v2;
	[tilespmem:v11+s26+$0x0] =	vst.idx.msk $0xffff, v6;
	v6 =	vadd.s32 $0x115B, v0  }
0x329: {  	v9 =	vadd.f32 v10, v4;
	[tilespmem:v13+s26+$0x0] =	vst.idx.msk $0xffff, v7;
	v7 =	vadd.s32 $0x19DB, v0  }
0x32a: {  	v10 =	vadd.f32 v12, v3;
	[tilespmem:v15+s26+$0x0] =	vst.idx.msk $0xffff, v8  }
0x32b: {  	v8 =	vadd.f32 v14, v1;
	[tilespmem:v17+s26+$0x0] =	vst.idx.msk $0xffff, v9  }
0x32c: {  	v9 =	vadd.f32 v16, v2;
	[tilespmem:v5+s26+$0x0] =	vst.idx.msk $0xffff, v10  }
0x32d: {  	[tilespmem:v6+s26+$0x0] =	vst.idx.msk $0xffff, v8  }
0x32e: {  	[tilespmem:v7+s26+$0x0] =	vst.idx.msk $0xffff, v9  }
0x32f: {  	v5 =	vld [tilespmem:s8+$0x1B00]  }
0x330: {  	v6 =	vld [tilespmem:s8+$0x1B10]  }
0x331: {  	v9 =	vadd.s32 $0x5C, v0;
	v7 =	vld [tilespmem:s8+$0x1B20]  }
0x332: {  	v11 =	vadd.s32 $0x8DC, v0;
	v8 =	vld [tilespmem:s8+$0x1B30]  }
0x333: {  	v13 =	vadd.s32 $0x115C, v0;
	v10 =	vld [tilespmem:s8+$0x1B40]  }
0x334: {  	v15 =	vadd.s32 $0x19DC, v0;
	v12 =	vld [tilespmem:s8+$0x1B50];
	v5 =	vadd.f32 v5, v4  }
0x335: {  	v17 =	vadd.s32 $0x5D, v0;
	v14 =	vld [tilespmem:s8+$0x1B60];
	v6 =	vadd.f32 v6, v3  }
0x336: {  	v16 =	vld [tilespmem:s8+$0x1B70];
	v7 =	vadd.f32 v7, v1;
	[tilespmem:v9+s26+$0x0] =	vst.idx.msk $0xffff, v5;
	v5 =	vadd.s32 $0x8DD, v0  }
0x337: {  	v8 =	vadd.f32 v8, v2;
	[tilespmem:v11+s26+$0x0] =	vst.idx.msk $0xffff, v6;
	v6 =	vadd.s32 $0x115D, v0  }
0x338: {  	v9 =	vadd.f32 v10, v4;
	[tilespmem:v13+s26+$0x0] =	vst.idx.msk $0xffff, v7;
	v7 =	vadd.s32 $0x19DD, v0  }
0x339: {  	v10 =	vadd.f32 v12, v3;
	[tilespmem:v15+s26+$0x0] =	vst.idx.msk $0xffff, v8  }
0x33a: {  	v8 =	vadd.f32 v14, v1;
	[tilespmem:v17+s26+$0x0] =	vst.idx.msk $0xffff, v9  }
0x33b: {  	v9 =	vadd.f32 v16, v2;
	[tilespmem:v5+s26+$0x0] =	vst.idx.msk $0xffff, v10  }
0x33c: {  	[tilespmem:v6+s26+$0x0] =	vst.idx.msk $0xffff, v8  }
0x33d: {  	[tilespmem:v7+s26+$0x0] =	vst.idx.msk $0xffff, v9  }
0x33e: {  	v5 =	vld [tilespmem:s8+$0x1B80]  }
0x33f: {  	v6 =	vld [tilespmem:s8+$0x1B90]  }
0x340: {  	v9 =	vadd.s32 $0x5E, v0;
	v7 =	vld [tilespmem:s8+$0x1BA0]  }
0x341: {  	v11 =	vadd.s32 $0x8DE, v0;
	v8 =	vld [tilespmem:s8+$0x1BB0]  }
0x342: {  	v13 =	vadd.s32 $0x115E, v0;
	v10 =	vld [tilespmem:s8+$0x1BC0]  }
0x343: {  	v15 =	vadd.s32 $0x19DE, v0;
	v12 =	vld [tilespmem:s8+$0x1BD0];
	v5 =	vadd.f32 v5, v4  }
0x344: {  	v17 =	vadd.s32 $0x5F, v0;
	v14 =	vld [tilespmem:s8+$0x1BE0];
	v6 =	vadd.f32 v6, v3  }
0x345: {  	v16 =	vld [tilespmem:s8+$0x1BF0];
	v7 =	vadd.f32 v7, v1;
	[tilespmem:v9+s26+$0x0] =	vst.idx.msk $0xffff, v5;
	v5 =	vadd.s32 $0x8DF, v0  }
0x346: {  	v8 =	vadd.f32 v8, v2;
	[tilespmem:v11+s26+$0x0] =	vst.idx.msk $0xffff, v6;
	v6 =	vadd.s32 $0x115F, v0  }
0x347: {  	v9 =	vadd.f32 v10, v4;
	[tilespmem:v13+s26+$0x0] =	vst.idx.msk $0xffff, v7;
	v7 =	vadd.s32 $0x19DF, v0  }
0x348: {  	v10 =	vadd.f32 v12, v3;
	[tilespmem:v15+s26+$0x0] =	vst.idx.msk $0xffff, v8  }
0x349: {  	v8 =	vadd.f32 v14, v1;
	[tilespmem:v17+s26+$0x0] =	vst.idx.msk $0xffff, v9  }
0x34a: {  	v9 =	vadd.f32 v16, v2;
	[tilespmem:v5+s26+$0x0] =	vst.idx.msk $0xffff, v10  }
0x34b: {  	[tilespmem:v6+s26+$0x0] =	vst.idx.msk $0xffff, v8  }
0x34c: {  	[tilespmem:v7+s26+$0x0] =	vst.idx.msk $0xffff, v9  }
0x34d: {  	v5 =	vld [tilespmem:s8+$0x1C00]  }
0x34e: {  	v6 =	vld [tilespmem:s8+$0x1C10]  }
0x34f: {  	v9 =	vadd.s32 $0x60, v0;
	v7 =	vld [tilespmem:s8+$0x1C20]  }
0x350: {  	v11 =	vadd.s32 $0x8E0, v0;
	v8 =	vld [tilespmem:s8+$0x1C30]  }
0x351: {  	v13 =	vadd.s32 $0x1160, v0;
	v10 =	vld [tilespmem:s8+$0x1C40]  }
0x352: {  	v15 =	vadd.s32 $0x19E0, v0;
	v12 =	vld [tilespmem:s8+$0x1C50];
	v5 =	vadd.f32 v5, v4  }
0x353: {  	v17 =	vadd.s32 $0x61, v0;
	v14 =	vld [tilespmem:s8+$0x1C60];
	v6 =	vadd.f32 v6, v3  }
0x354: {  	v16 =	vld [tilespmem:s8+$0x1C70];
	v7 =	vadd.f32 v7, v1;
	[tilespmem:v9+s26+$0x0] =	vst.idx.msk $0xffff, v5;
	v5 =	vadd.s32 $0x8E1, v0  }
0x355: {  	v8 =	vadd.f32 v8, v2;
	[tilespmem:v11+s26+$0x0] =	vst.idx.msk $0xffff, v6;
	v6 =	vadd.s32 $0x1161, v0  }
0x356: {  	v9 =	vadd.f32 v10, v4;
	[tilespmem:v13+s26+$0x0] =	vst.idx.msk $0xffff, v7;
	v7 =	vadd.s32 $0x19E1, v0  }
0x357: {  	v10 =	vadd.f32 v12, v3;
	[tilespmem:v15+s26+$0x0] =	vst.idx.msk $0xffff, v8  }
0x358: {  	v8 =	vadd.f32 v14, v1;
	[tilespmem:v17+s26+$0x0] =	vst.idx.msk $0xffff, v9  }
0x359: {  	v9 =	vadd.f32 v16, v2;
	[tilespmem:v5+s26+$0x0] =	vst.idx.msk $0xffff, v10  }
0x35a: {  	[tilespmem:v6+s26+$0x0] =	vst.idx.msk $0xffff, v8  }
0x35b: {  	[tilespmem:v7+s26+$0x0] =	vst.idx.msk $0xffff, v9  }
0x35c: {  	v5 =	vld [tilespmem:s8+$0x1C80]  }
0x35d: {  	v6 =	vld [tilespmem:s8+$0x1C90]  }
0x35e: {  	v9 =	vadd.s32 $0x62, v0;
	v7 =	vld [tilespmem:s8+$0x1CA0]  }
0x35f: {  	v11 =	vadd.s32 $0x8E2, v0;
	v8 =	vld [tilespmem:s8+$0x1CB0]  }
0x360: {  	v13 =	vadd.s32 $0x1162, v0;
	v10 =	vld [tilespmem:s8+$0x1CC0]  }
0x361: {  	v15 =	vadd.s32 $0x19E2, v0;
	v12 =	vld [tilespmem:s8+$0x1CD0];
	v5 =	vadd.f32 v5, v4  }
0x362: {  	v17 =	vadd.s32 $0x63, v0;
	v14 =	vld [tilespmem:s8+$0x1CE0];
	v6 =	vadd.f32 v6, v3  }
0x363: {  	v16 =	vld [tilespmem:s8+$0x1CF0];
	v7 =	vadd.f32 v7, v1;
	[tilespmem:v9+s26+$0x0] =	vst.idx.msk $0xffff, v5;
	v5 =	vadd.s32 $0x8E3, v0  }
0x364: {  	v8 =	vadd.f32 v8, v2;
	[tilespmem:v11+s26+$0x0] =	vst.idx.msk $0xffff, v6;
	v6 =	vadd.s32 $0x1163, v0  }
0x365: {  	v9 =	vadd.f32 v10, v4;
	[tilespmem:v13+s26+$0x0] =	vst.idx.msk $0xffff, v7;
	v7 =	vadd.s32 $0x19E3, v0  }
0x366: {  	v10 =	vadd.f32 v12, v3;
	[tilespmem:v15+s26+$0x0] =	vst.idx.msk $0xffff, v8  }
0x367: {  	v8 =	vadd.f32 v14, v1;
	[tilespmem:v17+s26+$0x0] =	vst.idx.msk $0xffff, v9  }
0x368: {  	v9 =	vadd.f32 v16, v2;
	[tilespmem:v5+s26+$0x0] =	vst.idx.msk $0xffff, v10  }
0x369: {  	[tilespmem:v6+s26+$0x0] =	vst.idx.msk $0xffff, v8  }
0x36a: {  	[tilespmem:v7+s26+$0x0] =	vst.idx.msk $0xffff, v9  }
0x36b: {  	v5 =	vld [tilespmem:s8+$0x1D00]  }
0x36c: {  	v6 =	vld [tilespmem:s8+$0x1D10]  }
0x36d: {  	v9 =	vadd.s32 $0x64, v0;
	v7 =	vld [tilespmem:s8+$0x1D20]  }
0x36e: {  	v11 =	vadd.s32 $0x8E4, v0;
	v8 =	vld [tilespmem:s8+$0x1D30]  }
0x36f: {  	v13 =	vadd.s32 $0x1164, v0;
	v10 =	vld [tilespmem:s8+$0x1D40]  }
0x370: {  	v15 =	vadd.s32 $0x19E4, v0;
	v12 =	vld [tilespmem:s8+$0x1D50];
	v5 =	vadd.f32 v5, v4  }
0x371: {  	v17 =	vadd.s32 $0x65, v0;
	v14 =	vld [tilespmem:s8+$0x1D60];
	v6 =	vadd.f32 v6, v3  }
0x372: {  	v16 =	vld [tilespmem:s8+$0x1D70];
	v7 =	vadd.f32 v7, v1;
	[tilespmem:v9+s26+$0x0] =	vst.idx.msk $0xffff, v5;
	v5 =	vadd.s32 $0x8E5, v0  }
0x373: {  	v8 =	vadd.f32 v8, v2;
	[tilespmem:v11+s26+$0x0] =	vst.idx.msk $0xffff, v6;
	v6 =	vadd.s32 $0x1165, v0  }
0x374: {  	v9 =	vadd.f32 v10, v4;
	[tilespmem:v13+s26+$0x0] =	vst.idx.msk $0xffff, v7;
	v7 =	vadd.s32 $0x19E5, v0  }
0x375: {  	v10 =	vadd.f32 v12, v3;
	[tilespmem:v15+s26+$0x0] =	vst.idx.msk $0xffff, v8  }
0x376: {  	v8 =	vadd.f32 v14, v1;
	[tilespmem:v17+s26+$0x0] =	vst.idx.msk $0xffff, v9  }
0x377: {  	v9 =	vadd.f32 v16, v2;
	[tilespmem:v5+s26+$0x0] =	vst.idx.msk $0xffff, v10  }
0x378: {  	[tilespmem:v6+s26+$0x0] =	vst.idx.msk $0xffff, v8  }
0x379: {  	[tilespmem:v7+s26+$0x0] =	vst.idx.msk $0xffff, v9  }
0x37a: {  	v5 =	vld [tilespmem:s8+$0x1D80]  }
0x37b: {  	v6 =	vld [tilespmem:s8+$0x1D90]  }
0x37c: {  	v9 =	vadd.s32 $0x66, v0;
	v7 =	vld [tilespmem:s8+$0x1DA0]  }
0x37d: {  	v11 =	vadd.s32 $0x8E6, v0;
	v8 =	vld [tilespmem:s8+$0x1DB0]  }
0x37e: {  	v13 =	vadd.s32 $0x1166, v0;
	v10 =	vld [tilespmem:s8+$0x1DC0]  }
0x37f: {  	v15 =	vadd.s32 $0x19E6, v0;
	v12 =	vld [tilespmem:s8+$0x1DD0];
	v5 =	vadd.f32 v5, v4  }
0x380: {  	v17 =	vadd.s32 $0x67, v0;
	v14 =	vld [tilespmem:s8+$0x1DE0];
	v6 =	vadd.f32 v6, v3  }
0x381: {  	v16 =	vld [tilespmem:s8+$0x1DF0];
	v7 =	vadd.f32 v7, v1;
	[tilespmem:v9+s26+$0x0] =	vst.idx.msk $0xffff, v5;
	v5 =	vadd.s32 $0x8E7, v0  }
0x382: {  	v8 =	vadd.f32 v8, v2;
	[tilespmem:v11+s26+$0x0] =	vst.idx.msk $0xffff, v6;
	v6 =	vadd.s32 $0x1167, v0  }
0x383: {  	v9 =	vadd.f32 v10, v4;
	[tilespmem:v13+s26+$0x0] =	vst.idx.msk $0xffff, v7;
	v7 =	vadd.s32 $0x19E7, v0  }
0x384: {  	v10 =	vadd.f32 v12, v3;
	[tilespmem:v15+s26+$0x0] =	vst.idx.msk $0xffff, v8  }
0x385: {  	v8 =	vadd.f32 v14, v1;
	[tilespmem:v17+s26+$0x0] =	vst.idx.msk $0xffff, v9  }
0x386: {  	v9 =	vadd.f32 v16, v2;
	[tilespmem:v5+s26+$0x0] =	vst.idx.msk $0xffff, v10  }
0x387: {  	[tilespmem:v6+s26+$0x0] =	vst.idx.msk $0xffff, v8  }
0x388: {  	[tilespmem:v7+s26+$0x0] =	vst.idx.msk $0xffff, v9  }
0x389: {  	v5 =	vld [tilespmem:s8+$0x1E00]  }
0x38a: {  	v6 =	vld [tilespmem:s8+$0x1E10]  }
0x38b: {  	v9 =	vadd.s32 $0x68, v0;
	v7 =	vld [tilespmem:s8+$0x1E20]  }
0x38c: {  	v11 =	vadd.s32 $0x8E8, v0;
	v8 =	vld [tilespmem:s8+$0x1E30]  }
0x38d: {  	v13 =	vadd.s32 $0x1168, v0;
	v10 =	vld [tilespmem:s8+$0x1E40]  }
0x38e: {  	v15 =	vadd.s32 $0x19E8, v0;
	v12 =	vld [tilespmem:s8+$0x1E50];
	v5 =	vadd.f32 v5, v4  }
0x38f: {  	v17 =	vadd.s32 $0x69, v0;
	v14 =	vld [tilespmem:s8+$0x1E60];
	v6 =	vadd.f32 v6, v3  }
0x390: {  	v16 =	vld [tilespmem:s8+$0x1E70];
	v7 =	vadd.f32 v7, v1;
	[tilespmem:v9+s26+$0x0] =	vst.idx.msk $0xffff, v5;
	v5 =	vadd.s32 $0x8E9, v0  }
0x391: {  	v8 =	vadd.f32 v8, v2;
	[tilespmem:v11+s26+$0x0] =	vst.idx.msk $0xffff, v6;
	v6 =	vadd.s32 $0x1169, v0  }
0x392: {  	v9 =	vadd.f32 v10, v4;
	[tilespmem:v13+s26+$0x0] =	vst.idx.msk $0xffff, v7;
	v7 =	vadd.s32 $0x19E9, v0  }
0x393: {  	v10 =	vadd.f32 v12, v3;
	[tilespmem:v15+s26+$0x0] =	vst.idx.msk $0xffff, v8  }
0x394: {  	v8 =	vadd.f32 v14, v1;
	[tilespmem:v17+s26+$0x0] =	vst.idx.msk $0xffff, v9  }
0x395: {  	v9 =	vadd.f32 v16, v2;
	[tilespmem:v5+s26+$0x0] =	vst.idx.msk $0xffff, v10  }
0x396: {  	[tilespmem:v6+s26+$0x0] =	vst.idx.msk $0xffff, v8  }
0x397: {  	[tilespmem:v7+s26+$0x0] =	vst.idx.msk $0xffff, v9  }
0x398: {  	v5 =	vld [tilespmem:s8+$0x1E80]  }
0x399: {  	v6 =	vld [tilespmem:s8+$0x1E90]  }
0x39a: {  	v9 =	vadd.s32 $0x6A, v0;
	v7 =	vld [tilespmem:s8+$0x1EA0]  }
0x39b: {  	v11 =	vadd.s32 $0x8EA, v0;
	v8 =	vld [tilespmem:s8+$0x1EB0]  }
0x39c: {  	v13 =	vadd.s32 $0x116A, v0;
	v10 =	vld [tilespmem:s8+$0x1EC0]  }
0x39d: {  	v15 =	vadd.s32 $0x19EA, v0;
	v12 =	vld [tilespmem:s8+$0x1ED0];
	v5 =	vadd.f32 v5, v4  }
0x39e: {  	v17 =	vadd.s32 $0x6B, v0;
	v14 =	vld [tilespmem:s8+$0x1EE0];
	v6 =	vadd.f32 v6, v3  }
0x39f: {  	v16 =	vld [tilespmem:s8+$0x1EF0];
	v7 =	vadd.f32 v7, v1;
	[tilespmem:v9+s26+$0x0] =	vst.idx.msk $0xffff, v5;
	v5 =	vadd.s32 $0x8EB, v0  }
0x3a0: {  	v8 =	vadd.f32 v8, v2;
	[tilespmem:v11+s26+$0x0] =	vst.idx.msk $0xffff, v6;
	v6 =	vadd.s32 $0x116B, v0  }
0x3a1: {  	v9 =	vadd.f32 v10, v4;
	[tilespmem:v13+s26+$0x0] =	vst.idx.msk $0xffff, v7;
	v7 =	vadd.s32 $0x19EB, v0  }
0x3a2: {  	v10 =	vadd.f32 v12, v3;
	[tilespmem:v15+s26+$0x0] =	vst.idx.msk $0xffff, v8  }
0x3a3: {  	v8 =	vadd.f32 v14, v1;
	[tilespmem:v17+s26+$0x0] =	vst.idx.msk $0xffff, v9  }
0x3a4: {  	v9 =	vadd.f32 v16, v2;
	[tilespmem:v5+s26+$0x0] =	vst.idx.msk $0xffff, v10  }
0x3a5: {  	[tilespmem:v6+s26+$0x0] =	vst.idx.msk $0xffff, v8  }
0x3a6: {  	[tilespmem:v7+s26+$0x0] =	vst.idx.msk $0xffff, v9  }
0x3a7: {  	v5 =	vld [tilespmem:s8+$0x1F00]  }
0x3a8: {  	v6 =	vld [tilespmem:s8+$0x1F10]  }
0x3a9: {  	v9 =	vadd.s32 $0x6C, v0;
	v7 =	vld [tilespmem:s8+$0x1F20]  }
0x3aa: {  	v11 =	vadd.s32 $0x8EC, v0;
	v8 =	vld [tilespmem:s8+$0x1F30]  }
0x3ab: {  	v13 =	vadd.s32 $0x116C, v0;
	v10 =	vld [tilespmem:s8+$0x1F40]  }
0x3ac: {  	v15 =	vadd.s32 $0x19EC, v0;
	v12 =	vld [tilespmem:s8+$0x1F50];
	v5 =	vadd.f32 v5, v4  }
0x3ad: {  	v17 =	vadd.s32 $0x6D, v0;
	v14 =	vld [tilespmem:s8+$0x1F60];
	v6 =	vadd.f32 v6, v3  }
0x3ae: {  	v16 =	vld [tilespmem:s8+$0x1F70];
	v7 =	vadd.f32 v7, v1;
	[tilespmem:v9+s26+$0x0] =	vst.idx.msk $0xffff, v5;
	v5 =	vadd.s32 $0x8ED, v0  }
0x3af: {  	v8 =	vadd.f32 v8, v2;
	[tilespmem:v11+s26+$0x0] =	vst.idx.msk $0xffff, v6;
	v6 =	vadd.s32 $0x116D, v0  }
0x3b0: {  	v9 =	vadd.f32 v10, v4;
	[tilespmem:v13+s26+$0x0] =	vst.idx.msk $0xffff, v7;
	v7 =	vadd.s32 $0x19ED, v0  }
0x3b1: {  	v10 =	vadd.f32 v12, v3;
	[tilespmem:v15+s26+$0x0] =	vst.idx.msk $0xffff, v8  }
0x3b2: {  	v8 =	vadd.f32 v14, v1;
	[tilespmem:v17+s26+$0x0] =	vst.idx.msk $0xffff, v9  }
0x3b3: {  	v9 =	vadd.f32 v16, v2;
	[tilespmem:v5+s26+$0x0] =	vst.idx.msk $0xffff, v10  }
0x3b4: {  	[tilespmem:v6+s26+$0x0] =	vst.idx.msk $0xffff, v8  }
0x3b5: {  	[tilespmem:v7+s26+$0x0] =	vst.idx.msk $0xffff, v9  }
0x3b6: {  	v5 =	vld [tilespmem:s8+$0x1F80]  }
0x3b7: {  	v6 =	vld [tilespmem:s8+$0x1F90]  }
0x3b8: {  	v9 =	vadd.s32 $0x6E, v0;
	v7 =	vld [tilespmem:s8+$0x1FA0]  }
0x3b9: {  	v11 =	vadd.s32 $0x8EE, v0;
	v8 =	vld [tilespmem:s8+$0x1FB0]  }
0x3ba: {  	v13 =	vadd.s32 $0x116E, v0;
	v10 =	vld [tilespmem:s8+$0x1FC0]  }
0x3bb: {  	v15 =	vadd.s32 $0x19EE, v0;
	v12 =	vld [tilespmem:s8+$0x1FD0];
	v5 =	vadd.f32 v5, v4  }
0x3bc: {  	v17 =	vadd.s32 $0x6F, v0;
	v14 =	vld [tilespmem:s8+$0x1FE0];
	v6 =	vadd.f32 v6, v3  }
0x3bd: {  	v16 =	vld [tilespmem:s8+$0x1FF0];
	v7 =	vadd.f32 v7, v1;
	[tilespmem:v9+s26+$0x0] =	vst.idx.msk $0xffff, v5;
	v5 =	vadd.s32 $0x8EF, v0  }
0x3be: {  	v8 =	vadd.f32 v8, v2;
	[tilespmem:v11+s26+$0x0] =	vst.idx.msk $0xffff, v6;
	v6 =	vadd.s32 $0x116F, v0  }
0x3bf: {  	v9 =	vadd.f32 v10, v4;
	[tilespmem:v13+s26+$0x0] =	vst.idx.msk $0xffff, v7;
	v7 =	vadd.s32 $0x19EF, v0  }
0x3c0: {  	v10 =	vadd.f32 v12, v3;
	[tilespmem:v15+s26+$0x0] =	vst.idx.msk $0xffff, v8  }
0x3c1: {  	v8 =	vadd.f32 v14, v1;
	[tilespmem:v17+s26+$0x0] =	vst.idx.msk $0xffff, v9  }
0x3c2: {  	v9 =	vadd.f32 v16, v2;
	[tilespmem:v5+s26+$0x0] =	vst.idx.msk $0xffff, v10  }
0x3c3: {  	[tilespmem:v6+s26+$0x0] =	vst.idx.msk $0xffff, v8  }
0x3c4: {  	[tilespmem:v7+s26+$0x0] =	vst.idx.msk $0xffff, v9  }
0x3c5: {  	v5 =	vld [tilespmem:s8+$0x2000]  }
0x3c6: {  	v6 =	vld [tilespmem:s8+$0x2010]  }
0x3c7: {  	v9 =	vadd.s32 $0x70, v0;
	v7 =	vld [tilespmem:s8+$0x2020]  }
0x3c8: {  	v11 =	vadd.s32 $0x8F0, v0;
	v8 =	vld [tilespmem:s8+$0x2030]  }
0x3c9: {  	v13 =	vadd.s32 $0x1170, v0;
	v10 =	vld [tilespmem:s8+$0x2040]  }
0x3ca: {  	v15 =	vadd.s32 $0x19F0, v0;
	v12 =	vld [tilespmem:s8+$0x2050];
	v5 =	vadd.f32 v5, v4  }
0x3cb: {  	v17 =	vadd.s32 $0x71, v0;
	v14 =	vld [tilespmem:s8+$0x2060];
	v6 =	vadd.f32 v6, v3  }
0x3cc: {  	v16 =	vld [tilespmem:s8+$0x2070];
	v7 =	vadd.f32 v7, v1;
	[tilespmem:v9+s26+$0x0] =	vst.idx.msk $0xffff, v5;
	v5 =	vadd.s32 $0x8F1, v0  }
0x3cd: {  	v8 =	vadd.f32 v8, v2;
	[tilespmem:v11+s26+$0x0] =	vst.idx.msk $0xffff, v6;
	v6 =	vadd.s32 $0x1171, v0  }
0x3ce: {  	v9 =	vadd.f32 v10, v4;
	[tilespmem:v13+s26+$0x0] =	vst.idx.msk $0xffff, v7;
	v7 =	vadd.s32 $0x19F1, v0  }
0x3cf: {  	v10 =	vadd.f32 v12, v3;
	[tilespmem:v15+s26+$0x0] =	vst.idx.msk $0xffff, v8  }
0x3d0: {  	v8 =	vadd.f32 v14, v1;
	[tilespmem:v17+s26+$0x0] =	vst.idx.msk $0xffff, v9  }
0x3d1: {  	v9 =	vadd.f32 v16, v2;
	[tilespmem:v5+s26+$0x0] =	vst.idx.msk $0xffff, v10  }
0x3d2: {  	[tilespmem:v6+s26+$0x0] =	vst.idx.msk $0xffff, v8  }
0x3d3: {  	[tilespmem:v7+s26+$0x0] =	vst.idx.msk $0xffff, v9  }
0x3d4: {  	v5 =	vld [tilespmem:s8+$0x2080]  }
0x3d5: {  	v6 =	vld [tilespmem:s8+$0x2090]  }
0x3d6: {  	v9 =	vadd.s32 $0x72, v0;
	v7 =	vld [tilespmem:s8+$0x20A0]  }
0x3d7: {  	v11 =	vadd.s32 $0x8F2, v0;
	v8 =	vld [tilespmem:s8+$0x20B0]  }
0x3d8: {  	v13 =	vadd.s32 $0x1172, v0;
	v10 =	vld [tilespmem:s8+$0x20C0]  }
0x3d9: {  	v15 =	vadd.s32 $0x19F2, v0;
	v12 =	vld [tilespmem:s8+$0x20D0];
	v5 =	vadd.f32 v5, v4  }
0x3da: {  	v17 =	vadd.s32 $0x73, v0;
	v14 =	vld [tilespmem:s8+$0x20E0];
	v6 =	vadd.f32 v6, v3  }
0x3db: {  	v16 =	vld [tilespmem:s8+$0x20F0];
	v7 =	vadd.f32 v7, v1;
	[tilespmem:v9+s26+$0x0] =	vst.idx.msk $0xffff, v5;
	v5 =	vadd.s32 $0x8F3, v0  }
0x3dc: {  	v8 =	vadd.f32 v8, v2;
	[tilespmem:v11+s26+$0x0] =	vst.idx.msk $0xffff, v6;
	v6 =	vadd.s32 $0x1173, v0  }
0x3dd: {  	v9 =	vadd.f32 v10, v4;
	[tilespmem:v13+s26+$0x0] =	vst.idx.msk $0xffff, v7;
	v7 =	vadd.s32 $0x19F3, v0  }
0x3de: {  	v10 =	vadd.f32 v12, v3;
	[tilespmem:v15+s26+$0x0] =	vst.idx.msk $0xffff, v8  }
0x3df: {  	v8 =	vadd.f32 v14, v1;
	[tilespmem:v17+s26+$0x0] =	vst.idx.msk $0xffff, v9  }
0x3e0: {  	v9 =	vadd.f32 v16, v2;
	[tilespmem:v5+s26+$0x0] =	vst.idx.msk $0xffff, v10  }
0x3e1: {  	[tilespmem:v6+s26+$0x0] =	vst.idx.msk $0xffff, v8  }
0x3e2: {  	[tilespmem:v7+s26+$0x0] =	vst.idx.msk $0xffff, v9  }
0x3e3: {  	v5 =	vld [tilespmem:s8+$0x2100]  }
0x3e4: {  	v6 =	vld [tilespmem:s8+$0x2110]  }
0x3e5: {  	v9 =	vadd.s32 $0x74, v0;
	v7 =	vld [tilespmem:s8+$0x2120]  }
0x3e6: {  	v11 =	vadd.s32 $0x8F4, v0;
	v8 =	vld [tilespmem:s8+$0x2130]  }
0x3e7: {  	v13 =	vadd.s32 $0x1174, v0;
	v10 =	vld [tilespmem:s8+$0x2140]  }
0x3e8: {  	v15 =	vadd.s32 $0x19F4, v0;
	v12 =	vld [tilespmem:s8+$0x2150];
	v5 =	vadd.f32 v5, v4  }
0x3e9: {  	v17 =	vadd.s32 $0x75, v0;
	v14 =	vld [tilespmem:s8+$0x2160];
	v6 =	vadd.f32 v6, v3  }
0x3ea: {  	v16 =	vld [tilespmem:s8+$0x2170];
	v7 =	vadd.f32 v7, v1;
	[tilespmem:v9+s26+$0x0] =	vst.idx.msk $0xffff, v5;
	v5 =	vadd.s32 $0x8F5, v0  }
0x3eb: {  	v8 =	vadd.f32 v8, v2;
	[tilespmem:v11+s26+$0x0] =	vst.idx.msk $0xffff, v6;
	v6 =	vadd.s32 $0x1175, v0  }
0x3ec: {  	v9 =	vadd.f32 v10, v4;
	[tilespmem:v13+s26+$0x0] =	vst.idx.msk $0xffff, v7;
	v7 =	vadd.s32 $0x19F5, v0  }
0x3ed: {  	v10 =	vadd.f32 v12, v3;
	[tilespmem:v15+s26+$0x0] =	vst.idx.msk $0xffff, v8  }
0x3ee: {  	v8 =	vadd.f32 v14, v1;
	[tilespmem:v17+s26+$0x0] =	vst.idx.msk $0xffff, v9  }
0x3ef: {  	v9 =	vadd.f32 v16, v2;
	[tilespmem:v5+s26+$0x0] =	vst.idx.msk $0xffff, v10  }
0x3f0: {  	[tilespmem:v6+s26+$0x0] =	vst.idx.msk $0xffff, v8  }
0x3f1: {  	[tilespmem:v7+s26+$0x0] =	vst.idx.msk $0xffff, v9  }
0x3f2: {  	v5 =	vld [tilespmem:s8+$0x2180]  }
0x3f3: {  	v6 =	vld [tilespmem:s8+$0x2190]  }
0x3f4: {  	v9 =	vadd.s32 $0x76, v0;
	v7 =	vld [tilespmem:s8+$0x21A0]  }
0x3f5: {  	v11 =	vadd.s32 $0x8F6, v0;
	v8 =	vld [tilespmem:s8+$0x21B0]  }
0x3f6: {  	v13 =	vadd.s32 $0x1176, v0;
	v10 =	vld [tilespmem:s8+$0x21C0]  }
0x3f7: {  	v15 =	vadd.s32 $0x19F6, v0;
	v12 =	vld [tilespmem:s8+$0x21D0];
	v5 =	vadd.f32 v5, v4  }
0x3f8: {  	v17 =	vadd.s32 $0x77, v0;
	v14 =	vld [tilespmem:s8+$0x21E0];
	v6 =	vadd.f32 v6, v3  }
0x3f9: {  	v16 =	vld [tilespmem:s8+$0x21F0];
	v7 =	vadd.f32 v7, v1;
	[tilespmem:v9+s26+$0x0] =	vst.idx.msk $0xffff, v5;
	v5 =	vadd.s32 $0x8F7, v0  }
0x3fa: {  	v8 =	vadd.f32 v8, v2;
	[tilespmem:v11+s26+$0x0] =	vst.idx.msk $0xffff, v6;
	v6 =	vadd.s32 $0x1177, v0  }
0x3fb: {  	v9 =	vadd.f32 v10, v4;
	[tilespmem:v13+s26+$0x0] =	vst.idx.msk $0xffff, v7;
	v7 =	vadd.s32 $0x19F7, v0  }
0x3fc: {  	v10 =	vadd.f32 v12, v3;
	[tilespmem:v15+s26+$0x0] =	vst.idx.msk $0xffff, v8  }
0x3fd: {  	v8 =	vadd.f32 v14, v1;
	[tilespmem:v17+s26+$0x0] =	vst.idx.msk $0xffff, v9  }
0x3fe: {  	v9 =	vadd.f32 v16, v2;
	[tilespmem:v5+s26+$0x0] =	vst.idx.msk $0xffff, v10  }
0x3ff: {  	[tilespmem:v6+s26+$0x0] =	vst.idx.msk $0xffff, v8  }
0x400: {  	[tilespmem:v7+s26+$0x0] =	vst.idx.msk $0xffff, v9  }
0x401: {  	v5 =	vld [tilespmem:s8+$0x2200]  }
0x402: {  	v6 =	vld [tilespmem:s8+$0x2210]  }
0x403: {  	v9 =	vadd.s32 $0x78, v0;
	v7 =	vld [tilespmem:s8+$0x2220]  }
0x404: {  	v11 =	vadd.s32 $0x8F8, v0;
	v8 =	vld [tilespmem:s8+$0x2230]  }
0x405: {  	v13 =	vadd.s32 $0x1178, v0;
	v10 =	vld [tilespmem:s8+$0x2240]  }
0x406: {  	v15 =	vadd.s32 $0x19F8, v0;
	v12 =	vld [tilespmem:s8+$0x2250];
	v5 =	vadd.f32 v5, v4  }
0x407: {  	v17 =	vadd.s32 $0x79, v0;
	v14 =	vld [tilespmem:s8+$0x2260];
	v6 =	vadd.f32 v6, v3  }
0x408: {  	v16 =	vld [tilespmem:s8+$0x2270];
	v7 =	vadd.f32 v7, v1;
	[tilespmem:v9+s26+$0x0] =	vst.idx.msk $0xffff, v5;
	v5 =	vadd.s32 $0x8F9, v0  }
0x409: {  	v8 =	vadd.f32 v8, v2;
	[tilespmem:v11+s26+$0x0] =	vst.idx.msk $0xffff, v6;
	v6 =	vadd.s32 $0x1179, v0  }
0x40a: {  	v9 =	vadd.f32 v10, v4;
	[tilespmem:v13+s26+$0x0] =	vst.idx.msk $0xffff, v7;
	v7 =	vadd.s32 $0x19F9, v0  }
0x40b: {  	v10 =	vadd.f32 v12, v3;
	[tilespmem:v15+s26+$0x0] =	vst.idx.msk $0xffff, v8  }
0x40c: {  	v8 =	vadd.f32 v14, v1;
	[tilespmem:v17+s26+$0x0] =	vst.idx.msk $0xffff, v9  }
0x40d: {  	v9 =	vadd.f32 v16, v2;
	[tilespmem:v5+s26+$0x0] =	vst.idx.msk $0xffff, v10  }
0x40e: {  	[tilespmem:v6+s26+$0x0] =	vst.idx.msk $0xffff, v8  }
0x40f: {  	[tilespmem:v7+s26+$0x0] =	vst.idx.msk $0xffff, v9  }
0x410: {  	v5 =	vld [tilespmem:s8+$0x2280]  }
0x411: {  	v6 =	vld [tilespmem:s8+$0x2290]  }
0x412: {  	v9 =	vadd.s32 $0x7A, v0;
	v7 =	vld [tilespmem:s8+$0x22A0]  }
0x413: {  	v11 =	vadd.s32 $0x8FA, v0;
	v8 =	vld [tilespmem:s8+$0x22B0]  }
0x414: {  	v13 =	vadd.s32 $0x117A, v0;
	v10 =	vld [tilespmem:s8+$0x22C0]  }
0x415: {  	v15 =	vadd.s32 $0x19FA, v0;
	v12 =	vld [tilespmem:s8+$0x22D0];
	v5 =	vadd.f32 v5, v4  }
0x416: {  	v17 =	vadd.s32 $0x7B, v0;
	v14 =	vld [tilespmem:s8+$0x22E0];
	v6 =	vadd.f32 v6, v3  }
0x417: {  	v16 =	vld [tilespmem:s8+$0x22F0];
	v7 =	vadd.f32 v7, v1;
	[tilespmem:v9+s26+$0x0] =	vst.idx.msk $0xffff, v5;
	v5 =	vadd.s32 $0x8FB, v0  }
0x418: {  	v8 =	vadd.f32 v8, v2;
	[tilespmem:v11+s26+$0x0] =	vst.idx.msk $0xffff, v6;
	v6 =	vadd.s32 $0x117B, v0  }
0x419: {  	v9 =	vadd.f32 v10, v4;
	[tilespmem:v13+s26+$0x0] =	vst.idx.msk $0xffff, v7;
	v7 =	vadd.s32 $0x19FB, v0  }
0x41a: {  	v10 =	vadd.f32 v12, v3;
	[tilespmem:v15+s26+$0x0] =	vst.idx.msk $0xffff, v8  }
0x41b: {  	v8 =	vadd.f32 v14, v1;
	[tilespmem:v17+s26+$0x0] =	vst.idx.msk $0xffff, v9  }
0x41c: {  	v9 =	vadd.f32 v16, v2;
	[tilespmem:v5+s26+$0x0] =	vst.idx.msk $0xffff, v10  }
0x41d: {  	[tilespmem:v6+s26+$0x0] =	vst.idx.msk $0xffff, v8  }
0x41e: {  	[tilespmem:v7+s26+$0x0] =	vst.idx.msk $0xffff, v9  }
0x41f: {  	v5 =	vld [tilespmem:s8+$0x2300]  }
0x420: {  	v6 =	vld [tilespmem:s8+$0x2310]  }
0x421: {  	v9 =	vadd.s32 $0x7C, v0;
	v7 =	vld [tilespmem:s8+$0x2320]  }
0x422: {  	v11 =	vadd.s32 $0x8FC, v0;
	v8 =	vld [tilespmem:s8+$0x2330]  }
0x423: {  	v13 =	vadd.s32 $0x117C, v0;
	v10 =	vld [tilespmem:s8+$0x2340]  }
0x424: {  	v15 =	vadd.s32 $0x19FC, v0;
	v12 =	vld [tilespmem:s8+$0x2350];
	v5 =	vadd.f32 v5, v4  }
0x425: {  	v17 =	vadd.s32 $0x7D, v0;
	v14 =	vld [tilespmem:s8+$0x2360];
	v6 =	vadd.f32 v6, v3  }
0x426: {  	v16 =	vld [tilespmem:s8+$0x2370];
	v7 =	vadd.f32 v7, v1;
	[tilespmem:v9+s26+$0x0] =	vst.idx.msk $0xffff, v5;
	v5 =	vadd.s32 $0x8FD, v0  }
0x427: {  	v8 =	vadd.f32 v8, v2;
	[tilespmem:v11+s26+$0x0] =	vst.idx.msk $0xffff, v6;
	v6 =	vadd.s32 $0x117D, v0  }
0x428: {  	v9 =	vadd.f32 v10, v4;
	[tilespmem:v13+s26+$0x0] =	vst.idx.msk $0xffff, v7;
	v7 =	vadd.s32 $0x19FD, v0  }
0x429: {  	v10 =	vadd.f32 v12, v3;
	[tilespmem:v15+s26+$0x0] =	vst.idx.msk $0xffff, v8  }
0x42a: {  	v8 =	vadd.f32 v14, v1;
	[tilespmem:v17+s26+$0x0] =	vst.idx.msk $0xffff, v9  }
0x42b: {  	v9 =	vadd.f32 v16, v2;
	[tilespmem:v5+s26+$0x0] =	vst.idx.msk $0xffff, v10  }
0x42c: {  	[tilespmem:v6+s26+$0x0] =	vst.idx.msk $0xffff, v8  }
0x42d: {  	[tilespmem:v7+s26+$0x0] =	vst.idx.msk $0xffff, v9  }
0x42e: {  	v5 =	vld [tilespmem:s8+$0x2380]  }
0x42f: {  	v6 =	vld [tilespmem:s8+$0x2390]  }
0x430: {  	v9 =	vadd.s32 $0x7E, v0;
	v7 =	vld [tilespmem:s8+$0x23A0]  }
0x431: {  	v11 =	vadd.s32 $0x8FE, v0;
	v8 =	vld [tilespmem:s8+$0x23B0]  }
0x432: {  	v13 =	vadd.s32 $0x117E, v0;
	v10 =	vld [tilespmem:s8+$0x23C0]  }
0x433: {  	v15 =	vadd.s32 $0x19FE, v0;
	v12 =	vld [tilespmem:s8+$0x23D0];
	v5 =	vadd.f32 v5, v4  }
0x434: {  	v17 =	vadd.s32 $0x7F, v0;
	v14 =	vld [tilespmem:s8+$0x23E0];
	v6 =	vadd.f32 v6, v3  }
0x435: {  	v16 =	vld [tilespmem:s8+$0x23F0];
	[tilespmem:v9+s26+$0x0] =	vst.idx.msk $0xffff, v5;
	v5 =	vadd.f32 v7, v1;
	v7 =	vadd.s32 $0x8FF, v0  }
0x436: {  	[tilespmem:v11+s26+$0x0] =	vst.idx.msk $0xffff, v6;
	v6 =	vadd.f32 v8, v2;
	v8 =	vadd.s32 $0x117F, v0  }
0x437: {  	v4 =	vadd.f32 v10, v4;
	v11 =	vadd.s32 $0x19FF, v0;
	[tilespmem:v13+s26+$0x0] =	vst.idx.msk $0xffff, v5  }
0x438: {  	v3 =	vadd.f32 v12, v3;
	[tilespmem:v15+s26+$0x0] =	vst.idx.msk $0xffff, v6  }
0x439: {  	v1 =	vadd.f32 v14, v1;
	[tilespmem:v17+s26+$0x0] =	vst.idx.msk $0xffff, v4  }
0x43a: {  	s0 =	sshll.u32 s0, $0xF;
	s5 =	rddreg [dreg:$0x3];
	v2 =	vadd.f32 v16, v2;
	[tilespmem:v7+s26+$0x0] =	vst.idx.msk $0xffff, v3  }
0x43b: {  	s0 =	sor.u32 s5, s0;
	[tilespmem:v8+s26+$0x0] =	vst.idx.msk $0xffff, v1  }
0x43c: {  	s1 =	sadd.s32 s2, s0;
	[tilespmem:v11+s26+$0x0] =	vst.idx.msk $0xffff, v2  }
0x43d: {  	[hbm4b:s1+s3] =	stream.linear.scatter [tilespmem:s26], [sflag:$0x9], $0x80, $0x38;
	[tilespmem:$0x15800] =	vst v63  }
0x43e: {  	s5 =	sadd.s32 $0x10, s1;
	s8 =	rddreg [dreg:$0xc]  }
0x43f: {  	[hbm4b:s5+s3] =	stream.linear.scatter [tilespmem:s8], [sflag:$0x9], $0x80, $0x38;
	[tilespmem:$0x15800] =	vst v63  }
0x440: {  	s7 =	rddreg [dreg:$0xd];
	s5 =	sadd.s32 $0x20, s1  }
0x441: {  	[hbm4b:s5+s3] =	stream.linear.scatter [tilespmem:s7], [sflag:$0x9], $0x80, $0x38;
	[tilespmem:$0x15800] =	vst v63  }
0x442: {  	s8 =	rddreg [dreg:$0xe];
	s5 =	sadd.s32 $0x30, s1  }
0x443: {  	[hbm4b:s5+s3] =	stream.linear.scatter [tilespmem:s8], [sflag:$0x9], $0x80, $0x38;
	[tilespmem:$0x15800] =	vst v63  }
0x444: {  	s7 =	rddreg [dreg:$0xf];
	s5 =	sadd.s32 $0x40, s1  }
0x445: {  	[hbm4b:s5+s3] =	stream.linear.scatter [tilespmem:s7], [sflag:$0x9], $0x80, $0x38;
	[tilespmem:$0x15800] =	vst v63  }
0x446: {  	s8 =	rddreg [dreg:$0x10];
	s5 =	sadd.s32 $0x50, s1  }
0x447: {  	[hbm4b:s5+s3] =	stream.linear.scatter [tilespmem:s8], [sflag:$0x9], $0x80, $0x38;
	[tilespmem:$0x15800] =	vst v63  }
0x448: {  	v14 =	vld [tilespmem:$0x1FFC0];
	s7 =	rddreg [dreg:$0x11];
	s5 =	sadd.s32 $0x60, s1  }
0x449: {  	v16 =	vld [tilespmem:$0x1FFE0];
	[hbm4b:s5+s3] =	stream.linear.scatter [tilespmem:s7], [sflag:$0x9], $0x80, $0x38  }
0x44a: {  	v13 =	vld [tilespmem:$0x1FFB0];
	s8 =	rddreg [dreg:$0x12];
	s1 =	sadd.s32 $0x70, s1  }
0x44b: {  	v15 =	vld [tilespmem:$0x1FFD0];
	[hbm4b:s1+s3] =	stream.linear.scatter [tilespmem:s8], [sflag:$0x9], $0x80, $0x38  }
0x44c: {  	v17 =	vld [tilespmem:$0x1FFF0];
	_ =	swait.ge [sflag:s9], $0x400  }
0x44d: {  	s7 =	rddreg [dreg:$0x4];
	[sflag:s9] =	ssyncset.done $0x0  }
0x44e: {  	s8 =	rddreg [dreg:$0x13];
	[sflag:s9] =	ssyncadd.s32 $0xFFFFFC00;
	s1 =	sadd.s32 s0, s7  }
0x44f: {  	[hbm4b:s1+s3] =	stream.linear.scatter [tilespmem:s8], [sflag:$0x9], $0x80, $0x38;
	[tilespmem:$0x15800] =	vst v63  }
0x450: {  	s7 =	rddreg [dreg:$0x14];
	s5 =	sadd.s32 $0x10, s1  }
0x451: {  	[hbm4b:s5+s3] =	stream.linear.scatter [tilespmem:s7], [sflag:$0x9], $0x80, $0x38;
	[tilespmem:$0x15800] =	vst v63  }
0x452: {  	s8 =	rddreg [dreg:$0x15];
	s5 =	sadd.s32 $0x20, s1  }
0x453: {  	[hbm4b:s5+s3] =	stream.linear.scatter [tilespmem:s8], [sflag:$0x9], $0x80, $0x38;
	[tilespmem:$0x15800] =	vst v63  }
0x454: {  	s7 =	rddreg [dreg:$0x16];
	s5 =	sadd.s32 $0x30, s1  }
0x455: {  	[hbm4b:s5+s3] =	stream.linear.scatter [tilespmem:s7], [sflag:$0x9], $0x80, $0x38;
	[tilespmem:$0x15800] =	vst v63  }
0x456: {  	s8 =	rddreg [dreg:$0x17];
	s5 =	sadd.s32 $0x40, s1  }
0x457: {  	[hbm4b:s5+s3] =	stream.linear.scatter [tilespmem:s8], [sflag:$0x9], $0x80, $0x38;
	[tilespmem:$0x15800] =	vst v63  }
0x458: {  	s7 =	rddreg [dreg:$0x18];
	s5 =	sadd.s32 $0x50, s1  }
0x459: {  	[hbm4b:s5+s3] =	stream.linear.scatter [tilespmem:s7], [sflag:$0x9], $0x80, $0x38;
	[tilespmem:$0x15800] =	vst v63  }
0x45a: {  	s8 =	rddreg [dreg:$0x19];
	s5 =	sadd.s32 $0x60, s1  }
0x45b: {  	[hbm4b:s5+s3] =	stream.linear.scatter [tilespmem:s8], [sflag:$0x9], $0x80, $0x38;
	[tilespmem:$0x15800] =	vst v63  }
0x45c: {  	s7 =	rddreg [dreg:$0x1a];
	s1 =	sadd.s32 $0x70, s1  }
0x45d: {  	[hbm4b:s1+s3] =	stream.linear.scatter [tilespmem:s7], [sflag:$0x9], $0x80, $0x38;
	[tilespmem:$0x15800] =	vst v63  }
0x45e: {  	_ =	swait.ge [sflag:s9], $0x400  }
0x45f: {  	s7 =	rddreg [dreg:$0x5]  }
0x460: {  	s8 =	rddreg [dreg:$0x1b];
	[sflag:s9] =	ssyncset.done $0x0  }
0x461: {  	[sflag:s9] =	ssyncadd.s32 $0xFFFFFC00;
	s1 =	sadd.s32 s0, s7;
	s7 =	rddreg [dreg:$0x1c]  }
0x462: {  	[hbm4b:s1+s3] =	stream.linear.scatter [tilespmem:s8], [sflag:$0x9], $0x80, $0x38;
	[tilespmem:$0x15800] =	vst v63  }
0x463: {  	s5 =	sadd.s32 $0x10, s1;
	s8 =	rddreg [dreg:$0x1d]  }
0x464: {  	[hbm4b:s5+s3] =	stream.linear.scatter [tilespmem:s7], [sflag:$0x9], $0x80, $0x38;
	[tilespmem:$0x15800] =	vst v63  }
0x465: {  	s5 =	sadd.s32 $0x20, s1;
	s7 =	rddreg [dreg:$0x1e]  }
0x466: {  	[hbm4b:s5+s3] =	stream.linear.scatter [tilespmem:s8], [sflag:$0x9], $0x80, $0x38;
	[tilespmem:$0x15800] =	vst v63  }
0x467: {  	s5 =	sadd.s32 $0x30, s1;
	s8 =	rddreg [dreg:$0x1f]  }
0x468: {  	[hbm4b:s5+s3] =	stream.linear.scatter [tilespmem:s7], [sflag:$0x9], $0x80, $0x38;
	[tilespmem:$0x15800] =	vst v63  }
0x469: {  	s5 =	sadd.s32 $0x40, s1;
	s7 =	sld [smem:$0x7D1]  }
0x46a: {  	[hbm4b:s5+s3] =	stream.linear.scatter [tilespmem:s8], [sflag:$0x9], $0x80, $0x38;
	[tilespmem:$0x15800] =	vst v63  }
0x46b: {  	s5 =	sadd.s32 $0x50, s1;
	s8 =	sld [smem:$0x7D2]  }
0x46c: {  	[hbm4b:s5+s3] =	stream.linear.scatter [tilespmem:s7], [sflag:$0x9], $0x80, $0x38;
	[tilespmem:$0x15800] =	vst v63  }
0x46d: {  	s5 =	sadd.s32 $0x60, s1;
	s7 =	sld [smem:$0x7D3]  }
0x46e: {  	[hbm4b:s5+s3] =	stream.linear.scatter [tilespmem:s8], [sflag:$0x9], $0x80, $0x38;
	[tilespmem:$0x15800] =	vst v63  }
0x46f: {  	s1 =	sadd.s32 $0x70, s1  }
0x470: {  	[hbm4b:s1+s3] =	stream.linear.scatter [tilespmem:s7], [sflag:$0x9], $0x80, $0x38;
	[tilespmem:$0x15800] =	vst v63  }
0x471: {  	_ =	swait.ge [sflag:s9], $0x400  }
0x472: {  	s8 =	sld [smem:$0x7D4]  }
0x473: {  	s7 =	rddreg [dreg:$0x6];
	[sflag:s9] =	ssyncset.done $0x0  }
0x474: {  	[sflag:s9] =	ssyncadd.s32 $0xFFFFFC00;
	s1 =	sadd.s32 s0, s7;
	s7 =	sld [smem:$0x7D5]  }
0x475: {  	[hbm4b:s1+s3] =	stream.linear.scatter [tilespmem:s8], [sflag:$0x9], $0x80, $0x38;
	[tilespmem:$0x15800] =	vst v63  }
0x476: {  	s5 =	sadd.s32 $0x10, s1;
	s8 =	sld [smem:$0x7D6]  }
0x477: {  	[hbm4b:s5+s3] =	stream.linear.scatter [tilespmem:s7], [sflag:$0x9], $0x80, $0x38;
	[tilespmem:$0x15800] =	vst v63  }
0x478: {  	s5 =	sadd.s32 $0x20, s1;
	s7 =	sld [smem:$0x7D7]  }
0x479: {  	[hbm4b:s5+s3] =	stream.linear.scatter [tilespmem:s8], [sflag:$0x9], $0x80, $0x38;
	[tilespmem:$0x15800] =	vst v63  }
0x47a: {  	s5 =	sadd.s32 $0x30, s1;
	s8 =	sld [smem:$0x7D8]  }
0x47b: {  	[hbm4b:s5+s3] =	stream.linear.scatter [tilespmem:s7], [sflag:$0x9], $0x80, $0x38;
	[tilespmem:$0x15800] =	vst v63  }
0x47c: {  	s5 =	sadd.s32 $0x40, s1;
	s7 =	sld [smem:$0x7D9]  }
0x47d: {  	[hbm4b:s5+s3] =	stream.linear.scatter [tilespmem:s8], [sflag:$0x9], $0x80, $0x38;
	[tilespmem:$0x15800] =	vst v63  }
0x47e: {  	s5 =	sadd.s32 $0x50, s1;
	s8 =	sld [smem:$0x7DA]  }
0x47f: {  	[hbm4b:s5+s3] =	stream.linear.scatter [tilespmem:s7], [sflag:$0x9], $0x80, $0x38;
	[tilespmem:$0x15800] =	vst v63  }
0x480: {  	s5 =	sadd.s32 $0x60, s1;
	s7 =	sld [smem:$0x7DB]  }
0x481: {  	[hbm4b:s5+s3] =	stream.linear.scatter [tilespmem:s8], [sflag:$0x9], $0x80, $0x38;
	[tilespmem:$0x15800] =	vst v63  }
0x482: {  	s1 =	sadd.s32 $0x70, s1  }
0x483: {  	[hbm4b:s1+s3] =	stream.linear.scatter [tilespmem:s7], [sflag:$0x9], $0x80, $0x38;
	[tilespmem:$0x15800] =	vst v63  }
0x484: {  	_ =	swait.ge [sflag:s9], $0x400  }
0x485: {  	s8 =	sld [smem:$0x7DC]  }
0x486: {  	s7 =	rddreg [dreg:$0x7];
	[sflag:s9] =	ssyncset.done $0x0  }
0x487: {  	[sflag:s9] =	ssyncadd.s32 $0xFFFFFC00;
	s1 =	sadd.s32 s0, s7;
	s7 =	sld [smem:$0x7DD]  }
0x488: {  	[hbm4b:s1+s3] =	stream.linear.scatter [tilespmem:s8], [sflag:$0x9], $0x80, $0x38;
	[tilespmem:$0x15800] =	vst v63  }
0x489: {  	s5 =	sadd.s32 $0x10, s1;
	s8 =	sld [smem:$0x7DE]  }
0x48a: {  	[hbm4b:s5+s3] =	stream.linear.scatter [tilespmem:s7], [sflag:$0x9], $0x80, $0x38;
	[tilespmem:$0x15800] =	vst v63  }
0x48b: {  	s5 =	sadd.s32 $0x20, s1;
	s7 =	sld [smem:$0x7DF]  }
0x48c: {  	[hbm4b:s5+s3] =	stream.linear.scatter [tilespmem:s8], [sflag:$0x9], $0x80, $0x38;
	[tilespmem:$0x15800] =	vst v63  }
0x48d: {  	s5 =	sadd.s32 $0x30, s1;
	s8 =	sld [smem:$0x7E0]  }
0x48e: {  	[hbm4b:s5+s3] =	stream.linear.scatter [tilespmem:s7], [sflag:$0x9], $0x80, $0x38;
	[tilespmem:$0x15800] =	vst v63  }
0x48f: {  	s5 =	sadd.s32 $0x40, s1;
	s7 =	sld [smem:$0x7E1]  }
0x490: {  	[hbm4b:s5+s3] =	stream.linear.scatter [tilespmem:s8], [sflag:$0x9], $0x80, $0x38;
	[tilespmem:$0x15800] =	vst v63  }
0x491: {  	s5 =	sadd.s32 $0x50, s1;
	s8 =	sld [smem:$0x7E2]  }
0x492: {  	[hbm4b:s5+s3] =	stream.linear.scatter [tilespmem:s7], [sflag:$0x9], $0x80, $0x38;
	[tilespmem:$0x15800] =	vst v63  }
0x493: {  	s5 =	sadd.s32 $0x60, s1;
	s7 =	sld [smem:$0x7E3]  }
0x494: {  	[hbm4b:s5+s3] =	stream.linear.scatter [tilespmem:s8], [sflag:$0x9], $0x80, $0x38;
	[tilespmem:$0x15800] =	vst v63  }
0x495: {  	s1 =	sadd.s32 $0x70, s1  }
0x496: {  	[hbm4b:s1+s3] =	stream.linear.scatter [tilespmem:s7], [sflag:$0x9], $0x80, $0x38;
	[tilespmem:$0x15800] =	vst v63  }
0x497: {  	_ =	swait.ge [sflag:s9], $0x400  }
0x498: {  	s8 =	sld [smem:$0x7E4]  }
0x499: {  	s7 =	rddreg [dreg:$0x8];
	[sflag:s9] =	ssyncset.done $0x0  }
0x49a: {  	[sflag:s9] =	ssyncadd.s32 $0xFFFFFC00;
	s1 =	sadd.s32 s0, s7;
	s7 =	sld [smem:$0x7E5]  }
0x49b: {  	[hbm4b:s1+s3] =	stream.linear.scatter [tilespmem:s8], [sflag:$0x9], $0x80, $0x38;
	[tilespmem:$0x15800] =	vst v63  }
0x49c: {  	s5 =	sadd.s32 $0x10, s1;
	s8 =	sld [smem:$0x7E7]  }
0x49d: {  	[hbm4b:s5+s3] =	stream.linear.scatter [tilespmem:s7], [sflag:$0x9], $0x80, $0x38;
	[tilespmem:$0x15800] =	vst v63  }
0x49e: {  	s5 =	sadd.s32 $0x20, s1;
	s7 =	sld [smem:$0x7E8]  }
0x49f: {  	[hbm4b:s5+s3] =	stream.linear.scatter [tilespmem:s8], [sflag:$0x9], $0x80, $0x38;
	[tilespmem:$0x15800] =	vst v63  }
0x4a0: {  	s5 =	sadd.s32 $0x30, s1;
	s8 =	sld [smem:$0x7E9]  }
0x4a1: {  	[hbm4b:s5+s3] =	stream.linear.scatter [tilespmem:s7], [sflag:$0x9], $0x80, $0x38;
	[tilespmem:$0x15800] =	vst v63  }
0x4a2: {  	s5 =	sadd.s32 $0x40, s1;
	s7 =	sld [smem:$0x7EA]  }
0x4a3: {  	[hbm4b:s5+s3] =	stream.linear.scatter [tilespmem:s8], [sflag:$0x9], $0x80, $0x38;
	[tilespmem:$0x15800] =	vst v63  }
0x4a4: {  	s5 =	sadd.s32 $0x50, s1;
	s8 =	sld [smem:$0x7EB]  }
0x4a5: {  	[hbm4b:s5+s3] =	stream.linear.scatter [tilespmem:s7], [sflag:$0x9], $0x80, $0x38;
	[tilespmem:$0x15800] =	vst v63  }
0x4a6: {  	s5 =	sadd.s32 $0x60, s1;
	s7 =	sld [smem:$0x7ED]  }
0x4a7: {  	[hbm4b:s5+s3] =	stream.linear.scatter [tilespmem:s8], [sflag:$0x9], $0x80, $0x38;
	[tilespmem:$0x15800] =	vst v63  }
0x4a8: {  	s1 =	sadd.s32 $0x70, s1  }
0x4a9: {  	[hbm4b:s1+s3] =	stream.linear.scatter [tilespmem:s7], [sflag:$0x9], $0x80, $0x38;
	[tilespmem:$0x15800] =	vst v63  }
0x4aa: {  	_ =	swait.ge [sflag:s9], $0x400  }
0x4ab: {  	s8 =	sld [smem:$0x7EE]  }
0x4ac: {  	s7 =	rddreg [dreg:$0x9];
	[sflag:s9] =	ssyncset.done $0x0  }
0x4ad: {  	[sflag:s9] =	ssyncadd.s32 $0xFFFFFC00;
	s1 =	sadd.s32 s0, s7;
	s7 =	sld [smem:$0x7EF]  }
0x4ae: {  	[hbm4b:s1+s3] =	stream.linear.scatter [tilespmem:s8], [sflag:$0x9], $0x80, $0x38;
	[tilespmem:$0x15800] =	vst v63  }
0x4af: {  	s5 =	sadd.s32 $0x10, s1;
	s8 =	sld [smem:$0x7F0]  }
0x4b0: {  	[hbm4b:s5+s3] =	stream.linear.scatter [tilespmem:s7], [sflag:$0x9], $0x80, $0x38;
	[tilespmem:$0x15800] =	vst v63  }
0x4b1: {  	s5 =	sadd.s32 $0x20, s1;
	s7 =	sld [smem:$0x7F1]  }
0x4b2: {  	[hbm4b:s5+s3] =	stream.linear.scatter [tilespmem:s8], [sflag:$0x9], $0x80, $0x38;
	[tilespmem:$0x15800] =	vst v63  }
0x4b3: {  	s5 =	sadd.s32 $0x30, s1;
	s8 =	sld [smem:$0x7F2]  }
0x4b4: {  	[hbm4b:s5+s3] =	stream.linear.scatter [tilespmem:s7], [sflag:$0x9], $0x80, $0x38;
	[tilespmem:$0x15800] =	vst v63  }
0x4b5: {  	s5 =	sadd.s32 $0x40, s1;
	s7 =	sld [smem:$0x7F3]  }
0x4b6: {  	[hbm4b:s5+s3] =	stream.linear.scatter [tilespmem:s8], [sflag:$0x9], $0x80, $0x38;
	[tilespmem:$0x15800] =	vst v63  }
0x4b7: {  	s5 =	sadd.s32 $0x50, s1;
	s8 =	sld [smem:$0x7F4]  }
0x4b8: {  	[hbm4b:s5+s3] =	stream.linear.scatter [tilespmem:s7], [sflag:$0x9], $0x80, $0x38;
	[tilespmem:$0x15800] =	vst v63  }
0x4b9: {  	s5 =	sadd.s32 $0x60, s1;
	s7 =	sld [smem:$0x7F5]  }
0x4ba: {  	[hbm4b:s5+s3] =	stream.linear.scatter [tilespmem:s8], [sflag:$0x9], $0x80, $0x38;
	[tilespmem:$0x15800] =	vst v63  }
0x4bb: {  	s1 =	sadd.s32 $0x70, s1  }
0x4bc: {  	[hbm4b:s1+s3] =	stream.linear.scatter [tilespmem:s7], [sflag:$0x9], $0x80, $0x38;
	[tilespmem:$0x15800] =	vst v63  }
0x4bd: {  	_ =	swait.ge [sflag:s9], $0x400  }
0x4be: {  	s7 =	sld [smem:$0x7F6]  }
0x4bf: {  	s5 =	rddreg [dreg:$0xa];
	[sflag:s9] =	ssyncset.done $0x0  }
0x4c0: {  	s1 =	sld [smem:$0x7F7];
	[sflag:s9] =	ssyncadd.s32 $0xFFFFFC00;
	s0 =	sadd.s32 s0, s5  }
0x4c1: {  	[hbm4b:s0+s3] =	stream.linear.scatter [tilespmem:s7], [sflag:$0x9], $0x80, $0x38;
	[tilespmem:$0x15800] =	vst v63  }
0x4c2: {  	s8 =	sadd.s32 $0x10, s0;
	s7 =	sld [smem:$0x7F8]  }
0x4c3: {  	[hbm4b:s8+s3] =	stream.linear.scatter [tilespmem:s1], [sflag:$0x9], $0x80, $0x38;
	[tilespmem:$0x15800] =	vst v63  }
0x4c4: {  	s5 =	sld [smem:$0x7F9];
	s8 =	sadd.s32 $0x20, s0  }
0x4c5: {  	[hbm4b:s8+s3] =	stream.linear.scatter [tilespmem:s7], [sflag:$0x9], $0x80, $0x38;
	[tilespmem:$0x15800] =	vst v63  }
0x4c6: {  	s8 =	sadd.s32 $0x30, s0;
	s7 =	sld [smem:$0x7FA]  }
0x4c7: {  	[hbm4b:s8+s3] =	stream.linear.scatter [tilespmem:s5], [sflag:$0x9], $0x80, $0x38;
	[tilespmem:$0x15800] =	vst v63  }
0x4c8: {  	s8 =	sadd.s32 $0x40, s0;
	s5 =	sld [smem:$0x7FB]  }
0x4c9: {  	[hbm4b:s8+s3] =	stream.linear.scatter [tilespmem:s7], [sflag:$0x9], $0x80, $0x38;
	[tilespmem:$0x15800] =	vst v63  }
0x4ca: {  	s8 =	sadd.s32 $0x50, s0;
	s7 =	sld [smem:$0x7FC]  }
0x4cb: {  	[hbm4b:s8+s3] =	stream.linear.scatter [tilespmem:s5], [sflag:$0x9], $0x80, $0x38;
	[tilespmem:$0x15800] =	vst v63  }
0x4cc: {  	p0 =	sne.s32 s30, $0x7;
	s5 =	sadd.s32 $0x60, s0;
	s8 =	sld [smem:$0x7FD]  }
0x4cd: {  	[hbm4b:s5+s3] =	stream.linear.scatter [tilespmem:s7], [sflag:$0x9], $0x80, $0x38;
	[tilespmem:$0x15800] =	vst v63  }
.Ltmp0:
0x4ce: {  	s0 =	sadd.s32 $0x70, s0;
	(pc) =	sbr.rel @p0 .LBB2_3-.Ltmp0, $4  }
0x4cf: {  	[hbm4b:s0+s3] =	stream.linear.scatter [tilespmem:s8], [sflag:$0x9], $0x80, $0x38;
	[tilespmem:$0x15800] =	vst v63  }
0x4d0: {  	_ =	swait.ge [sflag:s9], $0x400  }
0x4d1: {  	[sflag:s9] =	ssyncset.done $0x0  }
0x4d2: {  	s30 =	smov.u32 s31;
	[sflag:s9] =	ssyncadd.s32 $0xFFFFFC00  }
0x4d3: {  	s29 =	sadd.s32 $0x1, s29  }
0x4d4: {  	p0 =	sne.s32 s29, $0x19  }
.Ltmp1:
0x4d5: {  	_ = 	snop;
	(pc) =	sbr.rel @p0 .LBB2_2-.Ltmp1, $1  }
0x4d6: {  	_ =	sdelay $0x3  }
0x4d7: {  	s0 =	sld [smem:$0x7EC];
	_ =	sdelay $0x1  }
0x4d8: {  	s28 =	sadd.s32 $0x1, s28  }
0x4d9: {  	p0 =	sne.s32 s28, s0  }
.Ltmp2:
0x4da: {  	_ = 	snop;
	(pc) =	sbr.rel @p0 .LBB2_1-.Ltmp2, $1  }
0x4db: {  	_ =	sdelay $0x3  }
0x4dc: {  	_ =	sfence.sel $0x180000  }
0x4dd: {  	[bflag:$0x0] =	sbarrier.arrive $0xFFFF  }
0x4de: {  	_ =	strace $0x90000047  }
0x4df: {  	s0 =	stileid.u32;
	[bflag:$0x2] =	sbarrier.arrive $0xFFFF  }
0x4e0: {  	p0 =	sne.s32 s0, $0x0;
	s0 =	rddreg [dreg:$0x2]  }
0x4e1: {  	s0 =	sadd.s32 @!p0 $0x100000, s0  }
0x4e2: {  	[sflag:s0] =	ssyncadd.tile.s32 @!p0 $0x1;
	_ =	shalt  }
.Lfunc_end2:
_tile_overlayer_lowered:
.L_overlay_start_2:
0x4e3: {  	(tag) =	ssettag $0x2  }
0x4e4: {  	s0 =	rddreg [dreg:$0x0];
	s2 =	stileid.u32  }
0x4e5: {  	s1 =	rddreg [dreg:$0x1];
	p0 =	sne.s32 s2, $0x0  }
0x4e6: {  	s3 =	rddreg [dreg:$0x2];
	[bflag:$0x3] =	sbarrier.arrive $0xFFFF;
	s2 =	simm.s32 @!p0 $0x1C09  }
0x4e7: {  	[timem:s3], [sflag:s2] =	dma.local @!p0 [hbm:s0], s1  }
0x4e8: {  	s0 =	simm.s32 @!p0 $0x9  }
0x4e9: {  	_ =	swait.ge @!p0 [sflag:s0], s1  }
0x4ea: {  	s1 =	ssub.s32 @!p0 $0x0, s1;
	[sflag:s0] =	ssyncset.done @!p0 $0x0  }
0x4eb: {  	[sflag:s0] =	ssyncadd.s32 @!p0 s1  }
0x4ec: {  	[bflag:$0x3] =	sbarrier.arrive $0xFFFF  }
0x4ed: {  	_ =	shalt  }

</sc_bundles>
